<compile_context>
chip_gen: v7x
topology: tpu7x:2x2x1
jax: 0.10.2.dev20260603
libtpu: 0.0.44.dev20260713+nightly
codegen_flags: <defaults>
</compile_context>

<pallas_src>
import functools

import jax
import jax.numpy as jnp
import numpy as np
from jax import lax
from jax.experimental import pallas as pl
from jax.experimental.pallas import tpu as pltpu
from jax.experimental.pallas import tpu_sc as plsc

N = 10000
E = 160000
H = 128
EF = 16
NPAD = 10240
NGRID = 10
NBLK = NPAD // NGRID
EB = 1280
EGRID = E // EB
B = 40
NWIN = E // B
NSUB = 16
ACC_ROWS = 10112
ROWS_PER_TILE = ACC_ROWS // NSUB
INV_SQRT_3 = 1.0 / float(np.sqrt(3.0))
INV_SQRT_H = 1.0 / float(np.sqrt(H))


def _node_tables_body(x_ref, xd_in_ref, vec_ref, Wd_ref, bd_ref, W1_ref, b1_ref,
                      W2_ref, b2_ref, tj_ref, ti_ref):
    xd = xd_in_ref[...] @ Wd_ref[...] + bd_ref[...][None, :]
    h = x_ref[...] @ W1_ref[...] + b1_ref[...][None, :]
    h = h * jax.nn.sigmoid(h) * (1.0 / 0.6)
    xh = h @ W2_ref[...] + b2_ref[...][None, :]
    for c in range(4):
        for p in range(3):
            col = 128 * p + 32 * c
            tj_ref[c, :, 32 * p:32 * p + 32] = xh[:, col:col + 32]
            tj_ref[c, :, 96 + 32 * p:96 + 32 * p + 32] = xd[:, col:col + 32]
            tj_ref[c, :, 192 + 32 * p:192 + 32 * p + 32] = (
                vec_ref[:, p, 32 * c:32 * c + 32] * INV_SQRT_H)
            ti_ref[c, :, 32 * p:32 * p + 32] = xd[:, col:col + 32]


def _rbf_body(ef_ref, We_ref, be_ref, j_ref, i_ref, out_ref, jj_ref, ii_ref):
    r = (ef_ref[...] @ We_ref[...] + be_ref[...][None, :]) * INV_SQRT_3
    for c in range(4):
        for p in range(3):
            col = 128 * p + 32 * c
            out_ref[c, :, 32 * p:32 * p + 32] = r[:, col:col + 32]
        jj_ref[c, :] = j_ref[0, 0, :] + c * NPAD
        ii_ref[c, :] = i_ref[0, 0, :] + c * NPAD


def _sc_edge_body(tj_hbm, ti_hbm, rbf_hbm, jj_hbm, ii_hbm, i_hbm, ev_hbm, out_hbm,
                  i_v, jj_v, ii_v, ev_v, rbf_v, tj_v, ti_v, upd_v, zbuf,
                  acc, sem1, sem2, *lsems):
    core = lax.axis_index("c")
    sid = lax.axis_index("s")
    nwin = NWIN // NSUB

    def _load_args(lw, b, chunk):
        e0 = (sid + lw * NSUB) * B
        return ((jj_hbm.at[chunk, pl.ds(e0, B)], jj_v.at[b], lsems[b * 5 + 0]),
                (ii_hbm.at[chunk, pl.ds(e0, B)], ii_v.at[b], lsems[b * 5 + 1]),
                (i_hbm.at[pl.ds(e0, B)], i_v.at[b], lsems[b * 5 + 2]),
                (ev_hbm.at[pl.ds(e0, B)], ev_v.at[b], lsems[b * 5 + 3]),
                (rbf_hbm.at[chunk, pl.ds(e0, B)], rbf_v.at[b], lsems[b * 5 + 4]))

    def _issue_loads(lw, b, chunk):
        for src, dst, sem in _load_args(lw, b, chunk):
            pltpu.async_copy(src, dst, sem)

    def _wait_loads(lw, b, chunk):
        for src, dst, sem in _load_args(lw, b, chunk):
            pltpu.make_async_copy(src, dst, sem).wait()

    def _zrow(r, _):
        for k in range(8):
            zbuf[r, pl.ds(k * 16, 16)] = jnp.zeros((16,), jnp.float32)
        return 0
    lax.fori_loop(0, 8, _zrow, 0)

    def _make_edge_body(b):
        def _edge_body(e, _):
            mregs = []
            for k in range(6):
                xh = tj_v[e, pl.ds(k * 16, 16)]
                xdj = tj_v[e, pl.ds(96 + k * 16, 16)]
                xdi = ti_v[e, pl.ds(k * 16, 16)]
                rb = rbf_v[b, e, pl.ds(k * 16, 16)]
                mregs.append(xh * (xdj + xdi) * rb)
            for p in range(3):
                evp = ev_v[b, e, pl.ds(p * 16, 16)]
                for k in range(2):
                    v = tj_v[e, pl.ds(192 + p * 32 + k * 16, 16)]
                    upd_v[e, pl.ds(p * 32 + k * 16, 16)] = (
                        mregs[k] * v + mregs[2 + k] * evp)
            upd_v[e, pl.ds(96, 16)] = mregs[4]
            upd_v[e, pl.ds(112, 16)] = mregs[5]
            return 0
        return _edge_body

    for t in range(2):
        chunk = core * 2 + t

        def _zacc(kk, _):
            pltpu.sync_copy(zbuf, acc.at[pl.ds(sid * ROWS_PER_TILE + kk * 8, 8)])
            return 0
        lax.fori_loop(0, ROWS_PER_TILE // 8, _zacc, 0)
        plsc.subcore_barrier()

        _issue_loads(0, 0, chunk)
        _issue_loads(1, 1, chunk)

        def _pair_body(g, _):
            for b in range(2):
                lw = 2 * g + b
                _wait_loads(lw, b, chunk)
                gj = pltpu.async_copy(tj_hbm.at[jj_v.at[b]], tj_v, sem1)
                gi = pltpu.async_copy(ti_hbm.at[ii_v.at[b]], ti_v, sem2)
                gj.wait()
                gi.wait()
                lax.fori_loop(0, B, _make_edge_body(b), 0)
                pltpu.sync_copy(upd_v, acc.at[i_v.at[b]], add=True)
                _issue_loads(jnp.minimum(lw + 2, nwin - 1), b, chunk)
            return 0

        lax.fori_loop(0, nwin // 2, _pair_body, 0)
        _wait_loads(nwin - 1, 0, chunk)
        _wait_loads(nwin - 1, 1, chunk)
        plsc.subcore_barrier()

        pltpu.sync_copy(acc.at[pl.ds(sid * ROWS_PER_TILE, ROWS_PER_TILE)],
                        out_hbm.at[chunk, pl.ds(sid * ROWS_PER_TILE, ROWS_PER_TILE)])
        plsc.subcore_barrier()


@functools.lru_cache(maxsize=1)
def _get_sc_edge():
    return functools.partial(
        pl.kernel,
        out_type=jax.ShapeDtypeStruct((4, NPAD, 128), jnp.float32),
        mesh=plsc.VectorSubcoreMesh(core_axis_name="c", subcore_axis_name="s"),
        compiler_params=pltpu.CompilerParams(use_tc_tiling_on_sc=False),
        scratch_types=[
            pltpu.VMEM((2, B), jnp.int32),
            pltpu.VMEM((2, B), jnp.int32),
            pltpu.VMEM((2, B), jnp.int32),
            pltpu.VMEM((2, B, 48), jnp.float32),
            pltpu.VMEM((2, B, 96), jnp.float32),
            pltpu.VMEM((B, 384), jnp.float32),
            pltpu.VMEM((B, 128), jnp.float32),
            pltpu.VMEM((B, 128), jnp.float32),
            pltpu.VMEM((8, 128), jnp.float32),
            pltpu.VMEM_SHARED((ACC_ROWS, 128), jnp.float32),
        ] + [pltpu.SemaphoreType.DMA] * 12,
    )(_sc_edge_body)


def _act_body(acc_ref, Wv_ref, Wg_ref, dx_ref, dvec_ref):
    nb = acc_ref.shape[1]
    dv_parts = []
    for p in range(3):
        cols = [acc_ref[c, :, 32 * p:32 * p + 32] for c in range(4)]
        dv_parts.append(jnp.concatenate(cols, axis=1))
    dv = jnp.stack(dv_parts, axis=1)
    for c in range(4):
        dx_ref[:, 32 * c:32 * c + 32] = acc_ref[c, :, 96:128]
    dv2 = dv.reshape(nb * 3, H)
    gvec = (dv2 @ Wg_ref[...]).reshape(nb, 3, 1)
    lvec = (dv2 @ Wv_ref[...]).reshape(nb, 3, H)
    dot = jnp.sum(lvec * gvec, axis=1, keepdims=True)
    mask = (dot >= 0).astype(jnp.float32)
    dvec_ref[...] = mask * lvec + (1.0 - mask) * (lvec + gvec) * 0.5


def kernel(x, x_defect, vec, edge_index, edge_feat, edge_vector,
           We, be, Wd, bd, W1, b1, W2, b2, Wv, Wg):
    jarr = edge_index[0].astype(jnp.int32)
    iarr = edge_index[1].astype(jnp.int32)

    xp = jnp.zeros((NPAD, H), jnp.float32).at[:N].set(x)
    xdp = jnp.zeros((NPAD, H), jnp.float32).at[:N].set(x_defect)
    vecp = jnp.zeros((NPAD, 3, H), jnp.float32).at[:N].set(vec)

    tj, ti = pl.pallas_call(
        _node_tables_body,
        grid=(NGRID,),
        in_specs=[pl.BlockSpec((NBLK, H), lambda g: (g, 0)),
                  pl.BlockSpec((NBLK, H), lambda g: (g, 0)),
                  pl.BlockSpec((NBLK, 3, H), lambda g: (g, 0, 0)),
                  pl.BlockSpec((H, 3 * H), lambda g: (0, 0)),
                  pl.BlockSpec((3 * H,), lambda g: (0,)),
                  pl.BlockSpec((H, H // 2), lambda g: (0, 0)),
                  pl.BlockSpec((H // 2,), lambda g: (0,)),
                  pl.BlockSpec((H // 2, 3 * H), lambda g: (0, 0)),
                  pl.BlockSpec((3 * H,), lambda g: (0,))],
        out_specs=(pl.BlockSpec((4, NBLK, 384), lambda g: (0, g, 0)),
                   pl.BlockSpec((4, NBLK, 128), lambda g: (0, g, 0))),
        out_shape=(jax.ShapeDtypeStruct((4, NPAD, 384), jnp.float32),
                   jax.ShapeDtypeStruct((4, NPAD, 128), jnp.float32)),
    )(xp, xdp, vecp, Wd, bd, W1, b1, W2, b2)

    rbf, jj, ii = pl.pallas_call(
        _rbf_body,
        grid=(EGRID,),
        in_specs=[pl.BlockSpec((EB, EF), lambda g: (g, 0)),
                  pl.BlockSpec((EF, 3 * H), lambda g: (0, 0)),
                  pl.BlockSpec((3 * H,), lambda g: (0,)),
                  pl.BlockSpec((1, 1, EB), lambda g: (g, 0, 0)),
                  pl.BlockSpec((1, 1, EB), lambda g: (g, 0, 0))],
        out_specs=(pl.BlockSpec((4, EB, 96), lambda g: (0, g, 0)),
                   pl.BlockSpec((4, EB), lambda g: (0, g)),
                   pl.BlockSpec((4, EB), lambda g: (0, g))),
        out_shape=(jax.ShapeDtypeStruct((4, E, 96), jnp.float32),
                   jax.ShapeDtypeStruct((4, E), jnp.int32),
                   jax.ShapeDtypeStruct((4, E), jnp.int32)),
    )(edge_feat, We, be, jarr.reshape(EGRID, 1, EB), iarr.reshape(EGRID, 1, EB))

    tj2 = tj.reshape(4 * NPAD, 384)
    ti2 = ti.reshape(4 * NPAD, 128)
    ev = jnp.repeat(edge_vector.astype(jnp.float32) * INV_SQRT_H, 16, axis=1)

    out_acc = _get_sc_edge()(tj2, ti2, rbf, jj, ii, iarr, ev)

    d_x, d_vec = pl.pallas_call(
        _act_body,
        grid=(NGRID,),
        in_specs=[pl.BlockSpec((4, NBLK, 128), lambda g: (0, g, 0)),
                  pl.BlockSpec((H, H), lambda g: (0, 0)),
                  pl.BlockSpec((H, 1), lambda g: (0, 0))],
        out_specs=(pl.BlockSpec((NBLK, H), lambda g: (g, 0)),
                   pl.BlockSpec((NBLK, 3, H), lambda g: (g, 0, 0))),
        out_shape=(jax.ShapeDtypeStruct((NPAD, H), jnp.float32),
                   jax.ShapeDtypeStruct((NPAD, 3, H), jnp.float32)),
    )(out_acc, Wv, Wg)

    return (d_x[:N], d_vec[:N])

# --- scband reference (transcript-rebuilt; emitter-appended) ---
"""Pipeline reference for scband-defi-net-12841952215347 (READ-ONLY COPY).

The authoritative reference and input builder live on the scoring server;
editing this copy changes nothing except your own understanding.
"""

import jax, jax.numpy as jnp
import numpy as np

N = 10000
E = 160000
H = 128
EF = 16
INV_SQRT_3 = 1.0 / float(np.sqrt(3.0))
INV_SQRT_H = 1.0 / float(np.sqrt(H))


def scaled_silu(x):
    return jax.nn.silu(x) * (1.0 / 0.6)


def _params(key):
    ks = jax.random.split(key, 6)

    def lin(k, fan_in, shape):
        return (jax.random.uniform(k, shape, dtype=jnp.float32, minval=-1.0, maxval=1.0) / float(np.sqrt(fan_in)))

    p = {}
    p["We"] = lin(ks[0], EF, (EF, 3 * H))
    p["be"] = jnp.zeros((3 * H,), dtype=jnp.float32)
    p["Wd"] = lin(ks[1], H, (H, 3 * H))
    p["bd"] = jnp.zeros((3 * H,), dtype=jnp.float32)
    p["W1"] = lin(ks[2], H, (H, H // 2))
    p["b1"] = jnp.zeros((H // 2,), dtype=jnp.float32)
    p["W2"] = lin(ks[3], H // 2, (H // 2, 3 * H))
    p["b2"] = jnp.zeros((3 * H,), dtype=jnp.float32)
    p["Wv"] = lin(ks[4], H, (H, H))
    p["Wg"] = lin(ks[5], H, (H, 1))
    return p


def setup_inputs(seed: int = 0) -> dict:
    key = jax.random.key(seed)
    ks = jax.random.split(key, 8)
    inp = {}
    inp["x"] = jax.random.normal(ks[0], (N, H), dtype=jnp.float32)
    inp["x_defect"] = jax.random.normal(ks[1], (N, H), dtype=jnp.float32)
    inp["vec"] = jax.random.normal(ks[2], (N, 3, H), dtype=jnp.float32)
    inp["edge_index"] = jax.random.randint(ks[3], (2, E), 0, N)
    inp["edge_feat"] = jax.random.uniform(ks[4], (E, EF), dtype=jnp.float32)
    inp["edge_vector"] = jax.random.normal(ks[5], (E, 3), dtype=jnp.float32)
    inp.update(_params(ks[6]))
    return inp


def reference(x, x_defect, vec, edge_index, edge_feat, edge_vector, We, be, Wd, bd, W1, b1, W2, b2, Wv, Wg):
    j = edge_index[0]
    i = edge_index[1]
    # edge_proj / defect_proj / x_proj
    rbf_h = edge_feat @ We + be
    xd = x_defect @ Wd + bd
    x_h = scaled_silu(x @ W1 + b1) @ W2 + b2
    # gather per-edge and combine
    m = x_h[j] * (xd[j] + xd[i]) * rbf_h * INV_SQRT_3
    x_ji1 = m[:, :H]
    x_ji2 = m[:, H:2 * H]
    x_ji3 = m[:, 2 * H:]
    vec_ji = (x_ji1[:, None, :] * vec[j] + x_ji2[:, None, :] * edge_vector[:, :, None]) * INV_SQRT_H
    # scatter-add to destination nodes
    d_vec = jax.ops.segment_sum(vec_ji, i, num_segments=N)
    # VectorActivation
    gvec = d_vec @ Wg
    lvec = d_vec @ Wv
    dot = jnp.sum(lvec * gvec, axis=1, keepdims=True)
    mask = (dot >= 0).astype(jnp.float32)
    d_vec = mask * lvec + (1.0 - mask) * (lvec + gvec) / 2.0
    d_x = jax.ops.segment_sum(x_ji3, i, num_segments=N)
    return (d_x, d_vec)

if __name__ == "__main__":
    import jax
    _d = setup_inputs()
    print(jax.jit(kernel)(*tuple(_d.values())))

</pallas_src>

<mosaic_0001>
#map = affine_map<(d0, d1) -> (0, 0)>
#map1 = affine_map<(d0, d1) -> (0, 0, 0)>
#map2 = affine_map<(d0, d1) -> (0)>
module attributes {stable_mosaic.version = 14 : i64} {
  func.func @_sc_edge_body(%arg0: i32, %arg1: i32, %arg2: memref<40960x384xf32, #tpu.memory_space<hbm>>, %arg3: memref<40960x128xf32, #tpu.memory_space<hbm>>, %arg4: memref<4x160000x96xf32, #tpu.memory_space<hbm>>, %arg5: memref<4x160000xi32, #tpu.memory_space<hbm>>, %arg6: memref<4x160000xi32, #tpu.memory_space<hbm>>, %arg7: memref<160000xi32, #tpu.memory_space<hbm>>, %arg8: memref<160000x48xf32, #tpu.memory_space<hbm>>, %arg9: memref<4x10240x128xf32, #tpu.memory_space<hbm>>, %arg10: memref<2x40xi32, #tpu.memory_space<vmem>>, %arg11: memref<2x40xi32, #tpu.memory_space<vmem>>, %arg12: memref<2x40xi32, #tpu.memory_space<vmem>>, %arg13: memref<2x40x48xf32, #tpu.memory_space<vmem>>, %arg14: memref<2x40x96xf32, #tpu.memory_space<vmem>>, %arg15: memref<40x384xf32, #tpu.memory_space<vmem>>, %arg16: memref<40x128xf32, #tpu.memory_space<vmem>>, %arg17: memref<40x128xf32, #tpu.memory_space<vmem>>, %arg18: memref<8x128xf32, #tpu.memory_space<vmem>>, %arg19: memref<10112x128xf32, #tpu.memory_space<vmem_shared>>, %arg20: memref<!tpu.dma_semaphore, #tpu.memory_space<semaphore_mem>>, %arg21: memref<!tpu.dma_semaphore, #tpu.memory_space<semaphore_mem>>, %arg22: memref<!tpu.dma_semaphore, #tpu.memory_space<semaphore_mem>>, %arg23: memref<!tpu.dma_semaphore, #tpu.memory_space<semaphore_mem>>, %arg24: memref<!tpu.dma_semaphore, #tpu.memory_space<semaphore_mem>>, %arg25: memref<!tpu.dma_semaphore, #tpu.memory_space<semaphore_mem>>, %arg26: memref<!tpu.dma_semaphore, #tpu.memory_space<semaphore_mem>>, %arg27: memref<!tpu.dma_semaphore, #tpu.memory_space<semaphore_mem>>, %arg28: memref<!tpu.dma_semaphore, #tpu.memory_space<semaphore_mem>>, %arg29: memref<!tpu.dma_semaphore, #tpu.memory_space<semaphore_mem>>, %arg30: memref<!tpu.dma_semaphore, #tpu.memory_space<semaphore_mem>>, %arg31: memref<!tpu.dma_semaphore, #tpu.memory_space<semaphore_mem>>) attributes {dimension_semantics = [#tpu.dimension_semantics<core_parallel>, #tpu.dimension_semantics<subcore_parallel>], iteration_bounds = array<i64: 2, 16>, scalar_prefetch = 0 : i64, scratch_operands = 22 : i64, tpu.core_type = #tpu.core_type<sc_vector_subcore>, window_params = [{transform_indices = #map}, {transform_indices = #map}, {transform_indices = #map1}, {transform_indices = #map}, {transform_indices = #map}, {transform_indices = #map2}, {transform_indices = #map}, {transform_indices = #map1}]} {
    %scan3A = arith.constant 0 : i32
    %scan3A_0 = arith.constant 0 : i32
    %scan3A_1 = arith.constant 8 : i32
    %scan3A_2 = arith.addi %scan3A_0, %scan3A_1 : i32
    %scan3A_3 = arith.constant 1 : i32
    %scan3A_4 = scf.for %scan3A_555 = %scan3A_0 to %scan3A_2 step %scan3A_3 iter_args(%scan3A_556 = %scan3A) -> (i32)  : i32 {
      %broadcast_in_dim3A = arith.constant 0.000000e+00 : f32
      %broadcast_in_dim3A_557 = vector.broadcast %broadcast_in_dim3A : f32 to vector<16xf32>
      %swap3A = arith.index_cast %scan3A_555 : i32 to index
      %swap3A_558 = arith.constant 0 : index
      %swap3A_559 = tpu.vector_load %arg18[%swap3A, %swap3A_558] {strides = array<i32>} : memref<8x128xf32, #tpu.memory_space<vmem>>, vector<1x16xf32>,
      %swap3A_560 = vector.shape_cast %swap3A_559 : vector<1x16xf32> to vector<16xf32>
      %swap3A_561 = vector.shape_cast %broadcast_in_dim3A_557 : vector<16xf32> to vector<1x16xf32>
      tpu.vector_store %arg18[%swap3A, %swap3A_558], %swap3A_561 {strides = array<i32>} : memref<8x128xf32, #tpu.memory_space<vmem>>, vector<1x16xf32>,
      %broadcast_in_dim3A_562 = arith.constant 0.000000e+00 : f32
      %broadcast_in_dim3A_563 = vector.broadcast %broadcast_in_dim3A_562 : f32 to vector<16xf32>
      %swap3A_564 = arith.index_cast %scan3A_555 : i32 to index
      %swap3A_565 = arith.constant 16 : index
      %swap3A_566 = tpu.vector_load %arg18[%swap3A_564, %swap3A_565] {strides = array<i32>} : memref<8x128xf32, #tpu.memory_space<vmem>>, vector<1x16xf32>,
      %swap3A_567 = vector.shape_cast %swap3A_566 : vector<1x16xf32> to vector<16xf32>
      %swap3A_568 = vector.shape_cast %broadcast_in_dim3A_563 : vector<16xf32> to vector<1x16xf32>
      tpu.vector_store %arg18[%swap3A_564, %swap3A_565], %swap3A_568 {strides = array<i32>} : memref<8x128xf32, #tpu.memory_space<vmem>>, vector<1x16xf32>,
      %broadcast_in_dim3A_569 = arith.constant 0.000000e+00 : f32
      %broadcast_in_dim3A_570 = vector.broadcast %broadcast_in_dim3A_569 : f32 to vector<16xf32>
      %swap3A_571 = arith.index_cast %scan3A_555 : i32 to index
      %swap3A_572 = arith.constant 32 : index
      %swap3A_573 = tpu.vector_load %arg18[%swap3A_571, %swap3A_572] {strides = array<i32>} : memref<8x128xf32, #tpu.memory_space<vmem>>, vector<1x16xf32>,
      %swap3A_574 = vector.shape_cast %swap3A_573 : vector<1x16xf32> to vector<16xf32>
      %swap3A_575 = vector.shape_cast %broadcast_in_dim3A_570 : vector<16xf32> to vector<1x16xf32>
      tpu.vector_store %arg18[%swap3A_571, %swap3A_572], %swap3A_575 {strides = array<i32>} : memref<8x128xf32, #tpu.memory_space<vmem>>, vector<1x16xf32>,
      %broadcast_in_dim3A_576 = arith.constant 0.000000e+00 : f32
      %broadcast_in_dim3A_577 = vector.broadcast %broadcast_in_dim3A_576 : f32 to vector<16xf32>
      %swap3A_578 = arith.index_cast %scan3A_555 : i32 to index
      %swap3A_579 = arith.constant 48 : index
      %swap3A_580 = tpu.vector_load %arg18[%swap3A_578, %swap3A_579] {strides = array<i32>} : memref<8x128xf32, #tpu.memory_space<vmem>>, vector<1x16xf32>,
      %swap3A_581 = vector.shape_cast %swap3A_580 : vector<1x16xf32> to vector<16xf32>
      %swap3A_582 = vector.shape_cast %broadcast_in_dim3A_577 : vector<16xf32> to vector<1x16xf32>
      tpu.vector_store %arg18[%swap3A_578, %swap3A_579], %swap3A_582 {strides = array<i32>} : memref<8x128xf32, #tpu.memory_space<vmem>>, vector<1x16xf32>,
      %broadcast_in_dim3A_583 = arith.constant 0.000000e+00 : f32
      %broadcast_in_dim3A_584 = vector.broadcast %broadcast_in_dim3A_583 : f32 to vector<16xf32>
      %swap3A_585 = arith.index_cast %scan3A_555 : i32 to index
      %swap3A_586 = arith.constant 64 : index
      %swap3A_587 = tpu.vector_load %arg18[%swap3A_585, %swap3A_586] {strides = array<i32>} : memref<8x128xf32, #tpu.memory_space<vmem>>, vector<1x16xf32>,
      %swap3A_588 = vector.shape_cast %swap3A_587 : vector<1x16xf32> to vector<16xf32>
      %swap3A_589 = vector.shape_cast %broadcast_in_dim3A_584 : vector<16xf32> to vector<1x16xf32>
      tpu.vector_store %arg18[%swap3A_585, %swap3A_586], %swap3A_589 {strides = array<i32>} : memref<8x128xf32, #tpu.memory_space<vmem>>, vector<1x16xf32>,
      %broadcast_in_dim3A_590 = arith.constant 0.000000e+00 : f32
      %broadcast_in_dim3A_591 = vector.broadcast %broadcast_in_dim3A_590 : f32 to vector<16xf32>
      %swap3A_592 = arith.index_cast %scan3A_555 : i32 to index
      %swap3A_593 = arith.constant 80 : index
      %swap3A_594 = tpu.vector_load %arg18[%swap3A_592, %swap3A_593] {strides = array<i32>} : memref<8x128xf32, #tpu.memory_space<vmem>>, vector<1x16xf32>,
      %swap3A_595 = vector.shape_cast %swap3A_594 : vector<1x16xf32> to vector<16xf32>
      %swap3A_596 = vector.shape_cast %broadcast_in_dim3A_591 : vector<16xf32> to vector<1x16xf32>
      tpu.vector_store %arg18[%swap3A_592, %swap3A_593], %swap3A_596 {strides = array<i32>} : memref<8x128xf32, #tpu.memory_space<vmem>>, vector<1x16xf32>,
      %broadcast_in_dim3A_597 = arith.constant 0.000000e+00 : f32
      %broadcast_in_dim3A_598 = vector.broadcast %broadcast_in_dim3A_597 : f32 to vector<16xf32>
      %swap3A_599 = arith.index_cast %scan3A_555 : i32 to index
      %swap3A_600 = arith.constant 96 : index
      %swap3A_601 = tpu.vector_load %arg18[%swap3A_599, %swap3A_600] {strides = array<i32>} : memref<8x128xf32, #tpu.memory_space<vmem>>, vector<1x16xf32>,
      %swap3A_602 = vector.shape_cast %swap3A_601 : vector<1x16xf32> to vector<16xf32>
      %swap3A_603 = vector.shape_cast %broadcast_in_dim3A_598 : vector<16xf32> to vector<1x16xf32>
      tpu.vector_store %arg18[%swap3A_599, %swap3A_600], %swap3A_603 {strides = array<i32>} : memref<8x128xf32, #tpu.memory_space<vmem>>, vector<1x16xf32>,
      %broadcast_in_dim3A_604 = arith.constant 0.000000e+00 : f32
      %broadcast_in_dim3A_605 = vector.broadcast %broadcast_in_dim3A_604 : f32 to vector<16xf32>
      %swap3A_606 = arith.index_cast %scan3A_555 : i32 to index
      %swap3A_607 = arith.constant 112 : index
      %swap3A_608 = tpu.vector_load %arg18[%swap3A_606, %swap3A_607] {strides = array<i32>} : memref<8x128xf32, #tpu.memory_space<vmem>>, vector<1x16xf32>,
      %swap3A_609 = vector.shape_cast %swap3A_608 : vector<1x16xf32> to vector<16xf32>
      %swap3A_610 = vector.shape_cast %broadcast_in_dim3A_605 : vector<16xf32> to vector<1x16xf32>
      tpu.vector_store %arg18[%swap3A_606, %swap3A_607], %swap3A_610 {strides = array<i32>} : memref<8x128xf32, #tpu.memory_space<vmem>>, vector<1x16xf32>,
      %scan3A_611 = arith.constant 0 : i32
      scf.yield %scan3A_611 : i32
    }
    %scan3A_5 = arith.constant 8 : i32
    %mul3A = arith.constant 2 : i32
    %mul3A_6 = arith.muli %arg0, %mul3A : i32
    %add3A = arith.constant 0 : i32
    %add3A_7 = arith.addi %mul3A_6, %add3A : i32
    %scan3A_8 = arith.constant 0 : i32
    %scan3A_9 = arith.constant 0 : i32
    %scan3A_10 = arith.constant 79 : i32
    %scan3A_11 = arith.addi %scan3A_9, %scan3A_10 : i32
    %scan3A_12 = arith.constant 1 : i32
    %scan3A_13 = scf.for %scan3A_555 = %scan3A_9 to %scan3A_11 step %scan3A_12 iter_args(%scan3A_556 = %scan3A_8) -> (i32)  : i32 {
      %mul3A_557 = arith.constant 632 : i32
      %mul3A_558 = arith.muli %arg1, %mul3A_557 : i32
      %mul3A_559 = arith.constant 8 : i32
      %mul3A_560 = arith.muli %scan3A_555, %mul3A_559 : i32
      %add3A_561 = arith.addi %mul3A_558, %mul3A_560 : i32
      "tpu.region"() ({
        %run_scoped3A = tpu.sem_alloc : memref<!tpu.dma_semaphore, #tpu.memory_space<semaphore_mem>>
        %dma_start3A_563 = arith.constant 0 : i32
        %dma_start3A_564 = tpu.memref_slice %arg19[%add3A_561, %dma_start3A_563] : memref<10112x128xf32, #tpu.memory_space<vmem_shared>> -> memref<8x128xf32, #tpu.memory_space<vmem_shared>>
        %dma_start3A_565 = arith.constant 0 : i32
        %dma_start3A_566 = tpu.memref_slice %arg19[%add3A_561, %dma_start3A_565] : memref<10112x128xf32, #tpu.memory_space<vmem_shared>> -> memref<8x128xf32, #tpu.memory_space<vmem_shared>>
        tpu.enqueue_dma source(%arg18 : memref<8x128xf32, #tpu.memory_space<vmem>>) target(%dma_start3A_566 : memref<8x128xf32, #tpu.memory_space<vmem_shared>>) target_semaphore(%run_scoped3A : memref<!tpu.dma_semaphore, #tpu.memory_space<semaphore_mem>>)
        %dma_wait3A_567 = arith.constant 0 : i32
        %dma_wait3A_568 = tpu.memref_slice %arg19[%add3A_561, %dma_wait3A_567] : memref<10112x128xf32, #tpu.memory_space<vmem_shared>> -> memref<8x128xf32, #tpu.memory_space<vmem_shared>>
        %dma_wait3A_569 = arith.constant 0 : i32
        %dma_wait3A_570 = tpu.memref_slice %arg19[%add3A_561, %dma_wait3A_569] : memref<10112x128xf32, #tpu.memory_space<vmem_shared>> -> memref<8x128xf32, #tpu.memory_space<vmem_shared>>
        tpu.wait_dma2 semaphore(%run_scoped3A : memref<!tpu.dma_semaphore, #tpu.memory_space<semaphore_mem>>) src(%arg18 : memref<8x128xf32, #tpu.memory_space<vmem>>) dst(%dma_wait3A_570 : memref<8x128xf32, #tpu.memory_space<vmem_shared>>)
        tpu.yield
      }) : () -> ()
      %scan3A_562 = arith.constant 0 : i32
      scf.yield %scan3A_562 : i32
    }
    %scan3A_14 = arith.constant 79 : i32
    %barrier3A = arith.constant 0 : index
    tpu.barrier barrier_id(%barrier3A)
    %add3A_15 = arith.constant 0 : i32
    %add3A_16 = arith.addi %arg1, %add3A_15 : i32
    %mul3A_17 = arith.constant 40 : i32
    %mul3A_18 = arith.muli %add3A_16, %mul3A_17 : i32
    %dma_start3A = arith.constant 0 : i32
    %dma_start3A_19 = arith.constant 0 : i32
    %dma_start3A_20 = tpu.memref_slice %arg11[%dma_start3A, %dma_start3A_19] : memref<2x40xi32, #tpu.memory_space<vmem>> -> memref<1x40xi32, #tpu.memory_space<vmem>>
    %dma_start3A_21 = tpu.memref_squeeze %dma_start3A_20 : memref<1x40xi32, #tpu.memory_space<vmem>> -> memref<40xi32, #tpu.memory_space<vmem>>
    %dma_start3A_22 = tpu.memref_slice %arg5[%add3A_7, %mul3A_18] : memref<4x160000xi32, #tpu.memory_space<hbm>> -> memref<1x40xi32, #tpu.memory_space<hbm>>
    %dma_start3A_23 = tpu.memref_squeeze %dma_start3A_22 : memref<1x40xi32, #tpu.memory_space<hbm>> -> memref<40xi32, #tpu.memory_space<hbm>>
    %dma_start3A_24 = arith.constant 0 : i32
    %dma_start3A_25 = tpu.memref_slice %arg11[%dma_start3A, %dma_start3A_24] : memref<2x40xi32, #tpu.memory_space<vmem>> -> memref<1x40xi32, #tpu.memory_space<vmem>>
    %dma_start3A_26 = tpu.memref_squeeze %dma_start3A_25 : memref<1x40xi32, #tpu.memory_space<vmem>> -> memref<40xi32, #tpu.memory_space<vmem>>
    %dma_start3A_27 = tpu.memref_slice %arg5[%add3A_7, %mul3A_18] : memref<4x160000xi32, #tpu.memory_space<hbm>> -> memref<1x40xi32, #tpu.memory_space<hbm>>
    %dma_start3A_28 = tpu.memref_squeeze %dma_start3A_27 : memref<1x40xi32, #tpu.memory_space<hbm>> -> memref<40xi32, #tpu.memory_space<hbm>>
    tpu.enqueue_dma source(%dma_start3A_28 : memref<40xi32, #tpu.memory_space<hbm>>) target(%dma_start3A_26 : memref<40xi32, #tpu.memory_space<vmem>>) target_semaphore(%arg22 : memref<!tpu.dma_semaphore, #tpu.memory_space<semaphore_mem>>)
    %dma_start3A_29 = arith.constant 0 : i32
    %dma_start3A_30 = arith.constant 0 : i32
    %dma_start3A_31 = tpu.memref_slice %arg12[%dma_start3A_29, %dma_start3A_30] : memref<2x40xi32, #tpu.memory_space<vmem>> -> memref<1x40xi32, #tpu.memory_space<vmem>>
    %dma_start3A_32 = tpu.memref_squeeze %dma_start3A_31 : memref<1x40xi32, #tpu.memory_space<vmem>> -> memref<40xi32, #tpu.memory_space<vmem>>
    %dma_start3A_33 = tpu.memref_slice %arg6[%add3A_7, %mul3A_18] : memref<4x160000xi32, #tpu.memory_space<hbm>> -> memref<1x40xi32, #tpu.memory_space<hbm>>
    %dma_start3A_34 = tpu.memref_squeeze %dma_start3A_33 : memref<1x40xi32, #tpu.memory_space<hbm>> -> memref<40xi32, #tpu.memory_space<hbm>>
    %dma_start3A_35 = arith.constant 0 : i32
    %dma_start3A_36 = tpu.memref_slice %arg12[%dma_start3A_29, %dma_start3A_35] : memref<2x40xi32, #tpu.memory_space<vmem>> -> memref<1x40xi32, #tpu.memory_space<vmem>>
    %dma_start3A_37 = tpu.memref_squeeze %dma_start3A_36 : memref<1x40xi32, #tpu.memory_space<vmem>> -> memref<40xi32, #tpu.memory_space<vmem>>
    %dma_start3A_38 = tpu.memref_slice %arg6[%add3A_7, %mul3A_18] : memref<4x160000xi32, #tpu.memory_space<hbm>> -> memref<1x40xi32, #tpu.memory_space<hbm>>
    %dma_start3A_39 = tpu.memref_squeeze %dma_start3A_38 : memref<1x40xi32, #tpu.memory_space<hbm>> -> memref<40xi32, #tpu.memory_space<hbm>>
    tpu.enqueue_dma source(%dma_start3A_39 : memref<40xi32, #tpu.memory_space<hbm>>) target(%dma_start3A_37 : memref<40xi32, #tpu.memory_space<vmem>>) target_semaphore(%arg23 : memref<!tpu.dma_semaphore, #tpu.memory_space<semaphore_mem>>)
    %dma_start3A_40 = arith.constant 0 : i32
    %dma_start3A_41 = arith.constant 0 : i32
    %dma_start3A_42 = tpu.memref_slice %arg10[%dma_start3A_40, %dma_start3A_41] : memref<2x40xi32, #tpu.memory_space<vmem>> -> memref<1x40xi32, #tpu.memory_space<vmem>>
    %dma_start3A_43 = tpu.memref_squeeze %dma_start3A_42 : memref<1x40xi32, #tpu.memory_space<vmem>> -> memref<40xi32, #tpu.memory_space<vmem>>
    %dma_start3A_44 = tpu.memref_slice %arg7[%mul3A_18] : memref<160000xi32, #tpu.memory_space<hbm>> -> memref<40xi32, #tpu.memory_space<hbm>>
    %dma_start3A_45 = arith.constant 0 : i32
    %dma_start3A_46 = tpu.memref_slice %arg10[%dma_start3A_40, %dma_start3A_45] : memref<2x40xi32, #tpu.memory_space<vmem>> -> memref<1x40xi32, #tpu.memory_space<vmem>>
    %dma_start3A_47 = tpu.memref_squeeze %dma_start3A_46 : memref<1x40xi32, #tpu.memory_space<vmem>> -> memref<40xi32, #tpu.memory_space<vmem>>
    %dma_start3A_48 = tpu.memref_slice %arg7[%mul3A_18] : memref<160000xi32, #tpu.memory_space<hbm>> -> memref<40xi32, #tpu.memory_space<hbm>>
    tpu.enqueue_dma source(%dma_start3A_48 : memref<40xi32, #tpu.memory_space<hbm>>) target(%dma_start3A_47 : memref<40xi32, #tpu.memory_space<vmem>>) target_semaphore(%arg24 : memref<!tpu.dma_semaphore, #tpu.memory_space<semaphore_mem>>)
    %dma_start3A_49 = arith.constant 0 : i32
    %dma_start3A_50 = arith.constant 0 : i32
    %dma_start3A_51 = arith.constant 0 : i32
    %dma_start3A_52 = tpu.memref_slice %arg13[%dma_start3A_49, %dma_start3A_50, %dma_start3A_51] : memref<2x40x48xf32, #tpu.memory_space<vmem>> -> memref<1x40x48xf32, #tpu.memory_space<vmem>>
    %dma_start3A_53 = tpu.memref_squeeze %dma_start3A_52 : memref<1x40x48xf32, #tpu.memory_space<vmem>> -> memref<40x48xf32, #tpu.memory_space<vmem>>
    %dma_start3A_54 = arith.constant 0 : i32
    %dma_start3A_55 = tpu.memref_slice %arg8[%mul3A_18, %dma_start3A_54] : memref<160000x48xf32, #tpu.memory_space<hbm>> -> memref<40x48xf32, #tpu.memory_space<hbm>>
    %dma_start3A_56 = arith.constant 0 : i32
    %dma_start3A_57 = arith.constant 0 : i32
    %dma_start3A_58 = tpu.memref_slice %arg13[%dma_start3A_49, %dma_start3A_56, %dma_start3A_57] : memref<2x40x48xf32, #tpu.memory_space<vmem>> -> memref<1x40x48xf32, #tpu.memory_space<vmem>>
    %dma_start3A_59 = tpu.memref_squeeze %dma_start3A_58 : memref<1x40x48xf32, #tpu.memory_space<vmem>> -> memref<40x48xf32, #tpu.memory_space<vmem>>
    %dma_start3A_60 = arith.constant 0 : i32
    %dma_start3A_61 = tpu.memref_slice %arg8[%mul3A_18, %dma_start3A_60] : memref<160000x48xf32, #tpu.memory_space<hbm>> -> memref<40x48xf32, #tpu.memory_space<hbm>>
    tpu.enqueue_dma source(%dma_start3A_61 : memref<40x48xf32, #tpu.memory_space<hbm>>) target(%dma_start3A_59 : memref<40x48xf32, #tpu.memory_space<vmem>>) target_semaphore(%arg25 : memref<!tpu.dma_semaphore, #tpu.memory_space<semaphore_mem>>)
    %dma_start3A_62 = arith.constant 0 : i32
    %dma_start3A_63 = arith.constant 0 : i32
    %dma_start3A_64 = arith.constant 0 : i32
    %dma_start3A_65 = tpu.memref_slice %arg14[%dma_start3A_62, %dma_start3A_63, %dma_start3A_64] : memref<2x40x96xf32, #tpu.memory_space<vmem>> -> memref<1x40x96xf32, #tpu.memory_space<vmem>>
    %dma_start3A_66 = tpu.memref_squeeze %dma_start3A_65 : memref<1x40x96xf32, #tpu.memory_space<vmem>> -> memref<40x96xf32, #tpu.memory_space<vmem>>
    %dma_start3A_67 = arith.constant 0 : i32
    %dma_start3A_68 = tpu.memref_slice %arg4[%add3A_7, %mul3A_18, %dma_start3A_67] : memref<4x160000x96xf32, #tpu.memory_space<hbm>> -> memref<1x40x96xf32, #tpu.memory_space<hbm>>
    %dma_start3A_69 = tpu.memref_squeeze %dma_start3A_68 : memref<1x40x96xf32, #tpu.memory_space<hbm>> -> memref<40x96xf32, #tpu.memory_space<hbm>>
    %dma_start3A_70 = arith.constant 0 : i32
    %dma_start3A_71 = arith.constant 0 : i32
    %dma_start3A_72 = tpu.memref_slice %arg14[%dma_start3A_62, %dma_start3A_70, %dma_start3A_71] : memref<2x40x96xf32, #tpu.memory_space<vmem>> -> memref<1x40x96xf32, #tpu.memory_space<vmem>>
    %dma_start3A_73 = tpu.memref_squeeze %dma_start3A_72 : memref<1x40x96xf32, #tpu.memory_space<vmem>> -> memref<40x96xf32, #tpu.memory_space<vmem>>
    %dma_start3A_74 = arith.constant 0 : i32
    %dma_start3A_75 = tpu.memref_slice %arg4[%add3A_7, %mul3A_18, %dma_start3A_74] : memref<4x160000x96xf32, #tpu.memory_space<hbm>> -> memref<1x40x96xf32, #tpu.memory_space<hbm>>
    %dma_start3A_76 = tpu.memref_squeeze %dma_start3A_75 : memref<1x40x96xf32, #tpu.memory_space<hbm>> -> memref<40x96xf32, #tpu.memory_space<hbm>>
    tpu.enqueue_dma source(%dma_start3A_76 : memref<40x96xf32, #tpu.memory_space<hbm>>) target(%dma_start3A_73 : memref<40x96xf32, #tpu.memory_space<vmem>>) target_semaphore(%arg26 : memref<!tpu.dma_semaphore, #tpu.memory_space<semaphore_mem>>)
    %add3A_77 = arith.constant 16 : i32
    %add3A_78 = arith.addi %arg1, %add3A_77 : i32
    %mul3A_79 = arith.constant 40 : i32
    %mul3A_80 = arith.muli %add3A_78, %mul3A_79 : i32
    %dma_start3A_81 = arith.constant 1 : i32
    %dma_start3A_82 = arith.constant 0 : i32
    %dma_start3A_83 = tpu.memref_slice %arg11[%dma_start3A_81, %dma_start3A_82] : memref<2x40xi32, #tpu.memory_space<vmem>> -> memref<1x40xi32, #tpu.memory_space<vmem>>
    %dma_start3A_84 = tpu.memref_squeeze %dma_start3A_83 : memref<1x40xi32, #tpu.memory_space<vmem>> -> memref<40xi32, #tpu.memory_space<vmem>>
    %dma_start3A_85 = tpu.memref_slice %arg5[%add3A_7, %mul3A_80] : memref<4x160000xi32, #tpu.memory_space<hbm>> -> memref<1x40xi32, #tpu.memory_space<hbm>>
    %dma_start3A_86 = tpu.memref_squeeze %dma_start3A_85 : memref<1x40xi32, #tpu.memory_space<hbm>> -> memref<40xi32, #tpu.memory_space<hbm>>
    %dma_start3A_87 = arith.constant 0 : i32
    %dma_start3A_88 = tpu.memref_slice %arg11[%dma_start3A_81, %dma_start3A_87] : memref<2x40xi32, #tpu.memory_space<vmem>> -> memref<1x40xi32, #tpu.memory_space<vmem>>
    %dma_start3A_89 = tpu.memref_squeeze %dma_start3A_88 : memref<1x40xi32, #tpu.memory_space<vmem>> -> memref<40xi32, #tpu.memory_space<vmem>>
    %dma_start3A_90 = tpu.memref_slice %arg5[%add3A_7, %mul3A_80] : memref<4x160000xi32, #tpu.memory_space<hbm>> -> memref<1x40xi32, #tpu.memory_space<hbm>>
    %dma_start3A_91 = tpu.memref_squeeze %dma_start3A_90 : memref<1x40xi32, #tpu.memory_space<hbm>> -> memref<40xi32, #tpu.memory_space<hbm>>
    tpu.enqueue_dma source(%dma_start3A_91 : memref<40xi32, #tpu.memory_space<hbm>>) target(%dma_start3A_89 : memref<40xi32, #tpu.memory_space<vmem>>) target_semaphore(%arg27 : memref<!tpu.dma_semaphore, #tpu.memory_space<semaphore_mem>>)
    %dma_start3A_92 = arith.constant 1 : i32
    %dma_start3A_93 = arith.constant 0 : i32
    %dma_start3A_94 = tpu.memref_slice %arg12[%dma_start3A_92, %dma_start3A_93] : memref<2x40xi32, #tpu.memory_space<vmem>> -> memref<1x40xi32, #tpu.memory_space<vmem>>
    %dma_start3A_95 = tpu.memref_squeeze %dma_start3A_94 : memref<1x40xi32, #tpu.memory_space<vmem>> -> memref<40xi32, #tpu.memory_space<vmem>>
    %dma_start3A_96 = tpu.memref_slice %arg6[%add3A_7, %mul3A_80] : memref<4x160000xi32, #tpu.memory_space<hbm>> -> memref<1x40xi32, #tpu.memory_space<hbm>>
    %dma_start3A_97 = tpu.memref_squeeze %dma_start3A_96 : memref<1x40xi32, #tpu.memory_space<hbm>> -> memref<40xi32, #tpu.memory_space<hbm>>
    %dma_start3A_98 = arith.constant 0 : i32
    %dma_start3A_99 = tpu.memref_slice %arg12[%dma_start3A_92, %dma_start3A_98] : memref<2x40xi32, #tpu.memory_space<vmem>> -> memref<1x40xi32, #tpu.memory_space<vmem>>
    %dma_start3A_100 = tpu.memref_squeeze %dma_start3A_99 : memref<1x40xi32, #tpu.memory_space<vmem>> -> memref<40xi32, #tpu.memory_space<vmem>>
    %dma_start3A_101 = tpu.memref_slice %arg6[%add3A_7, %mul3A_80] : memref<4x160000xi32, #tpu.memory_space<hbm>> -> memref<1x40xi32, #tpu.memory_space<hbm>>
    %dma_start3A_102 = tpu.memref_squeeze %dma_start3A_101 : memref<1x40xi32, #tpu.memory_space<hbm>> -> memref<40xi32, #tpu.memory_space<hbm>>
    tpu.enqueue_dma source(%dma_start3A_102 : memref<40xi32, #tpu.memory_space<hbm>>) target(%dma_start3A_100 : memref<40xi32, #tpu.memory_space<vmem>>) target_semaphore(%arg28 : memref<!tpu.dma_semaphore, #tpu.memory_space<semaphore_mem>>)
    %dma_start3A_103 = arith.constant 1 : i32
    %dma_start3A_104 = arith.constant 0 : i32
    %dma_start3A_105 = tpu.memref_slice %arg10[%dma_start3A_103, %dma_start3A_104] : memref<2x40xi32, #tpu.memory_space<vmem>> -> memref<1x40xi32, #tpu.memory_space<vmem>>
    %dma_start3A_106 = tpu.memref_squeeze %dma_start3A_105 : memref<1x40xi32, #tpu.memory_space<vmem>> -> memref<40xi32, #tpu.memory_space<vmem>>
    %dma_start3A_107 = tpu.memref_slice %arg7[%mul3A_80] : memref<160000xi32, #tpu.memory_space<hbm>> -> memref<40xi32, #tpu.memory_space<hbm>>
    %dma_start3A_108 = arith.constant 0 : i32
    %dma_start3A_109 = tpu.memref_slice %arg10[%dma_start3A_103, %dma_start3A_108] : memref<2x40xi32, #tpu.memory_space<vmem>> -> memref<1x40xi32, #tpu.memory_space<vmem>>
    %dma_start3A_110 = tpu.memref_squeeze %dma_start3A_109 : memref<1x40xi32, #tpu.memory_space<vmem>> -> memref<40xi32, #tpu.memory_space<vmem>>
    %dma_start3A_111 = tpu.memref_slice %arg7[%mul3A_80] : memref<160000xi32, #tpu.memory_space<hbm>> -> memref<40xi32, #tpu.memory_space<hbm>>
    tpu.enqueue_dma source(%dma_start3A_111 : memref<40xi32, #tpu.memory_space<hbm>>) target(%dma_start3A_110 : memref<40xi32, #tpu.memory_space<vmem>>) target_semaphore(%arg29 : memref<!tpu.dma_semaphore, #tpu.memory_space<semaphore_mem>>)
    %dma_start3A_112 = arith.constant 1 : i32
    %dma_start3A_113 = arith.constant 0 : i32
    %dma_start3A_114 = arith.constant 0 : i32
    %dma_start3A_115 = tpu.memref_slice %arg13[%dma_start3A_112, %dma_start3A_113, %dma_start3A_114] : memref<2x40x48xf32, #tpu.memory_space<vmem>> -> memref<1x40x48xf32, #tpu.memory_space<vmem>>
    %dma_start3A_116 = tpu.memref_squeeze %dma_start3A_115 : memref<1x40x48xf32, #tpu.memory_space<vmem>> -> memref<40x48xf32, #tpu.memory_space<vmem>>
    %dma_start3A_117 = arith.constant 0 : i32
    %dma_start3A_118 = tpu.memref_slice %arg8[%mul3A_80, %dma_start3A_117] : memref<160000x48xf32, #tpu.memory_space<hbm>> -> memref<40x48xf32, #tpu.memory_space<hbm>>
    %dma_start3A_119 = arith.constant 0 : i32
    %dma_start3A_120 = arith.constant 0 : i32
    %dma_start3A_121 = tpu.memref_slice %arg13[%dma_start3A_112, %dma_start3A_119, %dma_start3A_120] : memref<2x40x48xf32, #tpu.memory_space<vmem>> -> memref<1x40x48xf32, #tpu.memory_space<vmem>>
    %dma_start3A_122 = tpu.memref_squeeze %dma_start3A_121 : memref<1x40x48xf32, #tpu.memory_space<vmem>> -> memref<40x48xf32, #tpu.memory_space<vmem>>
    %dma_start3A_123 = arith.constant 0 : i32
    %dma_start3A_124 = tpu.memref_slice %arg8[%mul3A_80, %dma_start3A_123] : memref<160000x48xf32, #tpu.memory_space<hbm>> -> memref<40x48xf32, #tpu.memory_space<hbm>>
    tpu.enqueue_dma source(%dma_start3A_124 : memref<40x48xf32, #tpu.memory_space<hbm>>) target(%dma_start3A_122 : memref<40x48xf32, #tpu.memory_space<vmem>>) target_semaphore(%arg30 : memref<!tpu.dma_semaphore, #tpu.memory_space<semaphore_mem>>)
    %dma_start3A_125 = arith.constant 1 : i32
    %dma_start3A_126 = arith.constant 0 : i32
    %dma_start3A_127 = arith.constant 0 : i32
    %dma_start3A_128 = tpu.memref_slice %arg14[%dma_start3A_125, %dma_start3A_126, %dma_start3A_127] : memref<2x40x96xf32, #tpu.memory_space<vmem>> -> memref<1x40x96xf32, #tpu.memory_space<vmem>>
    %dma_start3A_129 = tpu.memref_squeeze %dma_start3A_128 : memref<1x40x96xf32, #tpu.memory_space<vmem>> -> memref<40x96xf32, #tpu.memory_space<vmem>>
    %dma_start3A_130 = arith.constant 0 : i32
    %dma_start3A_131 = tpu.memref_slice %arg4[%add3A_7, %mul3A_80, %dma_start3A_130] : memref<4x160000x96xf32, #tpu.memory_space<hbm>> -> memref<1x40x96xf32, #tpu.memory_space<hbm>>
    %dma_start3A_132 = tpu.memref_squeeze %dma_start3A_131 : memref<1x40x96xf32, #tpu.memory_space<hbm>> -> memref<40x96xf32, #tpu.memory_space<hbm>>
    %dma_start3A_133 = arith.constant 0 : i32
    %dma_start3A_134 = arith.constant 0 : i32
    %dma_start3A_135 = tpu.memref_slice %arg14[%dma_start3A_125, %dma_start3A_133, %dma_start3A_134] : memref<2x40x96xf32, #tpu.memory_space<vmem>> -> memref<1x40x96xf32, #tpu.memory_space<vmem>>
    %dma_start3A_136 = tpu.memref_squeeze %dma_start3A_135 : memref<1x40x96xf32, #tpu.memory_space<vmem>> -> memref<40x96xf32, #tpu.memory_space<vmem>>
    %dma_start3A_137 = arith.constant 0 : i32
    %dma_start3A_138 = tpu.memref_slice %arg4[%add3A_7, %mul3A_80, %dma_start3A_137] : memref<4x160000x96xf32, #tpu.memory_space<hbm>> -> memref<1x40x96xf32, #tpu.memory_space<hbm>>
    %dma_start3A_139 = tpu.memref_squeeze %dma_start3A_138 : memref<1x40x96xf32, #tpu.memory_space<hbm>> -> memref<40x96xf32, #tpu.memory_space<hbm>>
    tpu.enqueue_dma source(%dma_start3A_139 : memref<40x96xf32, #tpu.memory_space<hbm>>) target(%dma_start3A_136 : memref<40x96xf32, #tpu.memory_space<vmem>>) target_semaphore(%arg31 : memref<!tpu.dma_semaphore, #tpu.memory_space<semaphore_mem>>)
    %scan3A_140 = arith.constant 0 : i32
    %scan3A_141 = arith.constant 0 : i32
    %scan3A_142 = arith.constant 125 : i32
    %scan3A_143 = arith.addi %scan3A_141, %scan3A_142 : i32
    %scan3A_144 = arith.constant 1 : i32
    %scan3A_145 = scf.for %scan3A_555 = %scan3A_141 to %scan3A_143 step %scan3A_144 iter_args(%scan3A_556 = %scan3A_140) -> (i32)  : i32 {
      %mul3A_557 = arith.constant 2 : i32
      %mul3A_558 = arith.muli %mul3A_557, %scan3A_555 : i32
      %add3A_559 = arith.constant 0 : i32
      %add3A_560 = arith.addi %mul3A_558, %add3A_559 : i32
      %mul3A_561 = arith.constant 16 : i32
      %mul3A_562 = arith.muli %add3A_560, %mul3A_561 : i32
      %add3A_563 = arith.addi %arg1, %mul3A_562 : i32
      %mul3A_564 = arith.constant 40 : i32
      %mul3A_565 = arith.muli %add3A_563, %mul3A_564 : i32
      %dma_wait3A_566 = arith.constant 0 : i32
      %dma_wait3A_567 = arith.constant 0 : i32
      %dma_wait3A_568 = tpu.memref_slice %arg11[%dma_wait3A_566, %dma_wait3A_567] : memref<2x40xi32, #tpu.memory_space<vmem>> -> memref<1x40xi32, #tpu.memory_space<vmem>>
      %dma_wait3A_569 = tpu.memref_squeeze %dma_wait3A_568 : memref<1x40xi32, #tpu.memory_space<vmem>> -> memref<40xi32, #tpu.memory_space<vmem>>
      %dma_wait3A_570 = tpu.memref_slice %arg5[%add3A_7, %mul3A_565] : memref<4x160000xi32, #tpu.memory_space<hbm>> -> memref<1x40xi32, #tpu.memory_space<hbm>>
      %dma_wait3A_571 = tpu.memref_squeeze %dma_wait3A_570 : memref<1x40xi32, #tpu.memory_space<hbm>> -> memref<40xi32, #tpu.memory_space<hbm>>
      %dma_wait3A_572 = arith.constant 0 : i32
      %dma_wait3A_573 = tpu.memref_slice %arg11[%dma_wait3A_566, %dma_wait3A_572] : memref<2x40xi32, #tpu.memory_space<vmem>> -> memref<1x40xi32, #tpu.memory_space<vmem>>
      %dma_wait3A_574 = tpu.memref_squeeze %dma_wait3A_573 : memref<1x40xi32, #tpu.memory_space<vmem>> -> memref<40xi32, #tpu.memory_space<vmem>>
      %dma_wait3A_575 = tpu.memref_slice %arg5[%add3A_7, %mul3A_565] : memref<4x160000xi32, #tpu.memory_space<hbm>> -> memref<1x40xi32, #tpu.memory_space<hbm>>
      %dma_wait3A_576 = tpu.memref_squeeze %dma_wait3A_575 : memref<1x40xi32, #tpu.memory_space<hbm>> -> memref<40xi32, #tpu.memory_space<hbm>>
      tpu.wait_dma2 semaphore(%arg22 : memref<!tpu.dma_semaphore, #tpu.memory_space<semaphore_mem>>) src(%dma_wait3A_576 : memref<40xi32, #tpu.memory_space<hbm>>) dst(%dma_wait3A_574 : memref<40xi32, #tpu.memory_space<vmem>>)
      %dma_wait3A_577 = arith.constant 0 : i32
      %dma_wait3A_578 = arith.constant 0 : i32
      %dma_wait3A_579 = tpu.memref_slice %arg12[%dma_wait3A_577, %dma_wait3A_578] : memref<2x40xi32, #tpu.memory_space<vmem>> -> memref<1x40xi32, #tpu.memory_space<vmem>>
      %dma_wait3A_580 = tpu.memref_squeeze %dma_wait3A_579 : memref<1x40xi32, #tpu.memory_space<vmem>> -> memref<40xi32, #tpu.memory_space<vmem>>
      %dma_wait3A_581 = tpu.memref_slice %arg6[%add3A_7, %mul3A_565] : memref<4x160000xi32, #tpu.memory_space<hbm>> -> memref<1x40xi32, #tpu.memory_space<hbm>>
      %dma_wait3A_582 = tpu.memref_squeeze %dma_wait3A_581 : memref<1x40xi32, #tpu.memory_space<hbm>> -> memref<40xi32, #tpu.memory_space<hbm>>
      %dma_wait3A_583 = arith.constant 0 : i32
      %dma_wait3A_584 = tpu.memref_slice %arg12[%dma_wait3A_577, %dma_wait3A_583] : memref<2x40xi32, #tpu.memory_space<vmem>> -> memref<1x40xi32, #tpu.memory_space<vmem>>
      %dma_wait3A_585 = tpu.memref_squeeze %dma_wait3A_584 : memref<1x40xi32, #tpu.memory_space<vmem>> -> memref<40xi32, #tpu.memory_space<vmem>>
      %dma_wait3A_586 = tpu.memref_slice %arg6[%add3A_7, %mul3A_565] : memref<4x160000xi32, #tpu.memory_space<hbm>> -> memref<1x40xi32, #tpu.memory_space<hbm>>
      %dma_wait3A_587 = tpu.memref_squeeze %dma_wait3A_586 : memref<1x40xi32, #tpu.memory_space<hbm>> -> memref<40xi32, #tpu.memory_space<hbm>>
      tpu.wait_dma2 semaphore(%arg23 : memref<!tpu.dma_semaphore, #tpu.memory_space<semaphore_mem>>) src(%dma_wait3A_587 : memref<40xi32, #tpu.memory_space<hbm>>) dst(%dma_wait3A_585 : memref<40xi32, #tpu.memory_space<vmem>>)
      %dma_wait3A_588 = arith.constant 0 : i32
      %dma_wait3A_589 = arith.constant 0 : i32
      %dma_wait3A_590 = tpu.memref_slice %arg10[%dma_wait3A_588, %dma_wait3A_589] : memref<2x40xi32, #tpu.memory_space<vmem>> -> memref<1x40xi32, #tpu.memory_space<vmem>>
      %dma_wait3A_591 = tpu.memref_squeeze %dma_wait3A_590 : memref<1x40xi32, #tpu.memory_space<vmem>> -> memref<40xi32, #tpu.memory_space<vmem>>
      %dma_wait3A_592 = tpu.memref_slice %arg7[%mul3A_565] : memref<160000xi32, #tpu.memory_space<hbm>> -> memref<40xi32, #tpu.memory_space<hbm>>
      %dma_wait3A_593 = arith.constant 0 : i32
      %dma_wait3A_594 = tpu.memref_slice %arg10[%dma_wait3A_588, %dma_wait3A_593] : memref<2x40xi32, #tpu.memory_space<vmem>> -> memref<1x40xi32, #tpu.memory_space<vmem>>
      %dma_wait3A_595 = tpu.memref_squeeze %dma_wait3A_594 : memref<1x40xi32, #tpu.memory_space<vmem>> -> memref<40xi32, #tpu.memory_space<vmem>>
      %dma_wait3A_596 = tpu.memref_slice %arg7[%mul3A_565] : memref<160000xi32, #tpu.memory_space<hbm>> -> memref<40xi32, #tpu.memory_space<hbm>>
      tpu.wait_dma2 semaphore(%arg24 : memref<!tpu.dma_semaphore, #tpu.memory_space<semaphore_mem>>) src(%dma_wait3A_596 : memref<40xi32, #tpu.memory_space<hbm>>) dst(%dma_wait3A_595 : memref<40xi32, #tpu.memory_space<vmem>>)
      %dma_wait3A_597 = arith.constant 0 : i32
      %dma_wait3A_598 = arith.constant 0 : i32
      %dma_wait3A_599 = arith.constant 0 : i32
      %dma_wait3A_600 = tpu.memref_slice %arg13[%dma_wait3A_597, %dma_wait3A_598, %dma_wait3A_599] : memref<2x40x48xf32, #tpu.memory_space<vmem>> -> memref<1x40x48xf32, #tpu.memory_space<vmem>>
      %dma_wait3A_601 = tpu.memref_squeeze %dma_wait3A_600 : memref<1x40x48xf32, #tpu.memory_space<vmem>> -> memref<40x48xf32, #tpu.memory_space<vmem>>
      %dma_wait3A_602 = arith.constant 0 : i32
      %dma_wait3A_603 = tpu.memref_slice %arg8[%mul3A_565, %dma_wait3A_602] : memref<160000x48xf32, #tpu.memory_space<hbm>> -> memref<40x48xf32, #tpu.memory_space<hbm>>
      %dma_wait3A_604 = arith.constant 0 : i32
      %dma_wait3A_605 = arith.constant 0 : i32
      %dma_wait3A_606 = tpu.memref_slice %arg13[%dma_wait3A_597, %dma_wait3A_604, %dma_wait3A_605] : memref<2x40x48xf32, #tpu.memory_space<vmem>> -> memref<1x40x48xf32, #tpu.memory_space<vmem>>
      %dma_wait3A_607 = tpu.memref_squeeze %dma_wait3A_606 : memref<1x40x48xf32, #tpu.memory_space<vmem>> -> memref<40x48xf32, #tpu.memory_space<vmem>>
      %dma_wait3A_608 = arith.constant 0 : i32
      %dma_wait3A_609 = tpu.memref_slice %arg8[%mul3A_565, %dma_wait3A_608] : memref<160000x48xf32, #tpu.memory_space<hbm>> -> memref<40x48xf32, #tpu.memory_space<hbm>>
      tpu.wait_dma2 semaphore(%arg25 : memref<!tpu.dma_semaphore, #tpu.memory_space<semaphore_mem>>) src(%dma_wait3A_609 : memref<40x48xf32, #tpu.memory_space<hbm>>) dst(%dma_wait3A_607 : memref<40x48xf32, #tpu.memory_space<vmem>>)
      %dma_wait3A_610 = arith.constant 0 : i32
      %dma_wait3A_611 = arith.constant 0 : i32
      %dma_wait3A_612 = arith.constant 0 : i32
      %dma_wait3A_613 = tpu.memref_slice %arg14[%dma_wait3A_610, %dma_wait3A_611, %dma_wait3A_612] : memref<2x40x96xf32, #tpu.memory_space<vmem>> -> memref<1x40x96xf32, #tpu.memory_space<vmem>>
      %dma_wait3A_614 = tpu.memref_squeeze %dma_wait3A_613 : memref<1x40x96xf32, #tpu.memory_space<vmem>> -> memref<40x96xf32, #tpu.memory_space<vmem>>
      %dma_wait3A_615 = arith.constant 0 : i32
      %dma_wait3A_616 = tpu.memref_slice %arg4[%add3A_7, %mul3A_565, %dma_wait3A_615] : memref<4x160000x96xf32, #tpu.memory_space<hbm>> -> memref<1x40x96xf32, #tpu.memory_space<hbm>>
      %dma_wait3A_617 = tpu.memref_squeeze %dma_wait3A_616 : memref<1x40x96xf32, #tpu.memory_space<hbm>> -> memref<40x96xf32, #tpu.memory_space<hbm>>
      %dma_wait3A_618 = arith.constant 0 : i32
      %dma_wait3A_619 = arith.constant 0 : i32
      %dma_wait3A_620 = tpu.memref_slice %arg14[%dma_wait3A_610, %dma_wait3A_618, %dma_wait3A_619] : memref<2x40x96xf32, #tpu.memory_space<vmem>> -> memref<1x40x96xf32, #tpu.memory_space<vmem>>
      %dma_wait3A_621 = tpu.memref_squeeze %dma_wait3A_620 : memref<1x40x96xf32, #tpu.memory_space<vmem>> -> memref<40x96xf32, #tpu.memory_space<vmem>>
      %dma_wait3A_622 = arith.constant 0 : i32
      %dma_wait3A_623 = tpu.memref_slice %arg4[%add3A_7, %mul3A_565, %dma_wait3A_622] : memref<4x160000x96xf32, #tpu.memory_space<hbm>> -> memref<1x40x96xf32, #tpu.memory_space<hbm>>
      %dma_wait3A_624 = tpu.memref_squeeze %dma_wait3A_623 : memref<1x40x96xf32, #tpu.memory_space<hbm>> -> memref<40x96xf32, #tpu.memory_space<hbm>>
      tpu.wait_dma2 semaphore(%arg26 : memref<!tpu.dma_semaphore, #tpu.memory_space<semaphore_mem>>) src(%dma_wait3A_624 : memref<40x96xf32, #tpu.memory_space<hbm>>) dst(%dma_wait3A_621 : memref<40x96xf32, #tpu.memory_space<vmem>>)
      %dma_start3A_625 = arith.constant 0 : i32
      %dma_start3A_626 = arith.constant 0 : i32
      %dma_start3A_627 = tpu.memref_slice %arg11[%dma_start3A_625, %dma_start3A_626] : memref<2x40xi32, #tpu.memory_space<vmem>> -> memref<1x40xi32, #tpu.memory_space<vmem>>
      %dma_start3A_628 = tpu.memref_squeeze %dma_start3A_627 : memref<1x40xi32, #tpu.memory_space<vmem>> -> memref<40xi32, #tpu.memory_space<vmem>>
      %dma_start3A_629 = arith.constant 0 : i32
      %dma_start3A_630 = arith.constant 0 : i32
      %dma_start3A_631 = tpu.memref_slice %arg2[%dma_start3A_629, %dma_start3A_630] : memref<40960x384xf32, #tpu.memory_space<hbm>> -> memref<40960x384xf32, #tpu.memory_space<hbm>>
      tpu.enqueue_indirect_dma source(%dma_start3A_631 : memref<40960x384xf32, #tpu.memory_space<hbm>>) target(%arg15 : memref<40x384xf32, #tpu.memory_space<vmem>>) offsets(%dma_start3A_628 : memref<40xi32, #tpu.memory_space<vmem>>) semaphore(%arg20 : memref<!tpu.dma_semaphore, #tpu.memory_space<semaphore_mem>>)
      %dma_start3A_632 = arith.constant 0 : i32
      %dma_start3A_633 = arith.constant 0 : i32
      %dma_start3A_634 = tpu.memref_slice %arg12[%dma_start3A_632, %dma_start3A_633] : memref<2x40xi32, #tpu.memory_space<vmem>> -> memref<1x40xi32, #tpu.memory_space<vmem>>
      %dma_start3A_635 = tpu.memref_squeeze %dma_start3A_634 : memref<1x40xi32, #tpu.memory_space<vmem>> -> memref<40xi32, #tpu.memory_space<vmem>>
      %dma_start3A_636 = arith.constant 0 : i32
      %dma_start3A_637 = arith.constant 0 : i32
      %dma_start3A_638 = tpu.memref_slice %arg3[%dma_start3A_636, %dma_start3A_637] : memref<40960x128xf32, #tpu.memory_space<hbm>> -> memref<40960x128xf32, #tpu.memory_space<hbm>>
      tpu.enqueue_indirect_dma source(%dma_start3A_638 : memref<40960x128xf32, #tpu.memory_space<hbm>>) target(%arg16 : memref<40x128xf32, #tpu.memory_space<vmem>>) offsets(%dma_start3A_635 : memref<40xi32, #tpu.memory_space<vmem>>) semaphore(%arg21 : memref<!tpu.dma_semaphore, #tpu.memory_space<semaphore_mem>>)
      %dma_wait3A_639 = arith.constant 0 : i32
      %dma_wait3A_640 = arith.constant 0 : i32
      %dma_wait3A_641 = tpu.memref_slice %arg11[%dma_wait3A_639, %dma_wait3A_640] : memref<2x40xi32, #tpu.memory_space<vmem>> -> memref<1x40xi32, #tpu.memory_space<vmem>>
      %dma_wait3A_642 = tpu.memref_squeeze %dma_wait3A_641 : memref<1x40xi32, #tpu.memory_space<vmem>> -> memref<40xi32, #tpu.memory_space<vmem>>
      %dma_wait3A_643 = arith.constant 0 : i32
      %dma_wait3A_644 = arith.constant 0 : i32
      %dma_wait3A_645 = tpu.memref_slice %arg2[%dma_wait3A_643, %dma_wait3A_644] : memref<40960x384xf32, #tpu.memory_space<hbm>> -> memref<40960x384xf32, #tpu.memory_space<hbm>>
      tpu.wait_indirect_dma semaphore(%arg20 : memref<!tpu.dma_semaphore, #tpu.memory_space<semaphore_mem>>) src(%dma_wait3A_645 : memref<40960x384xf32, #tpu.memory_space<hbm>>) dst(%arg15 : memref<40x384xf32, #tpu.memory_space<vmem>>)
      %dma_wait3A_646 = arith.constant 0 : i32
      %dma_wait3A_647 = arith.constant 0 : i32
      %dma_wait3A_648 = tpu.memref_slice %arg12[%dma_wait3A_646, %dma_wait3A_647] : memref<2x40xi32, #tpu.memory_space<vmem>> -> memref<1x40xi32, #tpu.memory_space<vmem>>
      %dma_wait3A_649 = tpu.memref_squeeze %dma_wait3A_648 : memref<1x40xi32, #tpu.memory_space<vmem>> -> memref<40xi32, #tpu.memory_space<vmem>>
      %dma_wait3A_650 = arith.constant 0 : i32
      %dma_wait3A_651 = arith.constant 0 : i32
      %dma_wait3A_652 = tpu.memref_slice %arg3[%dma_wait3A_650, %dma_wait3A_651] : memref<40960x128xf32, #tpu.memory_space<hbm>> -> memref<40960x128xf32, #tpu.memory_space<hbm>>
      tpu.wait_indirect_dma semaphore(%arg21 : memref<!tpu.dma_semaphore, #tpu.memory_space<semaphore_mem>>) src(%dma_wait3A_652 : memref<40960x128xf32, #tpu.memory_space<hbm>>) dst(%arg16 : memref<40x128xf32, #tpu.memory_space<vmem>>)
      %scan3A_653 = arith.constant 0 : i32
      %scan3A_654 = arith.constant 0 : i32
      %scan3A_655 = arith.constant 40 : i32
      %scan3A_656 = arith.addi %scan3A_654, %scan3A_655 : i32
      %scan3A_657 = arith.constant 1 : i32
      %scan3A_658 = scf.for %scan3A_900 = %scan3A_654 to %scan3A_656 step %scan3A_657 iter_args(%scan3A_901 = %scan3A_653) -> (i32)  : i32 {
        %get3A = arith.index_cast %scan3A_900 : i32 to index
        %get3A_902 = arith.constant 0 : index
        %get3A_903 = tpu.vector_load %arg15[%get3A, %get3A_902] {strides = array<i32>} : memref<40x384xf32, #tpu.memory_space<vmem>>, vector<1x16xf32>,
        %get3A_904 = vector.shape_cast %get3A_903 : vector<1x16xf32> to vector<16xf32>
        %get3A_905 = arith.index_cast %scan3A_900 : i32 to index
        %get3A_906 = arith.constant 96 : index
        %get3A_907 = tpu.vector_load %arg15[%get3A_905, %get3A_906] {strides = array<i32>} : memref<40x384xf32, #tpu.memory_space<vmem>>, vector<1x16xf32>,
        %get3A_908 = vector.shape_cast %get3A_907 : vector<1x16xf32> to vector<16xf32>
        %get3A_909 = arith.index_cast %scan3A_900 : i32 to index
        %get3A_910 = arith.constant 0 : index
        %get3A_911 = tpu.vector_load %arg16[%get3A_909, %get3A_910] {strides = array<i32>} : memref<40x128xf32, #tpu.memory_space<vmem>>, vector<1x16xf32>,
        %get3A_912 = vector.shape_cast %get3A_911 : vector<1x16xf32> to vector<16xf32>
        %get3A_913 = arith.constant 0 : i32
        %get3A_914 = arith.index_cast %get3A_913 : i32 to index
        %get3A_915 = arith.index_cast %scan3A_900 : i32 to index
        %get3A_916 = arith.constant 0 : index
        %get3A_917 = tpu.vector_load %arg14[%get3A_914, %get3A_915, %get3A_916] {strides = array<i32>} : memref<2x40x96xf32, #tpu.memory_space<vmem>>, vector<1x1x16xf32>,
        %get3A_918 = vector.shape_cast %get3A_917 : vector<1x1x16xf32> to vector<16xf32>
        %add3A_919 = arith.addf %get3A_908, %get3A_912 : vector<16xf32>
        %mul3A_920 = arith.mulf %get3A_904, %add3A_919 : vector<16xf32>
        %mul3A_921 = arith.mulf %mul3A_920, %get3A_918 : vector<16xf32>
        %get3A_922 = arith.index_cast %scan3A_900 : i32 to index
        %get3A_923 = arith.constant 16 : index
        %get3A_924 = tpu.vector_load %arg15[%get3A_922, %get3A_923] {strides = array<i32>} : memref<40x384xf32, #tpu.memory_space<vmem>>, vector<1x16xf32>,
        %get3A_925 = vector.shape_cast %get3A_924 : vector<1x16xf32> to vector<16xf32>
        %get3A_926 = arith.index_cast %scan3A_900 : i32 to index
        %get3A_927 = arith.constant 112 : index
        %get3A_928 = tpu.vector_load %arg15[%get3A_926, %get3A_927] {strides = array<i32>} : memref<40x384xf32, #tpu.memory_space<vmem>>, vector<1x16xf32>,
        %get3A_929 = vector.shape_cast %get3A_928 : vector<1x16xf32> to vector<16xf32>
        %get3A_930 = arith.index_cast %scan3A_900 : i32 to index
        %get3A_931 = arith.constant 16 : index
        %get3A_932 = tpu.vector_load %arg16[%get3A_930, %get3A_931] {strides = array<i32>} : memref<40x128xf32, #tpu.memory_space<vmem>>, vector<1x16xf32>,
        %get3A_933 = vector.shape_cast %get3A_932 : vector<1x16xf32> to vector<16xf32>
        %get3A_934 = arith.constant 0 : i32
        %get3A_935 = arith.index_cast %get3A_934 : i32 to index
        %get3A_936 = arith.index_cast %scan3A_900 : i32 to index
        %get3A_937 = arith.constant 16 : index
        %get3A_938 = tpu.vector_load %arg14[%get3A_935, %get3A_936, %get3A_937] {strides = array<i32>} : memref<2x40x96xf32, #tpu.memory_space<vmem>>, vector<1x1x16xf32>,
        %get3A_939 = vector.shape_cast %get3A_938 : vector<1x1x16xf32> to vector<16xf32>
        %add3A_940 = arith.addf %get3A_929, %get3A_933 : vector<16xf32>
        %mul3A_941 = arith.mulf %get3A_925, %add3A_940 : vector<16xf32>
        %mul3A_942 = arith.mulf %mul3A_941, %get3A_939 : vector<16xf32>
        %get3A_943 = arith.index_cast %scan3A_900 : i32 to index
        %get3A_944 = arith.constant 32 : index
        %get3A_945 = tpu.vector_load %arg15[%get3A_943, %get3A_944] {strides = array<i32>} : memref<40x384xf32, #tpu.memory_space<vmem>>, vector<1x16xf32>,
        %get3A_946 = vector.shape_cast %get3A_945 : vector<1x16xf32> to vector<16xf32>
        %get3A_947 = arith.index_cast %scan3A_900 : i32 to index
        %get3A_948 = arith.constant 128 : index
        %get3A_949 = tpu.vector_load %arg15[%get3A_947, %get3A_948] {strides = array<i32>} : memref<40x384xf32, #tpu.memory_space<vmem>>, vector<1x16xf32>,
        %get3A_950 = vector.shape_cast %get3A_949 : vector<1x16xf32> to vector<16xf32>
        %get3A_951 = arith.index_cast %scan3A_900 : i32 to index
        %get3A_952 = arith.constant 32 : index
        %get3A_953 = tpu.vector_load %arg16[%get3A_951, %get3A_952] {strides = array<i32>} : memref<40x128xf32, #tpu.memory_space<vmem>>, vector<1x16xf32>,
        %get3A_954 = vector.shape_cast %get3A_953 : vector<1x16xf32> to vector<16xf32>
        %get3A_955 = arith.constant 0 : i32
        %get3A_956 = arith.index_cast %get3A_955 : i32 to index
        %get3A_957 = arith.index_cast %scan3A_900 : i32 to index
        %get3A_958 = arith.constant 32 : index
        %get3A_959 = tpu.vector_load %arg14[%get3A_956, %get3A_957, %get3A_958] {strides = array<i32>} : memref<2x40x96xf32, #tpu.memory_space<vmem>>, vector<1x1x16xf32>,
        %get3A_960 = vector.shape_cast %get3A_959 : vector<1x1x16xf32> to vector<16xf32>
        %add3A_961 = arith.addf %get3A_950, %get3A_954 : vector<16xf32>
        %mul3A_962 = arith.mulf %get3A_946, %add3A_961 : vector<16xf32>
        %mul3A_963 = arith.mulf %mul3A_962, %get3A_960 : vector<16xf32>
        %get3A_964 = arith.index_cast %scan3A_900 : i32 to index
        %get3A_965 = arith.constant 48 : index
        %get3A_966 = tpu.vector_load %arg15[%get3A_964, %get3A_965] {strides = array<i32>} : memref<40x384xf32, #tpu.memory_space<vmem>>, vector<1x16xf32>,
        %get3A_967 = vector.shape_cast %get3A_966 : vector<1x16xf32> to vector<16xf32>
        %get3A_968 = arith.index_cast %scan3A_900 : i32 to index
        %get3A_969 = arith.constant 144 : index
        %get3A_970 = tpu.vector_load %arg15[%get3A_968, %get3A_969] {strides = array<i32>} : memref<40x384xf32, #tpu.memory_space<vmem>>, vector<1x16xf32>,
        %get3A_971 = vector.shape_cast %get3A_970 : vector<1x16xf32> to vector<16xf32>
        %get3A_972 = arith.index_cast %scan3A_900 : i32 to index
        %get3A_973 = arith.constant 48 : index
        %get3A_974 = tpu.vector_load %arg16[%get3A_972, %get3A_973] {strides = array<i32>} : memref<40x128xf32, #tpu.memory_space<vmem>>, vector<1x16xf32>,
        %get3A_975 = vector.shape_cast %get3A_974 : vector<1x16xf32> to vector<16xf32>
        %get3A_976 = arith.constant 0 : i32
        %get3A_977 = arith.index_cast %get3A_976 : i32 to index
        %get3A_978 = arith.index_cast %scan3A_900 : i32 to index
        %get3A_979 = arith.constant 48 : index
        %get3A_980 = tpu.vector_load %arg14[%get3A_977, %get3A_978, %get3A_979] {strides = array<i32>} : memref<2x40x96xf32, #tpu.memory_space<vmem>>, vector<1x1x16xf32>,
        %get3A_981 = vector.shape_cast %get3A_980 : vector<1x1x16xf32> to vector<16xf32>
        %add3A_982 = arith.addf %get3A_971, %get3A_975 : vector<16xf32>
        %mul3A_983 = arith.mulf %get3A_967, %add3A_982 : vector<16xf32>
        %mul3A_984 = arith.mulf %mul3A_983, %get3A_981 : vector<16xf32>
        %get3A_985 = arith.index_cast %scan3A_900 : i32 to index
        %get3A_986 = arith.constant 64 : index
        %get3A_987 = tpu.vector_load %arg15[%get3A_985, %get3A_986] {strides = array<i32>} : memref<40x384xf32, #tpu.memory_space<vmem>>, vector<1x16xf32>,
        %get3A_988 = vector.shape_cast %get3A_987 : vector<1x16xf32> to vector<16xf32>
        %get3A_989 = arith.index_cast %scan3A_900 : i32 to index
        %get3A_990 = arith.constant 160 : index
        %get3A_991 = tpu.vector_load %arg15[%get3A_989, %get3A_990] {strides = array<i32>} : memref<40x384xf32, #tpu.memory_space<vmem>>, vector<1x16xf32>,
        %get3A_992 = vector.shape_cast %get3A_991 : vector<1x16xf32> to vector<16xf32>
        %get3A_993 = arith.index_cast %scan3A_900 : i32 to index
        %get3A_994 = arith.constant 64 : index
        %get3A_995 = tpu.vector_load %arg16[%get3A_993, %get3A_994] {strides = array<i32>} : memref<40x128xf32, #tpu.memory_space<vmem>>, vector<1x16xf32>,
        %get3A_996 = vector.shape_cast %get3A_995 : vector<1x16xf32> to vector<16xf32>
        %get3A_997 = arith.constant 0 : i32
        %get3A_998 = arith.index_cast %get3A_997 : i32 to index
        %get3A_999 = arith.index_cast %scan3A_900 : i32 to index
        %get3A_1000 = arith.constant 64 : index
        %get3A_1001 = tpu.vector_load %arg14[%get3A_998, %get3A_999, %get3A_1000] {strides = array<i32>} : memref<2x40x96xf32, #tpu.memory_space<vmem>>, vector<1x1x16xf32>,
        %get3A_1002 = vector.shape_cast %get3A_1001 : vector<1x1x16xf32> to vector<16xf32>
        %add3A_1003 = arith.addf %get3A_992, %get3A_996 : vector<16xf32>
        %mul3A_1004 = arith.mulf %get3A_988, %add3A_1003 : vector<16xf32>
        %mul3A_1005 = arith.mulf %mul3A_1004, %get3A_1002 : vector<16xf32>
        %get3A_1006 = arith.index_cast %scan3A_900 : i32 to index
        %get3A_1007 = arith.constant 80 : index
        %get3A_1008 = tpu.vector_load %arg15[%get3A_1006, %get3A_1007] {strides = array<i32>} : memref<40x384xf32, #tpu.memory_space<vmem>>, vector<1x16xf32>,
        %get3A_1009 = vector.shape_cast %get3A_1008 : vector<1x16xf32> to vector<16xf32>
        %get3A_1010 = arith.index_cast %scan3A_900 : i32 to index
        %get3A_1011 = arith.constant 176 : index
        %get3A_1012 = tpu.vector_load %arg15[%get3A_1010, %get3A_1011] {strides = array<i32>} : memref<40x384xf32, #tpu.memory_space<vmem>>, vector<1x16xf32>,
        %get3A_1013 = vector.shape_cast %get3A_1012 : vector<1x16xf32> to vector<16xf32>
        %get3A_1014 = arith.index_cast %scan3A_900 : i32 to index
        %get3A_1015 = arith.constant 80 : index
        %get3A_1016 = tpu.vector_load %arg16[%get3A_1014, %get3A_1015] {strides = array<i32>} : memref<40x128xf32, #tpu.memory_space<vmem>>, vector<1x16xf32>,
        %get3A_1017 = vector.shape_cast %get3A_1016 : vector<1x16xf32> to vector<16xf32>
        %get3A_1018 = arith.constant 0 : i32
        %get3A_1019 = arith.index_cast %get3A_1018 : i32 to index
        %get3A_1020 = arith.index_cast %scan3A_900 : i32 to index
        %get3A_1021 = arith.constant 80 : index
        %get3A_1022 = tpu.vector_load %arg14[%get3A_1019, %get3A_1020, %get3A_1021] {strides = array<i32>} : memref<2x40x96xf32, #tpu.memory_space<vmem>>, vector<1x1x16xf32>,
        %get3A_1023 = vector.shape_cast %get3A_1022 : vector<1x1x16xf32> to vector<16xf32>
        %add3A_1024 = arith.addf %get3A_1013, %get3A_1017 : vector<16xf32>
        %mul3A_1025 = arith.mulf %get3A_1009, %add3A_1024 : vector<16xf32>
        %mul3A_1026 = arith.mulf %mul3A_1025, %get3A_1023 : vector<16xf32>
        %get3A_1027 = arith.constant 0 : i32
        %get3A_1028 = arith.index_cast %get3A_1027 : i32 to index
        %get3A_1029 = arith.index_cast %scan3A_900 : i32 to index
        %get3A_1030 = arith.constant 0 : index
        %get3A_1031 = tpu.vector_load %arg13[%get3A_1028, %get3A_1029, %get3A_1030] {strides = array<i32>} : memref<2x40x48xf32, #tpu.memory_space<vmem>>, vector<1x1x16xf32>,
        %get3A_1032 = vector.shape_cast %get3A_1031 : vector<1x1x16xf32> to vector<16xf32>
        %get3A_1033 = arith.index_cast %scan3A_900 : i32 to index
        %get3A_1034 = arith.constant 192 : index
        %get3A_1035 = tpu.vector_load %arg15[%get3A_1033, %get3A_1034] {strides = array<i32>} : memref<40x384xf32, #tpu.memory_space<vmem>>, vector<1x16xf32>,
        %get3A_1036 = vector.shape_cast %get3A_1035 : vector<1x16xf32> to vector<16xf32>
        %mul3A_1037 = arith.mulf %mul3A_921, %get3A_1036 : vector<16xf32>
        %mul3A_1038 = arith.mulf %mul3A_963, %get3A_1032 : vector<16xf32>
        %add3A_1039 = arith.addf %mul3A_1037, %mul3A_1038 : vector<16xf32>
        %swap3A = arith.index_cast %scan3A_900 : i32 to index
        %swap3A_1040 = arith.constant 0 : index
        %swap3A_1041 = tpu.vector_load %arg17[%swap3A, %swap3A_1040] {strides = array<i32>} : memref<40x128xf32, #tpu.memory_space<vmem>>, vector<1x16xf32>,
        %swap3A_1042 = vector.shape_cast %swap3A_1041 : vector<1x16xf32> to vector<16xf32>
        %swap3A_1043 = vector.shape_cast %add3A_1039 : vector<16xf32> to vector<1x16xf32>
        tpu.vector_store %arg17[%swap3A, %swap3A_1040], %swap3A_1043 {strides = array<i32>} : memref<40x128xf32, #tpu.memory_space<vmem>>, vector<1x16xf32>,
        %get3A_1044 = arith.index_cast %scan3A_900 : i32 to index
        %get3A_1045 = arith.constant 208 : index
        %get3A_1046 = tpu.vector_load %arg15[%get3A_1044, %get3A_1045] {strides = array<i32>} : memref<40x384xf32, #tpu.memory_space<vmem>>, vector<1x16xf32>,
        %get3A_1047 = vector.shape_cast %get3A_1046 : vector<1x16xf32> to vector<16xf32>
        %mul3A_1048 = arith.mulf %mul3A_942, %get3A_1047 : vector<16xf32>
        %mul3A_1049 = arith.mulf %mul3A_984, %get3A_1032 : vector<16xf32>
        %add3A_1050 = arith.addf %mul3A_1048, %mul3A_1049 : vector<16xf32>
        %swap3A_1051 = arith.index_cast %scan3A_900 : i32 to index
        %swap3A_1052 = arith.constant 16 : index
        %swap3A_1053 = tpu.vector_load %arg17[%swap3A_1051, %swap3A_1052] {strides = array<i32>} : memref<40x128xf32, #tpu.memory_space<vmem>>, vector<1x16xf32>,
        %swap3A_1054 = vector.shape_cast %swap3A_1053 : vector<1x16xf32> to vector<16xf32>
        %swap3A_1055 = vector.shape_cast %add3A_1050 : vector<16xf32> to vector<1x16xf32>
        tpu.vector_store %arg17[%swap3A_1051, %swap3A_1052], %swap3A_1055 {strides = array<i32>} : memref<40x128xf32, #tpu.memory_space<vmem>>, vector<1x16xf32>,
        %get3A_1056 = arith.constant 0 : i32
        %get3A_1057 = arith.index_cast %get3A_1056 : i32 to index
        %get3A_1058 = arith.index_cast %scan3A_900 : i32 to index
        %get3A_1059 = arith.constant 16 : index
        %get3A_1060 = tpu.vector_load %arg13[%get3A_1057, %get3A_1058, %get3A_1059] {strides = array<i32>} : memref<2x40x48xf32, #tpu.memory_space<vmem>>, vector<1x1x16xf32>,
        %get3A_1061 = vector.shape_cast %get3A_1060 : vector<1x1x16xf32> to vector<16xf32>
        %get3A_1062 = arith.index_cast %scan3A_900 : i32 to index
        %get3A_1063 = arith.constant 224 : index
        %get3A_1064 = tpu.vector_load %arg15[%get3A_1062, %get3A_1063] {strides = array<i32>} : memref<40x384xf32, #tpu.memory_space<vmem>>, vector<1x16xf32>,
        %get3A_1065 = vector.shape_cast %get3A_1064 : vector<1x16xf32> to vector<16xf32>
        %mul3A_1066 = arith.mulf %mul3A_921, %get3A_1065 : vector<16xf32>
        %mul3A_1067 = arith.mulf %mul3A_963, %get3A_1061 : vector<16xf32>
        %add3A_1068 = arith.addf %mul3A_1066, %mul3A_1067 : vector<16xf32>
        %swap3A_1069 = arith.index_cast %scan3A_900 : i32 to index
        %swap3A_1070 = arith.constant 32 : index
        %swap3A_1071 = tpu.vector_load %arg17[%swap3A_1069, %swap3A_1070] {strides = array<i32>} : memref<40x128xf32, #tpu.memory_space<vmem>>, vector<1x16xf32>,
        %swap3A_1072 = vector.shape_cast %swap3A_1071 : vector<1x16xf32> to vector<16xf32>
        %swap3A_1073 = vector.shape_cast %add3A_1068 : vector<16xf32> to vector<1x16xf32>
        tpu.vector_store %arg17[%swap3A_1069, %swap3A_1070], %swap3A_1073 {strides = array<i32>} : memref<40x128xf32, #tpu.memory_space<vmem>>, vector<1x16xf32>,
        %get3A_1074 = arith.index_cast %scan3A_900 : i32 to index
        %get3A_1075 = arith.constant 240 : index
        %get3A_1076 = tpu.vector_load %arg15[%get3A_1074, %get3A_1075] {strides = array<i32>} : memref<40x384xf32, #tpu.memory_space<vmem>>, vector<1x16xf32>,
        %get3A_1077 = vector.shape_cast %get3A_1076 : vector<1x16xf32> to vector<16xf32>
        %mul3A_1078 = arith.mulf %mul3A_942, %get3A_1077 : vector<16xf32>
        %mul3A_1079 = arith.mulf %mul3A_984, %get3A_1061 : vector<16xf32>
        %add3A_1080 = arith.addf %mul3A_1078, %mul3A_1079 : vector<16xf32>
        %swap3A_1081 = arith.index_cast %scan3A_900 : i32 to index
        %swap3A_1082 = arith.constant 48 : index
        %swap3A_1083 = tpu.vector_load %arg17[%swap3A_1081, %swap3A_1082] {strides = array<i32>} : memref<40x128xf32, #tpu.memory_space<vmem>>, vector<1x16xf32>,
        %swap3A_1084 = vector.shape_cast %swap3A_1083 : vector<1x16xf32> to vector<16xf32>
        %swap3A_1085 = vector.shape_cast %add3A_1080 : vector<16xf32> to vector<1x16xf32>
        tpu.vector_store %arg17[%swap3A_1081, %swap3A_1082], %swap3A_1085 {strides = array<i32>} : memref<40x128xf32, #tpu.memory_space<vmem>>, vector<1x16xf32>,
        %get3A_1086 = arith.constant 0 : i32
        %get3A_1087 = arith.index_cast %get3A_1086 : i32 to index
        %get3A_1088 = arith.index_cast %scan3A_900 : i32 to index
        %get3A_1089 = arith.constant 32 : index
        %get3A_1090 = tpu.vector_load %arg13[%get3A_1087, %get3A_1088, %get3A_1089] {strides = array<i32>} : memref<2x40x48xf32, #tpu.memory_space<vmem>>, vector<1x1x16xf32>,
        %get3A_1091 = vector.shape_cast %get3A_1090 : vector<1x1x16xf32> to vector<16xf32>
        %get3A_1092 = arith.index_cast %scan3A_900 : i32 to index
        %get3A_1093 = arith.constant 256 : index
        %get3A_1094 = tpu.vector_load %arg15[%get3A_1092, %get3A_1093] {strides = array<i32>} : memref<40x384xf32, #tpu.memory_space<vmem>>, vector<1x16xf32>,
        %get3A_1095 = vector.shape_cast %get3A_1094 : vector<1x16xf32> to vector<16xf32>
        %mul3A_1096 = arith.mulf %mul3A_921, %get3A_1095 : vector<16xf32>
        %mul3A_1097 = arith.mulf %mul3A_963, %get3A_1091 : vector<16xf32>
        %add3A_1098 = arith.addf %mul3A_1096, %mul3A_1097 : vector<16xf32>
        %swap3A_1099 = arith.index_cast %scan3A_900 : i32 to index
        %swap3A_1100 = arith.constant 64 : index
        %swap3A_1101 = tpu.vector_load %arg17[%swap3A_1099, %swap3A_1100] {strides = array<i32>} : memref<40x128xf32, #tpu.memory_space<vmem>>, vector<1x16xf32>,
        %swap3A_1102 = vector.shape_cast %swap3A_1101 : vector<1x16xf32> to vector<16xf32>
        %swap3A_1103 = vector.shape_cast %add3A_1098 : vector<16xf32> to vector<1x16xf32>
        tpu.vector_store %arg17[%swap3A_1099, %swap3A_1100], %swap3A_1103 {strides = array<i32>} : memref<40x128xf32, #tpu.memory_space<vmem>>, vector<1x16xf32>,
        %get3A_1104 = arith.index_cast %scan3A_900 : i32 to index
        %get3A_1105 = arith.constant 272 : index
        %get3A_1106 = tpu.vector_load %arg15[%get3A_1104, %get3A_1105] {strides = array<i32>} : memref<40x384xf32, #tpu.memory_space<vmem>>, vector<1x16xf32>,
        %get3A_1107 = vector.shape_cast %get3A_1106 : vector<1x16xf32> to vector<16xf32>
        %mul3A_1108 = arith.mulf %mul3A_942, %get3A_1107 : vector<16xf32>
        %mul3A_1109 = arith.mulf %mul3A_984, %get3A_1091 : vector<16xf32>
        %add3A_1110 = arith.addf %mul3A_1108, %mul3A_1109 : vector<16xf32>
        %swap3A_1111 = arith.index_cast %scan3A_900 : i32 to index
        %swap3A_1112 = arith.constant 80 : index
        %swap3A_1113 = tpu.vector_load %arg17[%swap3A_1111, %swap3A_1112] {strides = array<i32>} : memref<40x128xf32, #tpu.memory_space<vmem>>, vector<1x16xf32>,
        %swap3A_1114 = vector.shape_cast %swap3A_1113 : vector<1x16xf32> to vector<16xf32>
        %swap3A_1115 = vector.shape_cast %add3A_1110 : vector<16xf32> to vector<1x16xf32>
        tpu.vector_store %arg17[%swap3A_1111, %swap3A_1112], %swap3A_1115 {strides = array<i32>} : memref<40x128xf32, #tpu.memory_space<vmem>>, vector<1x16xf32>,
        %swap3A_1116 = arith.index_cast %scan3A_900 : i32 to index
        %swap3A_1117 = arith.constant 96 : index
        %swap3A_1118 = tpu.vector_load %arg17[%swap3A_1116, %swap3A_1117] {strides = array<i32>} : memref<40x128xf32, #tpu.memory_space<vmem>>, vector<1x16xf32>,
        %swap3A_1119 = vector.shape_cast %swap3A_1118 : vector<1x16xf32> to vector<16xf32>
        %swap3A_1120 = vector.shape_cast %mul3A_1005 : vector<16xf32> to vector<1x16xf32>
        tpu.vector_store %arg17[%swap3A_1116, %swap3A_1117], %swap3A_1120 {strides = array<i32>} : memref<40x128xf32, #tpu.memory_space<vmem>>, vector<1x16xf32>,
        %swap3A_1121 = arith.index_cast %scan3A_900 : i32 to index
        %swap3A_1122 = arith.constant 112 : index
        %swap3A_1123 = tpu.vector_load %arg17[%swap3A_1121, %swap3A_1122] {strides = array<i32>} : memref<40x128xf32, #tpu.memory_space<vmem>>, vector<1x16xf32>,
        %swap3A_1124 = vector.shape_cast %swap3A_1123 : vector<1x16xf32> to vector<16xf32>
        %swap3A_1125 = vector.shape_cast %mul3A_1026 : vector<16xf32> to vector<1x16xf32>
        tpu.vector_store %arg17[%swap3A_1121, %swap3A_1122], %swap3A_1125 {strides = array<i32>} : memref<40x128xf32, #tpu.memory_space<vmem>>, vector<1x16xf32>,
        %scan3A_1126 = arith.constant 0 : i32
        scf.yield %scan3A_1126 : i32
      }
      %scan3A_659 = arith.constant 40 : i32
      %run_scoped3A = arith.constant 0 : i32
      "tpu.region"() ({
        %run_scoped3A_900 = tpu.sem_alloc : memref<!tpu.dma_semaphore, #tpu.memory_space<semaphore_mem>>
        %dma_start3A_901 = arith.constant 0 : i32
        %dma_start3A_902 = tpu.memref_slice %arg10[%run_scoped3A, %dma_start3A_901] : memref<2x40xi32, #tpu.memory_space<vmem>> -> memref<1x40xi32, #tpu.memory_space<vmem>>
        %dma_start3A_903 = tpu.memref_squeeze %dma_start3A_902 : memref<1x40xi32, #tpu.memory_space<vmem>> -> memref<40xi32, #tpu.memory_space<vmem>>
        %dma_start3A_904 = arith.constant 0 : i32
        %dma_start3A_905 = arith.constant 0 : i32
        %dma_start3A_906 = tpu.memref_slice %arg19[%dma_start3A_904, %dma_start3A_905] : memref<10112x128xf32, #tpu.memory_space<vmem_shared>> -> memref<10112x128xf32, #tpu.memory_space<vmem_shared>>
        tpu.enqueue_indirect_dma source(%arg17 : memref<40x128xf32, #tpu.memory_space<vmem>>) target(%dma_start3A_906 : memref<10112x128xf32, #tpu.memory_space<vmem_shared>>) offsets(%dma_start3A_903 : memref<40xi32, #tpu.memory_space<vmem>>) semaphore(%run_scoped3A_900 : memref<!tpu.dma_semaphore, #tpu.memory_space<semaphore_mem>>) {add = true}
        %dma_wait3A_907 = arith.constant 0 : i32
        %dma_wait3A_908 = tpu.memref_slice %arg10[%run_scoped3A, %dma_wait3A_907] : memref<2x40xi32, #tpu.memory_space<vmem>> -> memref<1x40xi32, #tpu.memory_space<vmem>>
        %dma_wait3A_909 = tpu.memref_squeeze %dma_wait3A_908 : memref<1x40xi32, #tpu.memory_space<vmem>> -> memref<40xi32, #tpu.memory_space<vmem>>
        %dma_wait3A_910 = arith.constant 0 : i32
        %dma_wait3A_911 = arith.constant 0 : i32
        %dma_wait3A_912 = tpu.memref_slice %arg19[%dma_wait3A_910, %dma_wait3A_911] : memref<10112x128xf32, #tpu.memory_space<vmem_shared>> -> memref<10112x128xf32, #tpu.memory_space<vmem_shared>>
        tpu.wait_indirect_dma semaphore(%run_scoped3A_900 : memref<!tpu.dma_semaphore, #tpu.memory_space<semaphore_mem>>) src(%arg17 : memref<40x128xf32, #tpu.memory_space<vmem>>) dst(%dma_wait3A_912 : memref<10112x128xf32, #tpu.memory_space<vmem_shared>>)
        tpu.yield
      }) : () -> ()
      %add3A_660 = arith.constant 2 : i32
      %add3A_661 = arith.addi %add3A_560, %add3A_660 : i32
      %min3A = arith.constant 249 : i32
      %min3A_662 = arith.minsi %add3A_661, %min3A : i32
      %mul3A_663 = arith.constant 16 : i32
      %mul3A_664 = arith.muli %min3A_662, %mul3A_663 : i32
      %add3A_665 = arith.addi %arg1, %mul3A_664 : i32
      %mul3A_666 = arith.constant 40 : i32
      %mul3A_667 = arith.muli %add3A_665, %mul3A_666 : i32
      %dma_start3A_668 = arith.constant 0 : i32
      %dma_start3A_669 = arith.constant 0 : i32
      %dma_start3A_670 = tpu.memref_slice %arg11[%dma_start3A_668, %dma_start3A_669] : memref<2x40xi32, #tpu.memory_space<vmem>> -> memref<1x40xi32, #tpu.memory_space<vmem>>
      %dma_start3A_671 = tpu.memref_squeeze %dma_start3A_670 : memref<1x40xi32, #tpu.memory_space<vmem>> -> memref<40xi32, #tpu.memory_space<vmem>>
      %dma_start3A_672 = tpu.memref_slice %arg5[%add3A_7, %mul3A_667] : memref<4x160000xi32, #tpu.memory_space<hbm>> -> memref<1x40xi32, #tpu.memory_space<hbm>>
      %dma_start3A_673 = tpu.memref_squeeze %dma_start3A_672 : memref<1x40xi32, #tpu.memory_space<hbm>> -> memref<40xi32, #tpu.memory_space<hbm>>
      %dma_start3A_674 = arith.constant 0 : i32
      %dma_start3A_675 = tpu.memref_slice %arg11[%dma_start3A_668, %dma_start3A_674] : memref<2x40xi32, #tpu.memory_space<vmem>> -> memref<1x40xi32, #tpu.memory_space<vmem>>
      %dma_start3A_676 = tpu.memref_squeeze %dma_start3A_675 : memref<1x40xi32, #tpu.memory_space<vmem>> -> memref<40xi32, #tpu.memory_space<vmem>>
      %dma_start3A_677 = tpu.memref_slice %arg5[%add3A_7, %mul3A_667] : memref<4x160000xi32, #tpu.memory_space<hbm>> -> memref<1x40xi32, #tpu.memory_space<hbm>>
      %dma_start3A_678 = tpu.memref_squeeze %dma_start3A_677 : memref<1x40xi32, #tpu.memory_space<hbm>> -> memref<40xi32, #tpu.memory_space<hbm>>
      tpu.enqueue_dma source(%dma_start3A_678 : memref<40xi32, #tpu.memory_space<hbm>>) target(%dma_start3A_676 : memref<40xi32, #tpu.memory_space<vmem>>) target_semaphore(%arg22 : memref<!tpu.dma_semaphore, #tpu.memory_space<semaphore_mem>>)
      %dma_start3A_679 = arith.constant 0 : i32
      %dma_start3A_680 = arith.constant 0 : i32
      %dma_start3A_681 = tpu.memref_slice %arg12[%dma_start3A_679, %dma_start3A_680] : memref<2x40xi32, #tpu.memory_space<vmem>> -> memref<1x40xi32, #tpu.memory_space<vmem>>
      %dma_start3A_682 = tpu.memref_squeeze %dma_start3A_681 : memref<1x40xi32, #tpu.memory_space<vmem>> -> memref<40xi32, #tpu.memory_space<vmem>>
      %dma_start3A_683 = tpu.memref_slice %arg6[%add3A_7, %mul3A_667] : memref<4x160000xi32, #tpu.memory_space<hbm>> -> memref<1x40xi32, #tpu.memory_space<hbm>>
      %dma_start3A_684 = tpu.memref_squeeze %dma_start3A_683 : memref<1x40xi32, #tpu.memory_space<hbm>> -> memref<40xi32, #tpu.memory_space<hbm>>
      %dma_start3A_685 = arith.constant 0 : i32
      %dma_start3A_686 = tpu.memref_slice %arg12[%dma_start3A_679, %dma_start3A_685] : memref<2x40xi32, #tpu.memory_space<vmem>> -> memref<1x40xi32, #tpu.memory_space<vmem>>
      %dma_start3A_687 = tpu.memref_squeeze %dma_start3A_686 : memref<1x40xi32, #tpu.memory_space<vmem>> -> memref<40xi32, #tpu.memory_space<vmem>>
      %dma_start3A_688 = tpu.memref_slice %arg6[%add3A_7, %mul3A_667] : memref<4x160000xi32, #tpu.memory_space<hbm>> -> memref<1x40xi32, #tpu.memory_space<hbm>>
      %dma_start3A_689 = tpu.memref_squeeze %dma_start3A_688 : memref<1x40xi32, #tpu.memory_space<hbm>> -> memref<40xi32, #tpu.memory_space<hbm>>
      tpu.enqueue_dma source(%dma_start3A_689 : memref<40xi32, #tpu.memory_space<hbm>>) target(%dma_start3A_687 : memref<40xi32, #tpu.memory_space<vmem>>) target_semaphore(%arg23 : memref<!tpu.dma_semaphore, #tpu.memory_space<semaphore_mem>>)
      %dma_start3A_690 = arith.constant 0 : i32
      %dma_start3A_691 = arith.constant 0 : i32
      %dma_start3A_692 = tpu.memref_slice %arg10[%dma_start3A_690, %dma_start3A_691] : memref<2x40xi32, #tpu.memory_space<vmem>> -> memref<1x40xi32, #tpu.memory_space<vmem>>
      %dma_start3A_693 = tpu.memref_squeeze %dma_start3A_692 : memref<1x40xi32, #tpu.memory_space<vmem>> -> memref<40xi32, #tpu.memory_space<vmem>>
      %dma_start3A_694 = tpu.memref_slice %arg7[%mul3A_667] : memref<160000xi32, #tpu.memory_space<hbm>> -> memref<40xi32, #tpu.memory_space<hbm>>
      %dma_start3A_695 = arith.constant 0 : i32
      %dma_start3A_696 = tpu.memref_slice %arg10[%dma_start3A_690, %dma_start3A_695] : memref<2x40xi32, #tpu.memory_space<vmem>> -> memref<1x40xi32, #tpu.memory_space<vmem>>
      %dma_start3A_697 = tpu.memref_squeeze %dma_start3A_696 : memref<1x40xi32, #tpu.memory_space<vmem>> -> memref<40xi32, #tpu.memory_space<vmem>>
      %dma_start3A_698 = tpu.memref_slice %arg7[%mul3A_667] : memref<160000xi32, #tpu.memory_space<hbm>> -> memref<40xi32, #tpu.memory_space<hbm>>
      tpu.enqueue_dma source(%dma_start3A_698 : memref<40xi32, #tpu.memory_space<hbm>>) target(%dma_start3A_697 : memref<40xi32, #tpu.memory_space<vmem>>) target_semaphore(%arg24 : memref<!tpu.dma_semaphore, #tpu.memory_space<semaphore_mem>>)
      %dma_start3A_699 = arith.constant 0 : i32
      %dma_start3A_700 = arith.constant 0 : i32
      %dma_start3A_701 = arith.constant 0 : i32
      %dma_start3A_702 = tpu.memref_slice %arg13[%dma_start3A_699, %dma_start3A_700, %dma_start3A_701] : memref<2x40x48xf32, #tpu.memory_space<vmem>> -> memref<1x40x48xf32, #tpu.memory_space<vmem>>
      %dma_start3A_703 = tpu.memref_squeeze %dma_start3A_702 : memref<1x40x48xf32, #tpu.memory_space<vmem>> -> memref<40x48xf32, #tpu.memory_space<vmem>>
      %dma_start3A_704 = arith.constant 0 : i32
      %dma_start3A_705 = tpu.memref_slice %arg8[%mul3A_667, %dma_start3A_704] : memref<160000x48xf32, #tpu.memory_space<hbm>> -> memref<40x48xf32, #tpu.memory_space<hbm>>
      %dma_start3A_706 = arith.constant 0 : i32
      %dma_start3A_707 = arith.constant 0 : i32
      %dma_start3A_708 = tpu.memref_slice %arg13[%dma_start3A_699, %dma_start3A_706, %dma_start3A_707] : memref<2x40x48xf32, #tpu.memory_space<vmem>> -> memref<1x40x48xf32, #tpu.memory_space<vmem>>
      %dma_start3A_709 = tpu.memref_squeeze %dma_start3A_708 : memref<1x40x48xf32, #tpu.memory_space<vmem>> -> memref<40x48xf32, #tpu.memory_space<vmem>>
      %dma_start3A_710 = arith.constant 0 : i32
      %dma_start3A_711 = tpu.memref_slice %arg8[%mul3A_667, %dma_start3A_710] : memref<160000x48xf32, #tpu.memory_space<hbm>> -> memref<40x48xf32, #tpu.memory_space<hbm>>
      tpu.enqueue_dma source(%dma_start3A_711 : memref<40x48xf32, #tpu.memory_space<hbm>>) target(%dma_start3A_709 : memref<40x48xf32, #tpu.memory_space<vmem>>) target_semaphore(%arg25 : memref<!tpu.dma_semaphore, #tpu.memory_space<semaphore_mem>>)
      %dma_start3A_712 = arith.constant 0 : i32
      %dma_start3A_713 = arith.constant 0 : i32
      %dma_start3A_714 = arith.constant 0 : i32
      %dma_start3A_715 = tpu.memref_slice %arg14[%dma_start3A_712, %dma_start3A_713, %dma_start3A_714] : memref<2x40x96xf32, #tpu.memory_space<vmem>> -> memref<1x40x96xf32, #tpu.memory_space<vmem>>
      %dma_start3A_716 = tpu.memref_squeeze %dma_start3A_715 : memref<1x40x96xf32, #tpu.memory_space<vmem>> -> memref<40x96xf32, #tpu.memory_space<vmem>>
      %dma_start3A_717 = arith.constant 0 : i32
      %dma_start3A_718 = tpu.memref_slice %arg4[%add3A_7, %mul3A_667, %dma_start3A_717] : memref<4x160000x96xf32, #tpu.memory_space<hbm>> -> memref<1x40x96xf32, #tpu.memory_space<hbm>>
      %dma_start3A_719 = tpu.memref_squeeze %dma_start3A_718 : memref<1x40x96xf32, #tpu.memory_space<hbm>> -> memref<40x96xf32, #tpu.memory_space<hbm>>
      %dma_start3A_720 = arith.constant 0 : i32
      %dma_start3A_721 = arith.constant 0 : i32
      %dma_start3A_722 = tpu.memref_slice %arg14[%dma_start3A_712, %dma_start3A_720, %dma_start3A_721] : memref<2x40x96xf32, #tpu.memory_space<vmem>> -> memref<1x40x96xf32, #tpu.memory_space<vmem>>
      %dma_start3A_723 = tpu.memref_squeeze %dma_start3A_722 : memref<1x40x96xf32, #tpu.memory_space<vmem>> -> memref<40x96xf32, #tpu.memory_space<vmem>>
      %dma_start3A_724 = arith.constant 0 : i32
      %dma_start3A_725 = tpu.memref_slice %arg4[%add3A_7, %mul3A_667, %dma_start3A_724] : memref<4x160000x96xf32, #tpu.memory_space<hbm>> -> memref<1x40x96xf32, #tpu.memory_space<hbm>>
      %dma_start3A_726 = tpu.memref_squeeze %dma_start3A_725 : memref<1x40x96xf32, #tpu.memory_space<hbm>> -> memref<40x96xf32, #tpu.memory_space<hbm>>
      tpu.enqueue_dma source(%dma_start3A_726 : memref<40x96xf32, #tpu.memory_space<hbm>>) target(%dma_start3A_723 : memref<40x96xf32, #tpu.memory_space<vmem>>) target_semaphore(%arg26 : memref<!tpu.dma_semaphore, #tpu.memory_space<semaphore_mem>>)
      %mul3A_727 = arith.constant 2 : i32
      %mul3A_728 = arith.muli %mul3A_727, %scan3A_555 : i32
      %add3A_729 = arith.constant 1 : i32
      %add3A_730 = arith.addi %mul3A_728, %add3A_729 : i32
      %mul3A_731 = arith.constant 16 : i32
      %mul3A_732 = arith.muli %add3A_730, %mul3A_731 : i32
      %add3A_733 = arith.addi %arg1, %mul3A_732 : i32
      %mul3A_734 = arith.constant 40 : i32
      %mul3A_735 = arith.muli %add3A_733, %mul3A_734 : i32
      %dma_wait3A_736 = arith.constant 1 : i32
      %dma_wait3A_737 = arith.constant 0 : i32
      %dma_wait3A_738 = tpu.memref_slice %arg11[%dma_wait3A_736, %dma_wait3A_737] : memref<2x40xi32, #tpu.memory_space<vmem>> -> memref<1x40xi32, #tpu.memory_space<vmem>>
      %dma_wait3A_739 = tpu.memref_squeeze %dma_wait3A_738 : memref<1x40xi32, #tpu.memory_space<vmem>> -> memref<40xi32, #tpu.memory_space<vmem>>
      %dma_wait3A_740 = tpu.memref_slice %arg5[%add3A_7, %mul3A_735] : memref<4x160000xi32, #tpu.memory_space<hbm>> -> memref<1x40xi32, #tpu.memory_space<hbm>>
      %dma_wait3A_741 = tpu.memref_squeeze %dma_wait3A_740 : memref<1x40xi32, #tpu.memory_space<hbm>> -> memref<40xi32, #tpu.memory_space<hbm>>
      %dma_wait3A_742 = arith.constant 0 : i32
      %dma_wait3A_743 = tpu.memref_slice %arg11[%dma_wait3A_736, %dma_wait3A_742] : memref<2x40xi32, #tpu.memory_space<vmem>> -> memref<1x40xi32, #tpu.memory_space<vmem>>
      %dma_wait3A_744 = tpu.memref_squeeze %dma_wait3A_743 : memref<1x40xi32, #tpu.memory_space<vmem>> -> memref<40xi32, #tpu.memory_space<vmem>>
      %dma_wait3A_745 = tpu.memref_slice %arg5[%add3A_7, %mul3A_735] : memref<4x160000xi32, #tpu.memory_space<hbm>> -> memref<1x40xi32, #tpu.memory_space<hbm>>
      %dma_wait3A_746 = tpu.memref_squeeze %dma_wait3A_745 : memref<1x40xi32, #tpu.memory_space<hbm>> -> memref<40xi32, #tpu.memory_space<hbm>>
      tpu.wait_dma2 semaphore(%arg27 : memref<!tpu.dma_semaphore, #tpu.memory_space<semaphore_mem>>) src(%dma_wait3A_746 : memref<40xi32, #tpu.memory_space<hbm>>) dst(%dma_wait3A_744 : memref<40xi32, #tpu.memory_space<vmem>>)
      %dma_wait3A_747 = arith.constant 1 : i32
      %dma_wait3A_748 = arith.constant 0 : i32
      %dma_wait3A_749 = tpu.memref_slice %arg12[%dma_wait3A_747, %dma_wait3A_748] : memref<2x40xi32, #tpu.memory_space<vmem>> -> memref<1x40xi32, #tpu.memory_space<vmem>>
      %dma_wait3A_750 = tpu.memref_squeeze %dma_wait3A_749 : memref<1x40xi32, #tpu.memory_space<vmem>> -> memref<40xi32, #tpu.memory_space<vmem>>
      %dma_wait3A_751 = tpu.memref_slice %arg6[%add3A_7, %mul3A_735] : memref<4x160000xi32, #tpu.memory_space<hbm>> -> memref<1x40xi32, #tpu.memory_space<hbm>>
      %dma_wait3A_752 = tpu.memref_squeeze %dma_wait3A_751 : memref<1x40xi32, #tpu.memory_space<hbm>> -> memref<40xi32, #tpu.memory_space<hbm>>
      %dma_wait3A_753 = arith.constant 0 : i32
      %dma_wait3A_754 = tpu.memref_slice %arg12[%dma_wait3A_747, %dma_wait3A_753] : memref<2x40xi32, #tpu.memory_space<vmem>> -> memref<1x40xi32, #tpu.memory_space<vmem>>
      %dma_wait3A_755 = tpu.memref_squeeze %dma_wait3A_754 : memref<1x40xi32, #tpu.memory_space<vmem>> -> memref<40xi32, #tpu.memory_space<vmem>>
      %dma_wait3A_756 = tpu.memref_slice %arg6[%add3A_7, %mul3A_735] : memref<4x160000xi32, #tpu.memory_space<hbm>> -> memref<1x40xi32, #tpu.memory_space<hbm>>
      %dma_wait3A_757 = tpu.memref_squeeze %dma_wait3A_756 : memref<1x40xi32, #tpu.memory_space<hbm>> -> memref<40xi32, #tpu.memory_space<hbm>>
      tpu.wait_dma2 semaphore(%arg28 : memref<!tpu.dma_semaphore, #tpu.memory_space<semaphore_mem>>) src(%dma_wait3A_757 : memref<40xi32, #tpu.memory_space<hbm>>) dst(%dma_wait3A_755 : memref<40xi32, #tpu.memory_space<vmem>>)
      %dma_wait3A_758 = arith.constant 1 : i32
      %dma_wait3A_759 = arith.constant 0 : i32
      %dma_wait3A_760 = tpu.memref_slice %arg10[%dma_wait3A_758, %dma_wait3A_759] : memref<2x40xi32, #tpu.memory_space<vmem>> -> memref<1x40xi32, #tpu.memory_space<vmem>>
      %dma_wait3A_761 = tpu.memref_squeeze %dma_wait3A_760 : memref<1x40xi32, #tpu.memory_space<vmem>> -> memref<40xi32, #tpu.memory_space<vmem>>
      %dma_wait3A_762 = tpu.memref_slice %arg7[%mul3A_735] : memref<160000xi32, #tpu.memory_space<hbm>> -> memref<40xi32, #tpu.memory_space<hbm>>
      %dma_wait3A_763 = arith.constant 0 : i32
      %dma_wait3A_764 = tpu.memref_slice %arg10[%dma_wait3A_758, %dma_wait3A_763] : memref<2x40xi32, #tpu.memory_space<vmem>> -> memref<1x40xi32, #tpu.memory_space<vmem>>
      %dma_wait3A_765 = tpu.memref_squeeze %dma_wait3A_764 : memref<1x40xi32, #tpu.memory_space<vmem>> -> memref<40xi32, #tpu.memory_space<vmem>>
      %dma_wait3A_766 = tpu.memref_slice %arg7[%mul3A_735] : memref<160000xi32, #tpu.memory_space<hbm>> -> memref<40xi32, #tpu.memory_space<hbm>>
      tpu.wait_dma2 semaphore(%arg29 : memref<!tpu.dma_semaphore, #tpu.memory_space<semaphore_mem>>) src(%dma_wait3A_766 : memref<40xi32, #tpu.memory_space<hbm>>) dst(%dma_wait3A_765 : memref<40xi32, #tpu.memory_space<vmem>>)
      %dma_wait3A_767 = arith.constant 1 : i32
      %dma_wait3A_768 = arith.constant 0 : i32
      %dma_wait3A_769 = arith.constant 0 : i32
      %dma_wait3A_770 = tpu.memref_slice %arg13[%dma_wait3A_767, %dma_wait3A_768, %dma_wait3A_769] : memref<2x40x48xf32, #tpu.memory_space<vmem>> -> memref<1x40x48xf32, #tpu.memory_space<vmem>>
      %dma_wait3A_771 = tpu.memref_squeeze %dma_wait3A_770 : memref<1x40x48xf32, #tpu.memory_space<vmem>> -> memref<40x48xf32, #tpu.memory_space<vmem>>
      %dma_wait3A_772 = arith.constant 0 : i32
      %dma_wait3A_773 = tpu.memref_slice %arg8[%mul3A_735, %dma_wait3A_772] : memref<160000x48xf32, #tpu.memory_space<hbm>> -> memref<40x48xf32, #tpu.memory_space<hbm>>
      %dma_wait3A_774 = arith.constant 0 : i32
      %dma_wait3A_775 = arith.constant 0 : i32
      %dma_wait3A_776 = tpu.memref_slice %arg13[%dma_wait3A_767, %dma_wait3A_774, %dma_wait3A_775] : memref<2x40x48xf32, #tpu.memory_space<vmem>> -> memref<1x40x48xf32, #tpu.memory_space<vmem>>
      %dma_wait3A_777 = tpu.memref_squeeze %dma_wait3A_776 : memref<1x40x48xf32, #tpu.memory_space<vmem>> -> memref<40x48xf32, #tpu.memory_space<vmem>>
      %dma_wait3A_778 = arith.constant 0 : i32
      %dma_wait3A_779 = tpu.memref_slice %arg8[%mul3A_735, %dma_wait3A_778] : memref<160000x48xf32, #tpu.memory_space<hbm>> -> memref<40x48xf32, #tpu.memory_space<hbm>>
      tpu.wait_dma2 semaphore(%arg30 : memref<!tpu.dma_semaphore, #tpu.memory_space<semaphore_mem>>) src(%dma_wait3A_779 : memref<40x48xf32, #tpu.memory_space<hbm>>) dst(%dma_wait3A_777 : memref<40x48xf32, #tpu.memory_space<vmem>>)
      %dma_wait3A_780 = arith.constant 1 : i32
      %dma_wait3A_781 = arith.constant 0 : i32
      %dma_wait3A_782 = arith.constant 0 : i32
      %dma_wait3A_783 = tpu.memref_slice %arg14[%dma_wait3A_780, %dma_wait3A_781, %dma_wait3A_782] : memref<2x40x96xf32, #tpu.memory_space<vmem>> -> memref<1x40x96xf32, #tpu.memory_space<vmem>>
      %dma_wait3A_784 = tpu.memref_squeeze %dma_wait3A_783 : memref<1x40x96xf32, #tpu.memory_space<vmem>> -> memref<40x96xf32, #tpu.memory_space<vmem>>
      %dma_wait3A_785 = arith.constant 0 : i32
      %dma_wait3A_786 = tpu.memref_slice %arg4[%add3A_7, %mul3A_735, %dma_wait3A_785] : memref<4x160000x96xf32, #tpu.memory_space<hbm>> -> memref<1x40x96xf32, #tpu.memory_space<hbm>>
      %dma_wait3A_787 = tpu.memref_squeeze %dma_wait3A_786 : memref<1x40x96xf32, #tpu.memory_space<hbm>> -> memref<40x96xf32, #tpu.memory_space<hbm>>
      %dma_wait3A_788 = arith.constant 0 : i32
      %dma_wait3A_789 = arith.constant 0 : i32
      %dma_wait3A_790 = tpu.memref_slice %arg14[%dma_wait3A_780, %dma_wait3A_788, %dma_wait3A_789] : memref<2x40x96xf32, #tpu.memory_space<vmem>> -> memref<1x40x96xf32, #tpu.memory_space<vmem>>
      %dma_wait3A_791 = tpu.memref_squeeze %dma_wait3A_790 : memref<1x40x96xf32, #tpu.memory_space<vmem>> -> memref<40x96xf32, #tpu.memory_space<vmem>>
      %dma_wait3A_792 = arith.constant 0 : i32
      %dma_wait3A_793 = tpu.memref_slice %arg4[%add3A_7, %mul3A_735, %dma_wait3A_792] : memref<4x160000x96xf32, #tpu.memory_space<hbm>> -> memref<1x40x96xf32, #tpu.memory_space<hbm>>
      %dma_wait3A_794 = tpu.memref_squeeze %dma_wait3A_793 : memref<1x40x96xf32, #tpu.memory_space<hbm>> -> memref<40x96xf32, #tpu.memory_space<hbm>>
      tpu.wait_dma2 semaphore(%arg31 : memref<!tpu.dma_semaphore, #tpu.memory_space<semaphore_mem>>) src(%dma_wait3A_794 : memref<40x96xf32, #tpu.memory_space<hbm>>) dst(%dma_wait3A_791 : memref<40x96xf32, #tpu.memory_space<vmem>>)
      %dma_start3A_795 = arith.constant 1 : i32
      %dma_start3A_796 = arith.constant 0 : i32
      %dma_start3A_797 = tpu.memref_slice %arg11[%dma_start3A_795, %dma_start3A_796] : memref<2x40xi32, #tpu.memory_space<vmem>> -> memref<1x40xi32, #tpu.memory_space<vmem>>
      %dma_start3A_798 = tpu.memref_squeeze %dma_start3A_797 : memref<1x40xi32, #tpu.memory_space<vmem>> -> memref<40xi32, #tpu.memory_space<vmem>>
      %dma_start3A_799 = arith.constant 0 : i32
      %dma_start3A_800 = arith.constant 0 : i32
      %dma_start3A_801 = tpu.memref_slice %arg2[%dma_start3A_799, %dma_start3A_800] : memref<40960x384xf32, #tpu.memory_space<hbm>> -> memref<40960x384xf32, #tpu.memory_space<hbm>>
      tpu.enqueue_indirect_dma source(%dma_start3A_801 : memref<40960x384xf32, #tpu.memory_space<hbm>>) target(%arg15 : memref<40x384xf32, #tpu.memory_space<vmem>>) offsets(%dma_start3A_798 : memref<40xi32, #tpu.memory_space<vmem>>) semaphore(%arg20 : memref<!tpu.dma_semaphore, #tpu.memory_space<semaphore_mem>>)
      %dma_start3A_802 = arith.constant 1 : i32
      %dma_start3A_803 = arith.constant 0 : i32
      %dma_start3A_804 = tpu.memref_slice %arg12[%dma_start3A_802, %dma_start3A_803] : memref<2x40xi32, #tpu.memory_space<vmem>> -> memref<1x40xi32, #tpu.memory_space<vmem>>
      %dma_start3A_805 = tpu.memref_squeeze %dma_start3A_804 : memref<1x40xi32, #tpu.memory_space<vmem>> -> memref<40xi32, #tpu.memory_space<vmem>>
      %dma_start3A_806 = arith.constant 0 : i32
      %dma_start3A_807 = arith.constant 0 : i32
      %dma_start3A_808 = tpu.memref_slice %arg3[%dma_start3A_806, %dma_start3A_807] : memref<40960x128xf32, #tpu.memory_space<hbm>> -> memref<40960x128xf32, #tpu.memory_space<hbm>>
      tpu.enqueue_indirect_dma source(%dma_start3A_808 : memref<40960x128xf32, #tpu.memory_space<hbm>>) target(%arg16 : memref<40x128xf32, #tpu.memory_space<vmem>>) offsets(%dma_start3A_805 : memref<40xi32, #tpu.memory_space<vmem>>) semaphore(%arg21 : memref<!tpu.dma_semaphore, #tpu.memory_space<semaphore_mem>>)
      %dma_wait3A_809 = arith.constant 1 : i32
      %dma_wait3A_810 = arith.constant 0 : i32
      %dma_wait3A_811 = tpu.memref_slice %arg11[%dma_wait3A_809, %dma_wait3A_810] : memref<2x40xi32, #tpu.memory_space<vmem>> -> memref<1x40xi32, #tpu.memory_space<vmem>>
      %dma_wait3A_812 = tpu.memref_squeeze %dma_wait3A_811 : memref<1x40xi32, #tpu.memory_space<vmem>> -> memref<40xi32, #tpu.memory_space<vmem>>
      %dma_wait3A_813 = arith.constant 0 : i32
      %dma_wait3A_814 = arith.constant 0 : i32
      %dma_wait3A_815 = tpu.memref_slice %arg2[%dma_wait3A_813, %dma_wait3A_814] : memref<40960x384xf32, #tpu.memory_space<hbm>> -> memref<40960x384xf32, #tpu.memory_space<hbm>>
      tpu.wait_indirect_dma semaphore(%arg20 : memref<!tpu.dma_semaphore, #tpu.memory_space<semaphore_mem>>) src(%dma_wait3A_815 : memref<40960x384xf32, #tpu.memory_space<hbm>>) dst(%arg15 : memref<40x384xf32, #tpu.memory_space<vmem>>)
      %dma_wait3A_816 = arith.constant 1 : i32
      %dma_wait3A_817 = arith.constant 0 : i32
      %dma_wait3A_818 = tpu.memref_slice %arg12[%dma_wait3A_816, %dma_wait3A_817] : memref<2x40xi32, #tpu.memory_space<vmem>> -> memref<1x40xi32, #tpu.memory_space<vmem>>
      %dma_wait3A_819 = tpu.memref_squeeze %dma_wait3A_818 : memref<1x40xi32, #tpu.memory_space<vmem>> -> memref<40xi32, #tpu.memory_space<vmem>>
      %dma_wait3A_820 = arith.constant 0 : i32
      %dma_wait3A_821 = arith.constant 0 : i32
      %dma_wait3A_822 = tpu.memref_slice %arg3[%dma_wait3A_820, %dma_wait3A_821] : memref<40960x128xf32, #tpu.memory_space<hbm>> -> memref<40960x128xf32, #tpu.memory_space<hbm>>
      tpu.wait_indirect_dma semaphore(%arg21 : memref<!tpu.dma_semaphore, #tpu.memory_space<semaphore_mem>>) src(%dma_wait3A_822 : memref<40960x128xf32, #tpu.memory_space<hbm>>) dst(%arg16 : memref<40x128xf32, #tpu.memory_space<vmem>>)
      %scan3A_823 = arith.constant 0 : i32
      %scan3A_824 = arith.constant 0 : i32
      %scan3A_825 = arith.constant 40 : i32
      %scan3A_826 = arith.addi %scan3A_824, %scan3A_825 : i32
      %scan3A_827 = arith.constant 1 : i32
      %scan3A_828 = scf.for %scan3A_900 = %scan3A_824 to %scan3A_826 step %scan3A_827 iter_args(%scan3A_901 = %scan3A_823) -> (i32)  : i32 {
        %get3A = arith.index_cast %scan3A_900 : i32 to index
        %get3A_902 = arith.constant 0 : index
        %get3A_903 = tpu.vector_load %arg15[%get3A, %get3A_902] {strides = array<i32>} : memref<40x384xf32, #tpu.memory_space<vmem>>, vector<1x16xf32>,
        %get3A_904 = vector.shape_cast %get3A_903 : vector<1x16xf32> to vector<16xf32>
        %get3A_905 = arith.index_cast %scan3A_900 : i32 to index
        %get3A_906 = arith.constant 96 : index
        %get3A_907 = tpu.vector_load %arg15[%get3A_905, %get3A_906] {strides = array<i32>} : memref<40x384xf32, #tpu.memory_space<vmem>>, vector<1x16xf32>,
        %get3A_908 = vector.shape_cast %get3A_907 : vector<1x16xf32> to vector<16xf32>
        %get3A_909 = arith.index_cast %scan3A_900 : i32 to index
        %get3A_910 = arith.constant 0 : index
        %get3A_911 = tpu.vector_load %arg16[%get3A_909, %get3A_910] {strides = array<i32>} : memref<40x128xf32, #tpu.memory_space<vmem>>, vector<1x16xf32>,
        %get3A_912 = vector.shape_cast %get3A_911 : vector<1x16xf32> to vector<16xf32>
        %get3A_913 = arith.constant 1 : i32
        %get3A_914 = arith.index_cast %get3A_913 : i32 to index
        %get3A_915 = arith.index_cast %scan3A_900 : i32 to index
        %get3A_916 = arith.constant 0 : index
        %get3A_917 = tpu.vector_load %arg14[%get3A_914, %get3A_915, %get3A_916] {strides = array<i32>} : memref<2x40x96xf32, #tpu.memory_space<vmem>>, vector<1x1x16xf32>,
        %get3A_918 = vector.shape_cast %get3A_917 : vector<1x1x16xf32> to vector<16xf32>
        %add3A_919 = arith.addf %get3A_908, %get3A_912 : vector<16xf32>
        %mul3A_920 = arith.mulf %get3A_904, %add3A_919 : vector<16xf32>
        %mul3A_921 = arith.mulf %mul3A_920, %get3A_918 : vector<16xf32>
        %get3A_922 = arith.index_cast %scan3A_900 : i32 to index
        %get3A_923 = arith.constant 16 : index
        %get3A_924 = tpu.vector_load %arg15[%get3A_922, %get3A_923] {strides = array<i32>} : memref<40x384xf32, #tpu.memory_space<vmem>>, vector<1x16xf32>,
        %get3A_925 = vector.shape_cast %get3A_924 : vector<1x16xf32> to vector<16xf32>
        %get3A_926 = arith.index_cast %scan3A_900 : i32 to index
        %get3A_927 = arith.constant 112 : index
        %get3A_928 = tpu.vector_load %arg15[%get3A_926, %get3A_927] {strides = array<i32>} : memref<40x384xf32, #tpu.memory_space<vmem>>, vector<1x16xf32>,
        %get3A_929 = vector.shape_cast %get3A_928 : vector<1x16xf32> to vector<16xf32>
        %get3A_930 = arith.index_cast %scan3A_900 : i32 to index
        %get3A_931 = arith.constant 16 : index
        %get3A_932 = tpu.vector_load %arg16[%get3A_930, %get3A_931] {strides = array<i32>} : memref<40x128xf32, #tpu.memory_space<vmem>>, vector<1x16xf32>,
        %get3A_933 = vector.shape_cast %get3A_932 : vector<1x16xf32> to vector<16xf32>
        %get3A_934 = arith.constant 1 : i32
        %get3A_935 = arith.index_cast %get3A_934 : i32 to index
        %get3A_936 = arith.index_cast %scan3A_900 : i32 to index
        %get3A_937 = arith.constant 16 : index
        %get3A_938 = tpu.vector_load %arg14[%get3A_935, %get3A_936, %get3A_937] {strides = array<i32>} : memref<2x40x96xf32, #tpu.memory_space<vmem>>, vector<1x1x16xf32>,
        %get3A_939 = vector.shape_cast %get3A_938 : vector<1x1x16xf32> to vector<16xf32>
        %add3A_940 = arith.addf %get3A_929, %get3A_933 : vector<16xf32>
        %mul3A_941 = arith.mulf %get3A_925, %add3A_940 : vector<16xf32>
        %mul3A_942 = arith.mulf %mul3A_941, %get3A_939 : vector<16xf32>
        %get3A_943 = arith.index_cast %scan3A_900 : i32 to index
        %get3A_944 = arith.constant 32 : index
        %get3A_945 = tpu.vector_load %arg15[%get3A_943, %get3A_944] {strides = array<i32>} : memref<40x384xf32, #tpu.memory_space<vmem>>, vector<1x16xf32>,
        %get3A_946 = vector.shape_cast %get3A_945 : vector<1x16xf32> to vector<16xf32>
        %get3A_947 = arith.index_cast %scan3A_900 : i32 to index
        %get3A_948 = arith.constant 128 : index
        %get3A_949 = tpu.vector_load %arg15[%get3A_947, %get3A_948] {strides = array<i32>} : memref<40x384xf32, #tpu.memory_space<vmem>>, vector<1x16xf32>,
        %get3A_950 = vector.shape_cast %get3A_949 : vector<1x16xf32> to vector<16xf32>
        %get3A_951 = arith.index_cast %scan3A_900 : i32 to index
        %get3A_952 = arith.constant 32 : index
        %get3A_953 = tpu.vector_load %arg16[%get3A_951, %get3A_952] {strides = array<i32>} : memref<40x128xf32, #tpu.memory_space<vmem>>, vector<1x16xf32>,
        %get3A_954 = vector.shape_cast %get3A_953 : vector<1x16xf32> to vector<16xf32>
        %get3A_955 = arith.constant 1 : i32
        %get3A_956 = arith.index_cast %get3A_955 : i32 to index
        %get3A_957 = arith.index_cast %scan3A_900 : i32 to index
        %get3A_958 = arith.constant 32 : index
        %get3A_959 = tpu.vector_load %arg14[%get3A_956, %get3A_957, %get3A_958] {strides = array<i32>} : memref<2x40x96xf32, #tpu.memory_space<vmem>>, vector<1x1x16xf32>,
        %get3A_960 = vector.shape_cast %get3A_959 : vector<1x1x16xf32> to vector<16xf32>
        %add3A_961 = arith.addf %get3A_950, %get3A_954 : vector<16xf32>
        %mul3A_962 = arith.mulf %get3A_946, %add3A_961 : vector<16xf32>
        %mul3A_963 = arith.mulf %mul3A_962, %get3A_960 : vector<16xf32>
        %get3A_964 = arith.index_cast %scan3A_900 : i32 to index
        %get3A_965 = arith.constant 48 : index
        %get3A_966 = tpu.vector_load %arg15[%get3A_964, %get3A_965] {strides = array<i32>} : memref<40x384xf32, #tpu.memory_space<vmem>>, vector<1x16xf32>,
        %get3A_967 = vector.shape_cast %get3A_966 : vector<1x16xf32> to vector<16xf32>
        %get3A_968 = arith.index_cast %scan3A_900 : i32 to index
        %get3A_969 = arith.constant 144 : index
        %get3A_970 = tpu.vector_load %arg15[%get3A_968, %get3A_969] {strides = array<i32>} : memref<40x384xf32, #tpu.memory_space<vmem>>, vector<1x16xf32>,
        %get3A_971 = vector.shape_cast %get3A_970 : vector<1x16xf32> to vector<16xf32>
        %get3A_972 = arith.index_cast %scan3A_900 : i32 to index
        %get3A_973 = arith.constant 48 : index
        %get3A_974 = tpu.vector_load %arg16[%get3A_972, %get3A_973] {strides = array<i32>} : memref<40x128xf32, #tpu.memory_space<vmem>>, vector<1x16xf32>,
        %get3A_975 = vector.shape_cast %get3A_974 : vector<1x16xf32> to vector<16xf32>
        %get3A_976 = arith.constant 1 : i32
        %get3A_977 = arith.index_cast %get3A_976 : i32 to index
        %get3A_978 = arith.index_cast %scan3A_900 : i32 to index
        %get3A_979 = arith.constant 48 : index
        %get3A_980 = tpu.vector_load %arg14[%get3A_977, %get3A_978, %get3A_979] {strides = array<i32>} : memref<2x40x96xf32, #tpu.memory_space<vmem>>, vector<1x1x16xf32>,
        %get3A_981 = vector.shape_cast %get3A_980 : vector<1x1x16xf32> to vector<16xf32>
        %add3A_982 = arith.addf %get3A_971, %get3A_975 : vector<16xf32>
        %mul3A_983 = arith.mulf %get3A_967, %add3A_982 : vector<16xf32>
        %mul3A_984 = arith.mulf %mul3A_983, %get3A_981 : vector<16xf32>
        %get3A_985 = arith.index_cast %scan3A_900 : i32 to index
        %get3A_986 = arith.constant 64 : index
        %get3A_987 = tpu.vector_load %arg15[%get3A_985, %get3A_986] {strides = array<i32>} : memref<40x384xf32, #tpu.memory_space<vmem>>, vector<1x16xf32>,
        %get3A_988 = vector.shape_cast %get3A_987 : vector<1x16xf32> to vector<16xf32>
        %get3A_989 = arith.index_cast %scan3A_900 : i32 to index
        %get3A_990 = arith.constant 160 : index
        %get3A_991 = tpu.vector_load %arg15[%get3A_989, %get3A_990] {strides = array<i32>} : memref<40x384xf32, #tpu.memory_space<vmem>>, vector<1x16xf32>,
        %get3A_992 = vector.shape_cast %get3A_991 : vector<1x16xf32> to vector<16xf32>
        %get3A_993 = arith.index_cast %scan3A_900 : i32 to index
        %get3A_994 = arith.constant 64 : index
        %get3A_995 = tpu.vector_load %arg16[%get3A_993, %get3A_994] {strides = array<i32>} : memref<40x128xf32, #tpu.memory_space<vmem>>, vector<1x16xf32>,
        %get3A_996 = vector.shape_cast %get3A_995 : vector<1x16xf32> to vector<16xf32>
        %get3A_997 = arith.constant 1 : i32
        %get3A_998 = arith.index_cast %get3A_997 : i32 to index
        %get3A_999 = arith.index_cast %scan3A_900 : i32 to index
        %get3A_1000 = arith.constant 64 : index
        %get3A_1001 = tpu.vector_load %arg14[%get3A_998, %get3A_999, %get3A_1000] {strides = array<i32>} : memref<2x40x96xf32, #tpu.memory_space<vmem>>, vector<1x1x16xf32>,
        %get3A_1002 = vector.shape_cast %get3A_1001 : vector<1x1x16xf32> to vector<16xf32>
        %add3A_1003 = arith.addf %get3A_992, %get3A_996 : vector<16xf32>
        %mul3A_1004 = arith.mulf %get3A_988, %add3A_1003 : vector<16xf32>
        %mul3A_1005 = arith.mulf %mul3A_1004, %get3A_1002 : vector<16xf32>
        %get3A_1006 = arith.index_cast %scan3A_900 : i32 to index
        %get3A_1007 = arith.constant 80 : index
        %get3A_1008 = tpu.vector_load %arg15[%get3A_1006, %get3A_1007] {strides = array<i32>} : memref<40x384xf32, #tpu.memory_space<vmem>>, vector<1x16xf32>,
        %get3A_1009 = vector.shape_cast %get3A_1008 : vector<1x16xf32> to vector<16xf32>
        %get3A_1010 = arith.index_cast %scan3A_900 : i32 to index
        %get3A_1011 = arith.constant 176 : index
        %get3A_1012 = tpu.vector_load %arg15[%get3A_1010, %get3A_1011] {strides = array<i32>} : memref<40x384xf32, #tpu.memory_space<vmem>>, vector<1x16xf32>,
        %get3A_1013 = vector.shape_cast %get3A_1012 : vector<1x16xf32> to vector<16xf32>
        %get3A_1014 = arith.index_cast %scan3A_900 : i32 to index
        %get3A_1015 = arith.constant 80 : index
        %get3A_1016 = tpu.vector_load %arg16[%get3A_1014, %get3A_1015] {strides = array<i32>} : memref<40x128xf32, #tpu.memory_space<vmem>>, vector<1x16xf32>,
        %get3A_1017 = vector.shape_cast %get3A_1016 : vector<1x16xf32> to vector<16xf32>
        %get3A_1018 = arith.constant 1 : i32
        %get3A_1019 = arith.index_cast %get3A_1018 : i32 to index
        %get3A_1020 = arith.index_cast %scan3A_900 : i32 to index
        %get3A_1021 = arith.constant 80 : index
        %get3A_1022 = tpu.vector_load %arg14[%get3A_1019, %get3A_1020, %get3A_1021] {strides = array<i32>} : memref<2x40x96xf32, #tpu.memory_space<vmem>>, vector<1x1x16xf32>,
        %get3A_1023 = vector.shape_cast %get3A_1022 : vector<1x1x16xf32> to vector<16xf32>
        %add3A_1024 = arith.addf %get3A_1013, %get3A_1017 : vector<16xf32>
        %mul3A_1025 = arith.mulf %get3A_1009, %add3A_1024 : vector<16xf32>
        %mul3A_1026 = arith.mulf %mul3A_1025, %get3A_1023 : vector<16xf32>
        %get3A_1027 = arith.constant 1 : i32
        %get3A_1028 = arith.index_cast %get3A_1027 : i32 to index
        %get3A_1029 = arith.index_cast %scan3A_900 : i32 to index
        %get3A_1030 = arith.constant 0 : index
        %get3A_1031 = tpu.vector_load %arg13[%get3A_1028, %get3A_1029, %get3A_1030] {strides = array<i32>} : memref<2x40x48xf32, #tpu.memory_space<vmem>>, vector<1x1x16xf32>,
        %get3A_1032 = vector.shape_cast %get3A_1031 : vector<1x1x16xf32> to vector<16xf32>
        %get3A_1033 = arith.index_cast %scan3A_900 : i32 to index
        %get3A_1034 = arith.constant 192 : index
        %get3A_1035 = tpu.vector_load %arg15[%get3A_1033, %get3A_1034] {strides = array<i32>} : memref<40x384xf32, #tpu.memory_space<vmem>>, vector<1x16xf32>,
        %get3A_1036 = vector.shape_cast %get3A_1035 : vector<1x16xf32> to vector<16xf32>
        %mul3A_1037 = arith.mulf %mul3A_921, %get3A_1036 : vector<16xf32>
        %mul3A_1038 = arith.mulf %mul3A_963, %get3A_1032 : vector<16xf32>
        %add3A_1039 = arith.addf %mul3A_1037, %mul3A_1038 : vector<16xf32>
        %swap3A = arith.index_cast %scan3A_900 : i32 to index
        %swap3A_1040 = arith.constant 0 : index
        %swap3A_1041 = tpu.vector_load %arg17[%swap3A, %swap3A_1040] {strides = array<i32>} : memref<40x128xf32, #tpu.memory_space<vmem>>, vector<1x16xf32>,
        %swap3A_1042 = vector.shape_cast %swap3A_1041 : vector<1x16xf32> to vector<16xf32>
        %swap3A_1043 = vector.shape_cast %add3A_1039 : vector<16xf32> to vector<1x16xf32>
        tpu.vector_store %arg17[%swap3A, %swap3A_1040], %swap3A_1043 {strides = array<i32>} : memref<40x128xf32, #tpu.memory_space<vmem>>, vector<1x16xf32>,
        %get3A_1044 = arith.index_cast %scan3A_900 : i32 to index
        %get3A_1045 = arith.constant 208 : index
        %get3A_1046 = tpu.vector_load %arg15[%get3A_1044, %get3A_1045] {strides = array<i32>} : memref<40x384xf32, #tpu.memory_space<vmem>>, vector<1x16xf32>,
        %get3A_1047 = vector.shape_cast %get3A_1046 : vector<1x16xf32> to vector<16xf32>
        %mul3A_1048 = arith.mulf %mul3A_942, %get3A_1047 : vector<16xf32>
        %mul3A_1049 = arith.mulf %mul3A_984, %get3A_1032 : vector<16xf32>
        %add3A_1050 = arith.addf %mul3A_1048, %mul3A_1049 : vector<16xf32>
        %swap3A_1051 = arith.index_cast %scan3A_900 : i32 to index
        %swap3A_1052 = arith.constant 16 : index
        %swap3A_1053 = tpu.vector_load %arg17[%swap3A_1051, %swap3A_1052] {strides = array<i32>} : memref<40x128xf32, #tpu.memory_space<vmem>>, vector<1x16xf32>,
        %swap3A_1054 = vector.shape_cast %swap3A_1053 : vector<1x16xf32> to vector<16xf32>
        %swap3A_1055 = vector.shape_cast %add3A_1050 : vector<16xf32> to vector<1x16xf32>
        tpu.vector_store %arg17[%swap3A_1051, %swap3A_1052], %swap3A_1055 {strides = array<i32>} : memref<40x128xf32, #tpu.memory_space<vmem>>, vector<1x16xf32>,
        %get3A_1056 = arith.constant 1 : i32
        %get3A_1057 = arith.index_cast %get3A_1056 : i32 to index
        %get3A_1058 = arith.index_cast %scan3A_900 : i32 to index
        %get3A_1059 = arith.constant 16 : index
        %get3A_1060 = tpu.vector_load %arg13[%get3A_1057, %get3A_1058, %get3A_1059] {strides = array<i32>} : memref<2x40x48xf32, #tpu.memory_space<vmem>>, vector<1x1x16xf32>,
        %get3A_1061 = vector.shape_cast %get3A_1060 : vector<1x1x16xf32> to vector<16xf32>
        %get3A_1062 = arith.index_cast %scan3A_900 : i32 to index
        %get3A_1063 = arith.constant 224 : index
        %get3A_1064 = tpu.vector_load %arg15[%get3A_1062, %get3A_1063] {strides = array<i32>} : memref<40x384xf32, #tpu.memory_space<vmem>>, vector<1x16xf32>,
        %get3A_1065 = vector.shape_cast %get3A_1064 : vector<1x16xf32> to vector<16xf32>
        %mul3A_1066 = arith.mulf %mul3A_921, %get3A_1065 : vector<16xf32>
        %mul3A_1067 = arith.mulf %mul3A_963, %get3A_1061 : vector<16xf32>
        %add3A_1068 = arith.addf %mul3A_1066, %mul3A_1067 : vector<16xf32>
        %swap3A_1069 = arith.index_cast %scan3A_900 : i32 to index
        %swap3A_1070 = arith.constant 32 : index
        %swap3A_1071 = tpu.vector_load %arg17[%swap3A_1069, %swap3A_1070] {strides = array<i32>} : memref<40x128xf32, #tpu.memory_space<vmem>>, vector<1x16xf32>,
        %swap3A_1072 = vector.shape_cast %swap3A_1071 : vector<1x16xf32> to vector<16xf32>
        %swap3A_1073 = vector.shape_cast %add3A_1068 : vector<16xf32> to vector<1x16xf32>
        tpu.vector_store %arg17[%swap3A_1069, %swap3A_1070], %swap3A_1073 {strides = array<i32>} : memref<40x128xf32, #tpu.memory_space<vmem>>, vector<1x16xf32>,
        %get3A_1074 = arith.index_cast %scan3A_900 : i32 to index
        %get3A_1075 = arith.constant 240 : index
        %get3A_1076 = tpu.vector_load %arg15[%get3A_1074, %get3A_1075] {strides = array<i32>} : memref<40x384xf32, #tpu.memory_space<vmem>>, vector<1x16xf32>,
        %get3A_1077 = vector.shape_cast %get3A_1076 : vector<1x16xf32> to vector<16xf32>
        %mul3A_1078 = arith.mulf %mul3A_942, %get3A_1077 : vector<16xf32>
        %mul3A_1079 = arith.mulf %mul3A_984, %get3A_1061 : vector<16xf32>
        %add3A_1080 = arith.addf %mul3A_1078, %mul3A_1079 : vector<16xf32>
        %swap3A_1081 = arith.index_cast %scan3A_900 : i32 to index
        %swap3A_1082 = arith.constant 48 : index
        %swap3A_1083 = tpu.vector_load %arg17[%swap3A_1081, %swap3A_1082] {strides = array<i32>} : memref<40x128xf32, #tpu.memory_space<vmem>>, vector<1x16xf32>,
        %swap3A_1084 = vector.shape_cast %swap3A_1083 : vector<1x16xf32> to vector<16xf32>
        %swap3A_1085 = vector.shape_cast %add3A_1080 : vector<16xf32> to vector<1x16xf32>
        tpu.vector_store %arg17[%swap3A_1081, %swap3A_1082], %swap3A_1085 {strides = array<i32>} : memref<40x128xf32, #tpu.memory_space<vmem>>, vector<1x16xf32>,
        %get3A_1086 = arith.constant 1 : i32
        %get3A_1087 = arith.index_cast %get3A_1086 : i32 to index
        %get3A_1088 = arith.index_cast %scan3A_900 : i32 to index
        %get3A_1089 = arith.constant 32 : index
        %get3A_1090 = tpu.vector_load %arg13[%get3A_1087, %get3A_1088, %get3A_1089] {strides = array<i32>} : memref<2x40x48xf32, #tpu.memory_space<vmem>>, vector<1x1x16xf32>,
        %get3A_1091 = vector.shape_cast %get3A_1090 : vector<1x1x16xf32> to vector<16xf32>
        %get3A_1092 = arith.index_cast %scan3A_900 : i32 to index
        %get3A_1093 = arith.constant 256 : index
        %get3A_1094 = tpu.vector_load %arg15[%get3A_1092, %get3A_1093] {strides = array<i32>} : memref<40x384xf32, #tpu.memory_space<vmem>>, vector<1x16xf32>,
        %get3A_1095 = vector.shape_cast %get3A_1094 : vector<1x16xf32> to vector<16xf32>
        %mul3A_1096 = arith.mulf %mul3A_921, %get3A_1095 : vector<16xf32>
        %mul3A_1097 = arith.mulf %mul3A_963, %get3A_1091 : vector<16xf32>
        %add3A_1098 = arith.addf %mul3A_1096, %mul3A_1097 : vector<16xf32>
        %swap3A_1099 = arith.index_cast %scan3A_900 : i32 to index
        %swap3A_1100 = arith.constant 64 : index
        %swap3A_1101 = tpu.vector_load %arg17[%swap3A_1099, %swap3A_1100] {strides = array<i32>} : memref<40x128xf32, #tpu.memory_space<vmem>>, vector<1x16xf32>,
        %swap3A_1102 = vector.shape_cast %swap3A_1101 : vector<1x16xf32> to vector<16xf32>
        %swap3A_1103 = vector.shape_cast %add3A_1098 : vector<16xf32> to vector<1x16xf32>
        tpu.vector_store %arg17[%swap3A_1099, %swap3A_1100], %swap3A_1103 {strides = array<i32>} : memref<40x128xf32, #tpu.memory_space<vmem>>, vector<1x16xf32>,
        %get3A_1104 = arith.index_cast %scan3A_900 : i32 to index
        %get3A_1105 = arith.constant 272 : index
        %get3A_1106 = tpu.vector_load %arg15[%get3A_1104, %get3A_1105] {strides = array<i32>} : memref<40x384xf32, #tpu.memory_space<vmem>>, vector<1x16xf32>,
        %get3A_1107 = vector.shape_cast %get3A_1106 : vector<1x16xf32> to vector<16xf32>
        %mul3A_1108 = arith.mulf %mul3A_942, %get3A_1107 : vector<16xf32>
        %mul3A_1109 = arith.mulf %mul3A_984, %get3A_1091 : vector<16xf32>
        %add3A_1110 = arith.addf %mul3A_1108, %mul3A_1109 : vector<16xf32>
        %swap3A_1111 = arith.index_cast %scan3A_900 : i32 to index
        %swap3A_1112 = arith.constant 80 : index
        %swap3A_1113 = tpu.vector_load %arg17[%swap3A_1111, %swap3A_1112] {strides = array<i32>} : memref<40x128xf32, #tpu.memory_space<vmem>>, vector<1x16xf32>,
        %swap3A_1114 = vector.shape_cast %swap3A_1113 : vector<1x16xf32> to vector<16xf32>
        %swap3A_1115 = vector.shape_cast %add3A_1110 : vector<16xf32> to vector<1x16xf32>
        tpu.vector_store %arg17[%swap3A_1111, %swap3A_1112], %swap3A_1115 {strides = array<i32>} : memref<40x128xf32, #tpu.memory_space<vmem>>, vector<1x16xf32>,
        %swap3A_1116 = arith.index_cast %scan3A_900 : i32 to index
        %swap3A_1117 = arith.constant 96 : index
        %swap3A_1118 = tpu.vector_load %arg17[%swap3A_1116, %swap3A_1117] {strides = array<i32>} : memref<40x128xf32, #tpu.memory_space<vmem>>, vector<1x16xf32>,
        %swap3A_1119 = vector.shape_cast %swap3A_1118 : vector<1x16xf32> to vector<16xf32>
        %swap3A_1120 = vector.shape_cast %mul3A_1005 : vector<16xf32> to vector<1x16xf32>
        tpu.vector_store %arg17[%swap3A_1116, %swap3A_1117], %swap3A_1120 {strides = array<i32>} : memref<40x128xf32, #tpu.memory_space<vmem>>, vector<1x16xf32>,
        %swap3A_1121 = arith.index_cast %scan3A_900 : i32 to index
        %swap3A_1122 = arith.constant 112 : index
        %swap3A_1123 = tpu.vector_load %arg17[%swap3A_1121, %swap3A_1122] {strides = array<i32>} : memref<40x128xf32, #tpu.memory_space<vmem>>, vector<1x16xf32>,
        %swap3A_1124 = vector.shape_cast %swap3A_1123 : vector<1x16xf32> to vector<16xf32>
        %swap3A_1125 = vector.shape_cast %mul3A_1026 : vector<16xf32> to vector<1x16xf32>
        tpu.vector_store %arg17[%swap3A_1121, %swap3A_1122], %swap3A_1125 {strides = array<i32>} : memref<40x128xf32, #tpu.memory_space<vmem>>, vector<1x16xf32>,
        %scan3A_1126 = arith.constant 0 : i32
        scf.yield %scan3A_1126 : i32
      }
      %scan3A_829 = arith.constant 40 : i32
      %run_scoped3A_830 = arith.constant 1 : i32
      "tpu.region"() ({
        %run_scoped3A_900 = tpu.sem_alloc : memref<!tpu.dma_semaphore, #tpu.memory_space<semaphore_mem>>
        %dma_start3A_901 = arith.constant 0 : i32
        %dma_start3A_902 = tpu.memref_slice %arg10[%run_scoped3A_830, %dma_start3A_901] : memref<2x40xi32, #tpu.memory_space<vmem>> -> memref<1x40xi32, #tpu.memory_space<vmem>>
        %dma_start3A_903 = tpu.memref_squeeze %dma_start3A_902 : memref<1x40xi32, #tpu.memory_space<vmem>> -> memref<40xi32, #tpu.memory_space<vmem>>
        %dma_start3A_904 = arith.constant 0 : i32
        %dma_start3A_905 = arith.constant 0 : i32
        %dma_start3A_906 = tpu.memref_slice %arg19[%dma_start3A_904, %dma_start3A_905] : memref<10112x128xf32, #tpu.memory_space<vmem_shared>> -> memref<10112x128xf32, #tpu.memory_space<vmem_shared>>
        tpu.enqueue_indirect_dma source(%arg17 : memref<40x128xf32, #tpu.memory_space<vmem>>) target(%dma_start3A_906 : memref<10112x128xf32, #tpu.memory_space<vmem_shared>>) offsets(%dma_start3A_903 : memref<40xi32, #tpu.memory_space<vmem>>) semaphore(%run_scoped3A_900 : memref<!tpu.dma_semaphore, #tpu.memory_space<semaphore_mem>>) {add = true}
        %dma_wait3A_907 = arith.constant 0 : i32
        %dma_wait3A_908 = tpu.memref_slice %arg10[%run_scoped3A_830, %dma_wait3A_907] : memref<2x40xi32, #tpu.memory_space<vmem>> -> memref<1x40xi32, #tpu.memory_space<vmem>>
        %dma_wait3A_909 = tpu.memref_squeeze %dma_wait3A_908 : memref<1x40xi32, #tpu.memory_space<vmem>> -> memref<40xi32, #tpu.memory_space<vmem>>
        %dma_wait3A_910 = arith.constant 0 : i32
        %dma_wait3A_911 = arith.constant 0 : i32
        %dma_wait3A_912 = tpu.memref_slice %arg19[%dma_wait3A_910, %dma_wait3A_911] : memref<10112x128xf32, #tpu.memory_space<vmem_shared>> -> memref<10112x128xf32, #tpu.memory_space<vmem_shared>>
        tpu.wait_indirect_dma semaphore(%run_scoped3A_900 : memref<!tpu.dma_semaphore, #tpu.memory_space<semaphore_mem>>) src(%arg17 : memref<40x128xf32, #tpu.memory_space<vmem>>) dst(%dma_wait3A_912 : memref<10112x128xf32, #tpu.memory_space<vmem_shared>>)
        tpu.yield
      }) : () -> ()
      %add3A_831 = arith.constant 2 : i32
      %add3A_832 = arith.addi %add3A_730, %add3A_831 : i32
      %min3A_833 = arith.constant 249 : i32
      %min3A_834 = arith.minsi %add3A_832, %min3A_833 : i32
      %mul3A_835 = arith.constant 16 : i32
      %mul3A_836 = arith.muli %min3A_834, %mul3A_835 : i32
      %add3A_837 = arith.addi %arg1, %mul3A_836 : i32
      %mul3A_838 = arith.constant 40 : i32
      %mul3A_839 = arith.muli %add3A_837, %mul3A_838 : i32
      %dma_start3A_840 = arith.constant 1 : i32
      %dma_start3A_841 = arith.constant 0 : i32
      %dma_start3A_842 = tpu.memref_slice %arg11[%dma_start3A_840, %dma_start3A_841] : memref<2x40xi32, #tpu.memory_space<vmem>> -> memref<1x40xi32, #tpu.memory_space<vmem>>
      %dma_start3A_843 = tpu.memref_squeeze %dma_start3A_842 : memref<1x40xi32, #tpu.memory_space<vmem>> -> memref<40xi32, #tpu.memory_space<vmem>>
      %dma_start3A_844 = tpu.memref_slice %arg5[%add3A_7, %mul3A_839] : memref<4x160000xi32, #tpu.memory_space<hbm>> -> memref<1x40xi32, #tpu.memory_space<hbm>>
      %dma_start3A_845 = tpu.memref_squeeze %dma_start3A_844 : memref<1x40xi32, #tpu.memory_space<hbm>> -> memref<40xi32, #tpu.memory_space<hbm>>
      %dma_start3A_846 = arith.constant 0 : i32
      %dma_start3A_847 = tpu.memref_slice %arg11[%dma_start3A_840, %dma_start3A_846] : memref<2x40xi32, #tpu.memory_space<vmem>> -> memref<1x40xi32, #tpu.memory_space<vmem>>
      %dma_start3A_848 = tpu.memref_squeeze %dma_start3A_847 : memref<1x40xi32, #tpu.memory_space<vmem>> -> memref<40xi32, #tpu.memory_space<vmem>>
      %dma_start3A_849 = tpu.memref_slice %arg5[%add3A_7, %mul3A_839] : memref<4x160000xi32, #tpu.memory_space<hbm>> -> memref<1x40xi32, #tpu.memory_space<hbm>>
      %dma_start3A_850 = tpu.memref_squeeze %dma_start3A_849 : memref<1x40xi32, #tpu.memory_space<hbm>> -> memref<40xi32, #tpu.memory_space<hbm>>
      tpu.enqueue_dma source(%dma_start3A_850 : memref<40xi32, #tpu.memory_space<hbm>>) target(%dma_start3A_848 : memref<40xi32, #tpu.memory_space<vmem>>) target_semaphore(%arg27 : memref<!tpu.dma_semaphore, #tpu.memory_space<semaphore_mem>>)
      %dma_start3A_851 = arith.constant 1 : i32
      %dma_start3A_852 = arith.constant 0 : i32
      %dma_start3A_853 = tpu.memref_slice %arg12[%dma_start3A_851, %dma_start3A_852] : memref<2x40xi32, #tpu.memory_space<vmem>> -> memref<1x40xi32, #tpu.memory_space<vmem>>
      %dma_start3A_854 = tpu.memref_squeeze %dma_start3A_853 : memref<1x40xi32, #tpu.memory_space<vmem>> -> memref<40xi32, #tpu.memory_space<vmem>>
      %dma_start3A_855 = tpu.memref_slice %arg6[%add3A_7, %mul3A_839] : memref<4x160000xi32, #tpu.memory_space<hbm>> -> memref<1x40xi32, #tpu.memory_space<hbm>>
      %dma_start3A_856 = tpu.memref_squeeze %dma_start3A_855 : memref<1x40xi32, #tpu.memory_space<hbm>> -> memref<40xi32, #tpu.memory_space<hbm>>
      %dma_start3A_857 = arith.constant 0 : i32
      %dma_start3A_858 = tpu.memref_slice %arg12[%dma_start3A_851, %dma_start3A_857] : memref<2x40xi32, #tpu.memory_space<vmem>> -> memref<1x40xi32, #tpu.memory_space<vmem>>
      %dma_start3A_859 = tpu.memref_squeeze %dma_start3A_858 : memref<1x40xi32, #tpu.memory_space<vmem>> -> memref<40xi32, #tpu.memory_space<vmem>>
      %dma_start3A_860 = tpu.memref_slice %arg6[%add3A_7, %mul3A_839] : memref<4x160000xi32, #tpu.memory_space<hbm>> -> memref<1x40xi32, #tpu.memory_space<hbm>>
      %dma_start3A_861 = tpu.memref_squeeze %dma_start3A_860 : memref<1x40xi32, #tpu.memory_space<hbm>> -> memref<40xi32, #tpu.memory_space<hbm>>
      tpu.enqueue_dma source(%dma_start3A_861 : memref<40xi32, #tpu.memory_space<hbm>>) target(%dma_start3A_859 : memref<40xi32, #tpu.memory_space<vmem>>) target_semaphore(%arg28 : memref<!tpu.dma_semaphore, #tpu.memory_space<semaphore_mem>>)
      %dma_start3A_862 = arith.constant 1 : i32
      %dma_start3A_863 = arith.constant 0 : i32
      %dma_start3A_864 = tpu.memref_slice %arg10[%dma_start3A_862, %dma_start3A_863] : memref<2x40xi32, #tpu.memory_space<vmem>> -> memref<1x40xi32, #tpu.memory_space<vmem>>
      %dma_start3A_865 = tpu.memref_squeeze %dma_start3A_864 : memref<1x40xi32, #tpu.memory_space<vmem>> -> memref<40xi32, #tpu.memory_space<vmem>>
      %dma_start3A_866 = tpu.memref_slice %arg7[%mul3A_839] : memref<160000xi32, #tpu.memory_space<hbm>> -> memref<40xi32, #tpu.memory_space<hbm>>
      %dma_start3A_867 = arith.constant 0 : i32
      %dma_start3A_868 = tpu.memref_slice %arg10[%dma_start3A_862, %dma_start3A_867] : memref<2x40xi32, #tpu.memory_space<vmem>> -> memref<1x40xi32, #tpu.memory_space<vmem>>
      %dma_start3A_869 = tpu.memref_squeeze %dma_start3A_868 : memref<1x40xi32, #tpu.memory_space<vmem>> -> memref<40xi32, #tpu.memory_space<vmem>>
      %dma_start3A_870 = tpu.memref_slice %arg7[%mul3A_839] : memref<160000xi32, #tpu.memory_space<hbm>> -> memref<40xi32, #tpu.memory_space<hbm>>
      tpu.enqueue_dma source(%dma_start3A_870 : memref<40xi32, #tpu.memory_space<hbm>>) target(%dma_start3A_869 : memref<40xi32, #tpu.memory_space<vmem>>) target_semaphore(%arg29 : memref<!tpu.dma_semaphore, #tpu.memory_space<semaphore_mem>>)
      %dma_start3A_871 = arith.constant 1 : i32
      %dma_start3A_872 = arith.constant 0 : i32
      %dma_start3A_873 = arith.constant 0 : i32
      %dma_start3A_874 = tpu.memref_slice %arg13[%dma_start3A_871, %dma_start3A_872, %dma_start3A_873] : memref<2x40x48xf32, #tpu.memory_space<vmem>> -> memref<1x40x48xf32, #tpu.memory_space<vmem>>
      %dma_start3A_875 = tpu.memref_squeeze %dma_start3A_874 : memref<1x40x48xf32, #tpu.memory_space<vmem>> -> memref<40x48xf32, #tpu.memory_space<vmem>>
      %dma_start3A_876 = arith.constant 0 : i32
      %dma_start3A_877 = tpu.memref_slice %arg8[%mul3A_839, %dma_start3A_876] : memref<160000x48xf32, #tpu.memory_space<hbm>> -> memref<40x48xf32, #tpu.memory_space<hbm>>
      %dma_start3A_878 = arith.constant 0 : i32
      %dma_start3A_879 = arith.constant 0 : i32
      %dma_start3A_880 = tpu.memref_slice %arg13[%dma_start3A_871, %dma_start3A_878, %dma_start3A_879] : memref<2x40x48xf32, #tpu.memory_space<vmem>> -> memref<1x40x48xf32, #tpu.memory_space<vmem>>
      %dma_start3A_881 = tpu.memref_squeeze %dma_start3A_880 : memref<1x40x48xf32, #tpu.memory_space<vmem>> -> memref<40x48xf32, #tpu.memory_space<vmem>>
      %dma_start3A_882 = arith.constant 0 : i32
      %dma_start3A_883 = tpu.memref_slice %arg8[%mul3A_839, %dma_start3A_882] : memref<160000x48xf32, #tpu.memory_space<hbm>> -> memref<40x48xf32, #tpu.memory_space<hbm>>
      tpu.enqueue_dma source(%dma_start3A_883 : memref<40x48xf32, #tpu.memory_space<hbm>>) target(%dma_start3A_881 : memref<40x48xf32, #tpu.memory_space<vmem>>) target_semaphore(%arg30 : memref<!tpu.dma_semaphore, #tpu.memory_space<semaphore_mem>>)
      %dma_start3A_884 = arith.constant 1 : i32
      %dma_start3A_885 = arith.constant 0 : i32
      %dma_start3A_886 = arith.constant 0 : i32
      %dma_start3A_887 = tpu.memref_slice %arg14[%dma_start3A_884, %dma_start3A_885, %dma_start3A_886] : memref<2x40x96xf32, #tpu.memory_space<vmem>> -> memref<1x40x96xf32, #tpu.memory_space<vmem>>
      %dma_start3A_888 = tpu.memref_squeeze %dma_start3A_887 : memref<1x40x96xf32, #tpu.memory_space<vmem>> -> memref<40x96xf32, #tpu.memory_space<vmem>>
      %dma_start3A_889 = arith.constant 0 : i32
      %dma_start3A_890 = tpu.memref_slice %arg4[%add3A_7, %mul3A_839, %dma_start3A_889] : memref<4x160000x96xf32, #tpu.memory_space<hbm>> -> memref<1x40x96xf32, #tpu.memory_space<hbm>>
      %dma_start3A_891 = tpu.memref_squeeze %dma_start3A_890 : memref<1x40x96xf32, #tpu.memory_space<hbm>> -> memref<40x96xf32, #tpu.memory_space<hbm>>
      %dma_start3A_892 = arith.constant 0 : i32
      %dma_start3A_893 = arith.constant 0 : i32
      %dma_start3A_894 = tpu.memref_slice %arg14[%dma_start3A_884, %dma_start3A_892, %dma_start3A_893] : memref<2x40x96xf32, #tpu.memory_space<vmem>> -> memref<1x40x96xf32, #tpu.memory_space<vmem>>
      %dma_start3A_895 = tpu.memref_squeeze %dma_start3A_894 : memref<1x40x96xf32, #tpu.memory_space<vmem>> -> memref<40x96xf32, #tpu.memory_space<vmem>>
      %dma_start3A_896 = arith.constant 0 : i32
      %dma_start3A_897 = tpu.memref_slice %arg4[%add3A_7, %mul3A_839, %dma_start3A_896] : memref<4x160000x96xf32, #tpu.memory_space<hbm>> -> memref<1x40x96xf32, #tpu.memory_space<hbm>>
      %dma_start3A_898 = tpu.memref_squeeze %dma_start3A_897 : memref<1x40x96xf32, #tpu.memory_space<hbm>> -> memref<40x96xf32, #tpu.memory_space<hbm>>
      tpu.enqueue_dma source(%dma_start3A_898 : memref<40x96xf32, #tpu.memory_space<hbm>>) target(%dma_start3A_895 : memref<40x96xf32, #tpu.memory_space<vmem>>) target_semaphore(%arg31 : memref<!tpu.dma_semaphore, #tpu.memory_space<semaphore_mem>>)
      %scan3A_899 = arith.constant 0 : i32
      scf.yield %scan3A_899 : i32
    }
    %scan3A_146 = arith.constant 125 : i32
    %add3A_147 = arith.constant 3984 : i32
    %add3A_148 = arith.addi %arg1, %add3A_147 : i32
    %mul3A_149 = arith.constant 40 : i32
    %mul3A_150 = arith.muli %add3A_148, %mul3A_149 : i32
    %dma_wait3A = arith.constant 0 : i32
    %dma_wait3A_151 = arith.constant 0 : i32
    %dma_wait3A_152 = tpu.memref_slice %arg11[%dma_wait3A, %dma_wait3A_151] : memref<2x40xi32, #tpu.memory_space<vmem>> -> memref<1x40xi32, #tpu.memory_space<vmem>>
    %dma_wait3A_153 = tpu.memref_squeeze %dma_wait3A_152 : memref<1x40xi32, #tpu.memory_space<vmem>> -> memref<40xi32, #tpu.memory_space<vmem>>
    %dma_wait3A_154 = tpu.memref_slice %arg5[%add3A_7, %mul3A_150] : memref<4x160000xi32, #tpu.memory_space<hbm>> -> memref<1x40xi32, #tpu.memory_space<hbm>>
    %dma_wait3A_155 = tpu.memref_squeeze %dma_wait3A_154 : memref<1x40xi32, #tpu.memory_space<hbm>> -> memref<40xi32, #tpu.memory_space<hbm>>
    %dma_wait3A_156 = arith.constant 0 : i32
    %dma_wait3A_157 = tpu.memref_slice %arg11[%dma_wait3A, %dma_wait3A_156] : memref<2x40xi32, #tpu.memory_space<vmem>> -> memref<1x40xi32, #tpu.memory_space<vmem>>
    %dma_wait3A_158 = tpu.memref_squeeze %dma_wait3A_157 : memref<1x40xi32, #tpu.memory_space<vmem>> -> memref<40xi32, #tpu.memory_space<vmem>>
    %dma_wait3A_159 = tpu.memref_slice %arg5[%add3A_7, %mul3A_150] : memref<4x160000xi32, #tpu.memory_space<hbm>> -> memref<1x40xi32, #tpu.memory_space<hbm>>
    %dma_wait3A_160 = tpu.memref_squeeze %dma_wait3A_159 : memref<1x40xi32, #tpu.memory_space<hbm>> -> memref<40xi32, #tpu.memory_space<hbm>>
    tpu.wait_dma2 semaphore(%arg22 : memref<!tpu.dma_semaphore, #tpu.memory_space<semaphore_mem>>) src(%dma_wait3A_160 : memref<40xi32, #tpu.memory_space<hbm>>) dst(%dma_wait3A_158 : memref<40xi32, #tpu.memory_space<vmem>>)
    %dma_wait3A_161 = arith.constant 0 : i32
    %dma_wait3A_162 = arith.constant 0 : i32
    %dma_wait3A_163 = tpu.memref_slice %arg12[%dma_wait3A_161, %dma_wait3A_162] : memref<2x40xi32, #tpu.memory_space<vmem>> -> memref<1x40xi32, #tpu.memory_space<vmem>>
    %dma_wait3A_164 = tpu.memref_squeeze %dma_wait3A_163 : memref<1x40xi32, #tpu.memory_space<vmem>> -> memref<40xi32, #tpu.memory_space<vmem>>
    %dma_wait3A_165 = tpu.memref_slice %arg6[%add3A_7, %mul3A_150] : memref<4x160000xi32, #tpu.memory_space<hbm>> -> memref<1x40xi32, #tpu.memory_space<hbm>>
    %dma_wait3A_166 = tpu.memref_squeeze %dma_wait3A_165 : memref<1x40xi32, #tpu.memory_space<hbm>> -> memref<40xi32, #tpu.memory_space<hbm>>
    %dma_wait3A_167 = arith.constant 0 : i32
    %dma_wait3A_168 = tpu.memref_slice %arg12[%dma_wait3A_161, %dma_wait3A_167] : memref<2x40xi32, #tpu.memory_space<vmem>> -> memref<1x40xi32, #tpu.memory_space<vmem>>
    %dma_wait3A_169 = tpu.memref_squeeze %dma_wait3A_168 : memref<1x40xi32, #tpu.memory_space<vmem>> -> memref<40xi32, #tpu.memory_space<vmem>>
    %dma_wait3A_170 = tpu.memref_slice %arg6[%add3A_7, %mul3A_150] : memref<4x160000xi32, #tpu.memory_space<hbm>> -> memref<1x40xi32, #tpu.memory_space<hbm>>
    %dma_wait3A_171 = tpu.memref_squeeze %dma_wait3A_170 : memref<1x40xi32, #tpu.memory_space<hbm>> -> memref<40xi32, #tpu.memory_space<hbm>>
    tpu.wait_dma2 semaphore(%arg23 : memref<!tpu.dma_semaphore, #tpu.memory_space<semaphore_mem>>) src(%dma_wait3A_171 : memref<40xi32, #tpu.memory_space<hbm>>) dst(%dma_wait3A_169 : memref<40xi32, #tpu.memory_space<vmem>>)
    %dma_wait3A_172 = arith.constant 0 : i32
    %dma_wait3A_173 = arith.constant 0 : i32
    %dma_wait3A_174 = tpu.memref_slice %arg10[%dma_wait3A_172, %dma_wait3A_173] : memref<2x40xi32, #tpu.memory_space<vmem>> -> memref<1x40xi32, #tpu.memory_space<vmem>>
    %dma_wait3A_175 = tpu.memref_squeeze %dma_wait3A_174 : memref<1x40xi32, #tpu.memory_space<vmem>> -> memref<40xi32, #tpu.memory_space<vmem>>
    %dma_wait3A_176 = tpu.memref_slice %arg7[%mul3A_150] : memref<160000xi32, #tpu.memory_space<hbm>> -> memref<40xi32, #tpu.memory_space<hbm>>
    %dma_wait3A_177 = arith.constant 0 : i32
    %dma_wait3A_178 = tpu.memref_slice %arg10[%dma_wait3A_172, %dma_wait3A_177] : memref<2x40xi32, #tpu.memory_space<vmem>> -> memref<1x40xi32, #tpu.memory_space<vmem>>
    %dma_wait3A_179 = tpu.memref_squeeze %dma_wait3A_178 : memref<1x40xi32, #tpu.memory_space<vmem>> -> memref<40xi32, #tpu.memory_space<vmem>>
    %dma_wait3A_180 = tpu.memref_slice %arg7[%mul3A_150] : memref<160000xi32, #tpu.memory_space<hbm>> -> memref<40xi32, #tpu.memory_space<hbm>>
    tpu.wait_dma2 semaphore(%arg24 : memref<!tpu.dma_semaphore, #tpu.memory_space<semaphore_mem>>) src(%dma_wait3A_180 : memref<40xi32, #tpu.memory_space<hbm>>) dst(%dma_wait3A_179 : memref<40xi32, #tpu.memory_space<vmem>>)
    %dma_wait3A_181 = arith.constant 0 : i32
    %dma_wait3A_182 = arith.constant 0 : i32
    %dma_wait3A_183 = arith.constant 0 : i32
    %dma_wait3A_184 = tpu.memref_slice %arg13[%dma_wait3A_181, %dma_wait3A_182, %dma_wait3A_183] : memref<2x40x48xf32, #tpu.memory_space<vmem>> -> memref<1x40x48xf32, #tpu.memory_space<vmem>>
    %dma_wait3A_185 = tpu.memref_squeeze %dma_wait3A_184 : memref<1x40x48xf32, #tpu.memory_space<vmem>> -> memref<40x48xf32, #tpu.memory_space<vmem>>
    %dma_wait3A_186 = arith.constant 0 : i32
    %dma_wait3A_187 = tpu.memref_slice %arg8[%mul3A_150, %dma_wait3A_186] : memref<160000x48xf32, #tpu.memory_space<hbm>> -> memref<40x48xf32, #tpu.memory_space<hbm>>
    %dma_wait3A_188 = arith.constant 0 : i32
    %dma_wait3A_189 = arith.constant 0 : i32
    %dma_wait3A_190 = tpu.memref_slice %arg13[%dma_wait3A_181, %dma_wait3A_188, %dma_wait3A_189] : memref<2x40x48xf32, #tpu.memory_space<vmem>> -> memref<1x40x48xf32, #tpu.memory_space<vmem>>
    %dma_wait3A_191 = tpu.memref_squeeze %dma_wait3A_190 : memref<1x40x48xf32, #tpu.memory_space<vmem>> -> memref<40x48xf32, #tpu.memory_space<vmem>>
    %dma_wait3A_192 = arith.constant 0 : i32
    %dma_wait3A_193 = tpu.memref_slice %arg8[%mul3A_150, %dma_wait3A_192] : memref<160000x48xf32, #tpu.memory_space<hbm>> -> memref<40x48xf32, #tpu.memory_space<hbm>>
    tpu.wait_dma2 semaphore(%arg25 : memref<!tpu.dma_semaphore, #tpu.memory_space<semaphore_mem>>) src(%dma_wait3A_193 : memref<40x48xf32, #tpu.memory_space<hbm>>) dst(%dma_wait3A_191 : memref<40x48xf32, #tpu.memory_space<vmem>>)
    %dma_wait3A_194 = arith.constant 0 : i32
    %dma_wait3A_195 = arith.constant 0 : i32
    %dma_wait3A_196 = arith.constant 0 : i32
    %dma_wait3A_197 = tpu.memref_slice %arg14[%dma_wait3A_194, %dma_wait3A_195, %dma_wait3A_196] : memref<2x40x96xf32, #tpu.memory_space<vmem>> -> memref<1x40x96xf32, #tpu.memory_space<vmem>>
    %dma_wait3A_198 = tpu.memref_squeeze %dma_wait3A_197 : memref<1x40x96xf32, #tpu.memory_space<vmem>> -> memref<40x96xf32, #tpu.memory_space<vmem>>
    %dma_wait3A_199 = arith.constant 0 : i32
    %dma_wait3A_200 = tpu.memref_slice %arg4[%add3A_7, %mul3A_150, %dma_wait3A_199] : memref<4x160000x96xf32, #tpu.memory_space<hbm>> -> memref<1x40x96xf32, #tpu.memory_space<hbm>>
    %dma_wait3A_201 = tpu.memref_squeeze %dma_wait3A_200 : memref<1x40x96xf32, #tpu.memory_space<hbm>> -> memref<40x96xf32, #tpu.memory_space<hbm>>
    %dma_wait3A_202 = arith.constant 0 : i32
    %dma_wait3A_203 = arith.constant 0 : i32
    %dma_wait3A_204 = tpu.memref_slice %arg14[%dma_wait3A_194, %dma_wait3A_202, %dma_wait3A_203] : memref<2x40x96xf32, #tpu.memory_space<vmem>> -> memref<1x40x96xf32, #tpu.memory_space<vmem>>
    %dma_wait3A_205 = tpu.memref_squeeze %dma_wait3A_204 : memref<1x40x96xf32, #tpu.memory_space<vmem>> -> memref<40x96xf32, #tpu.memory_space<vmem>>
    %dma_wait3A_206 = arith.constant 0 : i32
    %dma_wait3A_207 = tpu.memref_slice %arg4[%add3A_7, %mul3A_150, %dma_wait3A_206] : memref<4x160000x96xf32, #tpu.memory_space<hbm>> -> memref<1x40x96xf32, #tpu.memory_space<hbm>>
    %dma_wait3A_208 = tpu.memref_squeeze %dma_wait3A_207 : memref<1x40x96xf32, #tpu.memory_space<hbm>> -> memref<40x96xf32, #tpu.memory_space<hbm>>
    tpu.wait_dma2 semaphore(%arg26 : memref<!tpu.dma_semaphore, #tpu.memory_space<semaphore_mem>>) src(%dma_wait3A_208 : memref<40x96xf32, #tpu.memory_space<hbm>>) dst(%dma_wait3A_205 : memref<40x96xf32, #tpu.memory_space<vmem>>)
    %add3A_209 = arith.constant 3984 : i32
    %add3A_210 = arith.addi %arg1, %add3A_209 : i32
    %mul3A_211 = arith.constant 40 : i32
    %mul3A_212 = arith.muli %add3A_210, %mul3A_211 : i32
    %dma_wait3A_213 = arith.constant 1 : i32
    %dma_wait3A_214 = arith.constant 0 : i32
    %dma_wait3A_215 = tpu.memref_slice %arg11[%dma_wait3A_213, %dma_wait3A_214] : memref<2x40xi32, #tpu.memory_space<vmem>> -> memref<1x40xi32, #tpu.memory_space<vmem>>
    %dma_wait3A_216 = tpu.memref_squeeze %dma_wait3A_215 : memref<1x40xi32, #tpu.memory_space<vmem>> -> memref<40xi32, #tpu.memory_space<vmem>>
    %dma_wait3A_217 = tpu.memref_slice %arg5[%add3A_7, %mul3A_212] : memref<4x160000xi32, #tpu.memory_space<hbm>> -> memref<1x40xi32, #tpu.memory_space<hbm>>
    %dma_wait3A_218 = tpu.memref_squeeze %dma_wait3A_217 : memref<1x40xi32, #tpu.memory_space<hbm>> -> memref<40xi32, #tpu.memory_space<hbm>>
    %dma_wait3A_219 = arith.constant 0 : i32
    %dma_wait3A_220 = tpu.memref_slice %arg11[%dma_wait3A_213, %dma_wait3A_219] : memref<2x40xi32, #tpu.memory_space<vmem>> -> memref<1x40xi32, #tpu.memory_space<vmem>>
    %dma_wait3A_221 = tpu.memref_squeeze %dma_wait3A_220 : memref<1x40xi32, #tpu.memory_space<vmem>> -> memref<40xi32, #tpu.memory_space<vmem>>
    %dma_wait3A_222 = tpu.memref_slice %arg5[%add3A_7, %mul3A_212] : memref<4x160000xi32, #tpu.memory_space<hbm>> -> memref<1x40xi32, #tpu.memory_space<hbm>>
    %dma_wait3A_223 = tpu.memref_squeeze %dma_wait3A_222 : memref<1x40xi32, #tpu.memory_space<hbm>> -> memref<40xi32, #tpu.memory_space<hbm>>
    tpu.wait_dma2 semaphore(%arg27 : memref<!tpu.dma_semaphore, #tpu.memory_space<semaphore_mem>>) src(%dma_wait3A_223 : memref<40xi32, #tpu.memory_space<hbm>>) dst(%dma_wait3A_221 : memref<40xi32, #tpu.memory_space<vmem>>)
    %dma_wait3A_224 = arith.constant 1 : i32
    %dma_wait3A_225 = arith.constant 0 : i32
    %dma_wait3A_226 = tpu.memref_slice %arg12[%dma_wait3A_224, %dma_wait3A_225] : memref<2x40xi32, #tpu.memory_space<vmem>> -> memref<1x40xi32, #tpu.memory_space<vmem>>
    %dma_wait3A_227 = tpu.memref_squeeze %dma_wait3A_226 : memref<1x40xi32, #tpu.memory_space<vmem>> -> memref<40xi32, #tpu.memory_space<vmem>>
    %dma_wait3A_228 = tpu.memref_slice %arg6[%add3A_7, %mul3A_212] : memref<4x160000xi32, #tpu.memory_space<hbm>> -> memref<1x40xi32, #tpu.memory_space<hbm>>
    %dma_wait3A_229 = tpu.memref_squeeze %dma_wait3A_228 : memref<1x40xi32, #tpu.memory_space<hbm>> -> memref<40xi32, #tpu.memory_space<hbm>>
    %dma_wait3A_230 = arith.constant 0 : i32
    %dma_wait3A_231 = tpu.memref_slice %arg12[%dma_wait3A_224, %dma_wait3A_230] : memref<2x40xi32, #tpu.memory_space<vmem>> -> memref<1x40xi32, #tpu.memory_space<vmem>>
    %dma_wait3A_232 = tpu.memref_squeeze %dma_wait3A_231 : memref<1x40xi32, #tpu.memory_space<vmem>> -> memref<40xi32, #tpu.memory_space<vmem>>
    %dma_wait3A_233 = tpu.memref_slice %arg6[%add3A_7, %mul3A_212] : memref<4x160000xi32, #tpu.memory_space<hbm>> -> memref<1x40xi32, #tpu.memory_space<hbm>>
    %dma_wait3A_234 = tpu.memref_squeeze %dma_wait3A_233 : memref<1x40xi32, #tpu.memory_space<hbm>> -> memref<40xi32, #tpu.memory_space<hbm>>
    tpu.wait_dma2 semaphore(%arg28 : memref<!tpu.dma_semaphore, #tpu.memory_space<semaphore_mem>>) src(%dma_wait3A_234 : memref<40xi32, #tpu.memory_space<hbm>>) dst(%dma_wait3A_232 : memref<40xi32, #tpu.memory_space<vmem>>)
    %dma_wait3A_235 = arith.constant 1 : i32
    %dma_wait3A_236 = arith.constant 0 : i32
    %dma_wait3A_237 = tpu.memref_slice %arg10[%dma_wait3A_235, %dma_wait3A_236] : memref<2x40xi32, #tpu.memory_space<vmem>> -> memref<1x40xi32, #tpu.memory_space<vmem>>
    %dma_wait3A_238 = tpu.memref_squeeze %dma_wait3A_237 : memref<1x40xi32, #tpu.memory_space<vmem>> -> memref<40xi32, #tpu.memory_space<vmem>>
    %dma_wait3A_239 = tpu.memref_slice %arg7[%mul3A_212] : memref<160000xi32, #tpu.memory_space<hbm>> -> memref<40xi32, #tpu.memory_space<hbm>>
    %dma_wait3A_240 = arith.constant 0 : i32
    %dma_wait3A_241 = tpu.memref_slice %arg10[%dma_wait3A_235, %dma_wait3A_240] : memref<2x40xi32, #tpu.memory_space<vmem>> -> memref<1x40xi32, #tpu.memory_space<vmem>>
    %dma_wait3A_242 = tpu.memref_squeeze %dma_wait3A_241 : memref<1x40xi32, #tpu.memory_space<vmem>> -> memref<40xi32, #tpu.memory_space<vmem>>
    %dma_wait3A_243 = tpu.memref_slice %arg7[%mul3A_212] : memref<160000xi32, #tpu.memory_space<hbm>> -> memref<40xi32, #tpu.memory_space<hbm>>
    tpu.wait_dma2 semaphore(%arg29 : memref<!tpu.dma_semaphore, #tpu.memory_space<semaphore_mem>>) src(%dma_wait3A_243 : memref<40xi32, #tpu.memory_space<hbm>>) dst(%dma_wait3A_242 : memref<40xi32, #tpu.memory_space<vmem>>)
    %dma_wait3A_244 = arith.constant 1 : i32
    %dma_wait3A_245 = arith.constant 0 : i32
    %dma_wait3A_246 = arith.constant 0 : i32
    %dma_wait3A_247 = tpu.memref_slice %arg13[%dma_wait3A_244, %dma_wait3A_245, %dma_wait3A_246] : memref<2x40x48xf32, #tpu.memory_space<vmem>> -> memref<1x40x48xf32, #tpu.memory_space<vmem>>
    %dma_wait3A_248 = tpu.memref_squeeze %dma_wait3A_247 : memref<1x40x48xf32, #tpu.memory_space<vmem>> -> memref<40x48xf32, #tpu.memory_space<vmem>>
    %dma_wait3A_249 = arith.constant 0 : i32
    %dma_wait3A_250 = tpu.memref_slice %arg8[%mul3A_212, %dma_wait3A_249] : memref<160000x48xf32, #tpu.memory_space<hbm>> -> memref<40x48xf32, #tpu.memory_space<hbm>>
    %dma_wait3A_251 = arith.constant 0 : i32
    %dma_wait3A_252 = arith.constant 0 : i32
    %dma_wait3A_253 = tpu.memref_slice %arg13[%dma_wait3A_244, %dma_wait3A_251, %dma_wait3A_252] : memref<2x40x48xf32, #tpu.memory_space<vmem>> -> memref<1x40x48xf32, #tpu.memory_space<vmem>>
    %dma_wait3A_254 = tpu.memref_squeeze %dma_wait3A_253 : memref<1x40x48xf32, #tpu.memory_space<vmem>> -> memref<40x48xf32, #tpu.memory_space<vmem>>
    %dma_wait3A_255 = arith.constant 0 : i32
    %dma_wait3A_256 = tpu.memref_slice %arg8[%mul3A_212, %dma_wait3A_255] : memref<160000x48xf32, #tpu.memory_space<hbm>> -> memref<40x48xf32, #tpu.memory_space<hbm>>
    tpu.wait_dma2 semaphore(%arg30 : memref<!tpu.dma_semaphore, #tpu.memory_space<semaphore_mem>>) src(%dma_wait3A_256 : memref<40x48xf32, #tpu.memory_space<hbm>>) dst(%dma_wait3A_254 : memref<40x48xf32, #tpu.memory_space<vmem>>)
    %dma_wait3A_257 = arith.constant 1 : i32
    %dma_wait3A_258 = arith.constant 0 : i32
    %dma_wait3A_259 = arith.constant 0 : i32
    %dma_wait3A_260 = tpu.memref_slice %arg14[%dma_wait3A_257, %dma_wait3A_258, %dma_wait3A_259] : memref<2x40x96xf32, #tpu.memory_space<vmem>> -> memref<1x40x96xf32, #tpu.memory_space<vmem>>
    %dma_wait3A_261 = tpu.memref_squeeze %dma_wait3A_260 : memref<1x40x96xf32, #tpu.memory_space<vmem>> -> memref<40x96xf32, #tpu.memory_space<vmem>>
    %dma_wait3A_262 = arith.constant 0 : i32
    %dma_wait3A_263 = tpu.memref_slice %arg4[%add3A_7, %mul3A_212, %dma_wait3A_262] : memref<4x160000x96xf32, #tpu.memory_space<hbm>> -> memref<1x40x96xf32, #tpu.memory_space<hbm>>
    %dma_wait3A_264 = tpu.memref_squeeze %dma_wait3A_263 : memref<1x40x96xf32, #tpu.memory_space<hbm>> -> memref<40x96xf32, #tpu.memory_space<hbm>>
    %dma_wait3A_265 = arith.constant 0 : i32
    %dma_wait3A_266 = arith.constant 0 : i32
    %dma_wait3A_267 = tpu.memref_slice %arg14[%dma_wait3A_257, %dma_wait3A_265, %dma_wait3A_266] : memref<2x40x96xf32, #tpu.memory_space<vmem>> -> memref<1x40x96xf32, #tpu.memory_space<vmem>>
    %dma_wait3A_268 = tpu.memref_squeeze %dma_wait3A_267 : memref<1x40x96xf32, #tpu.memory_space<vmem>> -> memref<40x96xf32, #tpu.memory_space<vmem>>
    %dma_wait3A_269 = arith.constant 0 : i32
    %dma_wait3A_270 = tpu.memref_slice %arg4[%add3A_7, %mul3A_212, %dma_wait3A_269] : memref<4x160000x96xf32, #tpu.memory_space<hbm>> -> memref<1x40x96xf32, #tpu.memory_space<hbm>>
    %dma_wait3A_271 = tpu.memref_squeeze %dma_wait3A_270 : memref<1x40x96xf32, #tpu.memory_space<hbm>> -> memref<40x96xf32, #tpu.memory_space<hbm>>
    tpu.wait_dma2 semaphore(%arg31 : memref<!tpu.dma_semaphore, #tpu.memory_space<semaphore_mem>>) src(%dma_wait3A_271 : memref<40x96xf32, #tpu.memory_space<hbm>>) dst(%dma_wait3A_268 : memref<40x96xf32, #tpu.memory_space<vmem>>)
    %barrier3A_272 = arith.constant 0 : index
    tpu.barrier barrier_id(%barrier3A_272)
    %mul3A_273 = arith.constant 632 : i32
    %mul3A_274 = arith.muli %arg1, %mul3A_273 : i32
    %mul3A_275 = arith.constant 632 : i32
    %mul3A_276 = arith.muli %arg1, %mul3A_275 : i32
    "tpu.region"() ({
      %run_scoped3A = tpu.sem_alloc : memref<!tpu.dma_semaphore, #tpu.memory_space<semaphore_mem>>
      %dma_start3A_555 = arith.constant 0 : i32
      %dma_start3A_556 = tpu.memref_slice %arg9[%add3A_7, %mul3A_276, %dma_start3A_555] : memref<4x10240x128xf32, #tpu.memory_space<hbm>> -> memref<1x632x128xf32, #tpu.memory_space<hbm>>
      %dma_start3A_557 = tpu.memref_squeeze %dma_start3A_556 : memref<1x632x128xf32, #tpu.memory_space<hbm>> -> memref<632x128xf32, #tpu.memory_space<hbm>>
      %dma_start3A_558 = arith.constant 0 : i32
      %dma_start3A_559 = tpu.memref_slice %arg19[%mul3A_274, %dma_start3A_558] : memref<10112x128xf32, #tpu.memory_space<vmem_shared>> -> memref<632x128xf32, #tpu.memory_space<vmem_shared>>
      tpu.enqueue_dma source(%dma_start3A_559 : memref<632x128xf32, #tpu.memory_space<vmem_shared>>) target(%dma_start3A_557 : memref<632x128xf32, #tpu.memory_space<hbm>>) target_semaphore(%run_scoped3A : memref<!tpu.dma_semaphore, #tpu.memory_space<semaphore_mem>>)
      %dma_wait3A_560 = arith.constant 0 : i32
      %dma_wait3A_561 = tpu.memref_slice %arg9[%add3A_7, %mul3A_276, %dma_wait3A_560] : memref<4x10240x128xf32, #tpu.memory_space<hbm>> -> memref<1x632x128xf32, #tpu.memory_space<hbm>>
      %dma_wait3A_562 = tpu.memref_squeeze %dma_wait3A_561 : memref<1x632x128xf32, #tpu.memory_space<hbm>> -> memref<632x128xf32, #tpu.memory_space<hbm>>
      %dma_wait3A_563 = arith.constant 0 : i32
      %dma_wait3A_564 = tpu.memref_slice %arg19[%mul3A_274, %dma_wait3A_563] : memref<10112x128xf32, #tpu.memory_space<vmem_shared>> -> memref<632x128xf32, #tpu.memory_space<vmem_shared>>
      tpu.wait_dma2 semaphore(%run_scoped3A : memref<!tpu.dma_semaphore, #tpu.memory_space<semaphore_mem>>) src(%dma_wait3A_564 : memref<632x128xf32, #tpu.memory_space<vmem_shared>>) dst(%dma_wait3A_562 : memref<632x128xf32, #tpu.memory_space<hbm>>)
      tpu.yield
    }) : () -> ()
    %barrier3A_277 = arith.constant 0 : index
    tpu.barrier barrier_id(%barrier3A_277)
    %mul3A_278 = arith.constant 2 : i32
    %mul3A_279 = arith.muli %arg0, %mul3A_278 : i32
    %add3A_280 = arith.constant 1 : i32
    %add3A_281 = arith.addi %mul3A_279, %add3A_280 : i32
    %scan3A_282 = arith.constant 0 : i32
    %scan3A_283 = arith.constant 0 : i32
    %scan3A_284 = arith.constant 79 : i32
    %scan3A_285 = arith.addi %scan3A_283, %scan3A_284 : i32
    %scan3A_286 = arith.constant 1 : i32
    %scan3A_287 = scf.for %scan3A_555 = %scan3A_283 to %scan3A_285 step %scan3A_286 iter_args(%scan3A_556 = %scan3A_282) -> (i32)  : i32 {
      %mul3A_557 = arith.constant 632 : i32
      %mul3A_558 = arith.muli %arg1, %mul3A_557 : i32
      %mul3A_559 = arith.constant 8 : i32
      %mul3A_560 = arith.muli %scan3A_555, %mul3A_559 : i32
      %add3A_561 = arith.addi %mul3A_558, %mul3A_560 : i32
      "tpu.region"() ({
        %run_scoped3A = tpu.sem_alloc : memref<!tpu.dma_semaphore, #tpu.memory_space<semaphore_mem>>
        %dma_start3A_563 = arith.constant 0 : i32
        %dma_start3A_564 = tpu.memref_slice %arg19[%add3A_561, %dma_start3A_563] : memref<10112x128xf32, #tpu.memory_space<vmem_shared>> -> memref<8x128xf32, #tpu.memory_space<vmem_shared>>
        %dma_start3A_565 = arith.constant 0 : i32
        %dma_start3A_566 = tpu.memref_slice %arg19[%add3A_561, %dma_start3A_565] : memref<10112x128xf32, #tpu.memory_space<vmem_shared>> -> memref<8x128xf32, #tpu.memory_space<vmem_shared>>
        tpu.enqueue_dma source(%arg18 : memref<8x128xf32, #tpu.memory_space<vmem>>) target(%dma_start3A_566 : memref<8x128xf32, #tpu.memory_space<vmem_shared>>) target_semaphore(%run_scoped3A : memref<!tpu.dma_semaphore, #tpu.memory_space<semaphore_mem>>)
        %dma_wait3A_567 = arith.constant 0 : i32
        %dma_wait3A_568 = tpu.memref_slice %arg19[%add3A_561, %dma_wait3A_567] : memref<10112x128xf32, #tpu.memory_space<vmem_shared>> -> memref<8x128xf32, #tpu.memory_space<vmem_shared>>
        %dma_wait3A_569 = arith.constant 0 : i32
        %dma_wait3A_570 = tpu.memref_slice %arg19[%add3A_561, %dma_wait3A_569] : memref<10112x128xf32, #tpu.memory_space<vmem_shared>> -> memref<8x128xf32, #tpu.memory_space<vmem_shared>>
        tpu.wait_dma2 semaphore(%run_scoped3A : memref<!tpu.dma_semaphore, #tpu.memory_space<semaphore_mem>>) src(%arg18 : memref<8x128xf32, #tpu.memory_space<vmem>>) dst(%dma_wait3A_570 : memref<8x128xf32, #tpu.memory_space<vmem_shared>>)
        tpu.yield
      }) : () -> ()
      %scan3A_562 = arith.constant 0 : i32
      scf.yield %scan3A_562 : i32
    }
    %scan3A_288 = arith.constant 79 : i32
    %barrier3A_289 = arith.constant 0 : index
    tpu.barrier barrier_id(%barrier3A_289)
    %add3A_290 = arith.constant 0 : i32
    %add3A_291 = arith.addi %arg1, %add3A_290 : i32
    %mul3A_292 = arith.constant 40 : i32
    %mul3A_293 = arith.muli %add3A_291, %mul3A_292 : i32
    %dma_start3A_294 = arith.constant 0 : i32
    %dma_start3A_295 = arith.constant 0 : i32
    %dma_start3A_296 = tpu.memref_slice %arg11[%dma_start3A_294, %dma_start3A_295] : memref<2x40xi32, #tpu.memory_space<vmem>> -> memref<1x40xi32, #tpu.memory_space<vmem>>
    %dma_start3A_297 = tpu.memref_squeeze %dma_start3A_296 : memref<1x40xi32, #tpu.memory_space<vmem>> -> memref<40xi32, #tpu.memory_space<vmem>>
    %dma_start3A_298 = tpu.memref_slice %arg5[%add3A_281, %mul3A_293] : memref<4x160000xi32, #tpu.memory_space<hbm>> -> memref<1x40xi32, #tpu.memory_space<hbm>>
    %dma_start3A_299 = tpu.memref_squeeze %dma_start3A_298 : memref<1x40xi32, #tpu.memory_space<hbm>> -> memref<40xi32, #tpu.memory_space<hbm>>
    %dma_start3A_300 = arith.constant 0 : i32
    %dma_start3A_301 = tpu.memref_slice %arg11[%dma_start3A_294, %dma_start3A_300] : memref<2x40xi32, #tpu.memory_space<vmem>> -> memref<1x40xi32, #tpu.memory_space<vmem>>
    %dma_start3A_302 = tpu.memref_squeeze %dma_start3A_301 : memref<1x40xi32, #tpu.memory_space<vmem>> -> memref<40xi32, #tpu.memory_space<vmem>>
    %dma_start3A_303 = tpu.memref_slice %arg5[%add3A_281, %mul3A_293] : memref<4x160000xi32, #tpu.memory_space<hbm>> -> memref<1x40xi32, #tpu.memory_space<hbm>>
    %dma_start3A_304 = tpu.memref_squeeze %dma_start3A_303 : memref<1x40xi32, #tpu.memory_space<hbm>> -> memref<40xi32, #tpu.memory_space<hbm>>
    tpu.enqueue_dma source(%dma_start3A_304 : memref<40xi32, #tpu.memory_space<hbm>>) target(%dma_start3A_302 : memref<40xi32, #tpu.memory_space<vmem>>) target_semaphore(%arg22 : memref<!tpu.dma_semaphore, #tpu.memory_space<semaphore_mem>>)
    %dma_start3A_305 = arith.constant 0 : i32
    %dma_start3A_306 = arith.constant 0 : i32
    %dma_start3A_307 = tpu.memref_slice %arg12[%dma_start3A_305, %dma_start3A_306] : memref<2x40xi32, #tpu.memory_space<vmem>> -> memref<1x40xi32, #tpu.memory_space<vmem>>
    %dma_start3A_308 = tpu.memref_squeeze %dma_start3A_307 : memref<1x40xi32, #tpu.memory_space<vmem>> -> memref<40xi32, #tpu.memory_space<vmem>>
    %dma_start3A_309 = tpu.memref_slice %arg6[%add3A_281, %mul3A_293] : memref<4x160000xi32, #tpu.memory_space<hbm>> -> memref<1x40xi32, #tpu.memory_space<hbm>>
    %dma_start3A_310 = tpu.memref_squeeze %dma_start3A_309 : memref<1x40xi32, #tpu.memory_space<hbm>> -> memref<40xi32, #tpu.memory_space<hbm>>
    %dma_start3A_311 = arith.constant 0 : i32
    %dma_start3A_312 = tpu.memref_slice %arg12[%dma_start3A_305, %dma_start3A_311] : memref<2x40xi32, #tpu.memory_space<vmem>> -> memref<1x40xi32, #tpu.memory_space<vmem>>
    %dma_start3A_313 = tpu.memref_squeeze %dma_start3A_312 : memref<1x40xi32, #tpu.memory_space<vmem>> -> memref<40xi32, #tpu.memory_space<vmem>>
    %dma_start3A_314 = tpu.memref_slice %arg6[%add3A_281, %mul3A_293] : memref<4x160000xi32, #tpu.memory_space<hbm>> -> memref<1x40xi32, #tpu.memory_space<hbm>>
    %dma_start3A_315 = tpu.memref_squeeze %dma_start3A_314 : memref<1x40xi32, #tpu.memory_space<hbm>> -> memref<40xi32, #tpu.memory_space<hbm>>
    tpu.enqueue_dma source(%dma_start3A_315 : memref<40xi32, #tpu.memory_space<hbm>>) target(%dma_start3A_313 : memref<40xi32, #tpu.memory_space<vmem>>) target_semaphore(%arg23 : memref<!tpu.dma_semaphore, #tpu.memory_space<semaphore_mem>>)
    %dma_start3A_316 = arith.constant 0 : i32
    %dma_start3A_317 = arith.constant 0 : i32
    %dma_start3A_318 = tpu.memref_slice %arg10[%dma_start3A_316, %dma_start3A_317] : memref<2x40xi32, #tpu.memory_space<vmem>> -> memref<1x40xi32, #tpu.memory_space<vmem>>
    %dma_start3A_319 = tpu.memref_squeeze %dma_start3A_318 : memref<1x40xi32, #tpu.memory_space<vmem>> -> memref<40xi32, #tpu.memory_space<vmem>>
    %dma_start3A_320 = tpu.memref_slice %arg7[%mul3A_293] : memref<160000xi32, #tpu.memory_space<hbm>> -> memref<40xi32, #tpu.memory_space<hbm>>
    %dma_start3A_321 = arith.constant 0 : i32
    %dma_start3A_322 = tpu.memref_slice %arg10[%dma_start3A_316, %dma_start3A_321] : memref<2x40xi32, #tpu.memory_space<vmem>> -> memref<1x40xi32, #tpu.memory_space<vmem>>
    %dma_start3A_323 = tpu.memref_squeeze %dma_start3A_322 : memref<1x40xi32, #tpu.memory_space<vmem>> -> memref<40xi32, #tpu.memory_space<vmem>>
    %dma_start3A_324 = tpu.memref_slice %arg7[%mul3A_293] : memref<160000xi32, #tpu.memory_space<hbm>> -> memref<40xi32, #tpu.memory_space<hbm>>
    tpu.enqueue_dma source(%dma_start3A_324 : memref<40xi32, #tpu.memory_space<hbm>>) target(%dma_start3A_323 : memref<40xi32, #tpu.memory_space<vmem>>) target_semaphore(%arg24 : memref<!tpu.dma_semaphore, #tpu.memory_space<semaphore_mem>>)
    %dma_start3A_325 = arith.constant 0 : i32
    %dma_start3A_326 = arith.constant 0 : i32
    %dma_start3A_327 = arith.constant 0 : i32
    %dma_start3A_328 = tpu.memref_slice %arg13[%dma_start3A_325, %dma_start3A_326, %dma_start3A_327] : memref<2x40x48xf32, #tpu.memory_space<vmem>> -> memref<1x40x48xf32, #tpu.memory_space<vmem>>
    %dma_start3A_329 = tpu.memref_squeeze %dma_start3A_328 : memref<1x40x48xf32, #tpu.memory_space<vmem>> -> memref<40x48xf32, #tpu.memory_space<vmem>>
    %dma_start3A_330 = arith.constant 0 : i32
    %dma_start3A_331 = tpu.memref_slice %arg8[%mul3A_293, %dma_start3A_330] : memref<160000x48xf32, #tpu.memory_space<hbm>> -> memref<40x48xf32, #tpu.memory_space<hbm>>
    %dma_start3A_332 = arith.constant 0 : i32
    %dma_start3A_333 = arith.constant 0 : i32
    %dma_start3A_334 = tpu.memref_slice %arg13[%dma_start3A_325, %dma_start3A_332, %dma_start3A_333] : memref<2x40x48xf32, #tpu.memory_space<vmem>> -> memref<1x40x48xf32, #tpu.memory_space<vmem>>
    %dma_start3A_335 = tpu.memref_squeeze %dma_start3A_334 : memref<1x40x48xf32, #tpu.memory_space<vmem>> -> memref<40x48xf32, #tpu.memory_space<vmem>>
    %dma_start3A_336 = arith.constant 0 : i32
    %dma_start3A_337 = tpu.memref_slice %arg8[%mul3A_293, %dma_start3A_336] : memref<160000x48xf32, #tpu.memory_space<hbm>> -> memref<40x48xf32, #tpu.memory_space<hbm>>
    tpu.enqueue_dma source(%dma_start3A_337 : memref<40x48xf32, #tpu.memory_space<hbm>>) target(%dma_start3A_335 : memref<40x48xf32, #tpu.memory_space<vmem>>) target_semaphore(%arg25 : memref<!tpu.dma_semaphore, #tpu.memory_space<semaphore_mem>>)
    %dma_start3A_338 = arith.constant 0 : i32
    %dma_start3A_339 = arith.constant 0 : i32
    %dma_start3A_340 = arith.constant 0 : i32
    %dma_start3A_341 = tpu.memref_slice %arg14[%dma_start3A_338, %dma_start3A_339, %dma_start3A_340] : memref<2x40x96xf32, #tpu.memory_space<vmem>> -> memref<1x40x96xf32, #tpu.memory_space<vmem>>
    %dma_start3A_342 = tpu.memref_squeeze %dma_start3A_341 : memref<1x40x96xf32, #tpu.memory_space<vmem>> -> memref<40x96xf32, #tpu.memory_space<vmem>>
    %dma_start3A_343 = arith.constant 0 : i32
    %dma_start3A_344 = tpu.memref_slice %arg4[%add3A_281, %mul3A_293, %dma_start3A_343] : memref<4x160000x96xf32, #tpu.memory_space<hbm>> -> memref<1x40x96xf32, #tpu.memory_space<hbm>>
    %dma_start3A_345 = tpu.memref_squeeze %dma_start3A_344 : memref<1x40x96xf32, #tpu.memory_space<hbm>> -> memref<40x96xf32, #tpu.memory_space<hbm>>
    %dma_start3A_346 = arith.constant 0 : i32
    %dma_start3A_347 = arith.constant 0 : i32
    %dma_start3A_348 = tpu.memref_slice %arg14[%dma_start3A_338, %dma_start3A_346, %dma_start3A_347] : memref<2x40x96xf32, #tpu.memory_space<vmem>> -> memref<1x40x96xf32, #tpu.memory_space<vmem>>
    %dma_start3A_349 = tpu.memref_squeeze %dma_start3A_348 : memref<1x40x96xf32, #tpu.memory_space<vmem>> -> memref<40x96xf32, #tpu.memory_space<vmem>>
    %dma_start3A_350 = arith.constant 0 : i32
    %dma_start3A_351 = tpu.memref_slice %arg4[%add3A_281, %mul3A_293, %dma_start3A_350] : memref<4x160000x96xf32, #tpu.memory_space<hbm>> -> memref<1x40x96xf32, #tpu.memory_space<hbm>>
    %dma_start3A_352 = tpu.memref_squeeze %dma_start3A_351 : memref<1x40x96xf32, #tpu.memory_space<hbm>> -> memref<40x96xf32, #tpu.memory_space<hbm>>
    tpu.enqueue_dma source(%dma_start3A_352 : memref<40x96xf32, #tpu.memory_space<hbm>>) target(%dma_start3A_349 : memref<40x96xf32, #tpu.memory_space<vmem>>) target_semaphore(%arg26 : memref<!tpu.dma_semaphore, #tpu.memory_space<semaphore_mem>>)
    %add3A_353 = arith.constant 16 : i32
    %add3A_354 = arith.addi %arg1, %add3A_353 : i32
    %mul3A_355 = arith.constant 40 : i32
    %mul3A_356 = arith.muli %add3A_354, %mul3A_355 : i32
    %dma_start3A_357 = arith.constant 1 : i32
    %dma_start3A_358 = arith.constant 0 : i32
    %dma_start3A_359 = tpu.memref_slice %arg11[%dma_start3A_357, %dma_start3A_358] : memref<2x40xi32, #tpu.memory_space<vmem>> -> memref<1x40xi32, #tpu.memory_space<vmem>>
    %dma_start3A_360 = tpu.memref_squeeze %dma_start3A_359 : memref<1x40xi32, #tpu.memory_space<vmem>> -> memref<40xi32, #tpu.memory_space<vmem>>
    %dma_start3A_361 = tpu.memref_slice %arg5[%add3A_281, %mul3A_356] : memref<4x160000xi32, #tpu.memory_space<hbm>> -> memref<1x40xi32, #tpu.memory_space<hbm>>
    %dma_start3A_362 = tpu.memref_squeeze %dma_start3A_361 : memref<1x40xi32, #tpu.memory_space<hbm>> -> memref<40xi32, #tpu.memory_space<hbm>>
    %dma_start3A_363 = arith.constant 0 : i32
    %dma_start3A_364 = tpu.memref_slice %arg11[%dma_start3A_357, %dma_start3A_363] : memref<2x40xi32, #tpu.memory_space<vmem>> -> memref<1x40xi32, #tpu.memory_space<vmem>>
    %dma_start3A_365 = tpu.memref_squeeze %dma_start3A_364 : memref<1x40xi32, #tpu.memory_space<vmem>> -> memref<40xi32, #tpu.memory_space<vmem>>
    %dma_start3A_366 = tpu.memref_slice %arg5[%add3A_281, %mul3A_356] : memref<4x160000xi32, #tpu.memory_space<hbm>> -> memref<1x40xi32, #tpu.memory_space<hbm>>
    %dma_start3A_367 = tpu.memref_squeeze %dma_start3A_366 : memref<1x40xi32, #tpu.memory_space<hbm>> -> memref<40xi32, #tpu.memory_space<hbm>>
    tpu.enqueue_dma source(%dma_start3A_367 : memref<40xi32, #tpu.memory_space<hbm>>) target(%dma_start3A_365 : memref<40xi32, #tpu.memory_space<vmem>>) target_semaphore(%arg27 : memref<!tpu.dma_semaphore, #tpu.memory_space<semaphore_mem>>)
    %dma_start3A_368 = arith.constant 1 : i32
    %dma_start3A_369 = arith.constant 0 : i32
    %dma_start3A_370 = tpu.memref_slice %arg12[%dma_start3A_368, %dma_start3A_369] : memref<2x40xi32, #tpu.memory_space<vmem>> -> memref<1x40xi32, #tpu.memory_space<vmem>>
    %dma_start3A_371 = tpu.memref_squeeze %dma_start3A_370 : memref<1x40xi32, #tpu.memory_space<vmem>> -> memref<40xi32, #tpu.memory_space<vmem>>
    %dma_start3A_372 = tpu.memref_slice %arg6[%add3A_281, %mul3A_356] : memref<4x160000xi32, #tpu.memory_space<hbm>> -> memref<1x40xi32, #tpu.memory_space<hbm>>
    %dma_start3A_373 = tpu.memref_squeeze %dma_start3A_372 : memref<1x40xi32, #tpu.memory_space<hbm>> -> memref<40xi32, #tpu.memory_space<hbm>>
    %dma_start3A_374 = arith.constant 0 : i32
    %dma_start3A_375 = tpu.memref_slice %arg12[%dma_start3A_368, %dma_start3A_374] : memref<2x40xi32, #tpu.memory_space<vmem>> -> memref<1x40xi32, #tpu.memory_space<vmem>>
    %dma_start3A_376 = tpu.memref_squeeze %dma_start3A_375 : memref<1x40xi32, #tpu.memory_space<vmem>> -> memref<40xi32, #tpu.memory_space<vmem>>
    %dma_start3A_377 = tpu.memref_slice %arg6[%add3A_281, %mul3A_356] : memref<4x160000xi32, #tpu.memory_space<hbm>> -> memref<1x40xi32, #tpu.memory_space<hbm>>
    %dma_start3A_378 = tpu.memref_squeeze %dma_start3A_377 : memref<1x40xi32, #tpu.memory_space<hbm>> -> memref<40xi32, #tpu.memory_space<hbm>>
    tpu.enqueue_dma source(%dma_start3A_378 : memref<40xi32, #tpu.memory_space<hbm>>) target(%dma_start3A_376 : memref<40xi32, #tpu.memory_space<vmem>>) target_semaphore(%arg28 : memref<!tpu.dma_semaphore, #tpu.memory_space<semaphore_mem>>)
    %dma_start3A_379 = arith.constant 1 : i32
    %dma_start3A_380 = arith.constant 0 : i32
    %dma_start3A_381 = tpu.memref_slice %arg10[%dma_start3A_379, %dma_start3A_380] : memref<2x40xi32, #tpu.memory_space<vmem>> -> memref<1x40xi32, #tpu.memory_space<vmem>>
    %dma_start3A_382 = tpu.memref_squeeze %dma_start3A_381 : memref<1x40xi32, #tpu.memory_space<vmem>> -> memref<40xi32, #tpu.memory_space<vmem>>
    %dma_start3A_383 = tpu.memref_slice %arg7[%mul3A_356] : memref<160000xi32, #tpu.memory_space<hbm>> -> memref<40xi32, #tpu.memory_space<hbm>>
    %dma_start3A_384 = arith.constant 0 : i32
    %dma_start3A_385 = tpu.memref_slice %arg10[%dma_start3A_379, %dma_start3A_384] : memref<2x40xi32, #tpu.memory_space<vmem>> -> memref<1x40xi32, #tpu.memory_space<vmem>>
    %dma_start3A_386 = tpu.memref_squeeze %dma_start3A_385 : memref<1x40xi32, #tpu.memory_space<vmem>> -> memref<40xi32, #tpu.memory_space<vmem>>
    %dma_start3A_387 = tpu.memref_slice %arg7[%mul3A_356] : memref<160000xi32, #tpu.memory_space<hbm>> -> memref<40xi32, #tpu.memory_space<hbm>>
    tpu.enqueue_dma source(%dma_start3A_387 : memref<40xi32, #tpu.memory_space<hbm>>) target(%dma_start3A_386 : memref<40xi32, #tpu.memory_space<vmem>>) target_semaphore(%arg29 : memref<!tpu.dma_semaphore, #tpu.memory_space<semaphore_mem>>)
    %dma_start3A_388 = arith.constant 1 : i32
    %dma_start3A_389 = arith.constant 0 : i32
    %dma_start3A_390 = arith.constant 0 : i32
    %dma_start3A_391 = tpu.memref_slice %arg13[%dma_start3A_388, %dma_start3A_389, %dma_start3A_390] : memref<2x40x48xf32, #tpu.memory_space<vmem>> -> memref<1x40x48xf32, #tpu.memory_space<vmem>>
    %dma_start3A_392 = tpu.memref_squeeze %dma_start3A_391 : memref<1x40x48xf32, #tpu.memory_space<vmem>> -> memref<40x48xf32, #tpu.memory_space<vmem>>
    %dma_start3A_393 = arith.constant 0 : i32
    %dma_start3A_394 = tpu.memref_slice %arg8[%mul3A_356, %dma_start3A_393] : memref<160000x48xf32, #tpu.memory_space<hbm>> -> memref<40x48xf32, #tpu.memory_space<hbm>>
    %dma_start3A_395 = arith.constant 0 : i32
    %dma_start3A_396 = arith.constant 0 : i32
    %dma_start3A_397 = tpu.memref_slice %arg13[%dma_start3A_388, %dma_start3A_395, %dma_start3A_396] : memref<2x40x48xf32, #tpu.memory_space<vmem>> -> memref<1x40x48xf32, #tpu.memory_space<vmem>>
    %dma_start3A_398 = tpu.memref_squeeze %dma_start3A_397 : memref<1x40x48xf32, #tpu.memory_space<vmem>> -> memref<40x48xf32, #tpu.memory_space<vmem>>
    %dma_start3A_399 = arith.constant 0 : i32
    %dma_start3A_400 = tpu.memref_slice %arg8[%mul3A_356, %dma_start3A_399] : memref<160000x48xf32, #tpu.memory_space<hbm>> -> memref<40x48xf32, #tpu.memory_space<hbm>>
    tpu.enqueue_dma source(%dma_start3A_400 : memref<40x48xf32, #tpu.memory_space<hbm>>) target(%dma_start3A_398 : memref<40x48xf32, #tpu.memory_space<vmem>>) target_semaphore(%arg30 : memref<!tpu.dma_semaphore, #tpu.memory_space<semaphore_mem>>)
    %dma_start3A_401 = arith.constant 1 : i32
    %dma_start3A_402 = arith.constant 0 : i32
    %dma_start3A_403 = arith.constant 0 : i32
    %dma_start3A_404 = tpu.memref_slice %arg14[%dma_start3A_401, %dma_start3A_402, %dma_start3A_403] : memref<2x40x96xf32, #tpu.memory_space<vmem>> -> memref<1x40x96xf32, #tpu.memory_space<vmem>>
    %dma_start3A_405 = tpu.memref_squeeze %dma_start3A_404 : memref<1x40x96xf32, #tpu.memory_space<vmem>> -> memref<40x96xf32, #tpu.memory_space<vmem>>
    %dma_start3A_406 = arith.constant 0 : i32
    %dma_start3A_407 = tpu.memref_slice %arg4[%add3A_281, %mul3A_356, %dma_start3A_406] : memref<4x160000x96xf32, #tpu.memory_space<hbm>> -> memref<1x40x96xf32, #tpu.memory_space<hbm>>
    %dma_start3A_408 = tpu.memref_squeeze %dma_start3A_407 : memref<1x40x96xf32, #tpu.memory_space<hbm>> -> memref<40x96xf32, #tpu.memory_space<hbm>>
    %dma_start3A_409 = arith.constant 0 : i32
    %dma_start3A_410 = arith.constant 0 : i32
    %dma_start3A_411 = tpu.memref_slice %arg14[%dma_start3A_401, %dma_start3A_409, %dma_start3A_410] : memref<2x40x96xf32, #tpu.memory_space<vmem>> -> memref<1x40x96xf32, #tpu.memory_space<vmem>>
    %dma_start3A_412 = tpu.memref_squeeze %dma_start3A_411 : memref<1x40x96xf32, #tpu.memory_space<vmem>> -> memref<40x96xf32, #tpu.memory_space<vmem>>
    %dma_start3A_413 = arith.constant 0 : i32
    %dma_start3A_414 = tpu.memref_slice %arg4[%add3A_281, %mul3A_356, %dma_start3A_413] : memref<4x160000x96xf32, #tpu.memory_space<hbm>> -> memref<1x40x96xf32, #tpu.memory_space<hbm>>
    %dma_start3A_415 = tpu.memref_squeeze %dma_start3A_414 : memref<1x40x96xf32, #tpu.memory_space<hbm>> -> memref<40x96xf32, #tpu.memory_space<hbm>>
    tpu.enqueue_dma source(%dma_start3A_415 : memref<40x96xf32, #tpu.memory_space<hbm>>) target(%dma_start3A_412 : memref<40x96xf32, #tpu.memory_space<vmem>>) target_semaphore(%arg31 : memref<!tpu.dma_semaphore, #tpu.memory_space<semaphore_mem>>)
    %scan3A_416 = arith.constant 0 : i32
    %scan3A_417 = arith.constant 0 : i32
    %scan3A_418 = arith.constant 125 : i32
    %scan3A_419 = arith.addi %scan3A_417, %scan3A_418 : i32
    %scan3A_420 = arith.constant 1 : i32
    %scan3A_421 = scf.for %scan3A_555 = %scan3A_417 to %scan3A_419 step %scan3A_420 iter_args(%scan3A_556 = %scan3A_416) -> (i32)  : i32 {
      %mul3A_557 = arith.constant 2 : i32
      %mul3A_558 = arith.muli %mul3A_557, %scan3A_555 : i32
      %add3A_559 = arith.constant 0 : i32
      %add3A_560 = arith.addi %mul3A_558, %add3A_559 : i32
      %mul3A_561 = arith.constant 16 : i32
      %mul3A_562 = arith.muli %add3A_560, %mul3A_561 : i32
      %add3A_563 = arith.addi %arg1, %mul3A_562 : i32
      %mul3A_564 = arith.constant 40 : i32
      %mul3A_565 = arith.muli %add3A_563, %mul3A_564 : i32
      %dma_wait3A_566 = arith.constant 0 : i32
      %dma_wait3A_567 = arith.constant 0 : i32
      %dma_wait3A_568 = tpu.memref_slice %arg11[%dma_wait3A_566, %dma_wait3A_567] : memref<2x40xi32, #tpu.memory_space<vmem>> -> memref<1x40xi32, #tpu.memory_space<vmem>>
      %dma_wait3A_569 = tpu.memref_squeeze %dma_wait3A_568 : memref<1x40xi32, #tpu.memory_space<vmem>> -> memref<40xi32, #tpu.memory_space<vmem>>
      %dma_wait3A_570 = tpu.memref_slice %arg5[%add3A_281, %mul3A_565] : memref<4x160000xi32, #tpu.memory_space<hbm>> -> memref<1x40xi32, #tpu.memory_space<hbm>>
      %dma_wait3A_571 = tpu.memref_squeeze %dma_wait3A_570 : memref<1x40xi32, #tpu.memory_space<hbm>> -> memref<40xi32, #tpu.memory_space<hbm>>
      %dma_wait3A_572 = arith.constant 0 : i32
      %dma_wait3A_573 = tpu.memref_slice %arg11[%dma_wait3A_566, %dma_wait3A_572] : memref<2x40xi32, #tpu.memory_space<vmem>> -> memref<1x40xi32, #tpu.memory_space<vmem>>
      %dma_wait3A_574 = tpu.memref_squeeze %dma_wait3A_573 : memref<1x40xi32, #tpu.memory_space<vmem>> -> memref<40xi32, #tpu.memory_space<vmem>>
      %dma_wait3A_575 = tpu.memref_slice %arg5[%add3A_281, %mul3A_565] : memref<4x160000xi32, #tpu.memory_space<hbm>> -> memref<1x40xi32, #tpu.memory_space<hbm>>
      %dma_wait3A_576 = tpu.memref_squeeze %dma_wait3A_575 : memref<1x40xi32, #tpu.memory_space<hbm>> -> memref<40xi32, #tpu.memory_space<hbm>>
      tpu.wait_dma2 semaphore(%arg22 : memref<!tpu.dma_semaphore, #tpu.memory_space<semaphore_mem>>) src(%dma_wait3A_576 : memref<40xi32, #tpu.memory_space<hbm>>) dst(%dma_wait3A_574 : memref<40xi32, #tpu.memory_space<vmem>>)
      %dma_wait3A_577 = arith.constant 0 : i32
      %dma_wait3A_578 = arith.constant 0 : i32
      %dma_wait3A_579 = tpu.memref_slice %arg12[%dma_wait3A_577, %dma_wait3A_578] : memref<2x40xi32, #tpu.memory_space<vmem>> -> memref<1x40xi32, #tpu.memory_space<vmem>>
      %dma_wait3A_580 = tpu.memref_squeeze %dma_wait3A_579 : memref<1x40xi32, #tpu.memory_space<vmem>> -> memref<40xi32, #tpu.memory_space<vmem>>
      %dma_wait3A_581 = tpu.memref_slice %arg6[%add3A_281, %mul3A_565] : memref<4x160000xi32, #tpu.memory_space<hbm>> -> memref<1x40xi32, #tpu.memory_space<hbm>>
      %dma_wait3A_582 = tpu.memref_squeeze %dma_wait3A_581 : memref<1x40xi32, #tpu.memory_space<hbm>> -> memref<40xi32, #tpu.memory_space<hbm>>
      %dma_wait3A_583 = arith.constant 0 : i32
      %dma_wait3A_584 = tpu.memref_slice %arg12[%dma_wait3A_577, %dma_wait3A_583] : memref<2x40xi32, #tpu.memory_space<vmem>> -> memref<1x40xi32, #tpu.memory_space<vmem>>
      %dma_wait3A_585 = tpu.memref_squeeze %dma_wait3A_584 : memref<1x40xi32, #tpu.memory_space<vmem>> -> memref<40xi32, #tpu.memory_space<vmem>>
      %dma_wait3A_586 = tpu.memref_slice %arg6[%add3A_281, %mul3A_565] : memref<4x160000xi32, #tpu.memory_space<hbm>> -> memref<1x40xi32, #tpu.memory_space<hbm>>
      %dma_wait3A_587 = tpu.memref_squeeze %dma_wait3A_586 : memref<1x40xi32, #tpu.memory_space<hbm>> -> memref<40xi32, #tpu.memory_space<hbm>>
      tpu.wait_dma2 semaphore(%arg23 : memref<!tpu.dma_semaphore, #tpu.memory_space<semaphore_mem>>) src(%dma_wait3A_587 : memref<40xi32, #tpu.memory_space<hbm>>) dst(%dma_wait3A_585 : memref<40xi32, #tpu.memory_space<vmem>>)
      %dma_wait3A_588 = arith.constant 0 : i32
      %dma_wait3A_589 = arith.constant 0 : i32
      %dma_wait3A_590 = tpu.memref_slice %arg10[%dma_wait3A_588, %dma_wait3A_589] : memref<2x40xi32, #tpu.memory_space<vmem>> -> memref<1x40xi32, #tpu.memory_space<vmem>>
      %dma_wait3A_591 = tpu.memref_squeeze %dma_wait3A_590 : memref<1x40xi32, #tpu.memory_space<vmem>> -> memref<40xi32, #tpu.memory_space<vmem>>
      %dma_wait3A_592 = tpu.memref_slice %arg7[%mul3A_565] : memref<160000xi32, #tpu.memory_space<hbm>> -> memref<40xi32, #tpu.memory_space<hbm>>
      %dma_wait3A_593 = arith.constant 0 : i32
      %dma_wait3A_594 = tpu.memref_slice %arg10[%dma_wait3A_588, %dma_wait3A_593] : memref<2x40xi32, #tpu.memory_space<vmem>> -> memref<1x40xi32, #tpu.memory_space<vmem>>
      %dma_wait3A_595 = tpu.memref_squeeze %dma_wait3A_594 : memref<1x40xi32, #tpu.memory_space<vmem>> -> memref<40xi32, #tpu.memory_space<vmem>>
      %dma_wait3A_596 = tpu.memref_slice %arg7[%mul3A_565] : memref<160000xi32, #tpu.memory_space<hbm>> -> memref<40xi32, #tpu.memory_space<hbm>>
      tpu.wait_dma2 semaphore(%arg24 : memref<!tpu.dma_semaphore, #tpu.memory_space<semaphore_mem>>) src(%dma_wait3A_596 : memref<40xi32, #tpu.memory_space<hbm>>) dst(%dma_wait3A_595 : memref<40xi32, #tpu.memory_space<vmem>>)
      %dma_wait3A_597 = arith.constant 0 : i32
      %dma_wait3A_598 = arith.constant 0 : i32
      %dma_wait3A_599 = arith.constant 0 : i32
      %dma_wait3A_600 = tpu.memref_slice %arg13[%dma_wait3A_597, %dma_wait3A_598, %dma_wait3A_599] : memref<2x40x48xf32, #tpu.memory_space<vmem>> -> memref<1x40x48xf32, #tpu.memory_space<vmem>>
      %dma_wait3A_601 = tpu.memref_squeeze %dma_wait3A_600 : memref<1x40x48xf32, #tpu.memory_space<vmem>> -> memref<40x48xf32, #tpu.memory_space<vmem>>
      %dma_wait3A_602 = arith.constant 0 : i32
      %dma_wait3A_603 = tpu.memref_slice %arg8[%mul3A_565, %dma_wait3A_602] : memref<160000x48xf32, #tpu.memory_space<hbm>> -> memref<40x48xf32, #tpu.memory_space<hbm>>
      %dma_wait3A_604 = arith.constant 0 : i32
      %dma_wait3A_605 = arith.constant 0 : i32
      %dma_wait3A_606 = tpu.memref_slice %arg13[%dma_wait3A_597, %dma_wait3A_604, %dma_wait3A_605] : memref<2x40x48xf32, #tpu.memory_space<vmem>> -> memref<1x40x48xf32, #tpu.memory_space<vmem>>
      %dma_wait3A_607 = tpu.memref_squeeze %dma_wait3A_606 : memref<1x40x48xf32, #tpu.memory_space<vmem>> -> memref<40x48xf32, #tpu.memory_space<vmem>>
      %dma_wait3A_608 = arith.constant 0 : i32
      %dma_wait3A_609 = tpu.memref_slice %arg8[%mul3A_565, %dma_wait3A_608] : memref<160000x48xf32, #tpu.memory_space<hbm>> -> memref<40x48xf32, #tpu.memory_space<hbm>>
      tpu.wait_dma2 semaphore(%arg25 : memref<!tpu.dma_semaphore, #tpu.memory_space<semaphore_mem>>) src(%dma_wait3A_609 : memref<40x48xf32, #tpu.memory_space<hbm>>) dst(%dma_wait3A_607 : memref<40x48xf32, #tpu.memory_space<vmem>>)
      %dma_wait3A_610 = arith.constant 0 : i32
      %dma_wait3A_611 = arith.constant 0 : i32
      %dma_wait3A_612 = arith.constant 0 : i32
      %dma_wait3A_613 = tpu.memref_slice %arg14[%dma_wait3A_610, %dma_wait3A_611, %dma_wait3A_612] : memref<2x40x96xf32, #tpu.memory_space<vmem>> -> memref<1x40x96xf32, #tpu.memory_space<vmem>>
      %dma_wait3A_614 = tpu.memref_squeeze %dma_wait3A_613 : memref<1x40x96xf32, #tpu.memory_space<vmem>> -> memref<40x96xf32, #tpu.memory_space<vmem>>
      %dma_wait3A_615 = arith.constant 0 : i32
      %dma_wait3A_616 = tpu.memref_slice %arg4[%add3A_281, %mul3A_565, %dma_wait3A_615] : memref<4x160000x96xf32, #tpu.memory_space<hbm>> -> memref<1x40x96xf32, #tpu.memory_space<hbm>>
      %dma_wait3A_617 = tpu.memref_squeeze %dma_wait3A_616 : memref<1x40x96xf32, #tpu.memory_space<hbm>> -> memref<40x96xf32, #tpu.memory_space<hbm>>
      %dma_wait3A_618 = arith.constant 0 : i32
      %dma_wait3A_619 = arith.constant 0 : i32
      %dma_wait3A_620 = tpu.memref_slice %arg14[%dma_wait3A_610, %dma_wait3A_618, %dma_wait3A_619] : memref<2x40x96xf32, #tpu.memory_space<vmem>> -> memref<1x40x96xf32, #tpu.memory_space<vmem>>
      %dma_wait3A_621 = tpu.memref_squeeze %dma_wait3A_620 : memref<1x40x96xf32, #tpu.memory_space<vmem>> -> memref<40x96xf32, #tpu.memory_space<vmem>>
      %dma_wait3A_622 = arith.constant 0 : i32
      %dma_wait3A_623 = tpu.memref_slice %arg4[%add3A_281, %mul3A_565, %dma_wait3A_622] : memref<4x160000x96xf32, #tpu.memory_space<hbm>> -> memref<1x40x96xf32, #tpu.memory_space<hbm>>
      %dma_wait3A_624 = tpu.memref_squeeze %dma_wait3A_623 : memref<1x40x96xf32, #tpu.memory_space<hbm>> -> memref<40x96xf32, #tpu.memory_space<hbm>>
      tpu.wait_dma2 semaphore(%arg26 : memref<!tpu.dma_semaphore, #tpu.memory_space<semaphore_mem>>) src(%dma_wait3A_624 : memref<40x96xf32, #tpu.memory_space<hbm>>) dst(%dma_wait3A_621 : memref<40x96xf32, #tpu.memory_space<vmem>>)
      %dma_start3A_625 = arith.constant 0 : i32
      %dma_start3A_626 = arith.constant 0 : i32
      %dma_start3A_627 = tpu.memref_slice %arg11[%dma_start3A_625, %dma_start3A_626] : memref<2x40xi32, #tpu.memory_space<vmem>> -> memref<1x40xi32, #tpu.memory_space<vmem>>
      %dma_start3A_628 = tpu.memref_squeeze %dma_start3A_627 : memref<1x40xi32, #tpu.memory_space<vmem>> -> memref<40xi32, #tpu.memory_space<vmem>>
      %dma_start3A_629 = arith.constant 0 : i32
      %dma_start3A_630 = arith.constant 0 : i32
      %dma_start3A_631 = tpu.memref_slice %arg2[%dma_start3A_629, %dma_start3A_630] : memref<40960x384xf32, #tpu.memory_space<hbm>> -> memref<40960x384xf32, #tpu.memory_space<hbm>>
      tpu.enqueue_indirect_dma source(%dma_start3A_631 : memref<40960x384xf32, #tpu.memory_space<hbm>>) target(%arg15 : memref<40x384xf32, #tpu.memory_space<vmem>>) offsets(%dma_start3A_628 : memref<40xi32, #tpu.memory_space<vmem>>) semaphore(%arg20 : memref<!tpu.dma_semaphore, #tpu.memory_space<semaphore_mem>>)
      %dma_start3A_632 = arith.constant 0 : i32
      %dma_start3A_633 = arith.constant 0 : i32
      %dma_start3A_634 = tpu.memref_slice %arg12[%dma_start3A_632, %dma_start3A_633] : memref<2x40xi32, #tpu.memory_space<vmem>> -> memref<1x40xi32, #tpu.memory_space<vmem>>
      %dma_start3A_635 = tpu.memref_squeeze %dma_start3A_634 : memref<1x40xi32, #tpu.memory_space<vmem>> -> memref<40xi32, #tpu.memory_space<vmem>>
      %dma_start3A_636 = arith.constant 0 : i32
      %dma_start3A_637 = arith.constant 0 : i32
      %dma_start3A_638 = tpu.memref_slice %arg3[%dma_start3A_636, %dma_start3A_637] : memref<40960x128xf32, #tpu.memory_space<hbm>> -> memref<40960x128xf32, #tpu.memory_space<hbm>>
      tpu.enqueue_indirect_dma source(%dma_start3A_638 : memref<40960x128xf32, #tpu.memory_space<hbm>>) target(%arg16 : memref<40x128xf32, #tpu.memory_space<vmem>>) offsets(%dma_start3A_635 : memref<40xi32, #tpu.memory_space<vmem>>) semaphore(%arg21 : memref<!tpu.dma_semaphore, #tpu.memory_space<semaphore_mem>>)
      %dma_wait3A_639 = arith.constant 0 : i32
      %dma_wait3A_640 = arith.constant 0 : i32
      %dma_wait3A_641 = tpu.memref_slice %arg11[%dma_wait3A_639, %dma_wait3A_640] : memref<2x40xi32, #tpu.memory_space<vmem>> -> memref<1x40xi32, #tpu.memory_space<vmem>>
      %dma_wait3A_642 = tpu.memref_squeeze %dma_wait3A_641 : memref<1x40xi32, #tpu.memory_space<vmem>> -> memref<40xi32, #tpu.memory_space<vmem>>
      %dma_wait3A_643 = arith.constant 0 : i32
      %dma_wait3A_644 = arith.constant 0 : i32
      %dma_wait3A_645 = tpu.memref_slice %arg2[%dma_wait3A_643, %dma_wait3A_644] : memref<40960x384xf32, #tpu.memory_space<hbm>> -> memref<40960x384xf32, #tpu.memory_space<hbm>>
      tpu.wait_indirect_dma semaphore(%arg20 : memref<!tpu.dma_semaphore, #tpu.memory_space<semaphore_mem>>) src(%dma_wait3A_645 : memref<40960x384xf32, #tpu.memory_space<hbm>>) dst(%arg15 : memref<40x384xf32, #tpu.memory_space<vmem>>)
      %dma_wait3A_646 = arith.constant 0 : i32
      %dma_wait3A_647 = arith.constant 0 : i32
      %dma_wait3A_648 = tpu.memref_slice %arg12[%dma_wait3A_646, %dma_wait3A_647] : memref<2x40xi32, #tpu.memory_space<vmem>> -> memref<1x40xi32, #tpu.memory_space<vmem>>
      %dma_wait3A_649 = tpu.memref_squeeze %dma_wait3A_648 : memref<1x40xi32, #tpu.memory_space<vmem>> -> memref<40xi32, #tpu.memory_space<vmem>>
      %dma_wait3A_650 = arith.constant 0 : i32
      %dma_wait3A_651 = arith.constant 0 : i32
      %dma_wait3A_652 = tpu.memref_slice %arg3[%dma_wait3A_650, %dma_wait3A_651] : memref<40960x128xf32, #tpu.memory_space<hbm>> -> memref<40960x128xf32, #tpu.memory_space<hbm>>
      tpu.wait_indirect_dma semaphore(%arg21 : memref<!tpu.dma_semaphore, #tpu.memory_space<semaphore_mem>>) src(%dma_wait3A_652 : memref<40960x128xf32, #tpu.memory_space<hbm>>) dst(%arg16 : memref<40x128xf32, #tpu.memory_space<vmem>>)
      %scan3A_653 = arith.constant 0 : i32
      %scan3A_654 = arith.constant 0 : i32
      %scan3A_655 = arith.constant 40 : i32
      %scan3A_656 = arith.addi %scan3A_654, %scan3A_655 : i32
      %scan3A_657 = arith.constant 1 : i32
      %scan3A_658 = scf.for %scan3A_900 = %scan3A_654 to %scan3A_656 step %scan3A_657 iter_args(%scan3A_901 = %scan3A_653) -> (i32)  : i32 {
        %get3A = arith.index_cast %scan3A_900 : i32 to index
        %get3A_902 = arith.constant 0 : index
        %get3A_903 = tpu.vector_load %arg15[%get3A, %get3A_902] {strides = array<i32>} : memref<40x384xf32, #tpu.memory_space<vmem>>, vector<1x16xf32>,
        %get3A_904 = vector.shape_cast %get3A_903 : vector<1x16xf32> to vector<16xf32>
        %get3A_905 = arith.index_cast %scan3A_900 : i32 to index
        %get3A_906 = arith.constant 96 : index
        %get3A_907 = tpu.vector_load %arg15[%get3A_905, %get3A_906] {strides = array<i32>} : memref<40x384xf32, #tpu.memory_space<vmem>>, vector<1x16xf32>,
        %get3A_908 = vector.shape_cast %get3A_907 : vector<1x16xf32> to vector<16xf32>
        %get3A_909 = arith.index_cast %scan3A_900 : i32 to index
        %get3A_910 = arith.constant 0 : index
        %get3A_911 = tpu.vector_load %arg16[%get3A_909, %get3A_910] {strides = array<i32>} : memref<40x128xf32, #tpu.memory_space<vmem>>, vector<1x16xf32>,
        %get3A_912 = vector.shape_cast %get3A_911 : vector<1x16xf32> to vector<16xf32>
        %get3A_913 = arith.constant 0 : i32
        %get3A_914 = arith.index_cast %get3A_913 : i32 to index
        %get3A_915 = arith.index_cast %scan3A_900 : i32 to index
        %get3A_916 = arith.constant 0 : index
        %get3A_917 = tpu.vector_load %arg14[%get3A_914, %get3A_915, %get3A_916] {strides = array<i32>} : memref<2x40x96xf32, #tpu.memory_space<vmem>>, vector<1x1x16xf32>,
        %get3A_918 = vector.shape_cast %get3A_917 : vector<1x1x16xf32> to vector<16xf32>
        %add3A_919 = arith.addf %get3A_908, %get3A_912 : vector<16xf32>
        %mul3A_920 = arith.mulf %get3A_904, %add3A_919 : vector<16xf32>
        %mul3A_921 = arith.mulf %mul3A_920, %get3A_918 : vector<16xf32>
        %get3A_922 = arith.index_cast %scan3A_900 : i32 to index
        %get3A_923 = arith.constant 16 : index
        %get3A_924 = tpu.vector_load %arg15[%get3A_922, %get3A_923] {strides = array<i32>} : memref<40x384xf32, #tpu.memory_space<vmem>>, vector<1x16xf32>,
        %get3A_925 = vector.shape_cast %get3A_924 : vector<1x16xf32> to vector<16xf32>
        %get3A_926 = arith.index_cast %scan3A_900 : i32 to index
        %get3A_927 = arith.constant 112 : index
        %get3A_928 = tpu.vector_load %arg15[%get3A_926, %get3A_927] {strides = array<i32>} : memref<40x384xf32, #tpu.memory_space<vmem>>, vector<1x16xf32>,
        %get3A_929 = vector.shape_cast %get3A_928 : vector<1x16xf32> to vector<16xf32>
        %get3A_930 = arith.index_cast %scan3A_900 : i32 to index
        %get3A_931 = arith.constant 16 : index
        %get3A_932 = tpu.vector_load %arg16[%get3A_930, %get3A_931] {strides = array<i32>} : memref<40x128xf32, #tpu.memory_space<vmem>>, vector<1x16xf32>,
        %get3A_933 = vector.shape_cast %get3A_932 : vector<1x16xf32> to vector<16xf32>
        %get3A_934 = arith.constant 0 : i32
        %get3A_935 = arith.index_cast %get3A_934 : i32 to index
        %get3A_936 = arith.index_cast %scan3A_900 : i32 to index
        %get3A_937 = arith.constant 16 : index
        %get3A_938 = tpu.vector_load %arg14[%get3A_935, %get3A_936, %get3A_937] {strides = array<i32>} : memref<2x40x96xf32, #tpu.memory_space<vmem>>, vector<1x1x16xf32>,
        %get3A_939 = vector.shape_cast %get3A_938 : vector<1x1x16xf32> to vector<16xf32>
        %add3A_940 = arith.addf %get3A_929, %get3A_933 : vector<16xf32>
        %mul3A_941 = arith.mulf %get3A_925, %add3A_940 : vector<16xf32>
        %mul3A_942 = arith.mulf %mul3A_941, %get3A_939 : vector<16xf32>
        %get3A_943 = arith.index_cast %scan3A_900 : i32 to index
        %get3A_944 = arith.constant 32 : index
        %get3A_945 = tpu.vector_load %arg15[%get3A_943, %get3A_944] {strides = array<i32>} : memref<40x384xf32, #tpu.memory_space<vmem>>, vector<1x16xf32>,
        %get3A_946 = vector.shape_cast %get3A_945 : vector<1x16xf32> to vector<16xf32>
        %get3A_947 = arith.index_cast %scan3A_900 : i32 to index
        %get3A_948 = arith.constant 128 : index
        %get3A_949 = tpu.vector_load %arg15[%get3A_947, %get3A_948] {strides = array<i32>} : memref<40x384xf32, #tpu.memory_space<vmem>>, vector<1x16xf32>,
        %get3A_950 = vector.shape_cast %get3A_949 : vector<1x16xf32> to vector<16xf32>
        %get3A_951 = arith.index_cast %scan3A_900 : i32 to index
        %get3A_952 = arith.constant 32 : index
        %get3A_953 = tpu.vector_load %arg16[%get3A_951, %get3A_952] {strides = array<i32>} : memref<40x128xf32, #tpu.memory_space<vmem>>, vector<1x16xf32>,
        %get3A_954 = vector.shape_cast %get3A_953 : vector<1x16xf32> to vector<16xf32>
        %get3A_955 = arith.constant 0 : i32
        %get3A_956 = arith.index_cast %get3A_955 : i32 to index
        %get3A_957 = arith.index_cast %scan3A_900 : i32 to index
        %get3A_958 = arith.constant 32 : index
        %get3A_959 = tpu.vector_load %arg14[%get3A_956, %get3A_957, %get3A_958] {strides = array<i32>} : memref<2x40x96xf32, #tpu.memory_space<vmem>>, vector<1x1x16xf32>,
        %get3A_960 = vector.shape_cast %get3A_959 : vector<1x1x16xf32> to vector<16xf32>
        %add3A_961 = arith.addf %get3A_950, %get3A_954 : vector<16xf32>
        %mul3A_962 = arith.mulf %get3A_946, %add3A_961 : vector<16xf32>
        %mul3A_963 = arith.mulf %mul3A_962, %get3A_960 : vector<16xf32>
        %get3A_964 = arith.index_cast %scan3A_900 : i32 to index
        %get3A_965 = arith.constant 48 : index
        %get3A_966 = tpu.vector_load %arg15[%get3A_964, %get3A_965] {strides = array<i32>} : memref<40x384xf32, #tpu.memory_space<vmem>>, vector<1x16xf32>,
        %get3A_967 = vector.shape_cast %get3A_966 : vector<1x16xf32> to vector<16xf32>
        %get3A_968 = arith.index_cast %scan3A_900 : i32 to index
        %get3A_969 = arith.constant 144 : index
        %get3A_970 = tpu.vector_load %arg15[%get3A_968, %get3A_969] {strides = array<i32>} : memref<40x384xf32, #tpu.memory_space<vmem>>, vector<1x16xf32>,
        %get3A_971 = vector.shape_cast %get3A_970 : vector<1x16xf32> to vector<16xf32>
        %get3A_972 = arith.index_cast %scan3A_900 : i32 to index
        %get3A_973 = arith.constant 48 : index
        %get3A_974 = tpu.vector_load %arg16[%get3A_972, %get3A_973] {strides = array<i32>} : memref<40x128xf32, #tpu.memory_space<vmem>>, vector<1x16xf32>,
        %get3A_975 = vector.shape_cast %get3A_974 : vector<1x16xf32> to vector<16xf32>
        %get3A_976 = arith.constant 0 : i32
        %get3A_977 = arith.index_cast %get3A_976 : i32 to index
        %get3A_978 = arith.index_cast %scan3A_900 : i32 to index
        %get3A_979 = arith.constant 48 : index
        %get3A_980 = tpu.vector_load %arg14[%get3A_977, %get3A_978, %get3A_979] {strides = array<i32>} : memref<2x40x96xf32, #tpu.memory_space<vmem>>, vector<1x1x16xf32>,
        %get3A_981 = vector.shape_cast %get3A_980 : vector<1x1x16xf32> to vector<16xf32>
        %add3A_982 = arith.addf %get3A_971, %get3A_975 : vector<16xf32>
        %mul3A_983 = arith.mulf %get3A_967, %add3A_982 : vector<16xf32>
        %mul3A_984 = arith.mulf %mul3A_983, %get3A_981 : vector<16xf32>
        %get3A_985 = arith.index_cast %scan3A_900 : i32 to index
        %get3A_986 = arith.constant 64 : index
        %get3A_987 = tpu.vector_load %arg15[%get3A_985, %get3A_986] {strides = array<i32>} : memref<40x384xf32, #tpu.memory_space<vmem>>, vector<1x16xf32>,
        %get3A_988 = vector.shape_cast %get3A_987 : vector<1x16xf32> to vector<16xf32>
        %get3A_989 = arith.index_cast %scan3A_900 : i32 to index
        %get3A_990 = arith.constant 160 : index
        %get3A_991 = tpu.vector_load %arg15[%get3A_989, %get3A_990] {strides = array<i32>} : memref<40x384xf32, #tpu.memory_space<vmem>>, vector<1x16xf32>,
        %get3A_992 = vector.shape_cast %get3A_991 : vector<1x16xf32> to vector<16xf32>
        %get3A_993 = arith.index_cast %scan3A_900 : i32 to index
        %get3A_994 = arith.constant 64 : index
        %get3A_995 = tpu.vector_load %arg16[%get3A_993, %get3A_994] {strides = array<i32>} : memref<40x128xf32, #tpu.memory_space<vmem>>, vector<1x16xf32>,
        %get3A_996 = vector.shape_cast %get3A_995 : vector<1x16xf32> to vector<16xf32>
        %get3A_997 = arith.constant 0 : i32
        %get3A_998 = arith.index_cast %get3A_997 : i32 to index
        %get3A_999 = arith.index_cast %scan3A_900 : i32 to index
        %get3A_1000 = arith.constant 64 : index
        %get3A_1001 = tpu.vector_load %arg14[%get3A_998, %get3A_999, %get3A_1000] {strides = array<i32>} : memref<2x40x96xf32, #tpu.memory_space<vmem>>, vector<1x1x16xf32>,
        %get3A_1002 = vector.shape_cast %get3A_1001 : vector<1x1x16xf32> to vector<16xf32>
        %add3A_1003 = arith.addf %get3A_992, %get3A_996 : vector<16xf32>
        %mul3A_1004 = arith.mulf %get3A_988, %add3A_1003 : vector<16xf32>
        %mul3A_1005 = arith.mulf %mul3A_1004, %get3A_1002 : vector<16xf32>
        %get3A_1006 = arith.index_cast %scan3A_900 : i32 to index
        %get3A_1007 = arith.constant 80 : index
        %get3A_1008 = tpu.vector_load %arg15[%get3A_1006, %get3A_1007] {strides = array<i32>} : memref<40x384xf32, #tpu.memory_space<vmem>>, vector<1x16xf32>,
        %get3A_1009 = vector.shape_cast %get3A_1008 : vector<1x16xf32> to vector<16xf32>
        %get3A_1010 = arith.index_cast %scan3A_900 : i32 to index
        %get3A_1011 = arith.constant 176 : index
        %get3A_1012 = tpu.vector_load %arg15[%get3A_1010, %get3A_1011] {strides = array<i32>} : memref<40x384xf32, #tpu.memory_space<vmem>>, vector<1x16xf32>,
        %get3A_1013 = vector.shape_cast %get3A_1012 : vector<1x16xf32> to vector<16xf32>
        %get3A_1014 = arith.index_cast %scan3A_900 : i32 to index
        %get3A_1015 = arith.constant 80 : index
        %get3A_1016 = tpu.vector_load %arg16[%get3A_1014, %get3A_1015] {strides = array<i32>} : memref<40x128xf32, #tpu.memory_space<vmem>>, vector<1x16xf32>,
        %get3A_1017 = vector.shape_cast %get3A_1016 : vector<1x16xf32> to vector<16xf32>
        %get3A_1018 = arith.constant 0 : i32
        %get3A_1019 = arith.index_cast %get3A_1018 : i32 to index
        %get3A_1020 = arith.index_cast %scan3A_900 : i32 to index
        %get3A_1021 = arith.constant 80 : index
        %get3A_1022 = tpu.vector_load %arg14[%get3A_1019, %get3A_1020, %get3A_1021] {strides = array<i32>} : memref<2x40x96xf32, #tpu.memory_space<vmem>>, vector<1x1x16xf32>,
        %get3A_1023 = vector.shape_cast %get3A_1022 : vector<1x1x16xf32> to vector<16xf32>
        %add3A_1024 = arith.addf %get3A_1013, %get3A_1017 : vector<16xf32>
        %mul3A_1025 = arith.mulf %get3A_1009, %add3A_1024 : vector<16xf32>
        %mul3A_1026 = arith.mulf %mul3A_1025, %get3A_1023 : vector<16xf32>
        %get3A_1027 = arith.constant 0 : i32
        %get3A_1028 = arith.index_cast %get3A_1027 : i32 to index
        %get3A_1029 = arith.index_cast %scan3A_900 : i32 to index
        %get3A_1030 = arith.constant 0 : index
        %get3A_1031 = tpu.vector_load %arg13[%get3A_1028, %get3A_1029, %get3A_1030] {strides = array<i32>} : memref<2x40x48xf32, #tpu.memory_space<vmem>>, vector<1x1x16xf32>,
        %get3A_1032 = vector.shape_cast %get3A_1031 : vector<1x1x16xf32> to vector<16xf32>
        %get3A_1033 = arith.index_cast %scan3A_900 : i32 to index
        %get3A_1034 = arith.constant 192 : index
        %get3A_1035 = tpu.vector_load %arg15[%get3A_1033, %get3A_1034] {strides = array<i32>} : memref<40x384xf32, #tpu.memory_space<vmem>>, vector<1x16xf32>,
        %get3A_1036 = vector.shape_cast %get3A_1035 : vector<1x16xf32> to vector<16xf32>
        %mul3A_1037 = arith.mulf %mul3A_921, %get3A_1036 : vector<16xf32>
        %mul3A_1038 = arith.mulf %mul3A_963, %get3A_1032 : vector<16xf32>
        %add3A_1039 = arith.addf %mul3A_1037, %mul3A_1038 : vector<16xf32>
        %swap3A = arith.index_cast %scan3A_900 : i32 to index
        %swap3A_1040 = arith.constant 0 : index
        %swap3A_1041 = tpu.vector_load %arg17[%swap3A, %swap3A_1040] {strides = array<i32>} : memref<40x128xf32, #tpu.memory_space<vmem>>, vector<1x16xf32>,
        %swap3A_1042 = vector.shape_cast %swap3A_1041 : vector<1x16xf32> to vector<16xf32>
        %swap3A_1043 = vector.shape_cast %add3A_1039 : vector<16xf32> to vector<1x16xf32>
        tpu.vector_store %arg17[%swap3A, %swap3A_1040], %swap3A_1043 {strides = array<i32>} : memref<40x128xf32, #tpu.memory_space<vmem>>, vector<1x16xf32>,
        %get3A_1044 = arith.index_cast %scan3A_900 : i32 to index
        %get3A_1045 = arith.constant 208 : index
        %get3A_1046 = tpu.vector_load %arg15[%get3A_1044, %get3A_1045] {strides = array<i32>} : memref<40x384xf32, #tpu.memory_space<vmem>>, vector<1x16xf32>,
        %get3A_1047 = vector.shape_cast %get3A_1046 : vector<1x16xf32> to vector<16xf32>
        %mul3A_1048 = arith.mulf %mul3A_942, %get3A_1047 : vector<16xf32>
        %mul3A_1049 = arith.mulf %mul3A_984, %get3A_1032 : vector<16xf32>
        %add3A_1050 = arith.addf %mul3A_1048, %mul3A_1049 : vector<16xf32>
        %swap3A_1051 = arith.index_cast %scan3A_900 : i32 to index
        %swap3A_1052 = arith.constant 16 : index
        %swap3A_1053 = tpu.vector_load %arg17[%swap3A_1051, %swap3A_1052] {strides = array<i32>} : memref<40x128xf32, #tpu.memory_space<vmem>>, vector<1x16xf32>,
        %swap3A_1054 = vector.shape_cast %swap3A_1053 : vector<1x16xf32> to vector<16xf32>
        %swap3A_1055 = vector.shape_cast %add3A_1050 : vector<16xf32> to vector<1x16xf32>
        tpu.vector_store %arg17[%swap3A_1051, %swap3A_1052], %swap3A_1055 {strides = array<i32>} : memref<40x128xf32, #tpu.memory_space<vmem>>, vector<1x16xf32>,
        %get3A_1056 = arith.constant 0 : i32
        %get3A_1057 = arith.index_cast %get3A_1056 : i32 to index
        %get3A_1058 = arith.index_cast %scan3A_900 : i32 to index
        %get3A_1059 = arith.constant 16 : index
        %get3A_1060 = tpu.vector_load %arg13[%get3A_1057, %get3A_1058, %get3A_1059] {strides = array<i32>} : memref<2x40x48xf32, #tpu.memory_space<vmem>>, vector<1x1x16xf32>,
        %get3A_1061 = vector.shape_cast %get3A_1060 : vector<1x1x16xf32> to vector<16xf32>
        %get3A_1062 = arith.index_cast %scan3A_900 : i32 to index
        %get3A_1063 = arith.constant 224 : index
        %get3A_1064 = tpu.vector_load %arg15[%get3A_1062, %get3A_1063] {strides = array<i32>} : memref<40x384xf32, #tpu.memory_space<vmem>>, vector<1x16xf32>,
        %get3A_1065 = vector.shape_cast %get3A_1064 : vector<1x16xf32> to vector<16xf32>
        %mul3A_1066 = arith.mulf %mul3A_921, %get3A_1065 : vector<16xf32>
        %mul3A_1067 = arith.mulf %mul3A_963, %get3A_1061 : vector<16xf32>
        %add3A_1068 = arith.addf %mul3A_1066, %mul3A_1067 : vector<16xf32>
        %swap3A_1069 = arith.index_cast %scan3A_900 : i32 to index
        %swap3A_1070 = arith.constant 32 : index
        %swap3A_1071 = tpu.vector_load %arg17[%swap3A_1069, %swap3A_1070] {strides = array<i32>} : memref<40x128xf32, #tpu.memory_space<vmem>>, vector<1x16xf32>,
        %swap3A_1072 = vector.shape_cast %swap3A_1071 : vector<1x16xf32> to vector<16xf32>
        %swap3A_1073 = vector.shape_cast %add3A_1068 : vector<16xf32> to vector<1x16xf32>
        tpu.vector_store %arg17[%swap3A_1069, %swap3A_1070], %swap3A_1073 {strides = array<i32>} : memref<40x128xf32, #tpu.memory_space<vmem>>, vector<1x16xf32>,
        %get3A_1074 = arith.index_cast %scan3A_900 : i32 to index
        %get3A_1075 = arith.constant 240 : index
        %get3A_1076 = tpu.vector_load %arg15[%get3A_1074, %get3A_1075] {strides = array<i32>} : memref<40x384xf32, #tpu.memory_space<vmem>>, vector<1x16xf32>,
        %get3A_1077 = vector.shape_cast %get3A_1076 : vector<1x16xf32> to vector<16xf32>
        %mul3A_1078 = arith.mulf %mul3A_942, %get3A_1077 : vector<16xf32>
        %mul3A_1079 = arith.mulf %mul3A_984, %get3A_1061 : vector<16xf32>
        %add3A_1080 = arith.addf %mul3A_1078, %mul3A_1079 : vector<16xf32>
        %swap3A_1081 = arith.index_cast %scan3A_900 : i32 to index
        %swap3A_1082 = arith.constant 48 : index
        %swap3A_1083 = tpu.vector_load %arg17[%swap3A_1081, %swap3A_1082] {strides = array<i32>} : memref<40x128xf32, #tpu.memory_space<vmem>>, vector<1x16xf32>,
        %swap3A_1084 = vector.shape_cast %swap3A_1083 : vector<1x16xf32> to vector<16xf32>
        %swap3A_1085 = vector.shape_cast %add3A_1080 : vector<16xf32> to vector<1x16xf32>
        tpu.vector_store %arg17[%swap3A_1081, %swap3A_1082], %swap3A_1085 {strides = array<i32>} : memref<40x128xf32, #tpu.memory_space<vmem>>, vector<1x16xf32>,
        %get3A_1086 = arith.constant 0 : i32
        %get3A_1087 = arith.index_cast %get3A_1086 : i32 to index
        %get3A_1088 = arith.index_cast %scan3A_900 : i32 to index
        %get3A_1089 = arith.constant 32 : index
        %get3A_1090 = tpu.vector_load %arg13[%get3A_1087, %get3A_1088, %get3A_1089] {strides = array<i32>} : memref<2x40x48xf32, #tpu.memory_space<vmem>>, vector<1x1x16xf32>,
        %get3A_1091 = vector.shape_cast %get3A_1090 : vector<1x1x16xf32> to vector<16xf32>
        %get3A_1092 = arith.index_cast %scan3A_900 : i32 to index
        %get3A_1093 = arith.constant 256 : index
        %get3A_1094 = tpu.vector_load %arg15[%get3A_1092, %get3A_1093] {strides = array<i32>} : memref<40x384xf32, #tpu.memory_space<vmem>>, vector<1x16xf32>,
        %get3A_1095 = vector.shape_cast %get3A_1094 : vector<1x16xf32> to vector<16xf32>
        %mul3A_1096 = arith.mulf %mul3A_921, %get3A_1095 : vector<16xf32>
        %mul3A_1097 = arith.mulf %mul3A_963, %get3A_1091 : vector<16xf32>
        %add3A_1098 = arith.addf %mul3A_1096, %mul3A_1097 : vector<16xf32>
        %swap3A_1099 = arith.index_cast %scan3A_900 : i32 to index
        %swap3A_1100 = arith.constant 64 : index
        %swap3A_1101 = tpu.vector_load %arg17[%swap3A_1099, %swap3A_1100] {strides = array<i32>} : memref<40x128xf32, #tpu.memory_space<vmem>>, vector<1x16xf32>,
        %swap3A_1102 = vector.shape_cast %swap3A_1101 : vector<1x16xf32> to vector<16xf32>
        %swap3A_1103 = vector.shape_cast %add3A_1098 : vector<16xf32> to vector<1x16xf32>
        tpu.vector_store %arg17[%swap3A_1099, %swap3A_1100], %swap3A_1103 {strides = array<i32>} : memref<40x128xf32, #tpu.memory_space<vmem>>, vector<1x16xf32>,
        %get3A_1104 = arith.index_cast %scan3A_900 : i32 to index
        %get3A_1105 = arith.constant 272 : index
        %get3A_1106 = tpu.vector_load %arg15[%get3A_1104, %get3A_1105] {strides = array<i32>} : memref<40x384xf32, #tpu.memory_space<vmem>>, vector<1x16xf32>,
        %get3A_1107 = vector.shape_cast %get3A_1106 : vector<1x16xf32> to vector<16xf32>
        %mul3A_1108 = arith.mulf %mul3A_942, %get3A_1107 : vector<16xf32>
        %mul3A_1109 = arith.mulf %mul3A_984, %get3A_1091 : vector<16xf32>
        %add3A_1110 = arith.addf %mul3A_1108, %mul3A_1109 : vector<16xf32>
        %swap3A_1111 = arith.index_cast %scan3A_900 : i32 to index
        %swap3A_1112 = arith.constant 80 : index
        %swap3A_1113 = tpu.vector_load %arg17[%swap3A_1111, %swap3A_1112] {strides = array<i32>} : memref<40x128xf32, #tpu.memory_space<vmem>>, vector<1x16xf32>,
        %swap3A_1114 = vector.shape_cast %swap3A_1113 : vector<1x16xf32> to vector<16xf32>
        %swap3A_1115 = vector.shape_cast %add3A_1110 : vector<16xf32> to vector<1x16xf32>
        tpu.vector_store %arg17[%swap3A_1111, %swap3A_1112], %swap3A_1115 {strides = array<i32>} : memref<40x128xf32, #tpu.memory_space<vmem>>, vector<1x16xf32>,
        %swap3A_1116 = arith.index_cast %scan3A_900 : i32 to index
        %swap3A_1117 = arith.constant 96 : index
        %swap3A_1118 = tpu.vector_load %arg17[%swap3A_1116, %swap3A_1117] {strides = array<i32>} : memref<40x128xf32, #tpu.memory_space<vmem>>, vector<1x16xf32>,
        %swap3A_1119 = vector.shape_cast %swap3A_1118 : vector<1x16xf32> to vector<16xf32>
        %swap3A_1120 = vector.shape_cast %mul3A_1005 : vector<16xf32> to vector<1x16xf32>
        tpu.vector_store %arg17[%swap3A_1116, %swap3A_1117], %swap3A_1120 {strides = array<i32>} : memref<40x128xf32, #tpu.memory_space<vmem>>, vector<1x16xf32>,
        %swap3A_1121 = arith.index_cast %scan3A_900 : i32 to index
        %swap3A_1122 = arith.constant 112 : index
        %swap3A_1123 = tpu.vector_load %arg17[%swap3A_1121, %swap3A_1122] {strides = array<i32>} : memref<40x128xf32, #tpu.memory_space<vmem>>, vector<1x16xf32>,
        %swap3A_1124 = vector.shape_cast %swap3A_1123 : vector<1x16xf32> to vector<16xf32>
        %swap3A_1125 = vector.shape_cast %mul3A_1026 : vector<16xf32> to vector<1x16xf32>
        tpu.vector_store %arg17[%swap3A_1121, %swap3A_1122], %swap3A_1125 {strides = array<i32>} : memref<40x128xf32, #tpu.memory_space<vmem>>, vector<1x16xf32>,
        %scan3A_1126 = arith.constant 0 : i32
        scf.yield %scan3A_1126 : i32
      }
      %scan3A_659 = arith.constant 40 : i32
      %run_scoped3A = arith.constant 0 : i32
      "tpu.region"() ({
        %run_scoped3A_900 = tpu.sem_alloc : memref<!tpu.dma_semaphore, #tpu.memory_space<semaphore_mem>>
        %dma_start3A_901 = arith.constant 0 : i32
        %dma_start3A_902 = tpu.memref_slice %arg10[%run_scoped3A, %dma_start3A_901] : memref<2x40xi32, #tpu.memory_space<vmem>> -> memref<1x40xi32, #tpu.memory_space<vmem>>
        %dma_start3A_903 = tpu.memref_squeeze %dma_start3A_902 : memref<1x40xi32, #tpu.memory_space<vmem>> -> memref<40xi32, #tpu.memory_space<vmem>>
        %dma_start3A_904 = arith.constant 0 : i32
        %dma_start3A_905 = arith.constant 0 : i32
        %dma_start3A_906 = tpu.memref_slice %arg19[%dma_start3A_904, %dma_start3A_905] : memref<10112x128xf32, #tpu.memory_space<vmem_shared>> -> memref<10112x128xf32, #tpu.memory_space<vmem_shared>>
        tpu.enqueue_indirect_dma source(%arg17 : memref<40x128xf32, #tpu.memory_space<vmem>>) target(%dma_start3A_906 : memref<10112x128xf32, #tpu.memory_space<vmem_shared>>) offsets(%dma_start3A_903 : memref<40xi32, #tpu.memory_space<vmem>>) semaphore(%run_scoped3A_900 : memref<!tpu.dma_semaphore, #tpu.memory_space<semaphore_mem>>) {add = true}
        %dma_wait3A_907 = arith.constant 0 : i32
        %dma_wait3A_908 = tpu.memref_slice %arg10[%run_scoped3A, %dma_wait3A_907] : memref<2x40xi32, #tpu.memory_space<vmem>> -> memref<1x40xi32, #tpu.memory_space<vmem>>
        %dma_wait3A_909 = tpu.memref_squeeze %dma_wait3A_908 : memref<1x40xi32, #tpu.memory_space<vmem>> -> memref<40xi32, #tpu.memory_space<vmem>>
        %dma_wait3A_910 = arith.constant 0 : i32
        %dma_wait3A_911 = arith.constant 0 : i32
        %dma_wait3A_912 = tpu.memref_slice %arg19[%dma_wait3A_910, %dma_wait3A_911] : memref<10112x128xf32, #tpu.memory_space<vmem_shared>> -> memref<10112x128xf32, #tpu.memory_space<vmem_shared>>
        tpu.wait_indirect_dma semaphore(%run_scoped3A_900 : memref<!tpu.dma_semaphore, #tpu.memory_space<semaphore_mem>>) src(%arg17 : memref<40x128xf32, #tpu.memory_space<vmem>>) dst(%dma_wait3A_912 : memref<10112x128xf32, #tpu.memory_space<vmem_shared>>)
        tpu.yield
      }) : () -> ()
      %add3A_660 = arith.constant 2 : i32
      %add3A_661 = arith.addi %add3A_560, %add3A_660 : i32
      %min3A = arith.constant 249 : i32
      %min3A_662 = arith.minsi %add3A_661, %min3A : i32
      %mul3A_663 = arith.constant 16 : i32
      %mul3A_664 = arith.muli %min3A_662, %mul3A_663 : i32
      %add3A_665 = arith.addi %arg1, %mul3A_664 : i32
      %mul3A_666 = arith.constant 40 : i32
      %mul3A_667 = arith.muli %add3A_665, %mul3A_666 : i32
      %dma_start3A_668 = arith.constant 0 : i32
      %dma_start3A_669 = arith.constant 0 : i32
      %dma_start3A_670 = tpu.memref_slice %arg11[%dma_start3A_668, %dma_start3A_669] : memref<2x40xi32, #tpu.memory_space<vmem>> -> memref<1x40xi32, #tpu.memory_space<vmem>>
      %dma_start3A_671 = tpu.memref_squeeze %dma_start3A_670 : memref<1x40xi32, #tpu.memory_space<vmem>> -> memref<40xi32, #tpu.memory_space<vmem>>
      %dma_start3A_672 = tpu.memref_slice %arg5[%add3A_281, %mul3A_667] : memref<4x160000xi32, #tpu.memory_space<hbm>> -> memref<1x40xi32, #tpu.memory_space<hbm>>
      %dma_start3A_673 = tpu.memref_squeeze %dma_start3A_672 : memref<1x40xi32, #tpu.memory_space<hbm>> -> memref<40xi32, #tpu.memory_space<hbm>>
      %dma_start3A_674 = arith.constant 0 : i32
      %dma_start3A_675 = tpu.memref_slice %arg11[%dma_start3A_668, %dma_start3A_674] : memref<2x40xi32, #tpu.memory_space<vmem>> -> memref<1x40xi32, #tpu.memory_space<vmem>>
      %dma_start3A_676 = tpu.memref_squeeze %dma_start3A_675 : memref<1x40xi32, #tpu.memory_space<vmem>> -> memref<40xi32, #tpu.memory_space<vmem>>
      %dma_start3A_677 = tpu.memref_slice %arg5[%add3A_281, %mul3A_667] : memref<4x160000xi32, #tpu.memory_space<hbm>> -> memref<1x40xi32, #tpu.memory_space<hbm>>
      %dma_start3A_678 = tpu.memref_squeeze %dma_start3A_677 : memref<1x40xi32, #tpu.memory_space<hbm>> -> memref<40xi32, #tpu.memory_space<hbm>>
      tpu.enqueue_dma source(%dma_start3A_678 : memref<40xi32, #tpu.memory_space<hbm>>) target(%dma_start3A_676 : memref<40xi32, #tpu.memory_space<vmem>>) target_semaphore(%arg22 : memref<!tpu.dma_semaphore, #tpu.memory_space<semaphore_mem>>)
      %dma_start3A_679 = arith.constant 0 : i32
      %dma_start3A_680 = arith.constant 0 : i32
      %dma_start3A_681 = tpu.memref_slice %arg12[%dma_start3A_679, %dma_start3A_680] : memref<2x40xi32, #tpu.memory_space<vmem>> -> memref<1x40xi32, #tpu.memory_space<vmem>>
      %dma_start3A_682 = tpu.memref_squeeze %dma_start3A_681 : memref<1x40xi32, #tpu.memory_space<vmem>> -> memref<40xi32, #tpu.memory_space<vmem>>
      %dma_start3A_683 = tpu.memref_slice %arg6[%add3A_281, %mul3A_667] : memref<4x160000xi32, #tpu.memory_space<hbm>> -> memref<1x40xi32, #tpu.memory_space<hbm>>
      %dma_start3A_684 = tpu.memref_squeeze %dma_start3A_683 : memref<1x40xi32, #tpu.memory_space<hbm>> -> memref<40xi32, #tpu.memory_space<hbm>>
      %dma_start3A_685 = arith.constant 0 : i32
      %dma_start3A_686 = tpu.memref_slice %arg12[%dma_start3A_679, %dma_start3A_685] : memref<2x40xi32, #tpu.memory_space<vmem>> -> memref<1x40xi32, #tpu.memory_space<vmem>>
      %dma_start3A_687 = tpu.memref_squeeze %dma_start3A_686 : memref<1x40xi32, #tpu.memory_space<vmem>> -> memref<40xi32, #tpu.memory_space<vmem>>
      %dma_start3A_688 = tpu.memref_slice %arg6[%add3A_281, %mul3A_667] : memref<4x160000xi32, #tpu.memory_space<hbm>> -> memref<1x40xi32, #tpu.memory_space<hbm>>
      %dma_start3A_689 = tpu.memref_squeeze %dma_start3A_688 : memref<1x40xi32, #tpu.memory_space<hbm>> -> memref<40xi32, #tpu.memory_space<hbm>>
      tpu.enqueue_dma source(%dma_start3A_689 : memref<40xi32, #tpu.memory_space<hbm>>) target(%dma_start3A_687 : memref<40xi32, #tpu.memory_space<vmem>>) target_semaphore(%arg23 : memref<!tpu.dma_semaphore, #tpu.memory_space<semaphore_mem>>)
      %dma_start3A_690 = arith.constant 0 : i32
      %dma_start3A_691 = arith.constant 0 : i32
      %dma_start3A_692 = tpu.memref_slice %arg10[%dma_start3A_690, %dma_start3A_691] : memref<2x40xi32, #tpu.memory_space<vmem>> -> memref<1x40xi32, #tpu.memory_space<vmem>>
      %dma_start3A_693 = tpu.memref_squeeze %dma_start3A_692 : memref<1x40xi32, #tpu.memory_space<vmem>> -> memref<40xi32, #tpu.memory_space<vmem>>
      %dma_start3A_694 = tpu.memref_slice %arg7[%mul3A_667] : memref<160000xi32, #tpu.memory_space<hbm>> -> memref<40xi32, #tpu.memory_space<hbm>>
      %dma_start3A_695 = arith.constant 0 : i32
      %dma_start3A_696 = tpu.memref_slice %arg10[%dma_start3A_690, %dma_start3A_695] : memref<2x40xi32, #tpu.memory_space<vmem>> -> memref<1x40xi32, #tpu.memory_space<vmem>>
      %dma_start3A_697 = tpu.memref_squeeze %dma_start3A_696 : memref<1x40xi32, #tpu.memory_space<vmem>> -> memref<40xi32, #tpu.memory_space<vmem>>
      %dma_start3A_698 = tpu.memref_slice %arg7[%mul3A_667] : memref<160000xi32, #tpu.memory_space<hbm>> -> memref<40xi32, #tpu.memory_space<hbm>>
      tpu.enqueue_dma source(%dma_start3A_698 : memref<40xi32, #tpu.memory_space<hbm>>) target(%dma_start3A_697 : memref<40xi32, #tpu.memory_space<vmem>>) target_semaphore(%arg24 : memref<!tpu.dma_semaphore, #tpu.memory_space<semaphore_mem>>)
      %dma_start3A_699 = arith.constant 0 : i32
      %dma_start3A_700 = arith.constant 0 : i32
      %dma_start3A_701 = arith.constant 0 : i32
      %dma_start3A_702 = tpu.memref_slice %arg13[%dma_start3A_699, %dma_start3A_700, %dma_start3A_701] : memref<2x40x48xf32, #tpu.memory_space<vmem>> -> memref<1x40x48xf32, #tpu.memory_space<vmem>>
      %dma_start3A_703 = tpu.memref_squeeze %dma_start3A_702 : memref<1x40x48xf32, #tpu.memory_space<vmem>> -> memref<40x48xf32, #tpu.memory_space<vmem>>
      %dma_start3A_704 = arith.constant 0 : i32
      %dma_start3A_705 = tpu.memref_slice %arg8[%mul3A_667, %dma_start3A_704] : memref<160000x48xf32, #tpu.memory_space<hbm>> -> memref<40x48xf32, #tpu.memory_space<hbm>>
      %dma_start3A_706 = arith.constant 0 : i32
      %dma_start3A_707 = arith.constant 0 : i32
      %dma_start3A_708 = tpu.memref_slice %arg13[%dma_start3A_699, %dma_start3A_706, %dma_start3A_707] : memref<2x40x48xf32, #tpu.memory_space<vmem>> -> memref<1x40x48xf32, #tpu.memory_space<vmem>>
      %dma_start3A_709 = tpu.memref_squeeze %dma_start3A_708 : memref<1x40x48xf32, #tpu.memory_space<vmem>> -> memref<40x48xf32, #tpu.memory_space<vmem>>
      %dma_start3A_710 = arith.constant 0 : i32
      %dma_start3A_711 = tpu.memref_slice %arg8[%mul3A_667, %dma_start3A_710] : memref<160000x48xf32, #tpu.memory_space<hbm>> -> memref<40x48xf32, #tpu.memory_space<hbm>>
      tpu.enqueue_dma source(%dma_start3A_711 : memref<40x48xf32, #tpu.memory_space<hbm>>) target(%dma_start3A_709 : memref<40x48xf32, #tpu.memory_space<vmem>>) target_semaphore(%arg25 : memref<!tpu.dma_semaphore, #tpu.memory_space<semaphore_mem>>)
      %dma_start3A_712 = arith.constant 0 : i32
      %dma_start3A_713 = arith.constant 0 : i32
      %dma_start3A_714 = arith.constant 0 : i32
      %dma_start3A_715 = tpu.memref_slice %arg14[%dma_start3A_712, %dma_start3A_713, %dma_start3A_714] : memref<2x40x96xf32, #tpu.memory_space<vmem>> -> memref<1x40x96xf32, #tpu.memory_space<vmem>>
      %dma_start3A_716 = tpu.memref_squeeze %dma_start3A_715 : memref<1x40x96xf32, #tpu.memory_space<vmem>> -> memref<40x96xf32, #tpu.memory_space<vmem>>
      %dma_start3A_717 = arith.constant 0 : i32
      %dma_start3A_718 = tpu.memref_slice %arg4[%add3A_281, %mul3A_667, %dma_start3A_717] : memref<4x160000x96xf32, #tpu.memory_space<hbm>> -> memref<1x40x96xf32, #tpu.memory_space<hbm>>
      %dma_start3A_719 = tpu.memref_squeeze %dma_start3A_718 : memref<1x40x96xf32, #tpu.memory_space<hbm>> -> memref<40x96xf32, #tpu.memory_space<hbm>>
      %dma_start3A_720 = arith.constant 0 : i32
      %dma_start3A_721 = arith.constant 0 : i32
      %dma_start3A_722 = tpu.memref_slice %arg14[%dma_start3A_712, %dma_start3A_720, %dma_start3A_721] : memref<2x40x96xf32, #tpu.memory_space<vmem>> -> memref<1x40x96xf32, #tpu.memory_space<vmem>>
      %dma_start3A_723 = tpu.memref_squeeze %dma_start3A_722 : memref<1x40x96xf32, #tpu.memory_space<vmem>> -> memref<40x96xf32, #tpu.memory_space<vmem>>
      %dma_start3A_724 = arith.constant 0 : i32
      %dma_start3A_725 = tpu.memref_slice %arg4[%add3A_281, %mul3A_667, %dma_start3A_724] : memref<4x160000x96xf32, #tpu.memory_space<hbm>> -> memref<1x40x96xf32, #tpu.memory_space<hbm>>
      %dma_start3A_726 = tpu.memref_squeeze %dma_start3A_725 : memref<1x40x96xf32, #tpu.memory_space<hbm>> -> memref<40x96xf32, #tpu.memory_space<hbm>>
      tpu.enqueue_dma source(%dma_start3A_726 : memref<40x96xf32, #tpu.memory_space<hbm>>) target(%dma_start3A_723 : memref<40x96xf32, #tpu.memory_space<vmem>>) target_semaphore(%arg26 : memref<!tpu.dma_semaphore, #tpu.memory_space<semaphore_mem>>)
      %mul3A_727 = arith.constant 2 : i32
      %mul3A_728 = arith.muli %mul3A_727, %scan3A_555 : i32
      %add3A_729 = arith.constant 1 : i32
      %add3A_730 = arith.addi %mul3A_728, %add3A_729 : i32
      %mul3A_731 = arith.constant 16 : i32
      %mul3A_732 = arith.muli %add3A_730, %mul3A_731 : i32
      %add3A_733 = arith.addi %arg1, %mul3A_732 : i32
      %mul3A_734 = arith.constant 40 : i32
      %mul3A_735 = arith.muli %add3A_733, %mul3A_734 : i32
      %dma_wait3A_736 = arith.constant 1 : i32
      %dma_wait3A_737 = arith.constant 0 : i32
      %dma_wait3A_738 = tpu.memref_slice %arg11[%dma_wait3A_736, %dma_wait3A_737] : memref<2x40xi32, #tpu.memory_space<vmem>> -> memref<1x40xi32, #tpu.memory_space<vmem>>
      %dma_wait3A_739 = tpu.memref_squeeze %dma_wait3A_738 : memref<1x40xi32, #tpu.memory_space<vmem>> -> memref<40xi32, #tpu.memory_space<vmem>>
      %dma_wait3A_740 = tpu.memref_slice %arg5[%add3A_281, %mul3A_735] : memref<4x160000xi32, #tpu.memory_space<hbm>> -> memref<1x40xi32, #tpu.memory_space<hbm>>
      %dma_wait3A_741 = tpu.memref_squeeze %dma_wait3A_740 : memref<1x40xi32, #tpu.memory_space<hbm>> -> memref<40xi32, #tpu.memory_space<hbm>>
      %dma_wait3A_742 = arith.constant 0 : i32
      %dma_wait3A_743 = tpu.memref_slice %arg11[%dma_wait3A_736, %dma_wait3A_742] : memref<2x40xi32, #tpu.memory_space<vmem>> -> memref<1x40xi32, #tpu.memory_space<vmem>>
      %dma_wait3A_744 = tpu.memref_squeeze %dma_wait3A_743 : memref<1x40xi32, #tpu.memory_space<vmem>> -> memref<40xi32, #tpu.memory_space<vmem>>
      %dma_wait3A_745 = tpu.memref_slice %arg5[%add3A_281, %mul3A_735] : memref<4x160000xi32, #tpu.memory_space<hbm>> -> memref<1x40xi32, #tpu.memory_space<hbm>>
      %dma_wait3A_746 = tpu.memref_squeeze %dma_wait3A_745 : memref<1x40xi32, #tpu.memory_space<hbm>> -> memref<40xi32, #tpu.memory_space<hbm>>
      tpu.wait_dma2 semaphore(%arg27 : memref<!tpu.dma_semaphore, #tpu.memory_space<semaphore_mem>>) src(%dma_wait3A_746 : memref<40xi32, #tpu.memory_space<hbm>>) dst(%dma_wait3A_744 : memref<40xi32, #tpu.memory_space<vmem>>)
      %dma_wait3A_747 = arith.constant 1 : i32
      %dma_wait3A_748 = arith.constant 0 : i32
      %dma_wait3A_749 = tpu.memref_slice %arg12[%dma_wait3A_747, %dma_wait3A_748] : memref<2x40xi32, #tpu.memory_space<vmem>> -> memref<1x40xi32, #tpu.memory_space<vmem>>
      %dma_wait3A_750 = tpu.memref_squeeze %dma_wait3A_749 : memref<1x40xi32, #tpu.memory_space<vmem>> -> memref<40xi32, #tpu.memory_space<vmem>>
      %dma_wait3A_751 = tpu.memref_slice %arg6[%add3A_281, %mul3A_735] : memref<4x160000xi32, #tpu.memory_space<hbm>> -> memref<1x40xi32, #tpu.memory_space<hbm>>
      %dma_wait3A_752 = tpu.memref_squeeze %dma_wait3A_751 : memref<1x40xi32, #tpu.memory_space<hbm>> -> memref<40xi32, #tpu.memory_space<hbm>>
      %dma_wait3A_753 = arith.constant 0 : i32
      %dma_wait3A_754 = tpu.memref_slice %arg12[%dma_wait3A_747, %dma_wait3A_753] : memref<2x40xi32, #tpu.memory_space<vmem>> -> memref<1x40xi32, #tpu.memory_space<vmem>>
      %dma_wait3A_755 = tpu.memref_squeeze %dma_wait3A_754 : memref<1x40xi32, #tpu.memory_space<vmem>> -> memref<40xi32, #tpu.memory_space<vmem>>
      %dma_wait3A_756 = tpu.memref_slice %arg6[%add3A_281, %mul3A_735] : memref<4x160000xi32, #tpu.memory_space<hbm>> -> memref<1x40xi32, #tpu.memory_space<hbm>>
      %dma_wait3A_757 = tpu.memref_squeeze %dma_wait3A_756 : memref<1x40xi32, #tpu.memory_space<hbm>> -> memref<40xi32, #tpu.memory_space<hbm>>
      tpu.wait_dma2 semaphore(%arg28 : memref<!tpu.dma_semaphore, #tpu.memory_space<semaphore_mem>>) src(%dma_wait3A_757 : memref<40xi32, #tpu.memory_space<hbm>>) dst(%dma_wait3A_755 : memref<40xi32, #tpu.memory_space<vmem>>)
      %dma_wait3A_758 = arith.constant 1 : i32
      %dma_wait3A_759 = arith.constant 0 : i32
      %dma_wait3A_760 = tpu.memref_slice %arg10[%dma_wait3A_758, %dma_wait3A_759] : memref<2x40xi32, #tpu.memory_space<vmem>> -> memref<1x40xi32, #tpu.memory_space<vmem>>
      %dma_wait3A_761 = tpu.memref_squeeze %dma_wait3A_760 : memref<1x40xi32, #tpu.memory_space<vmem>> -> memref<40xi32, #tpu.memory_space<vmem>>
      %dma_wait3A_762 = tpu.memref_slice %arg7[%mul3A_735] : memref<160000xi32, #tpu.memory_space<hbm>> -> memref<40xi32, #tpu.memory_space<hbm>>
      %dma_wait3A_763 = arith.constant 0 : i32
      %dma_wait3A_764 = tpu.memref_slice %arg10[%dma_wait3A_758, %dma_wait3A_763] : memref<2x40xi32, #tpu.memory_space<vmem>> -> memref<1x40xi32, #tpu.memory_space<vmem>>
      %dma_wait3A_765 = tpu.memref_squeeze %dma_wait3A_764 : memref<1x40xi32, #tpu.memory_space<vmem>> -> memref<40xi32, #tpu.memory_space<vmem>>
      %dma_wait3A_766 = tpu.memref_slice %arg7[%mul3A_735] : memref<160000xi32, #tpu.memory_space<hbm>> -> memref<40xi32, #tpu.memory_space<hbm>>
      tpu.wait_dma2 semaphore(%arg29 : memref<!tpu.dma_semaphore, #tpu.memory_space<semaphore_mem>>) src(%dma_wait3A_766 : memref<40xi32, #tpu.memory_space<hbm>>) dst(%dma_wait3A_765 : memref<40xi32, #tpu.memory_space<vmem>>)
      %dma_wait3A_767 = arith.constant 1 : i32
      %dma_wait3A_768 = arith.constant 0 : i32
      %dma_wait3A_769 = arith.constant 0 : i32
      %dma_wait3A_770 = tpu.memref_slice %arg13[%dma_wait3A_767, %dma_wait3A_768, %dma_wait3A_769] : memref<2x40x48xf32, #tpu.memory_space<vmem>> -> memref<1x40x48xf32, #tpu.memory_space<vmem>>
      %dma_wait3A_771 = tpu.memref_squeeze %dma_wait3A_770 : memref<1x40x48xf32, #tpu.memory_space<vmem>> -> memref<40x48xf32, #tpu.memory_space<vmem>>
      %dma_wait3A_772 = arith.constant 0 : i32
      %dma_wait3A_773 = tpu.memref_slice %arg8[%mul3A_735, %dma_wait3A_772] : memref<160000x48xf32, #tpu.memory_space<hbm>> -> memref<40x48xf32, #tpu.memory_space<hbm>>
      %dma_wait3A_774 = arith.constant 0 : i32
      %dma_wait3A_775 = arith.constant 0 : i32
      %dma_wait3A_776 = tpu.memref_slice %arg13[%dma_wait3A_767, %dma_wait3A_774, %dma_wait3A_775] : memref<2x40x48xf32, #tpu.memory_space<vmem>> -> memref<1x40x48xf32, #tpu.memory_space<vmem>>
      %dma_wait3A_777 = tpu.memref_squeeze %dma_wait3A_776 : memref<1x40x48xf32, #tpu.memory_space<vmem>> -> memref<40x48xf32, #tpu.memory_space<vmem>>
      %dma_wait3A_778 = arith.constant 0 : i32
      %dma_wait3A_779 = tpu.memref_slice %arg8[%mul3A_735, %dma_wait3A_778] : memref<160000x48xf32, #tpu.memory_space<hbm>> -> memref<40x48xf32, #tpu.memory_space<hbm>>
      tpu.wait_dma2 semaphore(%arg30 : memref<!tpu.dma_semaphore, #tpu.memory_space<semaphore_mem>>) src(%dma_wait3A_779 : memref<40x48xf32, #tpu.memory_space<hbm>>) dst(%dma_wait3A_777 : memref<40x48xf32, #tpu.memory_space<vmem>>)
      %dma_wait3A_780 = arith.constant 1 : i32
      %dma_wait3A_781 = arith.constant 0 : i32
      %dma_wait3A_782 = arith.constant 0 : i32
      %dma_wait3A_783 = tpu.memref_slice %arg14[%dma_wait3A_780, %dma_wait3A_781, %dma_wait3A_782] : memref<2x40x96xf32, #tpu.memory_space<vmem>> -> memref<1x40x96xf32, #tpu.memory_space<vmem>>
      %dma_wait3A_784 = tpu.memref_squeeze %dma_wait3A_783 : memref<1x40x96xf32, #tpu.memory_space<vmem>> -> memref<40x96xf32, #tpu.memory_space<vmem>>
      %dma_wait3A_785 = arith.constant 0 : i32
      %dma_wait3A_786 = tpu.memref_slice %arg4[%add3A_281, %mul3A_735, %dma_wait3A_785] : memref<4x160000x96xf32, #tpu.memory_space<hbm>> -> memref<1x40x96xf32, #tpu.memory_space<hbm>>
      %dma_wait3A_787 = tpu.memref_squeeze %dma_wait3A_786 : memref<1x40x96xf32, #tpu.memory_space<hbm>> -> memref<40x96xf32, #tpu.memory_space<hbm>>
      %dma_wait3A_788 = arith.constant 0 : i32
      %dma_wait3A_789 = arith.constant 0 : i32
      %dma_wait3A_790 = tpu.memref_slice %arg14[%dma_wait3A_780, %dma_wait3A_788, %dma_wait3A_789] : memref<2x40x96xf32, #tpu.memory_space<vmem>> -> memref<1x40x96xf32, #tpu.memory_space<vmem>>
      %dma_wait3A_791 = tpu.memref_squeeze %dma_wait3A_790 : memref<1x40x96xf32, #tpu.memory_space<vmem>> -> memref<40x96xf32, #tpu.memory_space<vmem>>
      %dma_wait3A_792 = arith.constant 0 : i32
      %dma_wait3A_793 = tpu.memref_slice %arg4[%add3A_281, %mul3A_735, %dma_wait3A_792] : memref<4x160000x96xf32, #tpu.memory_space<hbm>> -> memref<1x40x96xf32, #tpu.memory_space<hbm>>
      %dma_wait3A_794 = tpu.memref_squeeze %dma_wait3A_793 : memref<1x40x96xf32, #tpu.memory_space<hbm>> -> memref<40x96xf32, #tpu.memory_space<hbm>>
      tpu.wait_dma2 semaphore(%arg31 : memref<!tpu.dma_semaphore, #tpu.memory_space<semaphore_mem>>) src(%dma_wait3A_794 : memref<40x96xf32, #tpu.memory_space<hbm>>) dst(%dma_wait3A_791 : memref<40x96xf32, #tpu.memory_space<vmem>>)
      %dma_start3A_795 = arith.constant 1 : i32
      %dma_start3A_796 = arith.constant 0 : i32
      %dma_start3A_797 = tpu.memref_slice %arg11[%dma_start3A_795, %dma_start3A_796] : memref<2x40xi32, #tpu.memory_space<vmem>> -> memref<1x40xi32, #tpu.memory_space<vmem>>
      %dma_start3A_798 = tpu.memref_squeeze %dma_start3A_797 : memref<1x40xi32, #tpu.memory_space<vmem>> -> memref<40xi32, #tpu.memory_space<vmem>>
      %dma_start3A_799 = arith.constant 0 : i32
      %dma_start3A_800 = arith.constant 0 : i32
      %dma_start3A_801 = tpu.memref_slice %arg2[%dma_start3A_799, %dma_start3A_800] : memref<40960x384xf32, #tpu.memory_space<hbm>> -> memref<40960x384xf32, #tpu.memory_space<hbm>>
      tpu.enqueue_indirect_dma source(%dma_start3A_801 : memref<40960x384xf32, #tpu.memory_space<hbm>>) target(%arg15 : memref<40x384xf32, #tpu.memory_space<vmem>>) offsets(%dma_start3A_798 : memref<40xi32, #tpu.memory_space<vmem>>) semaphore(%arg20 : memref<!tpu.dma_semaphore, #tpu.memory_space<semaphore_mem>>)
      %dma_start3A_802 = arith.constant 1 : i32
      %dma_start3A_803 = arith.constant 0 : i32
      %dma_start3A_804 = tpu.memref_slice %arg12[%dma_start3A_802, %dma_start3A_803] : memref<2x40xi32, #tpu.memory_space<vmem>> -> memref<1x40xi32, #tpu.memory_space<vmem>>
      %dma_start3A_805 = tpu.memref_squeeze %dma_start3A_804 : memref<1x40xi32, #tpu.memory_space<vmem>> -> memref<40xi32, #tpu.memory_space<vmem>>
      %dma_start3A_806 = arith.constant 0 : i32
      %dma_start3A_807 = arith.constant 0 : i32
      %dma_start3A_808 = tpu.memref_slice %arg3[%dma_start3A_806, %dma_start3A_807] : memref<40960x128xf32, #tpu.memory_space<hbm>> -> memref<40960x128xf32, #tpu.memory_space<hbm>>
      tpu.enqueue_indirect_dma source(%dma_start3A_808 : memref<40960x128xf32, #tpu.memory_space<hbm>>) target(%arg16 : memref<40x128xf32, #tpu.memory_space<vmem>>) offsets(%dma_start3A_805 : memref<40xi32, #tpu.memory_space<vmem>>) semaphore(%arg21 : memref<!tpu.dma_semaphore, #tpu.memory_space<semaphore_mem>>)
      %dma_wait3A_809 = arith.constant 1 : i32
      %dma_wait3A_810 = arith.constant 0 : i32
      %dma_wait3A_811 = tpu.memref_slice %arg11[%dma_wait3A_809, %dma_wait3A_810] : memref<2x40xi32, #tpu.memory_space<vmem>> -> memref<1x40xi32, #tpu.memory_space<vmem>>
      %dma_wait3A_812 = tpu.memref_squeeze %dma_wait3A_811 : memref<1x40xi32, #tpu.memory_space<vmem>> -> memref<40xi32, #tpu.memory_space<vmem>>
      %dma_wait3A_813 = arith.constant 0 : i32
      %dma_wait3A_814 = arith.constant 0 : i32
      %dma_wait3A_815 = tpu.memref_slice %arg2[%dma_wait3A_813, %dma_wait3A_814] : memref<40960x384xf32, #tpu.memory_space<hbm>> -> memref<40960x384xf32, #tpu.memory_space<hbm>>
      tpu.wait_indirect_dma semaphore(%arg20 : memref<!tpu.dma_semaphore, #tpu.memory_space<semaphore_mem>>) src(%dma_wait3A_815 : memref<40960x384xf32, #tpu.memory_space<hbm>>) dst(%arg15 : memref<40x384xf32, #tpu.memory_space<vmem>>)
      %dma_wait3A_816 = arith.constant 1 : i32
      %dma_wait3A_817 = arith.constant 0 : i32
      %dma_wait3A_818 = tpu.memref_slice %arg12[%dma_wait3A_816, %dma_wait3A_817] : memref<2x40xi32, #tpu.memory_space<vmem>> -> memref<1x40xi32, #tpu.memory_space<vmem>>
      %dma_wait3A_819 = tpu.memref_squeeze %dma_wait3A_818 : memref<1x40xi32, #tpu.memory_space<vmem>> -> memref<40xi32, #tpu.memory_space<vmem>>
      %dma_wait3A_820 = arith.constant 0 : i32
      %dma_wait3A_821 = arith.constant 0 : i32
      %dma_wait3A_822 = tpu.memref_slice %arg3[%dma_wait3A_820, %dma_wait3A_821] : memref<40960x128xf32, #tpu.memory_space<hbm>> -> memref<40960x128xf32, #tpu.memory_space<hbm>>
      tpu.wait_indirect_dma semaphore(%arg21 : memref<!tpu.dma_semaphore, #tpu.memory_space<semaphore_mem>>) src(%dma_wait3A_822 : memref<40960x128xf32, #tpu.memory_space<hbm>>) dst(%arg16 : memref<40x128xf32, #tpu.memory_space<vmem>>)
      %scan3A_823 = arith.constant 0 : i32
      %scan3A_824 = arith.constant 0 : i32
      %scan3A_825 = arith.constant 40 : i32
      %scan3A_826 = arith.addi %scan3A_824, %scan3A_825 : i32
      %scan3A_827 = arith.constant 1 : i32
      %scan3A_828 = scf.for %scan3A_900 = %scan3A_824 to %scan3A_826 step %scan3A_827 iter_args(%scan3A_901 = %scan3A_823) -> (i32)  : i32 {
        %get3A = arith.index_cast %scan3A_900 : i32 to index
        %get3A_902 = arith.constant 0 : index
        %get3A_903 = tpu.vector_load %arg15[%get3A, %get3A_902] {strides = array<i32>} : memref<40x384xf32, #tpu.memory_space<vmem>>, vector<1x16xf32>,
        %get3A_904 = vector.shape_cast %get3A_903 : vector<1x16xf32> to vector<16xf32>
        %get3A_905 = arith.index_cast %scan3A_900 : i32 to index
        %get3A_906 = arith.constant 96 : index
        %get3A_907 = tpu.vector_load %arg15[%get3A_905, %get3A_906] {strides = array<i32>} : memref<40x384xf32, #tpu.memory_space<vmem>>, vector<1x16xf32>,
        %get3A_908 = vector.shape_cast %get3A_907 : vector<1x16xf32> to vector<16xf32>
        %get3A_909 = arith.index_cast %scan3A_900 : i32 to index
        %get3A_910 = arith.constant 0 : index
        %get3A_911 = tpu.vector_load %arg16[%get3A_909, %get3A_910] {strides = array<i32>} : memref<40x128xf32, #tpu.memory_space<vmem>>, vector<1x16xf32>,
        %get3A_912 = vector.shape_cast %get3A_911 : vector<1x16xf32> to vector<16xf32>
        %get3A_913 = arith.constant 1 : i32
        %get3A_914 = arith.index_cast %get3A_913 : i32 to index
        %get3A_915 = arith.index_cast %scan3A_900 : i32 to index
        %get3A_916 = arith.constant 0 : index
        %get3A_917 = tpu.vector_load %arg14[%get3A_914, %get3A_915, %get3A_916] {strides = array<i32>} : memref<2x40x96xf32, #tpu.memory_space<vmem>>, vector<1x1x16xf32>,
        %get3A_918 = vector.shape_cast %get3A_917 : vector<1x1x16xf32> to vector<16xf32>
        %add3A_919 = arith.addf %get3A_908, %get3A_912 : vector<16xf32>
        %mul3A_920 = arith.mulf %get3A_904, %add3A_919 : vector<16xf32>
        %mul3A_921 = arith.mulf %mul3A_920, %get3A_918 : vector<16xf32>
        %get3A_922 = arith.index_cast %scan3A_900 : i32 to index
        %get3A_923 = arith.constant 16 : index
        %get3A_924 = tpu.vector_load %arg15[%get3A_922, %get3A_923] {strides = array<i32>} : memref<40x384xf32, #tpu.memory_space<vmem>>, vector<1x16xf32>,
        %get3A_925 = vector.shape_cast %get3A_924 : vector<1x16xf32> to vector<16xf32>
        %get3A_926 = arith.index_cast %scan3A_900 : i32 to index
        %get3A_927 = arith.constant 112 : index
        %get3A_928 = tpu.vector_load %arg15[%get3A_926, %get3A_927] {strides = array<i32>} : memref<40x384xf32, #tpu.memory_space<vmem>>, vector<1x16xf32>,
        %get3A_929 = vector.shape_cast %get3A_928 : vector<1x16xf32> to vector<16xf32>
        %get3A_930 = arith.index_cast %scan3A_900 : i32 to index
        %get3A_931 = arith.constant 16 : index
        %get3A_932 = tpu.vector_load %arg16[%get3A_930, %get3A_931] {strides = array<i32>} : memref<40x128xf32, #tpu.memory_space<vmem>>, vector<1x16xf32>,
        %get3A_933 = vector.shape_cast %get3A_932 : vector<1x16xf32> to vector<16xf32>
        %get3A_934 = arith.constant 1 : i32
        %get3A_935 = arith.index_cast %get3A_934 : i32 to index
        %get3A_936 = arith.index_cast %scan3A_900 : i32 to index
        %get3A_937 = arith.constant 16 : index
        %get3A_938 = tpu.vector_load %arg14[%get3A_935, %get3A_936, %get3A_937] {strides = array<i32>} : memref<2x40x96xf32, #tpu.memory_space<vmem>>, vector<1x1x16xf32>,
        %get3A_939 = vector.shape_cast %get3A_938 : vector<1x1x16xf32> to vector<16xf32>
        %add3A_940 = arith.addf %get3A_929, %get3A_933 : vector<16xf32>
        %mul3A_941 = arith.mulf %get3A_925, %add3A_940 : vector<16xf32>
        %mul3A_942 = arith.mulf %mul3A_941, %get3A_939 : vector<16xf32>
        %get3A_943 = arith.index_cast %scan3A_900 : i32 to index
        %get3A_944 = arith.constant 32 : index
        %get3A_945 = tpu.vector_load %arg15[%get3A_943, %get3A_944] {strides = array<i32>} : memref<40x384xf32, #tpu.memory_space<vmem>>, vector<1x16xf32>,
        %get3A_946 = vector.shape_cast %get3A_945 : vector<1x16xf32> to vector<16xf32>
        %get3A_947 = arith.index_cast %scan3A_900 : i32 to index
        %get3A_948 = arith.constant 128 : index
        %get3A_949 = tpu.vector_load %arg15[%get3A_947, %get3A_948] {strides = array<i32>} : memref<40x384xf32, #tpu.memory_space<vmem>>, vector<1x16xf32>,
        %get3A_950 = vector.shape_cast %get3A_949 : vector<1x16xf32> to vector<16xf32>
        %get3A_951 = arith.index_cast %scan3A_900 : i32 to index
        %get3A_952 = arith.constant 32 : index
        %get3A_953 = tpu.vector_load %arg16[%get3A_951, %get3A_952] {strides = array<i32>} : memref<40x128xf32, #tpu.memory_space<vmem>>, vector<1x16xf32>,
        %get3A_954 = vector.shape_cast %get3A_953 : vector<1x16xf32> to vector<16xf32>
        %get3A_955 = arith.constant 1 : i32
        %get3A_956 = arith.index_cast %get3A_955 : i32 to index
        %get3A_957 = arith.index_cast %scan3A_900 : i32 to index
        %get3A_958 = arith.constant 32 : index
        %get3A_959 = tpu.vector_load %arg14[%get3A_956, %get3A_957, %get3A_958] {strides = array<i32>} : memref<2x40x96xf32, #tpu.memory_space<vmem>>, vector<1x1x16xf32>,
        %get3A_960 = vector.shape_cast %get3A_959 : vector<1x1x16xf32> to vector<16xf32>
        %add3A_961 = arith.addf %get3A_950, %get3A_954 : vector<16xf32>
        %mul3A_962 = arith.mulf %get3A_946, %add3A_961 : vector<16xf32>
        %mul3A_963 = arith.mulf %mul3A_962, %get3A_960 : vector<16xf32>
        %get3A_964 = arith.index_cast %scan3A_900 : i32 to index
        %get3A_965 = arith.constant 48 : index
        %get3A_966 = tpu.vector_load %arg15[%get3A_964, %get3A_965] {strides = array<i32>} : memref<40x384xf32, #tpu.memory_space<vmem>>, vector<1x16xf32>,
        %get3A_967 = vector.shape_cast %get3A_966 : vector<1x16xf32> to vector<16xf32>
        %get3A_968 = arith.index_cast %scan3A_900 : i32 to index
        %get3A_969 = arith.constant 144 : index
        %get3A_970 = tpu.vector_load %arg15[%get3A_968, %get3A_969] {strides = array<i32>} : memref<40x384xf32, #tpu.memory_space<vmem>>, vector<1x16xf32>,
        %get3A_971 = vector.shape_cast %get3A_970 : vector<1x16xf32> to vector<16xf32>
        %get3A_972 = arith.index_cast %scan3A_900 : i32 to index
        %get3A_973 = arith.constant 48 : index
        %get3A_974 = tpu.vector_load %arg16[%get3A_972, %get3A_973] {strides = array<i32>} : memref<40x128xf32, #tpu.memory_space<vmem>>, vector<1x16xf32>,
        %get3A_975 = vector.shape_cast %get3A_974 : vector<1x16xf32> to vector<16xf32>
        %get3A_976 = arith.constant 1 : i32
        %get3A_977 = arith.index_cast %get3A_976 : i32 to index
        %get3A_978 = arith.index_cast %scan3A_900 : i32 to index
        %get3A_979 = arith.constant 48 : index
        %get3A_980 = tpu.vector_load %arg14[%get3A_977, %get3A_978, %get3A_979] {strides = array<i32>} : memref<2x40x96xf32, #tpu.memory_space<vmem>>, vector<1x1x16xf32>,
        %get3A_981 = vector.shape_cast %get3A_980 : vector<1x1x16xf32> to vector<16xf32>
        %add3A_982 = arith.addf %get3A_971, %get3A_975 : vector<16xf32>
        %mul3A_983 = arith.mulf %get3A_967, %add3A_982 : vector<16xf32>
        %mul3A_984 = arith.mulf %mul3A_983, %get3A_981 : vector<16xf32>
        %get3A_985 = arith.index_cast %scan3A_900 : i32 to index
        %get3A_986 = arith.constant 64 : index
        %get3A_987 = tpu.vector_load %arg15[%get3A_985, %get3A_986] {strides = array<i32>} : memref<40x384xf32, #tpu.memory_space<vmem>>, vector<1x16xf32>,
        %get3A_988 = vector.shape_cast %get3A_987 : vector<1x16xf32> to vector<16xf32>
        %get3A_989 = arith.index_cast %scan3A_900 : i32 to index
        %get3A_990 = arith.constant 160 : index
        %get3A_991 = tpu.vector_load %arg15[%get3A_989, %get3A_990] {strides = array<i32>} : memref<40x384xf32, #tpu.memory_space<vmem>>, vector<1x16xf32>,
        %get3A_992 = vector.shape_cast %get3A_991 : vector<1x16xf32> to vector<16xf32>
        %get3A_993 = arith.index_cast %scan3A_900 : i32 to index
        %get3A_994 = arith.constant 64 : index
        %get3A_995 = tpu.vector_load %arg16[%get3A_993, %get3A_994] {strides = array<i32>} : memref<40x128xf32, #tpu.memory_space<vmem>>, vector<1x16xf32>,
        %get3A_996 = vector.shape_cast %get3A_995 : vector<1x16xf32> to vector<16xf32>
        %get3A_997 = arith.constant 1 : i32
        %get3A_998 = arith.index_cast %get3A_997 : i32 to index
        %get3A_999 = arith.index_cast %scan3A_900 : i32 to index
        %get3A_1000 = arith.constant 64 : index
        %get3A_1001 = tpu.vector_load %arg14[%get3A_998, %get3A_999, %get3A_1000] {strides = array<i32>} : memref<2x40x96xf32, #tpu.memory_space<vmem>>, vector<1x1x16xf32>,
        %get3A_1002 = vector.shape_cast %get3A_1001 : vector<1x1x16xf32> to vector<16xf32>
        %add3A_1003 = arith.addf %get3A_992, %get3A_996 : vector<16xf32>
        %mul3A_1004 = arith.mulf %get3A_988, %add3A_1003 : vector<16xf32>
        %mul3A_1005 = arith.mulf %mul3A_1004, %get3A_1002 : vector<16xf32>
        %get3A_1006 = arith.index_cast %scan3A_900 : i32 to index
        %get3A_1007 = arith.constant 80 : index
        %get3A_1008 = tpu.vector_load %arg15[%get3A_1006, %get3A_1007] {strides = array<i32>} : memref<40x384xf32, #tpu.memory_space<vmem>>, vector<1x16xf32>,
        %get3A_1009 = vector.shape_cast %get3A_1008 : vector<1x16xf32> to vector<16xf32>
        %get3A_1010 = arith.index_cast %scan3A_900 : i32 to index
        %get3A_1011 = arith.constant 176 : index
        %get3A_1012 = tpu.vector_load %arg15[%get3A_1010, %get3A_1011] {strides = array<i32>} : memref<40x384xf32, #tpu.memory_space<vmem>>, vector<1x16xf32>,
        %get3A_1013 = vector.shape_cast %get3A_1012 : vector<1x16xf32> to vector<16xf32>
        %get3A_1014 = arith.index_cast %scan3A_900 : i32 to index
        %get3A_1015 = arith.constant 80 : index
        %get3A_1016 = tpu.vector_load %arg16[%get3A_1014, %get3A_1015] {strides = array<i32>} : memref<40x128xf32, #tpu.memory_space<vmem>>, vector<1x16xf32>,
        %get3A_1017 = vector.shape_cast %get3A_1016 : vector<1x16xf32> to vector<16xf32>
        %get3A_1018 = arith.constant 1 : i32
        %get3A_1019 = arith.index_cast %get3A_1018 : i32 to index
        %get3A_1020 = arith.index_cast %scan3A_900 : i32 to index
        %get3A_1021 = arith.constant 80 : index
        %get3A_1022 = tpu.vector_load %arg14[%get3A_1019, %get3A_1020, %get3A_1021] {strides = array<i32>} : memref<2x40x96xf32, #tpu.memory_space<vmem>>, vector<1x1x16xf32>,
        %get3A_1023 = vector.shape_cast %get3A_1022 : vector<1x1x16xf32> to vector<16xf32>
        %add3A_1024 = arith.addf %get3A_1013, %get3A_1017 : vector<16xf32>
        %mul3A_1025 = arith.mulf %get3A_1009, %add3A_1024 : vector<16xf32>
        %mul3A_1026 = arith.mulf %mul3A_1025, %get3A_1023 : vector<16xf32>
        %get3A_1027 = arith.constant 1 : i32
        %get3A_1028 = arith.index_cast %get3A_1027 : i32 to index
        %get3A_1029 = arith.index_cast %scan3A_900 : i32 to index
        %get3A_1030 = arith.constant 0 : index
        %get3A_1031 = tpu.vector_load %arg13[%get3A_1028, %get3A_1029, %get3A_1030] {strides = array<i32>} : memref<2x40x48xf32, #tpu.memory_space<vmem>>, vector<1x1x16xf32>,
        %get3A_1032 = vector.shape_cast %get3A_1031 : vector<1x1x16xf32> to vector<16xf32>
        %get3A_1033 = arith.index_cast %scan3A_900 : i32 to index
        %get3A_1034 = arith.constant 192 : index
        %get3A_1035 = tpu.vector_load %arg15[%get3A_1033, %get3A_1034] {strides = array<i32>} : memref<40x384xf32, #tpu.memory_space<vmem>>, vector<1x16xf32>,
        %get3A_1036 = vector.shape_cast %get3A_1035 : vector<1x16xf32> to vector<16xf32>
        %mul3A_1037 = arith.mulf %mul3A_921, %get3A_1036 : vector<16xf32>
        %mul3A_1038 = arith.mulf %mul3A_963, %get3A_1032 : vector<16xf32>
        %add3A_1039 = arith.addf %mul3A_1037, %mul3A_1038 : vector<16xf32>
        %swap3A = arith.index_cast %scan3A_900 : i32 to index
        %swap3A_1040 = arith.constant 0 : index
        %swap3A_1041 = tpu.vector_load %arg17[%swap3A, %swap3A_1040] {strides = array<i32>} : memref<40x128xf32, #tpu.memory_space<vmem>>, vector<1x16xf32>,
        %swap3A_1042 = vector.shape_cast %swap3A_1041 : vector<1x16xf32> to vector<16xf32>
        %swap3A_1043 = vector.shape_cast %add3A_1039 : vector<16xf32> to vector<1x16xf32>
        tpu.vector_store %arg17[%swap3A, %swap3A_1040], %swap3A_1043 {strides = array<i32>} : memref<40x128xf32, #tpu.memory_space<vmem>>, vector<1x16xf32>,
        %get3A_1044 = arith.index_cast %scan3A_900 : i32 to index
        %get3A_1045 = arith.constant 208 : index
        %get3A_1046 = tpu.vector_load %arg15[%get3A_1044, %get3A_1045] {strides = array<i32>} : memref<40x384xf32, #tpu.memory_space<vmem>>, vector<1x16xf32>,
        %get3A_1047 = vector.shape_cast %get3A_1046 : vector<1x16xf32> to vector<16xf32>
        %mul3A_1048 = arith.mulf %mul3A_942, %get3A_1047 : vector<16xf32>
        %mul3A_1049 = arith.mulf %mul3A_984, %get3A_1032 : vector<16xf32>
        %add3A_1050 = arith.addf %mul3A_1048, %mul3A_1049 : vector<16xf32>
        %swap3A_1051 = arith.index_cast %scan3A_900 : i32 to index
        %swap3A_1052 = arith.constant 16 : index
        %swap3A_1053 = tpu.vector_load %arg17[%swap3A_1051, %swap3A_1052] {strides = array<i32>} : memref<40x128xf32, #tpu.memory_space<vmem>>, vector<1x16xf32>,
        %swap3A_1054 = vector.shape_cast %swap3A_1053 : vector<1x16xf32> to vector<16xf32>
        %swap3A_1055 = vector.shape_cast %add3A_1050 : vector<16xf32> to vector<1x16xf32>
        tpu.vector_store %arg17[%swap3A_1051, %swap3A_1052], %swap3A_1055 {strides = array<i32>} : memref<40x128xf32, #tpu.memory_space<vmem>>, vector<1x16xf32>,
        %get3A_1056 = arith.constant 1 : i32
        %get3A_1057 = arith.index_cast %get3A_1056 : i32 to index
        %get3A_1058 = arith.index_cast %scan3A_900 : i32 to index
        %get3A_1059 = arith.constant 16 : index
        %get3A_1060 = tpu.vector_load %arg13[%get3A_1057, %get3A_1058, %get3A_1059] {strides = array<i32>} : memref<2x40x48xf32, #tpu.memory_space<vmem>>, vector<1x1x16xf32>,
        %get3A_1061 = vector.shape_cast %get3A_1060 : vector<1x1x16xf32> to vector<16xf32>
        %get3A_1062 = arith.index_cast %scan3A_900 : i32 to index
        %get3A_1063 = arith.constant 224 : index
        %get3A_1064 = tpu.vector_load %arg15[%get3A_1062, %get3A_1063] {strides = array<i32>} : memref<40x384xf32, #tpu.memory_space<vmem>>, vector<1x16xf32>,
        %get3A_1065 = vector.shape_cast %get3A_1064 : vector<1x16xf32> to vector<16xf32>
        %mul3A_1066 = arith.mulf %mul3A_921, %get3A_1065 : vector<16xf32>
        %mul3A_1067 = arith.mulf %mul3A_963, %get3A_1061 : vector<16xf32>
        %add3A_1068 = arith.addf %mul3A_1066, %mul3A_1067 : vector<16xf32>
        %swap3A_1069 = arith.index_cast %scan3A_900 : i32 to index
        %swap3A_1070 = arith.constant 32 : index
        %swap3A_1071 = tpu.vector_load %arg17[%swap3A_1069, %swap3A_1070] {strides = array<i32>} : memref<40x128xf32, #tpu.memory_space<vmem>>, vector<1x16xf32>,
        %swap3A_1072 = vector.shape_cast %swap3A_1071 : vector<1x16xf32> to vector<16xf32>
        %swap3A_1073 = vector.shape_cast %add3A_1068 : vector<16xf32> to vector<1x16xf32>
        tpu.vector_store %arg17[%swap3A_1069, %swap3A_1070], %swap3A_1073 {strides = array<i32>} : memref<40x128xf32, #tpu.memory_space<vmem>>, vector<1x16xf32>,
        %get3A_1074 = arith.index_cast %scan3A_900 : i32 to index
        %get3A_1075 = arith.constant 240 : index
        %get3A_1076 = tpu.vector_load %arg15[%get3A_1074, %get3A_1075] {strides = array<i32>} : memref<40x384xf32, #tpu.memory_space<vmem>>, vector<1x16xf32>,
        %get3A_1077 = vector.shape_cast %get3A_1076 : vector<1x16xf32> to vector<16xf32>
        %mul3A_1078 = arith.mulf %mul3A_942, %get3A_1077 : vector<16xf32>
        %mul3A_1079 = arith.mulf %mul3A_984, %get3A_1061 : vector<16xf32>
        %add3A_1080 = arith.addf %mul3A_1078, %mul3A_1079 : vector<16xf32>
        %swap3A_1081 = arith.index_cast %scan3A_900 : i32 to index
        %swap3A_1082 = arith.constant 48 : index
        %swap3A_1083 = tpu.vector_load %arg17[%swap3A_1081, %swap3A_1082] {strides = array<i32>} : memref<40x128xf32, #tpu.memory_space<vmem>>, vector<1x16xf32>,
        %swap3A_1084 = vector.shape_cast %swap3A_1083 : vector<1x16xf32> to vector<16xf32>
        %swap3A_1085 = vector.shape_cast %add3A_1080 : vector<16xf32> to vector<1x16xf32>
        tpu.vector_store %arg17[%swap3A_1081, %swap3A_1082], %swap3A_1085 {strides = array<i32>} : memref<40x128xf32, #tpu.memory_space<vmem>>, vector<1x16xf32>,
        %get3A_1086 = arith.constant 1 : i32
        %get3A_1087 = arith.index_cast %get3A_1086 : i32 to index
        %get3A_1088 = arith.index_cast %scan3A_900 : i32 to index
        %get3A_1089 = arith.constant 32 : index
        %get3A_1090 = tpu.vector_load %arg13[%get3A_1087, %get3A_1088, %get3A_1089] {strides = array<i32>} : memref<2x40x48xf32, #tpu.memory_space<vmem>>, vector<1x1x16xf32>,
        %get3A_1091 = vector.shape_cast %get3A_1090 : vector<1x1x16xf32> to vector<16xf32>
        %get3A_1092 = arith.index_cast %scan3A_900 : i32 to index
        %get3A_1093 = arith.constant 256 : index
        %get3A_1094 = tpu.vector_load %arg15[%get3A_1092, %get3A_1093] {strides = array<i32>} : memref<40x384xf32, #tpu.memory_space<vmem>>, vector<1x16xf32>,
        %get3A_1095 = vector.shape_cast %get3A_1094 : vector<1x16xf32> to vector<16xf32>
        %mul3A_1096 = arith.mulf %mul3A_921, %get3A_1095 : vector<16xf32>
        %mul3A_1097 = arith.mulf %mul3A_963, %get3A_1091 : vector<16xf32>
        %add3A_1098 = arith.addf %mul3A_1096, %mul3A_1097 : vector<16xf32>
        %swap3A_1099 = arith.index_cast %scan3A_900 : i32 to index
        %swap3A_1100 = arith.constant 64 : index
        %swap3A_1101 = tpu.vector_load %arg17[%swap3A_1099, %swap3A_1100] {strides = array<i32>} : memref<40x128xf32, #tpu.memory_space<vmem>>, vector<1x16xf32>,
        %swap3A_1102 = vector.shape_cast %swap3A_1101 : vector<1x16xf32> to vector<16xf32>
        %swap3A_1103 = vector.shape_cast %add3A_1098 : vector<16xf32> to vector<1x16xf32>
        tpu.vector_store %arg17[%swap3A_1099, %swap3A_1100], %swap3A_1103 {strides = array<i32>} : memref<40x128xf32, #tpu.memory_space<vmem>>, vector<1x16xf32>,
        %get3A_1104 = arith.index_cast %scan3A_900 : i32 to index
        %get3A_1105 = arith.constant 272 : index
        %get3A_1106 = tpu.vector_load %arg15[%get3A_1104, %get3A_1105] {strides = array<i32>} : memref<40x384xf32, #tpu.memory_space<vmem>>, vector<1x16xf32>,
        %get3A_1107 = vector.shape_cast %get3A_1106 : vector<1x16xf32> to vector<16xf32>
        %mul3A_1108 = arith.mulf %mul3A_942, %get3A_1107 : vector<16xf32>
        %mul3A_1109 = arith.mulf %mul3A_984, %get3A_1091 : vector<16xf32>
        %add3A_1110 = arith.addf %mul3A_1108, %mul3A_1109 : vector<16xf32>
        %swap3A_1111 = arith.index_cast %scan3A_900 : i32 to index
        %swap3A_1112 = arith.constant 80 : index
        %swap3A_1113 = tpu.vector_load %arg17[%swap3A_1111, %swap3A_1112] {strides = array<i32>} : memref<40x128xf32, #tpu.memory_space<vmem>>, vector<1x16xf32>,
        %swap3A_1114 = vector.shape_cast %swap3A_1113 : vector<1x16xf32> to vector<16xf32>
        %swap3A_1115 = vector.shape_cast %add3A_1110 : vector<16xf32> to vector<1x16xf32>
        tpu.vector_store %arg17[%swap3A_1111, %swap3A_1112], %swap3A_1115 {strides = array<i32>} : memref<40x128xf32, #tpu.memory_space<vmem>>, vector<1x16xf32>,
        %swap3A_1116 = arith.index_cast %scan3A_900 : i32 to index
        %swap3A_1117 = arith.constant 96 : index
        %swap3A_1118 = tpu.vector_load %arg17[%swap3A_1116, %swap3A_1117] {strides = array<i32>} : memref<40x128xf32, #tpu.memory_space<vmem>>, vector<1x16xf32>,
        %swap3A_1119 = vector.shape_cast %swap3A_1118 : vector<1x16xf32> to vector<16xf32>
        %swap3A_1120 = vector.shape_cast %mul3A_1005 : vector<16xf32> to vector<1x16xf32>
        tpu.vector_store %arg17[%swap3A_1116, %swap3A_1117], %swap3A_1120 {strides = array<i32>} : memref<40x128xf32, #tpu.memory_space<vmem>>, vector<1x16xf32>,
        %swap3A_1121 = arith.index_cast %scan3A_900 : i32 to index
        %swap3A_1122 = arith.constant 112 : index
        %swap3A_1123 = tpu.vector_load %arg17[%swap3A_1121, %swap3A_1122] {strides = array<i32>} : memref<40x128xf32, #tpu.memory_space<vmem>>, vector<1x16xf32>,
        %swap3A_1124 = vector.shape_cast %swap3A_1123 : vector<1x16xf32> to vector<16xf32>
        %swap3A_1125 = vector.shape_cast %mul3A_1026 : vector<16xf32> to vector<1x16xf32>
        tpu.vector_store %arg17[%swap3A_1121, %swap3A_1122], %swap3A_1125 {strides = array<i32>} : memref<40x128xf32, #tpu.memory_space<vmem>>, vector<1x16xf32>,
        %scan3A_1126 = arith.constant 0 : i32
        scf.yield %scan3A_1126 : i32
      }
      %scan3A_829 = arith.constant 40 : i32
      %run_scoped3A_830 = arith.constant 1 : i32
      "tpu.region"() ({
        %run_scoped3A_900 = tpu.sem_alloc : memref<!tpu.dma_semaphore, #tpu.memory_space<semaphore_mem>>
        %dma_start3A_901 = arith.constant 0 : i32
        %dma_start3A_902 = tpu.memref_slice %arg10[%run_scoped3A_830, %dma_start3A_901] : memref<2x40xi32, #tpu.memory_space<vmem>> -> memref<1x40xi32, #tpu.memory_space<vmem>>
        %dma_start3A_903 = tpu.memref_squeeze %dma_start3A_902 : memref<1x40xi32, #tpu.memory_space<vmem>> -> memref<40xi32, #tpu.memory_space<vmem>>
        %dma_start3A_904 = arith.constant 0 : i32
        %dma_start3A_905 = arith.constant 0 : i32
        %dma_start3A_906 = tpu.memref_slice %arg19[%dma_start3A_904, %dma_start3A_905] : memref<10112x128xf32, #tpu.memory_space<vmem_shared>> -> memref<10112x128xf32, #tpu.memory_space<vmem_shared>>
        tpu.enqueue_indirect_dma source(%arg17 : memref<40x128xf32, #tpu.memory_space<vmem>>) target(%dma_start3A_906 : memref<10112x128xf32, #tpu.memory_space<vmem_shared>>) offsets(%dma_start3A_903 : memref<40xi32, #tpu.memory_space<vmem>>) semaphore(%run_scoped3A_900 : memref<!tpu.dma_semaphore, #tpu.memory_space<semaphore_mem>>) {add = true}
        %dma_wait3A_907 = arith.constant 0 : i32
        %dma_wait3A_908 = tpu.memref_slice %arg10[%run_scoped3A_830, %dma_wait3A_907] : memref<2x40xi32, #tpu.memory_space<vmem>> -> memref<1x40xi32, #tpu.memory_space<vmem>>
        %dma_wait3A_909 = tpu.memref_squeeze %dma_wait3A_908 : memref<1x40xi32, #tpu.memory_space<vmem>> -> memref<40xi32, #tpu.memory_space<vmem>>
        %dma_wait3A_910 = arith.constant 0 : i32
        %dma_wait3A_911 = arith.constant 0 : i32
        %dma_wait3A_912 = tpu.memref_slice %arg19[%dma_wait3A_910, %dma_wait3A_911] : memref<10112x128xf32, #tpu.memory_space<vmem_shared>> -> memref<10112x128xf32, #tpu.memory_space<vmem_shared>>
        tpu.wait_indirect_dma semaphore(%run_scoped3A_900 : memref<!tpu.dma_semaphore, #tpu.memory_space<semaphore_mem>>) src(%arg17 : memref<40x128xf32, #tpu.memory_space<vmem>>) dst(%dma_wait3A_912 : memref<10112x128xf32, #tpu.memory_space<vmem_shared>>)
        tpu.yield
      }) : () -> ()
      %add3A_831 = arith.constant 2 : i32
      %add3A_832 = arith.addi %add3A_730, %add3A_831 : i32
      %min3A_833 = arith.constant 249 : i32
      %min3A_834 = arith.minsi %add3A_832, %min3A_833 : i32
      %mul3A_835 = arith.constant 16 : i32
      %mul3A_836 = arith.muli %min3A_834, %mul3A_835 : i32
      %add3A_837 = arith.addi %arg1, %mul3A_836 : i32
      %mul3A_838 = arith.constant 40 : i32
      %mul3A_839 = arith.muli %add3A_837, %mul3A_838 : i32
      %dma_start3A_840 = arith.constant 1 : i32
      %dma_start3A_841 = arith.constant 0 : i32
      %dma_start3A_842 = tpu.memref_slice %arg11[%dma_start3A_840, %dma_start3A_841] : memref<2x40xi32, #tpu.memory_space<vmem>> -> memref<1x40xi32, #tpu.memory_space<vmem>>
      %dma_start3A_843 = tpu.memref_squeeze %dma_start3A_842 : memref<1x40xi32, #tpu.memory_space<vmem>> -> memref<40xi32, #tpu.memory_space<vmem>>
      %dma_start3A_844 = tpu.memref_slice %arg5[%add3A_281, %mul3A_839] : memref<4x160000xi32, #tpu.memory_space<hbm>> -> memref<1x40xi32, #tpu.memory_space<hbm>>
      %dma_start3A_845 = tpu.memref_squeeze %dma_start3A_844 : memref<1x40xi32, #tpu.memory_space<hbm>> -> memref<40xi32, #tpu.memory_space<hbm>>
      %dma_start3A_846 = arith.constant 0 : i32
      %dma_start3A_847 = tpu.memref_slice %arg11[%dma_start3A_840, %dma_start3A_846] : memref<2x40xi32, #tpu.memory_space<vmem>> -> memref<1x40xi32, #tpu.memory_space<vmem>>
      %dma_start3A_848 = tpu.memref_squeeze %dma_start3A_847 : memref<1x40xi32, #tpu.memory_space<vmem>> -> memref<40xi32, #tpu.memory_space<vmem>>
      %dma_start3A_849 = tpu.memref_slice %arg5[%add3A_281, %mul3A_839] : memref<4x160000xi32, #tpu.memory_space<hbm>> -> memref<1x40xi32, #tpu.memory_space<hbm>>
      %dma_start3A_850 = tpu.memref_squeeze %dma_start3A_849 : memref<1x40xi32, #tpu.memory_space<hbm>> -> memref<40xi32, #tpu.memory_space<hbm>>
      tpu.enqueue_dma source(%dma_start3A_850 : memref<40xi32, #tpu.memory_space<hbm>>) target(%dma_start3A_848 : memref<40xi32, #tpu.memory_space<vmem>>) target_semaphore(%arg27 : memref<!tpu.dma_semaphore, #tpu.memory_space<semaphore_mem>>)
      %dma_start3A_851 = arith.constant 1 : i32
      %dma_start3A_852 = arith.constant 0 : i32
      %dma_start3A_853 = tpu.memref_slice %arg12[%dma_start3A_851, %dma_start3A_852] : memref<2x40xi32, #tpu.memory_space<vmem>> -> memref<1x40xi32, #tpu.memory_space<vmem>>
      %dma_start3A_854 = tpu.memref_squeeze %dma_start3A_853 : memref<1x40xi32, #tpu.memory_space<vmem>> -> memref<40xi32, #tpu.memory_space<vmem>>
      %dma_start3A_855 = tpu.memref_slice %arg6[%add3A_281, %mul3A_839] : memref<4x160000xi32, #tpu.memory_space<hbm>> -> memref<1x40xi32, #tpu.memory_space<hbm>>
      %dma_start3A_856 = tpu.memref_squeeze %dma_start3A_855 : memref<1x40xi32, #tpu.memory_space<hbm>> -> memref<40xi32, #tpu.memory_space<hbm>>
      %dma_start3A_857 = arith.constant 0 : i32
      %dma_start3A_858 = tpu.memref_slice %arg12[%dma_start3A_851, %dma_start3A_857] : memref<2x40xi32, #tpu.memory_space<vmem>> -> memref<1x40xi32, #tpu.memory_space<vmem>>
      %dma_start3A_859 = tpu.memref_squeeze %dma_start3A_858 : memref<1x40xi32, #tpu.memory_space<vmem>> -> memref<40xi32, #tpu.memory_space<vmem>>
      %dma_start3A_860 = tpu.memref_slice %arg6[%add3A_281, %mul3A_839] : memref<4x160000xi32, #tpu.memory_space<hbm>> -> memref<1x40xi32, #tpu.memory_space<hbm>>
      %dma_start3A_861 = tpu.memref_squeeze %dma_start3A_860 : memref<1x40xi32, #tpu.memory_space<hbm>> -> memref<40xi32, #tpu.memory_space<hbm>>
      tpu.enqueue_dma source(%dma_start3A_861 : memref<40xi32, #tpu.memory_space<hbm>>) target(%dma_start3A_859 : memref<40xi32, #tpu.memory_space<vmem>>) target_semaphore(%arg28 : memref<!tpu.dma_semaphore, #tpu.memory_space<semaphore_mem>>)
      %dma_start3A_862 = arith.constant 1 : i32
      %dma_start3A_863 = arith.constant 0 : i32
      %dma_start3A_864 = tpu.memref_slice %arg10[%dma_start3A_862, %dma_start3A_863] : memref<2x40xi32, #tpu.memory_space<vmem>> -> memref<1x40xi32, #tpu.memory_space<vmem>>
      %dma_start3A_865 = tpu.memref_squeeze %dma_start3A_864 : memref<1x40xi32, #tpu.memory_space<vmem>> -> memref<40xi32, #tpu.memory_space<vmem>>
      %dma_start3A_866 = tpu.memref_slice %arg7[%mul3A_839] : memref<160000xi32, #tpu.memory_space<hbm>> -> memref<40xi32, #tpu.memory_space<hbm>>
      %dma_start3A_867 = arith.constant 0 : i32
      %dma_start3A_868 = tpu.memref_slice %arg10[%dma_start3A_862, %dma_start3A_867] : memref<2x40xi32, #tpu.memory_space<vmem>> -> memref<1x40xi32, #tpu.memory_space<vmem>>
      %dma_start3A_869 = tpu.memref_squeeze %dma_start3A_868 : memref<1x40xi32, #tpu.memory_space<vmem>> -> memref<40xi32, #tpu.memory_space<vmem>>
      %dma_start3A_870 = tpu.memref_slice %arg7[%mul3A_839] : memref<160000xi32, #tpu.memory_space<hbm>> -> memref<40xi32, #tpu.memory_space<hbm>>
      tpu.enqueue_dma source(%dma_start3A_870 : memref<40xi32, #tpu.memory_space<hbm>>) target(%dma_start3A_869 : memref<40xi32, #tpu.memory_space<vmem>>) target_semaphore(%arg29 : memref<!tpu.dma_semaphore, #tpu.memory_space<semaphore_mem>>)
      %dma_start3A_871 = arith.constant 1 : i32
      %dma_start3A_872 = arith.constant 0 : i32
      %dma_start3A_873 = arith.constant 0 : i32
      %dma_start3A_874 = tpu.memref_slice %arg13[%dma_start3A_871, %dma_start3A_872, %dma_start3A_873] : memref<2x40x48xf32, #tpu.memory_space<vmem>> -> memref<1x40x48xf32, #tpu.memory_space<vmem>>
      %dma_start3A_875 = tpu.memref_squeeze %dma_start3A_874 : memref<1x40x48xf32, #tpu.memory_space<vmem>> -> memref<40x48xf32, #tpu.memory_space<vmem>>
      %dma_start3A_876 = arith.constant 0 : i32
      %dma_start3A_877 = tpu.memref_slice %arg8[%mul3A_839, %dma_start3A_876] : memref<160000x48xf32, #tpu.memory_space<hbm>> -> memref<40x48xf32, #tpu.memory_space<hbm>>
      %dma_start3A_878 = arith.constant 0 : i32
      %dma_start3A_879 = arith.constant 0 : i32
      %dma_start3A_880 = tpu.memref_slice %arg13[%dma_start3A_871, %dma_start3A_878, %dma_start3A_879] : memref<2x40x48xf32, #tpu.memory_space<vmem>> -> memref<1x40x48xf32, #tpu.memory_space<vmem>>
      %dma_start3A_881 = tpu.memref_squeeze %dma_start3A_880 : memref<1x40x48xf32, #tpu.memory_space<vmem>> -> memref<40x48xf32, #tpu.memory_space<vmem>>
      %dma_start3A_882 = arith.constant 0 : i32
      %dma_start3A_883 = tpu.memref_slice %arg8[%mul3A_839, %dma_start3A_882] : memref<160000x48xf32, #tpu.memory_space<hbm>> -> memref<40x48xf32, #tpu.memory_space<hbm>>
      tpu.enqueue_dma source(%dma_start3A_883 : memref<40x48xf32, #tpu.memory_space<hbm>>) target(%dma_start3A_881 : memref<40x48xf32, #tpu.memory_space<vmem>>) target_semaphore(%arg30 : memref<!tpu.dma_semaphore, #tpu.memory_space<semaphore_mem>>)
      %dma_start3A_884 = arith.constant 1 : i32
      %dma_start3A_885 = arith.constant 0 : i32
      %dma_start3A_886 = arith.constant 0 : i32
      %dma_start3A_887 = tpu.memref_slice %arg14[%dma_start3A_884, %dma_start3A_885, %dma_start3A_886] : memref<2x40x96xf32, #tpu.memory_space<vmem>> -> memref<1x40x96xf32, #tpu.memory_space<vmem>>
      %dma_start3A_888 = tpu.memref_squeeze %dma_start3A_887 : memref<1x40x96xf32, #tpu.memory_space<vmem>> -> memref<40x96xf32, #tpu.memory_space<vmem>>
      %dma_start3A_889 = arith.constant 0 : i32
      %dma_start3A_890 = tpu.memref_slice %arg4[%add3A_281, %mul3A_839, %dma_start3A_889] : memref<4x160000x96xf32, #tpu.memory_space<hbm>> -> memref<1x40x96xf32, #tpu.memory_space<hbm>>
      %dma_start3A_891 = tpu.memref_squeeze %dma_start3A_890 : memref<1x40x96xf32, #tpu.memory_space<hbm>> -> memref<40x96xf32, #tpu.memory_space<hbm>>
      %dma_start3A_892 = arith.constant 0 : i32
      %dma_start3A_893 = arith.constant 0 : i32
      %dma_start3A_894 = tpu.memref_slice %arg14[%dma_start3A_884, %dma_start3A_892, %dma_start3A_893] : memref<2x40x96xf32, #tpu.memory_space<vmem>> -> memref<1x40x96xf32, #tpu.memory_space<vmem>>
      %dma_start3A_895 = tpu.memref_squeeze %dma_start3A_894 : memref<1x40x96xf32, #tpu.memory_space<vmem>> -> memref<40x96xf32, #tpu.memory_space<vmem>>
      %dma_start3A_896 = arith.constant 0 : i32
      %dma_start3A_897 = tpu.memref_slice %arg4[%add3A_281, %mul3A_839, %dma_start3A_896] : memref<4x160000x96xf32, #tpu.memory_space<hbm>> -> memref<1x40x96xf32, #tpu.memory_space<hbm>>
      %dma_start3A_898 = tpu.memref_squeeze %dma_start3A_897 : memref<1x40x96xf32, #tpu.memory_space<hbm>> -> memref<40x96xf32, #tpu.memory_space<hbm>>
      tpu.enqueue_dma source(%dma_start3A_898 : memref<40x96xf32, #tpu.memory_space<hbm>>) target(%dma_start3A_895 : memref<40x96xf32, #tpu.memory_space<vmem>>) target_semaphore(%arg31 : memref<!tpu.dma_semaphore, #tpu.memory_space<semaphore_mem>>)
      %scan3A_899 = arith.constant 0 : i32
      scf.yield %scan3A_899 : i32
    }
    %scan3A_422 = arith.constant 125 : i32
    %add3A_423 = arith.constant 3984 : i32
    %add3A_424 = arith.addi %arg1, %add3A_423 : i32
    %mul3A_425 = arith.constant 40 : i32
    %mul3A_426 = arith.muli %add3A_424, %mul3A_425 : i32
    %dma_wait3A_427 = arith.constant 0 : i32
    %dma_wait3A_428 = arith.constant 0 : i32
    %dma_wait3A_429 = tpu.memref_slice %arg11[%dma_wait3A_427, %dma_wait3A_428] : memref<2x40xi32, #tpu.memory_space<vmem>> -> memref<1x40xi32, #tpu.memory_space<vmem>>
    %dma_wait3A_430 = tpu.memref_squeeze %dma_wait3A_429 : memref<1x40xi32, #tpu.memory_space<vmem>> -> memref<40xi32, #tpu.memory_space<vmem>>
    %dma_wait3A_431 = tpu.memref_slice %arg5[%add3A_281, %mul3A_426] : memref<4x160000xi32, #tpu.memory_space<hbm>> -> memref<1x40xi32, #tpu.memory_space<hbm>>
    %dma_wait3A_432 = tpu.memref_squeeze %dma_wait3A_431 : memref<1x40xi32, #tpu.memory_space<hbm>> -> memref<40xi32, #tpu.memory_space<hbm>>
    %dma_wait3A_433 = arith.constant 0 : i32
    %dma_wait3A_434 = tpu.memref_slice %arg11[%dma_wait3A_427, %dma_wait3A_433] : memref<2x40xi32, #tpu.memory_space<vmem>> -> memref<1x40xi32, #tpu.memory_space<vmem>>
    %dma_wait3A_435 = tpu.memref_squeeze %dma_wait3A_434 : memref<1x40xi32, #tpu.memory_space<vmem>> -> memref<40xi32, #tpu.memory_space<vmem>>
    %dma_wait3A_436 = tpu.memref_slice %arg5[%add3A_281, %mul3A_426] : memref<4x160000xi32, #tpu.memory_space<hbm>> -> memref<1x40xi32, #tpu.memory_space<hbm>>
    %dma_wait3A_437 = tpu.memref_squeeze %dma_wait3A_436 : memref<1x40xi32, #tpu.memory_space<hbm>> -> memref<40xi32, #tpu.memory_space<hbm>>
    tpu.wait_dma2 semaphore(%arg22 : memref<!tpu.dma_semaphore, #tpu.memory_space<semaphore_mem>>) src(%dma_wait3A_437 : memref<40xi32, #tpu.memory_space<hbm>>) dst(%dma_wait3A_435 : memref<40xi32, #tpu.memory_space<vmem>>)
    %dma_wait3A_438 = arith.constant 0 : i32
    %dma_wait3A_439 = arith.constant 0 : i32
    %dma_wait3A_440 = tpu.memref_slice %arg12[%dma_wait3A_438, %dma_wait3A_439] : memref<2x40xi32, #tpu.memory_space<vmem>> -> memref<1x40xi32, #tpu.memory_space<vmem>>
    %dma_wait3A_441 = tpu.memref_squeeze %dma_wait3A_440 : memref<1x40xi32, #tpu.memory_space<vmem>> -> memref<40xi32, #tpu.memory_space<vmem>>
    %dma_wait3A_442 = tpu.memref_slice %arg6[%add3A_281, %mul3A_426] : memref<4x160000xi32, #tpu.memory_space<hbm>> -> memref<1x40xi32, #tpu.memory_space<hbm>>
    %dma_wait3A_443 = tpu.memref_squeeze %dma_wait3A_442 : memref<1x40xi32, #tpu.memory_space<hbm>> -> memref<40xi32, #tpu.memory_space<hbm>>
    %dma_wait3A_444 = arith.constant 0 : i32
    %dma_wait3A_445 = tpu.memref_slice %arg12[%dma_wait3A_438, %dma_wait3A_444] : memref<2x40xi32, #tpu.memory_space<vmem>> -> memref<1x40xi32, #tpu.memory_space<vmem>>
    %dma_wait3A_446 = tpu.memref_squeeze %dma_wait3A_445 : memref<1x40xi32, #tpu.memory_space<vmem>> -> memref<40xi32, #tpu.memory_space<vmem>>
    %dma_wait3A_447 = tpu.memref_slice %arg6[%add3A_281, %mul3A_426] : memref<4x160000xi32, #tpu.memory_space<hbm>> -> memref<1x40xi32, #tpu.memory_space<hbm>>
    %dma_wait3A_448 = tpu.memref_squeeze %dma_wait3A_447 : memref<1x40xi32, #tpu.memory_space<hbm>> -> memref<40xi32, #tpu.memory_space<hbm>>
    tpu.wait_dma2 semaphore(%arg23 : memref<!tpu.dma_semaphore, #tpu.memory_space<semaphore_mem>>) src(%dma_wait3A_448 : memref<40xi32, #tpu.memory_space<hbm>>) dst(%dma_wait3A_446 : memref<40xi32, #tpu.memory_space<vmem>>)
    %dma_wait3A_449 = arith.constant 0 : i32
    %dma_wait3A_450 = arith.constant 0 : i32
    %dma_wait3A_451 = tpu.memref_slice %arg10[%dma_wait3A_449, %dma_wait3A_450] : memref<2x40xi32, #tpu.memory_space<vmem>> -> memref<1x40xi32, #tpu.memory_space<vmem>>
    %dma_wait3A_452 = tpu.memref_squeeze %dma_wait3A_451 : memref<1x40xi32, #tpu.memory_space<vmem>> -> memref<40xi32, #tpu.memory_space<vmem>>
    %dma_wait3A_453 = tpu.memref_slice %arg7[%mul3A_426] : memref<160000xi32, #tpu.memory_space<hbm>> -> memref<40xi32, #tpu.memory_space<hbm>>
    %dma_wait3A_454 = arith.constant 0 : i32
    %dma_wait3A_455 = tpu.memref_slice %arg10[%dma_wait3A_449, %dma_wait3A_454] : memref<2x40xi32, #tpu.memory_space<vmem>> -> memref<1x40xi32, #tpu.memory_space<vmem>>
    %dma_wait3A_456 = tpu.memref_squeeze %dma_wait3A_455 : memref<1x40xi32, #tpu.memory_space<vmem>> -> memref<40xi32, #tpu.memory_space<vmem>>
    %dma_wait3A_457 = tpu.memref_slice %arg7[%mul3A_426] : memref<160000xi32, #tpu.memory_space<hbm>> -> memref<40xi32, #tpu.memory_space<hbm>>
    tpu.wait_dma2 semaphore(%arg24 : memref<!tpu.dma_semaphore, #tpu.memory_space<semaphore_mem>>) src(%dma_wait3A_457 : memref<40xi32, #tpu.memory_space<hbm>>) dst(%dma_wait3A_456 : memref<40xi32, #tpu.memory_space<vmem>>)
    %dma_wait3A_458 = arith.constant 0 : i32
    %dma_wait3A_459 = arith.constant 0 : i32
    %dma_wait3A_460 = arith.constant 0 : i32
    %dma_wait3A_461 = tpu.memref_slice %arg13[%dma_wait3A_458, %dma_wait3A_459, %dma_wait3A_460] : memref<2x40x48xf32, #tpu.memory_space<vmem>> -> memref<1x40x48xf32, #tpu.memory_space<vmem>>
    %dma_wait3A_462 = tpu.memref_squeeze %dma_wait3A_461 : memref<1x40x48xf32, #tpu.memory_space<vmem>> -> memref<40x48xf32, #tpu.memory_space<vmem>>
    %dma_wait3A_463 = arith.constant 0 : i32
    %dma_wait3A_464 = tpu.memref_slice %arg8[%mul3A_426, %dma_wait3A_463] : memref<160000x48xf32, #tpu.memory_space<hbm>> -> memref<40x48xf32, #tpu.memory_space<hbm>>
    %dma_wait3A_465 = arith.constant 0 : i32
    %dma_wait3A_466 = arith.constant 0 : i32
    %dma_wait3A_467 = tpu.memref_slice %arg13[%dma_wait3A_458, %dma_wait3A_465, %dma_wait3A_466] : memref<2x40x48xf32, #tpu.memory_space<vmem>> -> memref<1x40x48xf32, #tpu.memory_space<vmem>>
    %dma_wait3A_468 = tpu.memref_squeeze %dma_wait3A_467 : memref<1x40x48xf32, #tpu.memory_space<vmem>> -> memref<40x48xf32, #tpu.memory_space<vmem>>
    %dma_wait3A_469 = arith.constant 0 : i32
    %dma_wait3A_470 = tpu.memref_slice %arg8[%mul3A_426, %dma_wait3A_469] : memref<160000x48xf32, #tpu.memory_space<hbm>> -> memref<40x48xf32, #tpu.memory_space<hbm>>
    tpu.wait_dma2 semaphore(%arg25 : memref<!tpu.dma_semaphore, #tpu.memory_space<semaphore_mem>>) src(%dma_wait3A_470 : memref<40x48xf32, #tpu.memory_space<hbm>>) dst(%dma_wait3A_468 : memref<40x48xf32, #tpu.memory_space<vmem>>)
    %dma_wait3A_471 = arith.constant 0 : i32
    %dma_wait3A_472 = arith.constant 0 : i32
    %dma_wait3A_473 = arith.constant 0 : i32
    %dma_wait3A_474 = tpu.memref_slice %arg14[%dma_wait3A_471, %dma_wait3A_472, %dma_wait3A_473] : memref<2x40x96xf32, #tpu.memory_space<vmem>> -> memref<1x40x96xf32, #tpu.memory_space<vmem>>
    %dma_wait3A_475 = tpu.memref_squeeze %dma_wait3A_474 : memref<1x40x96xf32, #tpu.memory_space<vmem>> -> memref<40x96xf32, #tpu.memory_space<vmem>>
    %dma_wait3A_476 = arith.constant 0 : i32
    %dma_wait3A_477 = tpu.memref_slice %arg4[%add3A_281, %mul3A_426, %dma_wait3A_476] : memref<4x160000x96xf32, #tpu.memory_space<hbm>> -> memref<1x40x96xf32, #tpu.memory_space<hbm>>
    %dma_wait3A_478 = tpu.memref_squeeze %dma_wait3A_477 : memref<1x40x96xf32, #tpu.memory_space<hbm>> -> memref<40x96xf32, #tpu.memory_space<hbm>>
    %dma_wait3A_479 = arith.constant 0 : i32
    %dma_wait3A_480 = arith.constant 0 : i32
    %dma_wait3A_481 = tpu.memref_slice %arg14[%dma_wait3A_471, %dma_wait3A_479, %dma_wait3A_480] : memref<2x40x96xf32, #tpu.memory_space<vmem>> -> memref<1x40x96xf32, #tpu.memory_space<vmem>>
    %dma_wait3A_482 = tpu.memref_squeeze %dma_wait3A_481 : memref<1x40x96xf32, #tpu.memory_space<vmem>> -> memref<40x96xf32, #tpu.memory_space<vmem>>
    %dma_wait3A_483 = arith.constant 0 : i32
    %dma_wait3A_484 = tpu.memref_slice %arg4[%add3A_281, %mul3A_426, %dma_wait3A_483] : memref<4x160000x96xf32, #tpu.memory_space<hbm>> -> memref<1x40x96xf32, #tpu.memory_space<hbm>>
    %dma_wait3A_485 = tpu.memref_squeeze %dma_wait3A_484 : memref<1x40x96xf32, #tpu.memory_space<hbm>> -> memref<40x96xf32, #tpu.memory_space<hbm>>
    tpu.wait_dma2 semaphore(%arg26 : memref<!tpu.dma_semaphore, #tpu.memory_space<semaphore_mem>>) src(%dma_wait3A_485 : memref<40x96xf32, #tpu.memory_space<hbm>>) dst(%dma_wait3A_482 : memref<40x96xf32, #tpu.memory_space<vmem>>)
    %add3A_486 = arith.constant 3984 : i32
    %add3A_487 = arith.addi %arg1, %add3A_486 : i32
    %mul3A_488 = arith.constant 40 : i32
    %mul3A_489 = arith.muli %add3A_487, %mul3A_488 : i32
    %dma_wait3A_490 = arith.constant 1 : i32
    %dma_wait3A_491 = arith.constant 0 : i32
    %dma_wait3A_492 = tpu.memref_slice %arg11[%dma_wait3A_490, %dma_wait3A_491] : memref<2x40xi32, #tpu.memory_space<vmem>> -> memref<1x40xi32, #tpu.memory_space<vmem>>
    %dma_wait3A_493 = tpu.memref_squeeze %dma_wait3A_492 : memref<1x40xi32, #tpu.memory_space<vmem>> -> memref<40xi32, #tpu.memory_space<vmem>>
    %dma_wait3A_494 = tpu.memref_slice %arg5[%add3A_281, %mul3A_489] : memref<4x160000xi32, #tpu.memory_space<hbm>> -> memref<1x40xi32, #tpu.memory_space<hbm>>
    %dma_wait3A_495 = tpu.memref_squeeze %dma_wait3A_494 : memref<1x40xi32, #tpu.memory_space<hbm>> -> memref<40xi32, #tpu.memory_space<hbm>>
    %dma_wait3A_496 = arith.constant 0 : i32
    %dma_wait3A_497 = tpu.memref_slice %arg11[%dma_wait3A_490, %dma_wait3A_496] : memref<2x40xi32, #tpu.memory_space<vmem>> -> memref<1x40xi32, #tpu.memory_space<vmem>>
    %dma_wait3A_498 = tpu.memref_squeeze %dma_wait3A_497 : memref<1x40xi32, #tpu.memory_space<vmem>> -> memref<40xi32, #tpu.memory_space<vmem>>
    %dma_wait3A_499 = tpu.memref_slice %arg5[%add3A_281, %mul3A_489] : memref<4x160000xi32, #tpu.memory_space<hbm>> -> memref<1x40xi32, #tpu.memory_space<hbm>>
    %dma_wait3A_500 = tpu.memref_squeeze %dma_wait3A_499 : memref<1x40xi32, #tpu.memory_space<hbm>> -> memref<40xi32, #tpu.memory_space<hbm>>
    tpu.wait_dma2 semaphore(%arg27 : memref<!tpu.dma_semaphore, #tpu.memory_space<semaphore_mem>>) src(%dma_wait3A_500 : memref<40xi32, #tpu.memory_space<hbm>>) dst(%dma_wait3A_498 : memref<40xi32, #tpu.memory_space<vmem>>)
    %dma_wait3A_501 = arith.constant 1 : i32
    %dma_wait3A_502 = arith.constant 0 : i32
    %dma_wait3A_503 = tpu.memref_slice %arg12[%dma_wait3A_501, %dma_wait3A_502] : memref<2x40xi32, #tpu.memory_space<vmem>> -> memref<1x40xi32, #tpu.memory_space<vmem>>
    %dma_wait3A_504 = tpu.memref_squeeze %dma_wait3A_503 : memref<1x40xi32, #tpu.memory_space<vmem>> -> memref<40xi32, #tpu.memory_space<vmem>>
    %dma_wait3A_505 = tpu.memref_slice %arg6[%add3A_281, %mul3A_489] : memref<4x160000xi32, #tpu.memory_space<hbm>> -> memref<1x40xi32, #tpu.memory_space<hbm>>
    %dma_wait3A_506 = tpu.memref_squeeze %dma_wait3A_505 : memref<1x40xi32, #tpu.memory_space<hbm>> -> memref<40xi32, #tpu.memory_space<hbm>>
    %dma_wait3A_507 = arith.constant 0 : i32
    %dma_wait3A_508 = tpu.memref_slice %arg12[%dma_wait3A_501, %dma_wait3A_507] : memref<2x40xi32, #tpu.memory_space<vmem>> -> memref<1x40xi32, #tpu.memory_space<vmem>>
    %dma_wait3A_509 = tpu.memref_squeeze %dma_wait3A_508 : memref<1x40xi32, #tpu.memory_space<vmem>> -> memref<40xi32, #tpu.memory_space<vmem>>
    %dma_wait3A_510 = tpu.memref_slice %arg6[%add3A_281, %mul3A_489] : memref<4x160000xi32, #tpu.memory_space<hbm>> -> memref<1x40xi32, #tpu.memory_space<hbm>>
    %dma_wait3A_511 = tpu.memref_squeeze %dma_wait3A_510 : memref<1x40xi32, #tpu.memory_space<hbm>> -> memref<40xi32, #tpu.memory_space<hbm>>
    tpu.wait_dma2 semaphore(%arg28 : memref<!tpu.dma_semaphore, #tpu.memory_space<semaphore_mem>>) src(%dma_wait3A_511 : memref<40xi32, #tpu.memory_space<hbm>>) dst(%dma_wait3A_509 : memref<40xi32, #tpu.memory_space<vmem>>)
    %dma_wait3A_512 = arith.constant 1 : i32
    %dma_wait3A_513 = arith.constant 0 : i32
    %dma_wait3A_514 = tpu.memref_slice %arg10[%dma_wait3A_512, %dma_wait3A_513] : memref<2x40xi32, #tpu.memory_space<vmem>> -> memref<1x40xi32, #tpu.memory_space<vmem>>
    %dma_wait3A_515 = tpu.memref_squeeze %dma_wait3A_514 : memref<1x40xi32, #tpu.memory_space<vmem>> -> memref<40xi32, #tpu.memory_space<vmem>>
    %dma_wait3A_516 = tpu.memref_slice %arg7[%mul3A_489] : memref<160000xi32, #tpu.memory_space<hbm>> -> memref<40xi32, #tpu.memory_space<hbm>>
    %dma_wait3A_517 = arith.constant 0 : i32
    %dma_wait3A_518 = tpu.memref_slice %arg10[%dma_wait3A_512, %dma_wait3A_517] : memref<2x40xi32, #tpu.memory_space<vmem>> -> memref<1x40xi32, #tpu.memory_space<vmem>>
    %dma_wait3A_519 = tpu.memref_squeeze %dma_wait3A_518 : memref<1x40xi32, #tpu.memory_space<vmem>> -> memref<40xi32, #tpu.memory_space<vmem>>
    %dma_wait3A_520 = tpu.memref_slice %arg7[%mul3A_489] : memref<160000xi32, #tpu.memory_space<hbm>> -> memref<40xi32, #tpu.memory_space<hbm>>
    tpu.wait_dma2 semaphore(%arg29 : memref<!tpu.dma_semaphore, #tpu.memory_space<semaphore_mem>>) src(%dma_wait3A_520 : memref<40xi32, #tpu.memory_space<hbm>>) dst(%dma_wait3A_519 : memref<40xi32, #tpu.memory_space<vmem>>)
    %dma_wait3A_521 = arith.constant 1 : i32
    %dma_wait3A_522 = arith.constant 0 : i32
    %dma_wait3A_523 = arith.constant 0 : i32
    %dma_wait3A_524 = tpu.memref_slice %arg13[%dma_wait3A_521, %dma_wait3A_522, %dma_wait3A_523] : memref<2x40x48xf32, #tpu.memory_space<vmem>> -> memref<1x40x48xf32, #tpu.memory_space<vmem>>
    %dma_wait3A_525 = tpu.memref_squeeze %dma_wait3A_524 : memref<1x40x48xf32, #tpu.memory_space<vmem>> -> memref<40x48xf32, #tpu.memory_space<vmem>>
    %dma_wait3A_526 = arith.constant 0 : i32
    %dma_wait3A_527 = tpu.memref_slice %arg8[%mul3A_489, %dma_wait3A_526] : memref<160000x48xf32, #tpu.memory_space<hbm>> -> memref<40x48xf32, #tpu.memory_space<hbm>>
    %dma_wait3A_528 = arith.constant 0 : i32
    %dma_wait3A_529 = arith.constant 0 : i32
    %dma_wait3A_530 = tpu.memref_slice %arg13[%dma_wait3A_521, %dma_wait3A_528, %dma_wait3A_529] : memref<2x40x48xf32, #tpu.memory_space<vmem>> -> memref<1x40x48xf32, #tpu.memory_space<vmem>>
    %dma_wait3A_531 = tpu.memref_squeeze %dma_wait3A_530 : memref<1x40x48xf32, #tpu.memory_space<vmem>> -> memref<40x48xf32, #tpu.memory_space<vmem>>
    %dma_wait3A_532 = arith.constant 0 : i32
    %dma_wait3A_533 = tpu.memref_slice %arg8[%mul3A_489, %dma_wait3A_532] : memref<160000x48xf32, #tpu.memory_space<hbm>> -> memref<40x48xf32, #tpu.memory_space<hbm>>
    tpu.wait_dma2 semaphore(%arg30 : memref<!tpu.dma_semaphore, #tpu.memory_space<semaphore_mem>>) src(%dma_wait3A_533 : memref<40x48xf32, #tpu.memory_space<hbm>>) dst(%dma_wait3A_531 : memref<40x48xf32, #tpu.memory_space<vmem>>)
    %dma_wait3A_534 = arith.constant 1 : i32
    %dma_wait3A_535 = arith.constant 0 : i32
    %dma_wait3A_536 = arith.constant 0 : i32
    %dma_wait3A_537 = tpu.memref_slice %arg14[%dma_wait3A_534, %dma_wait3A_535, %dma_wait3A_536] : memref<2x40x96xf32, #tpu.memory_space<vmem>> -> memref<1x40x96xf32, #tpu.memory_space<vmem>>
    %dma_wait3A_538 = tpu.memref_squeeze %dma_wait3A_537 : memref<1x40x96xf32, #tpu.memory_space<vmem>> -> memref<40x96xf32, #tpu.memory_space<vmem>>
    %dma_wait3A_539 = arith.constant 0 : i32
    %dma_wait3A_540 = tpu.memref_slice %arg4[%add3A_281, %mul3A_489, %dma_wait3A_539] : memref<4x160000x96xf32, #tpu.memory_space<hbm>> -> memref<1x40x96xf32, #tpu.memory_space<hbm>>
    %dma_wait3A_541 = tpu.memref_squeeze %dma_wait3A_540 : memref<1x40x96xf32, #tpu.memory_space<hbm>> -> memref<40x96xf32, #tpu.memory_space<hbm>>
    %dma_wait3A_542 = arith.constant 0 : i32
    %dma_wait3A_543 = arith.constant 0 : i32
    %dma_wait3A_544 = tpu.memref_slice %arg14[%dma_wait3A_534, %dma_wait3A_542, %dma_wait3A_543] : memref<2x40x96xf32, #tpu.memory_space<vmem>> -> memref<1x40x96xf32, #tpu.memory_space<vmem>>
    %dma_wait3A_545 = tpu.memref_squeeze %dma_wait3A_544 : memref<1x40x96xf32, #tpu.memory_space<vmem>> -> memref<40x96xf32, #tpu.memory_space<vmem>>
    %dma_wait3A_546 = arith.constant 0 : i32
    %dma_wait3A_547 = tpu.memref_slice %arg4[%add3A_281, %mul3A_489, %dma_wait3A_546] : memref<4x160000x96xf32, #tpu.memory_space<hbm>> -> memref<1x40x96xf32, #tpu.memory_space<hbm>>
    %dma_wait3A_548 = tpu.memref_squeeze %dma_wait3A_547 : memref<1x40x96xf32, #tpu.memory_space<hbm>> -> memref<40x96xf32, #tpu.memory_space<hbm>>
    tpu.wait_dma2 semaphore(%arg31 : memref<!tpu.dma_semaphore, #tpu.memory_space<semaphore_mem>>) src(%dma_wait3A_548 : memref<40x96xf32, #tpu.memory_space<hbm>>) dst(%dma_wait3A_545 : memref<40x96xf32, #tpu.memory_space<vmem>>)
    %barrier3A_549 = arith.constant 0 : index
    tpu.barrier barrier_id(%barrier3A_549)
    %mul3A_550 = arith.constant 632 : i32
    %mul3A_551 = arith.muli %arg1, %mul3A_550 : i32
    %mul3A_552 = arith.constant 632 : i32
    %mul3A_553 = arith.muli %arg1, %mul3A_552 : i32
    "tpu.region"() ({
      %run_scoped3A = tpu.sem_alloc : memref<!tpu.dma_semaphore, #tpu.memory_space<semaphore_mem>>
      %dma_start3A_555 = arith.constant 0 : i32
      %dma_start3A_556 = tpu.memref_slice %arg9[%add3A_281, %mul3A_553, %dma_start3A_555] : memref<4x10240x128xf32, #tpu.memory_space<hbm>> -> memref<1x632x128xf32, #tpu.memory_space<hbm>>
      %dma_start3A_557 = tpu.memref_squeeze %dma_start3A_556 : memref<1x632x128xf32, #tpu.memory_space<hbm>> -> memref<632x128xf32, #tpu.memory_space<hbm>>
      %dma_start3A_558 = arith.constant 0 : i32
      %dma_start3A_559 = tpu.memref_slice %arg19[%mul3A_551, %dma_start3A_558] : memref<10112x128xf32, #tpu.memory_space<vmem_shared>> -> memref<632x128xf32, #tpu.memory_space<vmem_shared>>
      tpu.enqueue_dma source(%dma_start3A_559 : memref<632x128xf32, #tpu.memory_space<vmem_shared>>) target(%dma_start3A_557 : memref<632x128xf32, #tpu.memory_space<hbm>>) target_semaphore(%run_scoped3A : memref<!tpu.dma_semaphore, #tpu.memory_space<semaphore_mem>>)
      %dma_wait3A_560 = arith.constant 0 : i32
      %dma_wait3A_561 = tpu.memref_slice %arg9[%add3A_281, %mul3A_553, %dma_wait3A_560] : memref<4x10240x128xf32, #tpu.memory_space<hbm>> -> memref<1x632x128xf32, #tpu.memory_space<hbm>>
      %dma_wait3A_562 = tpu.memref_squeeze %dma_wait3A_561 : memref<1x632x128xf32, #tpu.memory_space<hbm>> -> memref<632x128xf32, #tpu.memory_space<hbm>>
      %dma_wait3A_563 = arith.constant 0 : i32
      %dma_wait3A_564 = tpu.memref_slice %arg19[%mul3A_551, %dma_wait3A_563] : memref<10112x128xf32, #tpu.memory_space<vmem_shared>> -> memref<632x128xf32, #tpu.memory_space<vmem_shared>>
      tpu.wait_dma2 semaphore(%run_scoped3A : memref<!tpu.dma_semaphore, #tpu.memory_space<semaphore_mem>>) src(%dma_wait3A_564 : memref<632x128xf32, #tpu.memory_space<vmem_shared>>) dst(%dma_wait3A_562 : memref<632x128xf32, #tpu.memory_space<hbm>>)
      tpu.yield
    }) : () -> ()
    %barrier3A_554 = arith.constant 0 : index
    tpu.barrier barrier_id(%barrier3A_554)
    return
  }
}

module attributes {stable_mosaic.version = 14 : i64} {
  func.func @_rbf_body(%arg0: i32, %arg1: memref<1280x16xf32, #tpu.memory_space<vmem>>, %arg2: memref<16x384xf32, #tpu.memory_space<vmem>>, %arg3: memref<384xf32, #tpu.memory_space<vmem>>, %arg4: memref<1x1x1280xi32, #tpu.memory_space<vmem>>, %arg5: memref<1x1x1280xi32, #tpu.memory_space<vmem>>, %arg6: memref<4x1280x96xf32, #tpu.memory_space<vmem>>, %arg7: memref<4x1280xi32, #tpu.memory_space<vmem>>, %arg8: memref<4x1280xi32, #tpu.memory_space<vmem>>) attributes {dimension_semantics = [#tpu.dimension_semantics<arbitrary>], iteration_bounds = array<i64: 125>, scalar_prefetch = 0 : i64, scratch_operands = 0 : i64, tpu.core_type = #tpu.core_type<tc>, window_params = [{transform_indices = @transform_0, window_bounds = array<i64: 1280, 16>}, {pipeline_mode = #tpu.pipeline_mode<synchronous>, transform_indices = @transform_1, window_bounds = array<i64: 16, 384>}, {pipeline_mode = #tpu.pipeline_mode<synchronous>, transform_indices = @transform_2, window_bounds = array<i64: 384>}, {transform_indices = @transform_3, window_bounds = array<i64: 1, 1, 1280>}, {transform_indices = @transform_4, window_bounds = array<i64: 1, 1, 1280>}, {transform_indices = @transform_5, window_bounds = array<i64: 4, 1280, 96>}, {transform_indices = @transform_6, window_bounds = array<i64: 4, 1280>}, {transform_indices = @transform_7, window_bounds = array<i64: 4, 1280>}]} {
    %get3A = arith.constant 0 : index
    %get3A_0 = arith.constant 0 : index
    %get3A_1 = vector.load %arg1[%get3A, %get3A_0] : memref<1280x16xf32, #tpu.memory_space<vmem>>, vector<1280x16xf32>
    %get3A_2 = arith.constant 0 : index
    %get3A_3 = arith.constant 0 : index
    %get3A_4 = vector.load %arg2[%get3A_2, %get3A_3] : memref<16x384xf32, #tpu.memory_space<vmem>>, vector<16x384xf32>
    %dot_general3A = arith.constant dense<0.000000e+00> : vector<1280x384xf32>
    %dot_general3A_5 = tpu.matmul %get3A_1, %get3A_4, %dot_general3A {dimension_numbers = #tpu.dot_dimension_numbers<[1], [0], [0], [1], [0, 0, 1, 1], [], []>, transpose_lhs_hint = false} : vector<1280x16xf32>, vector<16x384xf32>, vector<1280x384xf32> -> vector<1280x384xf32>
    %get3A_6 = arith.constant 0 : index
    %get3A_7 = vector.load %arg3[%get3A_6] : memref<384xf32, #tpu.memory_space<vmem>>, vector<384xf32>
    %broadcast_in_dim3A = vector.shape_cast %get3A_7 : vector<384xf32> to vector<1x384xf32>
    %add3A = vector.broadcast %broadcast_in_dim3A : vector<1x384xf32> to vector<1280x384xf32>
    %add3A_8 = arith.addf %dot_general3A_5, %add3A : vector<1280x384xf32>
    %mul3A = arith.constant 0.577350259 : f32
    %mul3A_9 = vector.broadcast %mul3A : f32 to vector<1280x384xf32>
    %mul3A_10 = arith.mulf %add3A_8, %mul3A_9 : vector<1280x384xf32>
    %slice3A = vector.extract_strided_slice %mul3A_10 {offsets = [0, 0], sizes = [1280, 32], strides = [1, 1]} : vector<1280x384xf32> to vector<1280x32xf32>
    %swap3A = arith.constant 0 : index
    %swap3A_11 = arith.constant 0 : index
    %swap3A_12 = arith.constant 0 : index
    %swap3A_13 = vector.load %arg6[%swap3A, %swap3A_11, %swap3A_12] : memref<4x1280x96xf32, #tpu.memory_space<vmem>>, vector<1x1280x32xf32>
    %swap3A_14 = vector.shape_cast %swap3A_13 : vector<1x1280x32xf32> to vector<1280x32xf32>
    %swap3A_15 = vector.shape_cast %slice3A : vector<1280x32xf32> to vector<1x1280x32xf32>
    tpu.vector_store %arg6[%swap3A, %swap3A_11, %swap3A_12], %swap3A_15 {strides = array<i32>} : memref<4x1280x96xf32, #tpu.memory_space<vmem>>, vector<1x1280x32xf32>,
    %slice3A_16 = vector.extract_strided_slice %mul3A_10 {offsets = [0, 128], sizes = [1280, 32], strides = [1, 1]} : vector<1280x384xf32> to vector<1280x32xf32>
    %swap3A_17 = arith.constant 0 : index
    %swap3A_18 = arith.constant 0 : index
    %swap3A_19 = arith.constant 32 : index
    %swap3A_20 = vector.load %arg6[%swap3A_17, %swap3A_18, %swap3A_19] : memref<4x1280x96xf32, #tpu.memory_space<vmem>>, vector<1x1280x32xf32>
    %swap3A_21 = vector.shape_cast %swap3A_20 : vector<1x1280x32xf32> to vector<1280x32xf32>
    %swap3A_22 = vector.shape_cast %slice3A_16 : vector<1280x32xf32> to vector<1x1280x32xf32>
    tpu.vector_store %arg6[%swap3A_17, %swap3A_18, %swap3A_19], %swap3A_22 {strides = array<i32>} : memref<4x1280x96xf32, #tpu.memory_space<vmem>>, vector<1x1280x32xf32>,
    %slice3A_23 = vector.extract_strided_slice %mul3A_10 {offsets = [0, 256], sizes = [1280, 32], strides = [1, 1]} : vector<1280x384xf32> to vector<1280x32xf32>
    %swap3A_24 = arith.constant 0 : index
    %swap3A_25 = arith.constant 0 : index
    %swap3A_26 = arith.constant 64 : index
    %swap3A_27 = vector.load %arg6[%swap3A_24, %swap3A_25, %swap3A_26] : memref<4x1280x96xf32, #tpu.memory_space<vmem>>, vector<1x1280x32xf32>
    %swap3A_28 = vector.shape_cast %swap3A_27 : vector<1x1280x32xf32> to vector<1280x32xf32>
    %swap3A_29 = vector.shape_cast %slice3A_23 : vector<1280x32xf32> to vector<1x1280x32xf32>
    tpu.vector_store %arg6[%swap3A_24, %swap3A_25, %swap3A_26], %swap3A_29 {strides = array<i32>} : memref<4x1280x96xf32, #tpu.memory_space<vmem>>, vector<1x1280x32xf32>,
    %get3A_30 = arith.constant 0 : index
    %get3A_31 = arith.constant 0 : index
    %get3A_32 = arith.constant 0 : index
    %get3A_33 = vector.load %arg4[%get3A_30, %get3A_31, %get3A_32] : memref<1x1x1280xi32, #tpu.memory_space<vmem>>, vector<1x1x1280xi32>
    %get3A_34 = vector.shape_cast %get3A_33 : vector<1x1x1280xi32> to vector<1280xi32>
    %add3A_35 = arith.constant 0 : i32
    %add3A_36 = vector.broadcast %add3A_35 : i32 to vector<1280xi32>
    %add3A_37 = arith.addi %get3A_34, %add3A_36 : vector<1280xi32>
    %swap3A_38 = arith.constant 0 : index
    %swap3A_39 = arith.constant 0 : index
    %swap3A_40 = vector.load %arg7[%swap3A_38, %swap3A_39] : memref<4x1280xi32, #tpu.memory_space<vmem>>, vector<1x1280xi32>
    %swap3A_41 = vector.shape_cast %swap3A_40 : vector<1x1280xi32> to vector<1280xi32>
    %swap3A_42 = vector.shape_cast %add3A_37 : vector<1280xi32> to vector<1x1280xi32>
    tpu.vector_store %arg7[%swap3A_38, %swap3A_39], %swap3A_42 {strides = array<i32>} : memref<4x1280xi32, #tpu.memory_space<vmem>>, vector<1x1280xi32>,
    %get3A_43 = arith.constant 0 : index
    %get3A_44 = arith.constant 0 : index
    %get3A_45 = arith.constant 0 : index
    %get3A_46 = vector.load %arg5[%get3A_43, %get3A_44, %get3A_45] : memref<1x1x1280xi32, #tpu.memory_space<vmem>>, vector<1x1x1280xi32>
    %get3A_47 = vector.shape_cast %get3A_46 : vector<1x1x1280xi32> to vector<1280xi32>
    %add3A_48 = arith.constant 0 : i32
    %add3A_49 = vector.broadcast %add3A_48 : i32 to vector<1280xi32>
    %add3A_50 = arith.addi %get3A_47, %add3A_49 : vector<1280xi32>
    %swap3A_51 = arith.constant 0 : index
    %swap3A_52 = arith.constant 0 : index
    %swap3A_53 = vector.load %arg8[%swap3A_51, %swap3A_52] : memref<4x1280xi32, #tpu.memory_space<vmem>>, vector<1x1280xi32>
    %swap3A_54 = vector.shape_cast %swap3A_53 : vector<1x1280xi32> to vector<1280xi32>
    %swap3A_55 = vector.shape_cast %add3A_50 : vector<1280xi32> to vector<1x1280xi32>
    tpu.vector_store %arg8[%swap3A_51, %swap3A_52], %swap3A_55 {strides = array<i32>} : memref<4x1280xi32, #tpu.memory_space<vmem>>, vector<1x1280xi32>,
    %slice3A_56 = vector.extract_strided_slice %mul3A_10 {offsets = [0, 32], sizes = [1280, 32], strides = [1, 1]} : vector<1280x384xf32> to vector<1280x32xf32>
    %swap3A_57 = arith.constant 1 : index
    %swap3A_58 = arith.constant 0 : index
    %swap3A_59 = arith.constant 0 : index
    %swap3A_60 = vector.load %arg6[%swap3A_57, %swap3A_58, %swap3A_59] : memref<4x1280x96xf32, #tpu.memory_space<vmem>>, vector<1x1280x32xf32>
    %swap3A_61 = vector.shape_cast %swap3A_60 : vector<1x1280x32xf32> to vector<1280x32xf32>
    %swap3A_62 = vector.shape_cast %slice3A_56 : vector<1280x32xf32> to vector<1x1280x32xf32>
    tpu.vector_store %arg6[%swap3A_57, %swap3A_58, %swap3A_59], %swap3A_62 {strides = array<i32>} : memref<4x1280x96xf32, #tpu.memory_space<vmem>>, vector<1x1280x32xf32>,
    %slice3A_63 = vector.extract_strided_slice %mul3A_10 {offsets = [0, 160], sizes = [1280, 32], strides = [1, 1]} : vector<1280x384xf32> to vector<1280x32xf32>
    %swap3A_64 = arith.constant 1 : index
    %swap3A_65 = arith.constant 0 : index
    %swap3A_66 = arith.constant 32 : index
    %swap3A_67 = vector.load %arg6[%swap3A_64, %swap3A_65, %swap3A_66] : memref<4x1280x96xf32, #tpu.memory_space<vmem>>, vector<1x1280x32xf32>
    %swap3A_68 = vector.shape_cast %swap3A_67 : vector<1x1280x32xf32> to vector<1280x32xf32>
    %swap3A_69 = vector.shape_cast %slice3A_63 : vector<1280x32xf32> to vector<1x1280x32xf32>
    tpu.vector_store %arg6[%swap3A_64, %swap3A_65, %swap3A_66], %swap3A_69 {strides = array<i32>} : memref<4x1280x96xf32, #tpu.memory_space<vmem>>, vector<1x1280x32xf32>,
    %slice3A_70 = vector.extract_strided_slice %mul3A_10 {offsets = [0, 288], sizes = [1280, 32], strides = [1, 1]} : vector<1280x384xf32> to vector<1280x32xf32>
    %swap3A_71 = arith.constant 1 : index
    %swap3A_72 = arith.constant 0 : index
    %swap3A_73 = arith.constant 64 : index
    %swap3A_74 = vector.load %arg6[%swap3A_71, %swap3A_72, %swap3A_73] : memref<4x1280x96xf32, #tpu.memory_space<vmem>>, vector<1x1280x32xf32>
    %swap3A_75 = vector.shape_cast %swap3A_74 : vector<1x1280x32xf32> to vector<1280x32xf32>
    %swap3A_76 = vector.shape_cast %slice3A_70 : vector<1280x32xf32> to vector<1x1280x32xf32>
    tpu.vector_store %arg6[%swap3A_71, %swap3A_72, %swap3A_73], %swap3A_76 {strides = array<i32>} : memref<4x1280x96xf32, #tpu.memory_space<vmem>>, vector<1x1280x32xf32>,
    %get3A_77 = arith.constant 0 : index
    %get3A_78 = arith.constant 0 : index
    %get3A_79 = arith.constant 0 : index
    %get3A_80 = vector.load %arg4[%get3A_77, %get3A_78, %get3A_79] : memref<1x1x1280xi32, #tpu.memory_space<vmem>>, vector<1x1x1280xi32>
    %get3A_81 = vector.shape_cast %get3A_80 : vector<1x1x1280xi32> to vector<1280xi32>
    %add3A_82 = arith.constant 10240 : i32
    %add3A_83 = vector.broadcast %add3A_82 : i32 to vector<1280xi32>
    %add3A_84 = arith.addi %get3A_81, %add3A_83 : vector<1280xi32>
    %swap3A_85 = arith.constant 1 : index
    %swap3A_86 = arith.constant 0 : index
    %swap3A_87 = vector.load %arg7[%swap3A_85, %swap3A_86] : memref<4x1280xi32, #tpu.memory_space<vmem>>, vector<1x1280xi32>
    %swap3A_88 = vector.shape_cast %swap3A_87 : vector<1x1280xi32> to vector<1280xi32>
    %swap3A_89 = vector.shape_cast %add3A_84 : vector<1280xi32> to vector<1x1280xi32>
    tpu.vector_store %arg7[%swap3A_85, %swap3A_86], %swap3A_89 {strides = array<i32>} : memref<4x1280xi32, #tpu.memory_space<vmem>>, vector<1x1280xi32>,
    %get3A_90 = arith.constant 0 : index
    %get3A_91 = arith.constant 0 : index
    %get3A_92 = arith.constant 0 : index
    %get3A_93 = vector.load %arg5[%get3A_90, %get3A_91, %get3A_92] : memref<1x1x1280xi32, #tpu.memory_space<vmem>>, vector<1x1x1280xi32>
    %get3A_94 = vector.shape_cast %get3A_93 : vector<1x1x1280xi32> to vector<1280xi32>
    %add3A_95 = arith.constant 10240 : i32
    %add3A_96 = vector.broadcast %add3A_95 : i32 to vector<1280xi32>
    %add3A_97 = arith.addi %get3A_94, %add3A_96 : vector<1280xi32>
    %swap3A_98 = arith.constant 1 : index
    %swap3A_99 = arith.constant 0 : index
    %swap3A_100 = vector.load %arg8[%swap3A_98, %swap3A_99] : memref<4x1280xi32, #tpu.memory_space<vmem>>, vector<1x1280xi32>
    %swap3A_101 = vector.shape_cast %swap3A_100 : vector<1x1280xi32> to vector<1280xi32>
    %swap3A_102 = vector.shape_cast %add3A_97 : vector<1280xi32> to vector<1x1280xi32>
    tpu.vector_store %arg8[%swap3A_98, %swap3A_99], %swap3A_102 {strides = array<i32>} : memref<4x1280xi32, #tpu.memory_space<vmem>>, vector<1x1280xi32>,
    %slice3A_103 = vector.extract_strided_slice %mul3A_10 {offsets = [0, 64], sizes = [1280, 32], strides = [1, 1]} : vector<1280x384xf32> to vector<1280x32xf32>
    %swap3A_104 = arith.constant 2 : index
    %swap3A_105 = arith.constant 0 : index
    %swap3A_106 = arith.constant 0 : index
    %swap3A_107 = vector.load %arg6[%swap3A_104, %swap3A_105, %swap3A_106] : memref<4x1280x96xf32, #tpu.memory_space<vmem>>, vector<1x1280x32xf32>
    %swap3A_108 = vector.shape_cast %swap3A_107 : vector<1x1280x32xf32> to vector<1280x32xf32>
    %swap3A_109 = vector.shape_cast %slice3A_103 : vector<1280x32xf32> to vector<1x1280x32xf32>
    tpu.vector_store %arg6[%swap3A_104, %swap3A_105, %swap3A_106], %swap3A_109 {strides = array<i32>} : memref<4x1280x96xf32, #tpu.memory_space<vmem>>, vector<1x1280x32xf32>,
    %slice3A_110 = vector.extract_strided_slice %mul3A_10 {offsets = [0, 192], sizes = [1280, 32], strides = [1, 1]} : vector<1280x384xf32> to vector<1280x32xf32>
    %swap3A_111 = arith.constant 2 : index
    %swap3A_112 = arith.constant 0 : index
    %swap3A_113 = arith.constant 32 : index
    %swap3A_114 = vector.load %arg6[%swap3A_111, %swap3A_112, %swap3A_113] : memref<4x1280x96xf32, #tpu.memory_space<vmem>>, vector<1x1280x32xf32>
    %swap3A_115 = vector.shape_cast %swap3A_114 : vector<1x1280x32xf32> to vector<1280x32xf32>
    %swap3A_116 = vector.shape_cast %slice3A_110 : vector<1280x32xf32> to vector<1x1280x32xf32>
    tpu.vector_store %arg6[%swap3A_111, %swap3A_112, %swap3A_113], %swap3A_116 {strides = array<i32>} : memref<4x1280x96xf32, #tpu.memory_space<vmem>>, vector<1x1280x32xf32>,
    %slice3A_117 = vector.extract_strided_slice %mul3A_10 {offsets = [0, 320], sizes = [1280, 32], strides = [1, 1]} : vector<1280x384xf32> to vector<1280x32xf32>
    %swap3A_118 = arith.constant 2 : index
    %swap3A_119 = arith.constant 0 : index
    %swap3A_120 = arith.constant 64 : index
    %swap3A_121 = vector.load %arg6[%swap3A_118, %swap3A_119, %swap3A_120] : memref<4x1280x96xf32, #tpu.memory_space<vmem>>, vector<1x1280x32xf32>
    %swap3A_122 = vector.shape_cast %swap3A_121 : vector<1x1280x32xf32> to vector<1280x32xf32>
    %swap3A_123 = vector.shape_cast %slice3A_117 : vector<1280x32xf32> to vector<1x1280x32xf32>
    tpu.vector_store %arg6[%swap3A_118, %swap3A_119, %swap3A_120], %swap3A_123 {strides = array<i32>} : memref<4x1280x96xf32, #tpu.memory_space<vmem>>, vector<1x1280x32xf32>,
    %get3A_124 = arith.constant 0 : index
    %get3A_125 = arith.constant 0 : index
    %get3A_126 = arith.constant 0 : index
    %get3A_127 = vector.load %arg4[%get3A_124, %get3A_125, %get3A_126] : memref<1x1x1280xi32, #tpu.memory_space<vmem>>, vector<1x1x1280xi32>
    %get3A_128 = vector.shape_cast %get3A_127 : vector<1x1x1280xi32> to vector<1280xi32>
    %add3A_129 = arith.constant 20480 : i32
    %add3A_130 = vector.broadcast %add3A_129 : i32 to vector<1280xi32>
    %add3A_131 = arith.addi %get3A_128, %add3A_130 : vector<1280xi32>
    %swap3A_132 = arith.constant 2 : index
    %swap3A_133 = arith.constant 0 : index
    %swap3A_134 = vector.load %arg7[%swap3A_132, %swap3A_133] : memref<4x1280xi32, #tpu.memory_space<vmem>>, vector<1x1280xi32>
    %swap3A_135 = vector.shape_cast %swap3A_134 : vector<1x1280xi32> to vector<1280xi32>
    %swap3A_136 = vector.shape_cast %add3A_131 : vector<1280xi32> to vector<1x1280xi32>
    tpu.vector_store %arg7[%swap3A_132, %swap3A_133], %swap3A_136 {strides = array<i32>} : memref<4x1280xi32, #tpu.memory_space<vmem>>, vector<1x1280xi32>,
    %get3A_137 = arith.constant 0 : index
    %get3A_138 = arith.constant 0 : index
    %get3A_139 = arith.constant 0 : index
    %get3A_140 = vector.load %arg5[%get3A_137, %get3A_138, %get3A_139] : memref<1x1x1280xi32, #tpu.memory_space<vmem>>, vector<1x1x1280xi32>
    %get3A_141 = vector.shape_cast %get3A_140 : vector<1x1x1280xi32> to vector<1280xi32>
    %add3A_142 = arith.constant 20480 : i32
    %add3A_143 = vector.broadcast %add3A_142 : i32 to vector<1280xi32>
    %add3A_144 = arith.addi %get3A_141, %add3A_143 : vector<1280xi32>
    %swap3A_145 = arith.constant 2 : index
    %swap3A_146 = arith.constant 0 : index
    %swap3A_147 = vector.load %arg8[%swap3A_145, %swap3A_146] : memref<4x1280xi32, #tpu.memory_space<vmem>>, vector<1x1280xi32>
    %swap3A_148 = vector.shape_cast %swap3A_147 : vector<1x1280xi32> to vector<1280xi32>
    %swap3A_149 = vector.shape_cast %add3A_144 : vector<1280xi32> to vector<1x1280xi32>
    tpu.vector_store %arg8[%swap3A_145, %swap3A_146], %swap3A_149 {strides = array<i32>} : memref<4x1280xi32, #tpu.memory_space<vmem>>, vector<1x1280xi32>,
    %slice3A_150 = vector.extract_strided_slice %mul3A_10 {offsets = [0, 96], sizes = [1280, 32], strides = [1, 1]} : vector<1280x384xf32> to vector<1280x32xf32>
    %swap3A_151 = arith.constant 3 : index
    %swap3A_152 = arith.constant 0 : index
    %swap3A_153 = arith.constant 0 : index
    %swap3A_154 = vector.load %arg6[%swap3A_151, %swap3A_152, %swap3A_153] : memref<4x1280x96xf32, #tpu.memory_space<vmem>>, vector<1x1280x32xf32>
    %swap3A_155 = vector.shape_cast %swap3A_154 : vector<1x1280x32xf32> to vector<1280x32xf32>
    %swap3A_156 = vector.shape_cast %slice3A_150 : vector<1280x32xf32> to vector<1x1280x32xf32>
    tpu.vector_store %arg6[%swap3A_151, %swap3A_152, %swap3A_153], %swap3A_156 {strides = array<i32>} : memref<4x1280x96xf32, #tpu.memory_space<vmem>>, vector<1x1280x32xf32>,
    %slice3A_157 = vector.extract_strided_slice %mul3A_10 {offsets = [0, 224], sizes = [1280, 32], strides = [1, 1]} : vector<1280x384xf32> to vector<1280x32xf32>
    %swap3A_158 = arith.constant 3 : index
    %swap3A_159 = arith.constant 0 : index
    %swap3A_160 = arith.constant 32 : index
    %swap3A_161 = vector.load %arg6[%swap3A_158, %swap3A_159, %swap3A_160] : memref<4x1280x96xf32, #tpu.memory_space<vmem>>, vector<1x1280x32xf32>
    %swap3A_162 = vector.shape_cast %swap3A_161 : vector<1x1280x32xf32> to vector<1280x32xf32>
    %swap3A_163 = vector.shape_cast %slice3A_157 : vector<1280x32xf32> to vector<1x1280x32xf32>
    tpu.vector_store %arg6[%swap3A_158, %swap3A_159, %swap3A_160], %swap3A_163 {strides = array<i32>} : memref<4x1280x96xf32, #tpu.memory_space<vmem>>, vector<1x1280x32xf32>,
    %slice3A_164 = vector.extract_strided_slice %mul3A_10 {offsets = [0, 352], sizes = [1280, 32], strides = [1, 1]} : vector<1280x384xf32> to vector<1280x32xf32>
    %swap3A_165 = arith.constant 3 : index
    %swap3A_166 = arith.constant 0 : index
    %swap3A_167 = arith.constant 64 : index
    %swap3A_168 = vector.load %arg6[%swap3A_165, %swap3A_166, %swap3A_167] : memref<4x1280x96xf32, #tpu.memory_space<vmem>>, vector<1x1280x32xf32>
    %swap3A_169 = vector.shape_cast %swap3A_168 : vector<1x1280x32xf32> to vector<1280x32xf32>
    %swap3A_170 = vector.shape_cast %slice3A_164 : vector<1280x32xf32> to vector<1x1280x32xf32>
    tpu.vector_store %arg6[%swap3A_165, %swap3A_166, %swap3A_167], %swap3A_170 {strides = array<i32>} : memref<4x1280x96xf32, #tpu.memory_space<vmem>>, vector<1x1280x32xf32>,
    %get3A_171 = arith.constant 0 : index
    %get3A_172 = arith.constant 0 : index
    %get3A_173 = arith.constant 0 : index
    %get3A_174 = vector.load %arg4[%get3A_171, %get3A_172, %get3A_173] : memref<1x1x1280xi32, #tpu.memory_space<vmem>>, vector<1x1x1280xi32>
    %get3A_175 = vector.shape_cast %get3A_174 : vector<1x1x1280xi32> to vector<1280xi32>
    %add3A_176 = arith.constant 30720 : i32
    %add3A_177 = vector.broadcast %add3A_176 : i32 to vector<1280xi32>
    %add3A_178 = arith.addi %get3A_175, %add3A_177 : vector<1280xi32>
    %swap3A_179 = arith.constant 3 : index
    %swap3A_180 = arith.constant 0 : index
    %swap3A_181 = vector.load %arg7[%swap3A_179, %swap3A_180] : memref<4x1280xi32, #tpu.memory_space<vmem>>, vector<1x1280xi32>
    %swap3A_182 = vector.shape_cast %swap3A_181 : vector<1x1280xi32> to vector<1280xi32>
    %swap3A_183 = vector.shape_cast %add3A_178 : vector<1280xi32> to vector<1x1280xi32>
    tpu.vector_store %arg7[%swap3A_179, %swap3A_180], %swap3A_183 {strides = array<i32>} : memref<4x1280xi32, #tpu.memory_space<vmem>>, vector<1x1280xi32>,
    %get3A_184 = arith.constant 0 : index
    %get3A_185 = arith.constant 0 : index
    %get3A_186 = arith.constant 0 : index
    %get3A_187 = vector.load %arg5[%get3A_184, %get3A_185, %get3A_186] : memref<1x1x1280xi32, #tpu.memory_space<vmem>>, vector<1x1x1280xi32>
    %get3A_188 = vector.shape_cast %get3A_187 : vector<1x1x1280xi32> to vector<1280xi32>
    %add3A_189 = arith.constant 30720 : i32
    %add3A_190 = vector.broadcast %add3A_189 : i32 to vector<1280xi32>
    %add3A_191 = arith.addi %get3A_188, %add3A_190 : vector<1280xi32>
    %swap3A_192 = arith.constant 3 : index
    %swap3A_193 = arith.constant 0 : index
    %swap3A_194 = vector.load %arg8[%swap3A_192, %swap3A_193] : memref<4x1280xi32, #tpu.memory_space<vmem>>, vector<1x1280xi32>
    %swap3A_195 = vector.shape_cast %swap3A_194 : vector<1x1280xi32> to vector<1280xi32>
    %swap3A_196 = vector.shape_cast %add3A_191 : vector<1280xi32> to vector<1x1280xi32>
    tpu.vector_store %arg8[%swap3A_192, %swap3A_193], %swap3A_196 {strides = array<i32>} : memref<4x1280xi32, #tpu.memory_space<vmem>>, vector<1x1280xi32>,
    return
  }
  func.func @transform_0(%arg0: i32) -> (i32, i32) {
    %c0_i32 = arith.constant 0 : i32
    %c0_i32_0 = arith.constant 0 : i32
    return %arg0, %c0_i32 : i32, i32
  }
  func.func @transform_1(%arg0: i32) -> (i32, i32) {
    %c0_i32 = arith.constant 0 : i32
    %c0_i32_0 = arith.constant 0 : i32
    %c0_i32_1 = arith.constant 0 : i32
    return %c0_i32, %c0_i32_0 : i32, i32
  }
  func.func @transform_2(%arg0: i32) -> i32 {
    %c0_i32 = arith.constant 0 : i32
    %c0_i32_0 = arith.constant 0 : i32
    return %c0_i32 : i32
  }
  func.func @transform_3(%arg0: i32) -> (i32, i32, i32) {
    %c0_i32 = arith.constant 0 : i32
    %c0_i32_0 = arith.constant 0 : i32
    %c0_i32_1 = arith.constant 0 : i32
    return %arg0, %c0_i32, %c0_i32_0 : i32, i32, i32
  }
  func.func @transform_4(%arg0: i32) -> (i32, i32, i32) {
    %c0_i32 = arith.constant 0 : i32
    %c0_i32_0 = arith.constant 0 : i32
    %c0_i32_1 = arith.constant 0 : i32
    return %arg0, %c0_i32, %c0_i32_0 : i32, i32, i32
  }
  func.func @transform_5(%arg0: i32) -> (i32, i32, i32) {
    %c0_i32 = arith.constant 0 : i32
    %c0_i32_0 = arith.constant 0 : i32
    %c0_i32_1 = arith.constant 0 : i32
    return %c0_i32, %arg0, %c0_i32_0 : i32, i32, i32
  }
  func.func @transform_6(%arg0: i32) -> (i32, i32) {
    %c0_i32 = arith.constant 0 : i32
    %c0_i32_0 = arith.constant 0 : i32
    return %c0_i32, %arg0 : i32, i32
  }
  func.func @transform_7(%arg0: i32) -> (i32, i32) {
    %c0_i32 = arith.constant 0 : i32
    %c0_i32_0 = arith.constant 0 : i32
    return %c0_i32, %arg0 : i32, i32
  }
}

module attributes {stable_mosaic.version = 14 : i64} {
  func.func @_node_tables_body(%arg0: i32, %arg1: memref<1024x128xf32, #tpu.memory_space<vmem>>, %arg2: memref<1024x128xf32, #tpu.memory_space<vmem>>, %arg3: memref<1024x3x128xf32, #tpu.memory_space<vmem>>, %arg4: memref<128x384xf32, #tpu.memory_space<vmem>>, %arg5: memref<384xf32, #tpu.memory_space<vmem>>, %arg6: memref<128x64xf32, #tpu.memory_space<vmem>>, %arg7: memref<64xf32, #tpu.memory_space<vmem>>, %arg8: memref<64x384xf32, #tpu.memory_space<vmem>>, %arg9: memref<384xf32, #tpu.memory_space<vmem>>, %arg10: memref<4x1024x384xf32, #tpu.memory_space<vmem>>, %arg11: memref<4x1024x128xf32, #tpu.memory_space<vmem>>) attributes {dimension_semantics = [#tpu.dimension_semantics<arbitrary>], iteration_bounds = array<i64: 10>, scalar_prefetch = 0 : i64, scratch_operands = 0 : i64, tpu.core_type = #tpu.core_type<tc>, window_params = [{transform_indices = @transform_0, window_bounds = array<i64: 1024, 128>}, {transform_indices = @transform_1, window_bounds = array<i64: 1024, 128>}, {transform_indices = @transform_2, window_bounds = array<i64: 1024, 3, 128>}, {pipeline_mode = #tpu.pipeline_mode<synchronous>, transform_indices = @transform_3, window_bounds = array<i64: 128, 384>}, {pipeline_mode = #tpu.pipeline_mode<synchronous>, transform_indices = @transform_4, window_bounds = array<i64: 384>}, {pipeline_mode = #tpu.pipeline_mode<synchronous>, transform_indices = @transform_5, window_bounds = array<i64: 128, 64>}, {pipeline_mode = #tpu.pipeline_mode<synchronous>, transform_indices = @transform_6, window_bounds = array<i64: 64>}, {pipeline_mode = #tpu.pipeline_mode<synchronous>, transform_indices = @transform_7, window_bounds = array<i64: 64, 384>}, {pipeline_mode = #tpu.pipeline_mode<synchronous>, transform_indices = @transform_8, window_bounds = array<i64: 384>}, {transform_indices = @transform_9, window_bounds = array<i64: 4, 1024, 384>}, {transform_indices = @transform_10, window_bounds = array<i64: 4, 1024, 128>}]} {
    %get3A = arith.constant 0 : index
    %get3A_0 = arith.constant 0 : index
    %get3A_1 = vector.load %arg2[%get3A, %get3A_0] : memref<1024x128xf32, #tpu.memory_space<vmem>>, vector<1024x128xf32>
    %get3A_2 = arith.constant 0 : index
    %get3A_3 = arith.constant 0 : index
    %get3A_4 = vector.load %arg4[%get3A_2, %get3A_3] : memref<128x384xf32, #tpu.memory_space<vmem>>, vector<128x384xf32>
    %dot_general3A = arith.constant dense<0.000000e+00> : vector<1024x384xf32>
    %dot_general3A_5 = tpu.matmul %get3A_1, %get3A_4, %dot_general3A {dimension_numbers = #tpu.dot_dimension_numbers<[1], [0], [0], [1], [0, 0, 1, 1], [], []>, transpose_lhs_hint = false} : vector<1024x128xf32>, vector<128x384xf32>, vector<1024x384xf32> -> vector<1024x384xf32>
    %get3A_6 = arith.constant 0 : index
    %get3A_7 = vector.load %arg5[%get3A_6] : memref<384xf32, #tpu.memory_space<vmem>>, vector<384xf32>
    %broadcast_in_dim3A = vector.shape_cast %get3A_7 : vector<384xf32> to vector<1x384xf32>
    %add3A = vector.broadcast %broadcast_in_dim3A : vector<1x384xf32> to vector<1024x384xf32>
    %add3A_8 = arith.addf %dot_general3A_5, %add3A : vector<1024x384xf32>
    %get3A_9 = arith.constant 0 : index
    %get3A_10 = arith.constant 0 : index
    %get3A_11 = vector.load %arg1[%get3A_9, %get3A_10] : memref<1024x128xf32, #tpu.memory_space<vmem>>, vector<1024x128xf32>
    %get3A_12 = arith.constant 0 : index
    %get3A_13 = arith.constant 0 : index
    %get3A_14 = vector.load %arg6[%get3A_12, %get3A_13] : memref<128x64xf32, #tpu.memory_space<vmem>>, vector<128x64xf32>
    %dot_general3A_15 = arith.constant dense<0.000000e+00> : vector<1024x64xf32>
    %dot_general3A_16 = tpu.matmul %get3A_11, %get3A_14, %dot_general3A_15 {dimension_numbers = #tpu.dot_dimension_numbers<[1], [0], [0], [1], [0, 0, 1, 1], [], []>, transpose_lhs_hint = false} : vector<1024x128xf32>, vector<128x64xf32>, vector<1024x64xf32> -> vector<1024x64xf32>
    %get3A_17 = arith.constant 0 : index
    %get3A_18 = vector.load %arg7[%get3A_17] : memref<64xf32, #tpu.memory_space<vmem>>, vector<64xf32>
    %broadcast_in_dim3A_19 = vector.shape_cast %get3A_18 : vector<64xf32> to vector<1x64xf32>
    %add3A_20 = vector.broadcast %broadcast_in_dim3A_19 : vector<1x64xf32> to vector<1024x64xf32>
    %add3A_21 = arith.addf %dot_general3A_16, %add3A_20 : vector<1024x64xf32>
    %logistic3A = arith.negf %add3A_21 : vector<1024x64xf32>
    %logistic3A_22 = math.exp %logistic3A : vector<1024x64xf32>
    %logistic3A_23 = arith.constant 1.000000e+00 : f32
    %logistic3A_24 = vector.broadcast %logistic3A_23 : f32 to vector<1024x64xf32>
    %logistic3A_25 = arith.addf %logistic3A_24, %logistic3A_22 : vector<1024x64xf32>
    %logistic3A_26 = arith.divf %logistic3A_24, %logistic3A_25 : vector<1024x64xf32>
    %mul3A = arith.mulf %add3A_21, %logistic3A_26 : vector<1024x64xf32>
    %mul3A_27 = arith.constant 1.66666663 : f32
    %mul3A_28 = vector.broadcast %mul3A_27 : f32 to vector<1024x64xf32>
    %mul3A_29 = arith.mulf %mul3A, %mul3A_28 : vector<1024x64xf32>
    %get3A_30 = arith.constant 0 : index
    %get3A_31 = arith.constant 0 : index
    %get3A_32 = vector.load %arg8[%get3A_30, %get3A_31] : memref<64x384xf32, #tpu.memory_space<vmem>>, vector<64x384xf32>
    %dot_general3A_33 = arith.constant dense<0.000000e+00> : vector<1024x384xf32>
    %dot_general3A_34 = tpu.matmul %mul3A_29, %get3A_32, %dot_general3A_33 {dimension_numbers = #tpu.dot_dimension_numbers<[1], [0], [0], [1], [0, 0, 1, 1], [], []>, transpose_lhs_hint = false} : vector<1024x64xf32>, vector<64x384xf32>, vector<1024x384xf32> -> vector<1024x384xf32>
    %get3A_35 = arith.constant 0 : index
    %get3A_36 = vector.load %arg9[%get3A_35] : memref<384xf32, #tpu.memory_space<vmem>>, vector<384xf32>
    %broadcast_in_dim3A_37 = vector.shape_cast %get3A_36 : vector<384xf32> to vector<1x384xf32>
    %add3A_38 = vector.broadcast %broadcast_in_dim3A_37 : vector<1x384xf32> to vector<1024x384xf32>
    %add3A_39 = arith.addf %dot_general3A_34, %add3A_38 : vector<1024x384xf32>
    %slice3A = vector.extract_strided_slice %add3A_39 {offsets = [0, 0], sizes = [1024, 32], strides = [1, 1]} : vector<1024x384xf32> to vector<1024x32xf32>
    %swap3A = arith.constant 0 : index
    %swap3A_40 = arith.constant 0 : index
    %swap3A_41 = arith.constant 0 : index
    %swap3A_42 = vector.load %arg10[%swap3A, %swap3A_40, %swap3A_41] : memref<4x1024x384xf32, #tpu.memory_space<vmem>>, vector<1x1024x32xf32>
    %swap3A_43 = vector.shape_cast %swap3A_42 : vector<1x1024x32xf32> to vector<1024x32xf32>
    %swap3A_44 = vector.shape_cast %slice3A : vector<1024x32xf32> to vector<1x1024x32xf32>
    tpu.vector_store %arg10[%swap3A, %swap3A_40, %swap3A_41], %swap3A_44 {strides = array<i32>} : memref<4x1024x384xf32, #tpu.memory_space<vmem>>, vector<1x1024x32xf32>,
    %slice3A_45 = vector.extract_strided_slice %add3A_8 {offsets = [0, 0], sizes = [1024, 32], strides = [1, 1]} : vector<1024x384xf32> to vector<1024x32xf32>
    %swap3A_46 = arith.constant 0 : index
    %swap3A_47 = arith.constant 0 : index
    %swap3A_48 = arith.constant 96 : index
    %swap3A_49 = vector.load %arg10[%swap3A_46, %swap3A_47, %swap3A_48] : memref<4x1024x384xf32, #tpu.memory_space<vmem>>, vector<1x1024x32xf32>
    %swap3A_50 = vector.shape_cast %swap3A_49 : vector<1x1024x32xf32> to vector<1024x32xf32>
    %swap3A_51 = vector.shape_cast %slice3A_45 : vector<1024x32xf32> to vector<1x1024x32xf32>
    tpu.vector_store %arg10[%swap3A_46, %swap3A_47, %swap3A_48], %swap3A_51 {strides = array<i32>} : memref<4x1024x384xf32, #tpu.memory_space<vmem>>, vector<1x1024x32xf32>,
    %get3A_52 = arith.constant 0 : index
    %get3A_53 = arith.constant 0 : index
    %get3A_54 = arith.constant 0 : index
    %get3A_55 = vector.load %arg3[%get3A_52, %get3A_53, %get3A_54] : memref<1024x3x128xf32, #tpu.memory_space<vmem>>, vector<1024x1x32xf32>
    %get3A_56 = vector.shape_cast %get3A_55 : vector<1024x1x32xf32> to vector<1024x32xf32>
    %mul3A_57 = arith.constant 0.0883883461 : f32
    %mul3A_58 = vector.broadcast %mul3A_57 : f32 to vector<1024x32xf32>
    %mul3A_59 = arith.mulf %get3A_56, %mul3A_58 : vector<1024x32xf32>
    %swap3A_60 = arith.constant 0 : index
    %swap3A_61 = arith.constant 0 : index
    %swap3A_62 = arith.constant 192 : index
    %swap3A_63 = vector.load %arg10[%swap3A_60, %swap3A_61, %swap3A_62] : memref<4x1024x384xf32, #tpu.memory_space<vmem>>, vector<1x1024x32xf32>
    %swap3A_64 = vector.shape_cast %swap3A_63 : vector<1x1024x32xf32> to vector<1024x32xf32>
    %swap3A_65 = vector.shape_cast %mul3A_59 : vector<1024x32xf32> to vector<1x1024x32xf32>
    tpu.vector_store %arg10[%swap3A_60, %swap3A_61, %swap3A_62], %swap3A_65 {strides = array<i32>} : memref<4x1024x384xf32, #tpu.memory_space<vmem>>, vector<1x1024x32xf32>,
    %slice3A_66 = vector.extract_strided_slice %add3A_8 {offsets = [0, 0], sizes = [1024, 32], strides = [1, 1]} : vector<1024x384xf32> to vector<1024x32xf32>
    %swap3A_67 = arith.constant 0 : index
    %swap3A_68 = arith.constant 0 : index
    %swap3A_69 = arith.constant 0 : index
    %swap3A_70 = vector.load %arg11[%swap3A_67, %swap3A_68, %swap3A_69] : memref<4x1024x128xf32, #tpu.memory_space<vmem>>, vector<1x1024x32xf32>
    %swap3A_71 = vector.shape_cast %swap3A_70 : vector<1x1024x32xf32> to vector<1024x32xf32>
    %swap3A_72 = vector.shape_cast %slice3A_66 : vector<1024x32xf32> to vector<1x1024x32xf32>
    tpu.vector_store %arg11[%swap3A_67, %swap3A_68, %swap3A_69], %swap3A_72 {strides = array<i32>} : memref<4x1024x128xf32, #tpu.memory_space<vmem>>, vector<1x1024x32xf32>,
    %slice3A_73 = vector.extract_strided_slice %add3A_39 {offsets = [0, 128], sizes = [1024, 32], strides = [1, 1]} : vector<1024x384xf32> to vector<1024x32xf32>
    %swap3A_74 = arith.constant 0 : index
    %swap3A_75 = arith.constant 0 : index
    %swap3A_76 = arith.constant 32 : index
    %swap3A_77 = vector.load %arg10[%swap3A_74, %swap3A_75, %swap3A_76] : memref<4x1024x384xf32, #tpu.memory_space<vmem>>, vector<1x1024x32xf32>
    %swap3A_78 = vector.shape_cast %swap3A_77 : vector<1x1024x32xf32> to vector<1024x32xf32>
    %swap3A_79 = vector.shape_cast %slice3A_73 : vector<1024x32xf32> to vector<1x1024x32xf32>
    tpu.vector_store %arg10[%swap3A_74, %swap3A_75, %swap3A_76], %swap3A_79 {strides = array<i32>} : memref<4x1024x384xf32, #tpu.memory_space<vmem>>, vector<1x1024x32xf32>,
    %slice3A_80 = vector.extract_strided_slice %add3A_8 {offsets = [0, 128], sizes = [1024, 32], strides = [1, 1]} : vector<1024x384xf32> to vector<1024x32xf32>
    %swap3A_81 = arith.constant 0 : index
    %swap3A_82 = arith.constant 0 : index
    %swap3A_83 = arith.constant 128 : index
    %swap3A_84 = vector.load %arg10[%swap3A_81, %swap3A_82, %swap3A_83] : memref<4x1024x384xf32, #tpu.memory_space<vmem>>, vector<1x1024x32xf32>
    %swap3A_85 = vector.shape_cast %swap3A_84 : vector<1x1024x32xf32> to vector<1024x32xf32>
    %swap3A_86 = vector.shape_cast %slice3A_80 : vector<1024x32xf32> to vector<1x1024x32xf32>
    tpu.vector_store %arg10[%swap3A_81, %swap3A_82, %swap3A_83], %swap3A_86 {strides = array<i32>} : memref<4x1024x384xf32, #tpu.memory_space<vmem>>, vector<1x1024x32xf32>,
    %get3A_87 = arith.constant 0 : index
    %get3A_88 = arith.constant 1 : index
    %get3A_89 = arith.constant 0 : index
    %get3A_90 = vector.load %arg3[%get3A_87, %get3A_88, %get3A_89] : memref<1024x3x128xf32, #tpu.memory_space<vmem>>, vector<1024x1x32xf32>
    %get3A_91 = vector.shape_cast %get3A_90 : vector<1024x1x32xf32> to vector<1024x32xf32>
    %mul3A_92 = arith.constant 0.0883883461 : f32
    %mul3A_93 = vector.broadcast %mul3A_92 : f32 to vector<1024x32xf32>
    %mul3A_94 = arith.mulf %get3A_91, %mul3A_93 : vector<1024x32xf32>
    %swap3A_95 = arith.constant 0 : index
    %swap3A_96 = arith.constant 0 : index
    %swap3A_97 = arith.constant 224 : index
    %swap3A_98 = vector.load %arg10[%swap3A_95, %swap3A_96, %swap3A_97] : memref<4x1024x384xf32, #tpu.memory_space<vmem>>, vector<1x1024x32xf32>
    %swap3A_99 = vector.shape_cast %swap3A_98 : vector<1x1024x32xf32> to vector<1024x32xf32>
    %swap3A_100 = vector.shape_cast %mul3A_94 : vector<1024x32xf32> to vector<1x1024x32xf32>
    tpu.vector_store %arg10[%swap3A_95, %swap3A_96, %swap3A_97], %swap3A_100 {strides = array<i32>} : memref<4x1024x384xf32, #tpu.memory_space<vmem>>, vector<1x1024x32xf32>,
    %slice3A_101 = vector.extract_strided_slice %add3A_8 {offsets = [0, 128], sizes = [1024, 32], strides = [1, 1]} : vector<1024x384xf32> to vector<1024x32xf32>
    %swap3A_102 = arith.constant 0 : index
    %swap3A_103 = arith.constant 0 : index
    %swap3A_104 = arith.constant 32 : index
    %swap3A_105 = vector.load %arg11[%swap3A_102, %swap3A_103, %swap3A_104] : memref<4x1024x128xf32, #tpu.memory_space<vmem>>, vector<1x1024x32xf32>
    %swap3A_106 = vector.shape_cast %swap3A_105 : vector<1x1024x32xf32> to vector<1024x32xf32>
    %swap3A_107 = vector.shape_cast %slice3A_101 : vector<1024x32xf32> to vector<1x1024x32xf32>
    tpu.vector_store %arg11[%swap3A_102, %swap3A_103, %swap3A_104], %swap3A_107 {strides = array<i32>} : memref<4x1024x128xf32, #tpu.memory_space<vmem>>, vector<1x1024x32xf32>,
    %slice3A_108 = vector.extract_strided_slice %add3A_39 {offsets = [0, 256], sizes = [1024, 32], strides = [1, 1]} : vector<1024x384xf32> to vector<1024x32xf32>
    %swap3A_109 = arith.constant 0 : index
    %swap3A_110 = arith.constant 0 : index
    %swap3A_111 = arith.constant 64 : index
    %swap3A_112 = vector.load %arg10[%swap3A_109, %swap3A_110, %swap3A_111] : memref<4x1024x384xf32, #tpu.memory_space<vmem>>, vector<1x1024x32xf32>
    %swap3A_113 = vector.shape_cast %swap3A_112 : vector<1x1024x32xf32> to vector<1024x32xf32>
    %swap3A_114 = vector.shape_cast %slice3A_108 : vector<1024x32xf32> to vector<1x1024x32xf32>
    tpu.vector_store %arg10[%swap3A_109, %swap3A_110, %swap3A_111], %swap3A_114 {strides = array<i32>} : memref<4x1024x384xf32, #tpu.memory_space<vmem>>, vector<1x1024x32xf32>,
    %slice3A_115 = vector.extract_strided_slice %add3A_8 {offsets = [0, 256], sizes = [1024, 32], strides = [1, 1]} : vector<1024x384xf32> to vector<1024x32xf32>
    %swap3A_116 = arith.constant 0 : index
    %swap3A_117 = arith.constant 0 : index
    %swap3A_118 = arith.constant 160 : index
    %swap3A_119 = vector.load %arg10[%swap3A_116, %swap3A_117, %swap3A_118] : memref<4x1024x384xf32, #tpu.memory_space<vmem>>, vector<1x1024x32xf32>
    %swap3A_120 = vector.shape_cast %swap3A_119 : vector<1x1024x32xf32> to vector<1024x32xf32>
    %swap3A_121 = vector.shape_cast %slice3A_115 : vector<1024x32xf32> to vector<1x1024x32xf32>
    tpu.vector_store %arg10[%swap3A_116, %swap3A_117, %swap3A_118], %swap3A_121 {strides = array<i32>} : memref<4x1024x384xf32, #tpu.memory_space<vmem>>, vector<1x1024x32xf32>,
    %get3A_122 = arith.constant 0 : index
    %get3A_123 = arith.constant 2 : index
    %get3A_124 = arith.constant 0 : index
    %get3A_125 = vector.load %arg3[%get3A_122, %get3A_123, %get3A_124] : memref<1024x3x128xf32, #tpu.memory_space<vmem>>, vector<1024x1x32xf32>
    %get3A_126 = vector.shape_cast %get3A_125 : vector<1024x1x32xf32> to vector<1024x32xf32>
    %mul3A_127 = arith.constant 0.0883883461 : f32
    %mul3A_128 = vector.broadcast %mul3A_127 : f32 to vector<1024x32xf32>
    %mul3A_129 = arith.mulf %get3A_126, %mul3A_128 : vector<1024x32xf32>
    %swap3A_130 = arith.constant 0 : index
    %swap3A_131 = arith.constant 0 : index
    %swap3A_132 = arith.constant 256 : index
    %swap3A_133 = vector.load %arg10[%swap3A_130, %swap3A_131, %swap3A_132] : memref<4x1024x384xf32, #tpu.memory_space<vmem>>, vector<1x1024x32xf32>
    %swap3A_134 = vector.shape_cast %swap3A_133 : vector<1x1024x32xf32> to vector<1024x32xf32>
    %swap3A_135 = vector.shape_cast %mul3A_129 : vector<1024x32xf32> to vector<1x1024x32xf32>
    tpu.vector_store %arg10[%swap3A_130, %swap3A_131, %swap3A_132], %swap3A_135 {strides = array<i32>} : memref<4x1024x384xf32, #tpu.memory_space<vmem>>, vector<1x1024x32xf32>,
    %slice3A_136 = vector.extract_strided_slice %add3A_8 {offsets = [0, 256], sizes = [1024, 32], strides = [1, 1]} : vector<1024x384xf32> to vector<1024x32xf32>
    %swap3A_137 = arith.constant 0 : index
    %swap3A_138 = arith.constant 0 : index
    %swap3A_139 = arith.constant 64 : index
    %swap3A_140 = vector.load %arg11[%swap3A_137, %swap3A_138, %swap3A_139] : memref<4x1024x128xf32, #tpu.memory_space<vmem>>, vector<1x1024x32xf32>
    %swap3A_141 = vector.shape_cast %swap3A_140 : vector<1x1024x32xf32> to vector<1024x32xf32>
    %swap3A_142 = vector.shape_cast %slice3A_136 : vector<1024x32xf32> to vector<1x1024x32xf32>
    tpu.vector_store %arg11[%swap3A_137, %swap3A_138, %swap3A_139], %swap3A_142 {strides = array<i32>} : memref<4x1024x128xf32, #tpu.memory_space<vmem>>, vector<1x1024x32xf32>,
    %slice3A_143 = vector.extract_strided_slice %add3A_39 {offsets = [0, 32], sizes = [1024, 32], strides = [1, 1]} : vector<1024x384xf32> to vector<1024x32xf32>
    %swap3A_144 = arith.constant 1 : index
    %swap3A_145 = arith.constant 0 : index
    %swap3A_146 = arith.constant 0 : index
    %swap3A_147 = vector.load %arg10[%swap3A_144, %swap3A_145, %swap3A_146] : memref<4x1024x384xf32, #tpu.memory_space<vmem>>, vector<1x1024x32xf32>
    %swap3A_148 = vector.shape_cast %swap3A_147 : vector<1x1024x32xf32> to vector<1024x32xf32>
    %swap3A_149 = vector.shape_cast %slice3A_143 : vector<1024x32xf32> to vector<1x1024x32xf32>
    tpu.vector_store %arg10[%swap3A_144, %swap3A_145, %swap3A_146], %swap3A_149 {strides = array<i32>} : memref<4x1024x384xf32, #tpu.memory_space<vmem>>, vector<1x1024x32xf32>,
    %slice3A_150 = vector.extract_strided_slice %add3A_8 {offsets = [0, 32], sizes = [1024, 32], strides = [1, 1]} : vector<1024x384xf32> to vector<1024x32xf32>
    %swap3A_151 = arith.constant 1 : index
    %swap3A_152 = arith.constant 0 : index
    %swap3A_153 = arith.constant 96 : index
    %swap3A_154 = vector.load %arg10[%swap3A_151, %swap3A_152, %swap3A_153] : memref<4x1024x384xf32, #tpu.memory_space<vmem>>, vector<1x1024x32xf32>
    %swap3A_155 = vector.shape_cast %swap3A_154 : vector<1x1024x32xf32> to vector<1024x32xf32>
    %swap3A_156 = vector.shape_cast %slice3A_150 : vector<1024x32xf32> to vector<1x1024x32xf32>
    tpu.vector_store %arg10[%swap3A_151, %swap3A_152, %swap3A_153], %swap3A_156 {strides = array<i32>} : memref<4x1024x384xf32, #tpu.memory_space<vmem>>, vector<1x1024x32xf32>,
    %get3A_157 = arith.constant 0 : index
    %get3A_158 = arith.constant 0 : index
    %get3A_159 = arith.constant 32 : index
    %get3A_160 = vector.load %arg3[%get3A_157, %get3A_158, %get3A_159] : memref<1024x3x128xf32, #tpu.memory_space<vmem>>, vector<1024x1x32xf32>
    %get3A_161 = vector.shape_cast %get3A_160 : vector<1024x1x32xf32> to vector<1024x32xf32>
    %mul3A_162 = arith.constant 0.0883883461 : f32
    %mul3A_163 = vector.broadcast %mul3A_162 : f32 to vector<1024x32xf32>
    %mul3A_164 = arith.mulf %get3A_161, %mul3A_163 : vector<1024x32xf32>
    %swap3A_165 = arith.constant 1 : index
    %swap3A_166 = arith.constant 0 : index
    %swap3A_167 = arith.constant 192 : index
    %swap3A_168 = vector.load %arg10[%swap3A_165, %swap3A_166, %swap3A_167] : memref<4x1024x384xf32, #tpu.memory_space<vmem>>, vector<1x1024x32xf32>
    %swap3A_169 = vector.shape_cast %swap3A_168 : vector<1x1024x32xf32> to vector<1024x32xf32>
    %swap3A_170 = vector.shape_cast %mul3A_164 : vector<1024x32xf32> to vector<1x1024x32xf32>
    tpu.vector_store %arg10[%swap3A_165, %swap3A_166, %swap3A_167], %swap3A_170 {strides = array<i32>} : memref<4x1024x384xf32, #tpu.memory_space<vmem>>, vector<1x1024x32xf32>,
    %slice3A_171 = vector.extract_strided_slice %add3A_8 {offsets = [0, 32], sizes = [1024, 32], strides = [1, 1]} : vector<1024x384xf32> to vector<1024x32xf32>
    %swap3A_172 = arith.constant 1 : index
    %swap3A_173 = arith.constant 0 : index
    %swap3A_174 = arith.constant 0 : index
    %swap3A_175 = vector.load %arg11[%swap3A_172, %swap3A_173, %swap3A_174] : memref<4x1024x128xf32, #tpu.memory_space<vmem>>, vector<1x1024x32xf32>
    %swap3A_176 = vector.shape_cast %swap3A_175 : vector<1x1024x32xf32> to vector<1024x32xf32>
    %swap3A_177 = vector.shape_cast %slice3A_171 : vector<1024x32xf32> to vector<1x1024x32xf32>
    tpu.vector_store %arg11[%swap3A_172, %swap3A_173, %swap3A_174], %swap3A_177 {strides = array<i32>} : memref<4x1024x128xf32, #tpu.memory_space<vmem>>, vector<1x1024x32xf32>,
    %slice3A_178 = vector.extract_strided_slice %add3A_39 {offsets = [0, 160], sizes = [1024, 32], strides = [1, 1]} : vector<1024x384xf32> to vector<1024x32xf32>
    %swap3A_179 = arith.constant 1 : index
    %swap3A_180 = arith.constant 0 : index
    %swap3A_181 = arith.constant 32 : index
    %swap3A_182 = vector.load %arg10[%swap3A_179, %swap3A_180, %swap3A_181] : memref<4x1024x384xf32, #tpu.memory_space<vmem>>, vector<1x1024x32xf32>
    %swap3A_183 = vector.shape_cast %swap3A_182 : vector<1x1024x32xf32> to vector<1024x32xf32>
    %swap3A_184 = vector.shape_cast %slice3A_178 : vector<1024x32xf32> to vector<1x1024x32xf32>
    tpu.vector_store %arg10[%swap3A_179, %swap3A_180, %swap3A_181], %swap3A_184 {strides = array<i32>} : memref<4x1024x384xf32, #tpu.memory_space<vmem>>, vector<1x1024x32xf32>,
    %slice3A_185 = vector.extract_strided_slice %add3A_8 {offsets = [0, 160], sizes = [1024, 32], strides = [1, 1]} : vector<1024x384xf32> to vector<1024x32xf32>
    %swap3A_186 = arith.constant 1 : index
    %swap3A_187 = arith.constant 0 : index
    %swap3A_188 = arith.constant 128 : index
    %swap3A_189 = vector.load %arg10[%swap3A_186, %swap3A_187, %swap3A_188] : memref<4x1024x384xf32, #tpu.memory_space<vmem>>, vector<1x1024x32xf32>
    %swap3A_190 = vector.shape_cast %swap3A_189 : vector<1x1024x32xf32> to vector<1024x32xf32>
    %swap3A_191 = vector.shape_cast %slice3A_185 : vector<1024x32xf32> to vector<1x1024x32xf32>
    tpu.vector_store %arg10[%swap3A_186, %swap3A_187, %swap3A_188], %swap3A_191 {strides = array<i32>} : memref<4x1024x384xf32, #tpu.memory_space<vmem>>, vector<1x1024x32xf32>,
    %get3A_192 = arith.constant 0 : index
    %get3A_193 = arith.constant 1 : index
    %get3A_194 = arith.constant 32 : index
    %get3A_195 = vector.load %arg3[%get3A_192, %get3A_193, %get3A_194] : memref<1024x3x128xf32, #tpu.memory_space<vmem>>, vector<1024x1x32xf32>
    %get3A_196 = vector.shape_cast %get3A_195 : vector<1024x1x32xf32> to vector<1024x32xf32>
    %mul3A_197 = arith.constant 0.0883883461 : f32
    %mul3A_198 = vector.broadcast %mul3A_197 : f32 to vector<1024x32xf32>
    %mul3A_199 = arith.mulf %get3A_196, %mul3A_198 : vector<1024x32xf32>
    %swap3A_200 = arith.constant 1 : index
    %swap3A_201 = arith.constant 0 : index
    %swap3A_202 = arith.constant 224 : index
    %swap3A_203 = vector.load %arg10[%swap3A_200, %swap3A_201, %swap3A_202] : memref<4x1024x384xf32, #tpu.memory_space<vmem>>, vector<1x1024x32xf32>
    %swap3A_204 = vector.shape_cast %swap3A_203 : vector<1x1024x32xf32> to vector<1024x32xf32>
    %swap3A_205 = vector.shape_cast %mul3A_199 : vector<1024x32xf32> to vector<1x1024x32xf32>
    tpu.vector_store %arg10[%swap3A_200, %swap3A_201, %swap3A_202], %swap3A_205 {strides = array<i32>} : memref<4x1024x384xf32, #tpu.memory_space<vmem>>, vector<1x1024x32xf32>,
    %slice3A_206 = vector.extract_strided_slice %add3A_8 {offsets = [0, 160], sizes = [1024, 32], strides = [1, 1]} : vector<1024x384xf32> to vector<1024x32xf32>
    %swap3A_207 = arith.constant 1 : index
    %swap3A_208 = arith.constant 0 : index
    %swap3A_209 = arith.constant 32 : index
    %swap3A_210 = vector.load %arg11[%swap3A_207, %swap3A_208, %swap3A_209] : memref<4x1024x128xf32, #tpu.memory_space<vmem>>, vector<1x1024x32xf32>
    %swap3A_211 = vector.shape_cast %swap3A_210 : vector<1x1024x32xf32> to vector<1024x32xf32>
    %swap3A_212 = vector.shape_cast %slice3A_206 : vector<1024x32xf32> to vector<1x1024x32xf32>
    tpu.vector_store %arg11[%swap3A_207, %swap3A_208, %swap3A_209], %swap3A_212 {strides = array<i32>} : memref<4x1024x128xf32, #tpu.memory_space<vmem>>, vector<1x1024x32xf32>,
    %slice3A_213 = vector.extract_strided_slice %add3A_39 {offsets = [0, 288], sizes = [1024, 32], strides = [1, 1]} : vector<1024x384xf32> to vector<1024x32xf32>
    %swap3A_214 = arith.constant 1 : index
    %swap3A_215 = arith.constant 0 : index
    %swap3A_216 = arith.constant 64 : index
    %swap3A_217 = vector.load %arg10[%swap3A_214, %swap3A_215, %swap3A_216] : memref<4x1024x384xf32, #tpu.memory_space<vmem>>, vector<1x1024x32xf32>
    %swap3A_218 = vector.shape_cast %swap3A_217 : vector<1x1024x32xf32> to vector<1024x32xf32>
    %swap3A_219 = vector.shape_cast %slice3A_213 : vector<1024x32xf32> to vector<1x1024x32xf32>
    tpu.vector_store %arg10[%swap3A_214, %swap3A_215, %swap3A_216], %swap3A_219 {strides = array<i32>} : memref<4x1024x384xf32, #tpu.memory_space<vmem>>, vector<1x1024x32xf32>,
    %slice3A_220 = vector.extract_strided_slice %add3A_8 {offsets = [0, 288], sizes = [1024, 32], strides = [1, 1]} : vector<1024x384xf32> to vector<1024x32xf32>
    %swap3A_221 = arith.constant 1 : index
    %swap3A_222 = arith.constant 0 : index
    %swap3A_223 = arith.constant 160 : index
    %swap3A_224 = vector.load %arg10[%swap3A_221, %swap3A_222, %swap3A_223] : memref<4x1024x384xf32, #tpu.memory_space<vmem>>, vector<1x1024x32xf32>
    %swap3A_225 = vector.shape_cast %swap3A_224 : vector<1x1024x32xf32> to vector<1024x32xf32>
    %swap3A_226 = vector.shape_cast %slice3A_220 : vector<1024x32xf32> to vector<1x1024x32xf32>
    tpu.vector_store %arg10[%swap3A_221, %swap3A_222, %swap3A_223], %swap3A_226 {strides = array<i32>} : memref<4x1024x384xf32, #tpu.memory_space<vmem>>, vector<1x1024x32xf32>,
    %get3A_227 = arith.constant 0 : index
    %get3A_228 = arith.constant 2 : index
    %get3A_229 = arith.constant 32 : index
    %get3A_230 = vector.load %arg3[%get3A_227, %get3A_228, %get3A_229] : memref<1024x3x128xf32, #tpu.memory_space<vmem>>, vector<1024x1x32xf32>
    %get3A_231 = vector.shape_cast %get3A_230 : vector<1024x1x32xf32> to vector<1024x32xf32>
    %mul3A_232 = arith.constant 0.0883883461 : f32
    %mul3A_233 = vector.broadcast %mul3A_232 : f32 to vector<1024x32xf32>
    %mul3A_234 = arith.mulf %get3A_231, %mul3A_233 : vector<1024x32xf32>
    %swap3A_235 = arith.constant 1 : index
    %swap3A_236 = arith.constant 0 : index
    %swap3A_237 = arith.constant 256 : index
    %swap3A_238 = vector.load %arg10[%swap3A_235, %swap3A_236, %swap3A_237] : memref<4x1024x384xf32, #tpu.memory_space<vmem>>, vector<1x1024x32xf32>
    %swap3A_239 = vector.shape_cast %swap3A_238 : vector<1x1024x32xf32> to vector<1024x32xf32>
    %swap3A_240 = vector.shape_cast %mul3A_234 : vector<1024x32xf32> to vector<1x1024x32xf32>
    tpu.vector_store %arg10[%swap3A_235, %swap3A_236, %swap3A_237], %swap3A_240 {strides = array<i32>} : memref<4x1024x384xf32, #tpu.memory_space<vmem>>, vector<1x1024x32xf32>,
    %slice3A_241 = vector.extract_strided_slice %add3A_8 {offsets = [0, 288], sizes = [1024, 32], strides = [1, 1]} : vector<1024x384xf32> to vector<1024x32xf32>
    %swap3A_242 = arith.constant 1 : index
    %swap3A_243 = arith.constant 0 : index
    %swap3A_244 = arith.constant 64 : index
    %swap3A_245 = vector.load %arg11[%swap3A_242, %swap3A_243, %swap3A_244] : memref<4x1024x128xf32, #tpu.memory_space<vmem>>, vector<1x1024x32xf32>
    %swap3A_246 = vector.shape_cast %swap3A_245 : vector<1x1024x32xf32> to vector<1024x32xf32>
    %swap3A_247 = vector.shape_cast %slice3A_241 : vector<1024x32xf32> to vector<1x1024x32xf32>
    tpu.vector_store %arg11[%swap3A_242, %swap3A_243, %swap3A_244], %swap3A_247 {strides = array<i32>} : memref<4x1024x128xf32, #tpu.memory_space<vmem>>, vector<1x1024x32xf32>,
    %slice3A_248 = vector.extract_strided_slice %add3A_39 {offsets = [0, 64], sizes = [1024, 32], strides = [1, 1]} : vector<1024x384xf32> to vector<1024x32xf32>
    %swap3A_249 = arith.constant 2 : index
    %swap3A_250 = arith.constant 0 : index
    %swap3A_251 = arith.constant 0 : index
    %swap3A_252 = vector.load %arg10[%swap3A_249, %swap3A_250, %swap3A_251] : memref<4x1024x384xf32, #tpu.memory_space<vmem>>, vector<1x1024x32xf32>
    %swap3A_253 = vector.shape_cast %swap3A_252 : vector<1x1024x32xf32> to vector<1024x32xf32>
    %swap3A_254 = vector.shape_cast %slice3A_248 : vector<1024x32xf32> to vector<1x1024x32xf32>
    tpu.vector_store %arg10[%swap3A_249, %swap3A_250, %swap3A_251], %swap3A_254 {strides = array<i32>} : memref<4x1024x384xf32, #tpu.memory_space<vmem>>, vector<1x1024x32xf32>,
    %slice3A_255 = vector.extract_strided_slice %add3A_8 {offsets = [0, 64], sizes = [1024, 32], strides = [1, 1]} : vector<1024x384xf32> to vector<1024x32xf32>
    %swap3A_256 = arith.constant 2 : index
    %swap3A_257 = arith.constant 0 : index
    %swap3A_258 = arith.constant 96 : index
    %swap3A_259 = vector.load %arg10[%swap3A_256, %swap3A_257, %swap3A_258] : memref<4x1024x384xf32, #tpu.memory_space<vmem>>, vector<1x1024x32xf32>
    %swap3A_260 = vector.shape_cast %swap3A_259 : vector<1x1024x32xf32> to vector<1024x32xf32>
    %swap3A_261 = vector.shape_cast %slice3A_255 : vector<1024x32xf32> to vector<1x1024x32xf32>
    tpu.vector_store %arg10[%swap3A_256, %swap3A_257, %swap3A_258], %swap3A_261 {strides = array<i32>} : memref<4x1024x384xf32, #tpu.memory_space<vmem>>, vector<1x1024x32xf32>,
    %get3A_262 = arith.constant 0 : index
    %get3A_263 = arith.constant 0 : index
    %get3A_264 = arith.constant 64 : index
    %get3A_265 = vector.load %arg3[%get3A_262, %get3A_263, %get3A_264] : memref<1024x3x128xf32, #tpu.memory_space<vmem>>, vector<1024x1x32xf32>
    %get3A_266 = vector.shape_cast %get3A_265 : vector<1024x1x32xf32> to vector<1024x32xf32>
    %mul3A_267 = arith.constant 0.0883883461 : f32
    %mul3A_268 = vector.broadcast %mul3A_267 : f32 to vector<1024x32xf32>
    %mul3A_269 = arith.mulf %get3A_266, %mul3A_268 : vector<1024x32xf32>
    %swap3A_270 = arith.constant 2 : index
    %swap3A_271 = arith.constant 0 : index
    %swap3A_272 = arith.constant 192 : index
    %swap3A_273 = vector.load %arg10[%swap3A_270, %swap3A_271, %swap3A_272] : memref<4x1024x384xf32, #tpu.memory_space<vmem>>, vector<1x1024x32xf32>
    %swap3A_274 = vector.shape_cast %swap3A_273 : vector<1x1024x32xf32> to vector<1024x32xf32>
    %swap3A_275 = vector.shape_cast %mul3A_269 : vector<1024x32xf32> to vector<1x1024x32xf32>
    tpu.vector_store %arg10[%swap3A_270, %swap3A_271, %swap3A_272], %swap3A_275 {strides = array<i32>} : memref<4x1024x384xf32, #tpu.memory_space<vmem>>, vector<1x1024x32xf32>,
    %slice3A_276 = vector.extract_strided_slice %add3A_8 {offsets = [0, 64], sizes = [1024, 32], strides = [1, 1]} : vector<1024x384xf32> to vector<1024x32xf32>
    %swap3A_277 = arith.constant 2 : index
    %swap3A_278 = arith.constant 0 : index
    %swap3A_279 = arith.constant 0 : index
    %swap3A_280 = vector.load %arg11[%swap3A_277, %swap3A_278, %swap3A_279] : memref<4x1024x128xf32, #tpu.memory_space<vmem>>, vector<1x1024x32xf32>
    %swap3A_281 = vector.shape_cast %swap3A_280 : vector<1x1024x32xf32> to vector<1024x32xf32>
    %swap3A_282 = vector.shape_cast %slice3A_276 : vector<1024x32xf32> to vector<1x1024x32xf32>
    tpu.vector_store %arg11[%swap3A_277, %swap3A_278, %swap3A_279], %swap3A_282 {strides = array<i32>} : memref<4x1024x128xf32, #tpu.memory_space<vmem>>, vector<1x1024x32xf32>,
    %slice3A_283 = vector.extract_strided_slice %add3A_39 {offsets = [0, 192], sizes = [1024, 32], strides = [1, 1]} : vector<1024x384xf32> to vector<1024x32xf32>
    %swap3A_284 = arith.constant 2 : index
    %swap3A_285 = arith.constant 0 : index
    %swap3A_286 = arith.constant 32 : index
    %swap3A_287 = vector.load %arg10[%swap3A_284, %swap3A_285, %swap3A_286] : memref<4x1024x384xf32, #tpu.memory_space<vmem>>, vector<1x1024x32xf32>
    %swap3A_288 = vector.shape_cast %swap3A_287 : vector<1x1024x32xf32> to vector<1024x32xf32>
    %swap3A_289 = vector.shape_cast %slice3A_283 : vector<1024x32xf32> to vector<1x1024x32xf32>
    tpu.vector_store %arg10[%swap3A_284, %swap3A_285, %swap3A_286], %swap3A_289 {strides = array<i32>} : memref<4x1024x384xf32, #tpu.memory_space<vmem>>, vector<1x1024x32xf32>,
    %slice3A_290 = vector.extract_strided_slice %add3A_8 {offsets = [0, 192], sizes = [1024, 32], strides = [1, 1]} : vector<1024x384xf32> to vector<1024x32xf32>
    %swap3A_291 = arith.constant 2 : index
    %swap3A_292 = arith.constant 0 : index
    %swap3A_293 = arith.constant 128 : index
    %swap3A_294 = vector.load %arg10[%swap3A_291, %swap3A_292, %swap3A_293] : memref<4x1024x384xf32, #tpu.memory_space<vmem>>, vector<1x1024x32xf32>
    %swap3A_295 = vector.shape_cast %swap3A_294 : vector<1x1024x32xf32> to vector<1024x32xf32>
    %swap3A_296 = vector.shape_cast %slice3A_290 : vector<1024x32xf32> to vector<1x1024x32xf32>
    tpu.vector_store %arg10[%swap3A_291, %swap3A_292, %swap3A_293], %swap3A_296 {strides = array<i32>} : memref<4x1024x384xf32, #tpu.memory_space<vmem>>, vector<1x1024x32xf32>,
    %get3A_297 = arith.constant 0 : index
    %get3A_298 = arith.constant 1 : index
    %get3A_299 = arith.constant 64 : index
    %get3A_300 = vector.load %arg3[%get3A_297, %get3A_298, %get3A_299] : memref<1024x3x128xf32, #tpu.memory_space<vmem>>, vector<1024x1x32xf32>
    %get3A_301 = vector.shape_cast %get3A_300 : vector<1024x1x32xf32> to vector<1024x32xf32>
    %mul3A_302 = arith.constant 0.0883883461 : f32
    %mul3A_303 = vector.broadcast %mul3A_302 : f32 to vector<1024x32xf32>
    %mul3A_304 = arith.mulf %get3A_301, %mul3A_303 : vector<1024x32xf32>
    %swap3A_305 = arith.constant 2 : index
    %swap3A_306 = arith.constant 0 : index
    %swap3A_307 = arith.constant 224 : index
    %swap3A_308 = vector.load %arg10[%swap3A_305, %swap3A_306, %swap3A_307] : memref<4x1024x384xf32, #tpu.memory_space<vmem>>, vector<1x1024x32xf32>
    %swap3A_309 = vector.shape_cast %swap3A_308 : vector<1x1024x32xf32> to vector<1024x32xf32>
    %swap3A_310 = vector.shape_cast %mul3A_304 : vector<1024x32xf32> to vector<1x1024x32xf32>
    tpu.vector_store %arg10[%swap3A_305, %swap3A_306, %swap3A_307], %swap3A_310 {strides = array<i32>} : memref<4x1024x384xf32, #tpu.memory_space<vmem>>, vector<1x1024x32xf32>,
    %slice3A_311 = vector.extract_strided_slice %add3A_8 {offsets = [0, 192], sizes = [1024, 32], strides = [1, 1]} : vector<1024x384xf32> to vector<1024x32xf32>
    %swap3A_312 = arith.constant 2 : index
    %swap3A_313 = arith.constant 0 : index
    %swap3A_314 = arith.constant 32 : index
    %swap3A_315 = vector.load %arg11[%swap3A_312, %swap3A_313, %swap3A_314] : memref<4x1024x128xf32, #tpu.memory_space<vmem>>, vector<1x1024x32xf32>
    %swap3A_316 = vector.shape_cast %swap3A_315 : vector<1x1024x32xf32> to vector<1024x32xf32>
    %swap3A_317 = vector.shape_cast %slice3A_311 : vector<1024x32xf32> to vector<1x1024x32xf32>
    tpu.vector_store %arg11[%swap3A_312, %swap3A_313, %swap3A_314], %swap3A_317 {strides = array<i32>} : memref<4x1024x128xf32, #tpu.memory_space<vmem>>, vector<1x1024x32xf32>,
    %slice3A_318 = vector.extract_strided_slice %add3A_39 {offsets = [0, 320], sizes = [1024, 32], strides = [1, 1]} : vector<1024x384xf32> to vector<1024x32xf32>
    %swap3A_319 = arith.constant 2 : index
    %swap3A_320 = arith.constant 0 : index
    %swap3A_321 = arith.constant 64 : index
    %swap3A_322 = vector.load %arg10[%swap3A_319, %swap3A_320, %swap3A_321] : memref<4x1024x384xf32, #tpu.memory_space<vmem>>, vector<1x1024x32xf32>
    %swap3A_323 = vector.shape_cast %swap3A_322 : vector<1x1024x32xf32> to vector<1024x32xf32>
    %swap3A_324 = vector.shape_cast %slice3A_318 : vector<1024x32xf32> to vector<1x1024x32xf32>
    tpu.vector_store %arg10[%swap3A_319, %swap3A_320, %swap3A_321], %swap3A_324 {strides = array<i32>} : memref<4x1024x384xf32, #tpu.memory_space<vmem>>, vector<1x1024x32xf32>,
    %slice3A_325 = vector.extract_strided_slice %add3A_8 {offsets = [0, 320], sizes = [1024, 32], strides = [1, 1]} : vector<1024x384xf32> to vector<1024x32xf32>
    %swap3A_326 = arith.constant 2 : index
    %swap3A_327 = arith.constant 0 : index
    %swap3A_328 = arith.constant 160 : index
    %swap3A_329 = vector.load %arg10[%swap3A_326, %swap3A_327, %swap3A_328] : memref<4x1024x384xf32, #tpu.memory_space<vmem>>, vector<1x1024x32xf32>
    %swap3A_330 = vector.shape_cast %swap3A_329 : vector<1x1024x32xf32> to vector<1024x32xf32>
    %swap3A_331 = vector.shape_cast %slice3A_325 : vector<1024x32xf32> to vector<1x1024x32xf32>
    tpu.vector_store %arg10[%swap3A_326, %swap3A_327, %swap3A_328], %swap3A_331 {strides = array<i32>} : memref<4x1024x384xf32, #tpu.memory_space<vmem>>, vector<1x1024x32xf32>,
    %get3A_332 = arith.constant 0 : index
    %get3A_333 = arith.constant 2 : index
    %get3A_334 = arith.constant 64 : index
    %get3A_335 = vector.load %arg3[%get3A_332, %get3A_333, %get3A_334] : memref<1024x3x128xf32, #tpu.memory_space<vmem>>, vector<1024x1x32xf32>
    %get3A_336 = vector.shape_cast %get3A_335 : vector<1024x1x32xf32> to vector<1024x32xf32>
    %mul3A_337 = arith.constant 0.0883883461 : f32
    %mul3A_338 = vector.broadcast %mul3A_337 : f32 to vector<1024x32xf32>
    %mul3A_339 = arith.mulf %get3A_336, %mul3A_338 : vector<1024x32xf32>
    %swap3A_340 = arith.constant 2 : index
    %swap3A_341 = arith.constant 0 : index
    %swap3A_342 = arith.constant 256 : index
    %swap3A_343 = vector.load %arg10[%swap3A_340, %swap3A_341, %swap3A_342] : memref<4x1024x384xf32, #tpu.memory_space<vmem>>, vector<1x1024x32xf32>
    %swap3A_344 = vector.shape_cast %swap3A_343 : vector<1x1024x32xf32> to vector<1024x32xf32>
    %swap3A_345 = vector.shape_cast %mul3A_339 : vector<1024x32xf32> to vector<1x1024x32xf32>
    tpu.vector_store %arg10[%swap3A_340, %swap3A_341, %swap3A_342], %swap3A_345 {strides = array<i32>} : memref<4x1024x384xf32, #tpu.memory_space<vmem>>, vector<1x1024x32xf32>,
    %slice3A_346 = vector.extract_strided_slice %add3A_8 {offsets = [0, 320], sizes = [1024, 32], strides = [1, 1]} : vector<1024x384xf32> to vector<1024x32xf32>
    %swap3A_347 = arith.constant 2 : index
    %swap3A_348 = arith.constant 0 : index
    %swap3A_349 = arith.constant 64 : index
    %swap3A_350 = vector.load %arg11[%swap3A_347, %swap3A_348, %swap3A_349] : memref<4x1024x128xf32, #tpu.memory_space<vmem>>, vector<1x1024x32xf32>
    %swap3A_351 = vector.shape_cast %swap3A_350 : vector<1x1024x32xf32> to vector<1024x32xf32>
    %swap3A_352 = vector.shape_cast %slice3A_346 : vector<1024x32xf32> to vector<1x1024x32xf32>
    tpu.vector_store %arg11[%swap3A_347, %swap3A_348, %swap3A_349], %swap3A_352 {strides = array<i32>} : memref<4x1024x128xf32, #tpu.memory_space<vmem>>, vector<1x1024x32xf32>,
    %slice3A_353 = vector.extract_strided_slice %add3A_39 {offsets = [0, 96], sizes = [1024, 32], strides = [1, 1]} : vector<1024x384xf32> to vector<1024x32xf32>
    %swap3A_354 = arith.constant 3 : index
    %swap3A_355 = arith.constant 0 : index
    %swap3A_356 = arith.constant 0 : index
    %swap3A_357 = vector.load %arg10[%swap3A_354, %swap3A_355, %swap3A_356] : memref<4x1024x384xf32, #tpu.memory_space<vmem>>, vector<1x1024x32xf32>
    %swap3A_358 = vector.shape_cast %swap3A_357 : vector<1x1024x32xf32> to vector<1024x32xf32>
    %swap3A_359 = vector.shape_cast %slice3A_353 : vector<1024x32xf32> to vector<1x1024x32xf32>
    tpu.vector_store %arg10[%swap3A_354, %swap3A_355, %swap3A_356], %swap3A_359 {strides = array<i32>} : memref<4x1024x384xf32, #tpu.memory_space<vmem>>, vector<1x1024x32xf32>,
    %slice3A_360 = vector.extract_strided_slice %add3A_8 {offsets = [0, 96], sizes = [1024, 32], strides = [1, 1]} : vector<1024x384xf32> to vector<1024x32xf32>
    %swap3A_361 = arith.constant 3 : index
    %swap3A_362 = arith.constant 0 : index
    %swap3A_363 = arith.constant 96 : index
    %swap3A_364 = vector.load %arg10[%swap3A_361, %swap3A_362, %swap3A_363] : memref<4x1024x384xf32, #tpu.memory_space<vmem>>, vector<1x1024x32xf32>
    %swap3A_365 = vector.shape_cast %swap3A_364 : vector<1x1024x32xf32> to vector<1024x32xf32>
    %swap3A_366 = vector.shape_cast %slice3A_360 : vector<1024x32xf32> to vector<1x1024x32xf32>
    tpu.vector_store %arg10[%swap3A_361, %swap3A_362, %swap3A_363], %swap3A_366 {strides = array<i32>} : memref<4x1024x384xf32, #tpu.memory_space<vmem>>, vector<1x1024x32xf32>,
    %get3A_367 = arith.constant 0 : index
    %get3A_368 = arith.constant 0 : index
    %get3A_369 = arith.constant 96 : index
    %get3A_370 = vector.load %arg3[%get3A_367, %get3A_368, %get3A_369] : memref<1024x3x128xf32, #tpu.memory_space<vmem>>, vector<1024x1x32xf32>
    %get3A_371 = vector.shape_cast %get3A_370 : vector<1024x1x32xf32> to vector<1024x32xf32>
    %mul3A_372 = arith.constant 0.0883883461 : f32
    %mul3A_373 = vector.broadcast %mul3A_372 : f32 to vector<1024x32xf32>
    %mul3A_374 = arith.mulf %get3A_371, %mul3A_373 : vector<1024x32xf32>
    %swap3A_375 = arith.constant 3 : index
    %swap3A_376 = arith.constant 0 : index
    %swap3A_377 = arith.constant 192 : index
    %swap3A_378 = vector.load %arg10[%swap3A_375, %swap3A_376, %swap3A_377] : memref<4x1024x384xf32, #tpu.memory_space<vmem>>, vector<1x1024x32xf32>
    %swap3A_379 = vector.shape_cast %swap3A_378 : vector<1x1024x32xf32> to vector<1024x32xf32>
    %swap3A_380 = vector.shape_cast %mul3A_374 : vector<1024x32xf32> to vector<1x1024x32xf32>
    tpu.vector_store %arg10[%swap3A_375, %swap3A_376, %swap3A_377], %swap3A_380 {strides = array<i32>} : memref<4x1024x384xf32, #tpu.memory_space<vmem>>, vector<1x1024x32xf32>,
    %slice3A_381 = vector.extract_strided_slice %add3A_8 {offsets = [0, 96], sizes = [1024, 32], strides = [1, 1]} : vector<1024x384xf32> to vector<1024x32xf32>
    %swap3A_382 = arith.constant 3 : index
    %swap3A_383 = arith.constant 0 : index
    %swap3A_384 = arith.constant 0 : index
    %swap3A_385 = vector.load %arg11[%swap3A_382, %swap3A_383, %swap3A_384] : memref<4x1024x128xf32, #tpu.memory_space<vmem>>, vector<1x1024x32xf32>
    %swap3A_386 = vector.shape_cast %swap3A_385 : vector<1x1024x32xf32> to vector<1024x32xf32>
    %swap3A_387 = vector.shape_cast %slice3A_381 : vector<1024x32xf32> to vector<1x1024x32xf32>
    tpu.vector_store %arg11[%swap3A_382, %swap3A_383, %swap3A_384], %swap3A_387 {strides = array<i32>} : memref<4x1024x128xf32, #tpu.memory_space<vmem>>, vector<1x1024x32xf32>,
    %slice3A_388 = vector.extract_strided_slice %add3A_39 {offsets = [0, 224], sizes = [1024, 32], strides = [1, 1]} : vector<1024x384xf32> to vector<1024x32xf32>
    %swap3A_389 = arith.constant 3 : index
    %swap3A_390 = arith.constant 0 : index
    %swap3A_391 = arith.constant 32 : index
    %swap3A_392 = vector.load %arg10[%swap3A_389, %swap3A_390, %swap3A_391] : memref<4x1024x384xf32, #tpu.memory_space<vmem>>, vector<1x1024x32xf32>
    %swap3A_393 = vector.shape_cast %swap3A_392 : vector<1x1024x32xf32> to vector<1024x32xf32>
    %swap3A_394 = vector.shape_cast %slice3A_388 : vector<1024x32xf32> to vector<1x1024x32xf32>
    tpu.vector_store %arg10[%swap3A_389, %swap3A_390, %swap3A_391], %swap3A_394 {strides = array<i32>} : memref<4x1024x384xf32, #tpu.memory_space<vmem>>, vector<1x1024x32xf32>,
    %slice3A_395 = vector.extract_strided_slice %add3A_8 {offsets = [0, 224], sizes = [1024, 32], strides = [1, 1]} : vector<1024x384xf32> to vector<1024x32xf32>
    %swap3A_396 = arith.constant 3 : index
    %swap3A_397 = arith.constant 0 : index
    %swap3A_398 = arith.constant 128 : index
    %swap3A_399 = vector.load %arg10[%swap3A_396, %swap3A_397, %swap3A_398] : memref<4x1024x384xf32, #tpu.memory_space<vmem>>, vector<1x1024x32xf32>
    %swap3A_400 = vector.shape_cast %swap3A_399 : vector<1x1024x32xf32> to vector<1024x32xf32>
    %swap3A_401 = vector.shape_cast %slice3A_395 : vector<1024x32xf32> to vector<1x1024x32xf32>
    tpu.vector_store %arg10[%swap3A_396, %swap3A_397, %swap3A_398], %swap3A_401 {strides = array<i32>} : memref<4x1024x384xf32, #tpu.memory_space<vmem>>, vector<1x1024x32xf32>,
    %get3A_402 = arith.constant 0 : index
    %get3A_403 = arith.constant 1 : index
    %get3A_404 = arith.constant 96 : index
    %get3A_405 = vector.load %arg3[%get3A_402, %get3A_403, %get3A_404] : memref<1024x3x128xf32, #tpu.memory_space<vmem>>, vector<1024x1x32xf32>
    %get3A_406 = vector.shape_cast %get3A_405 : vector<1024x1x32xf32> to vector<1024x32xf32>
    %mul3A_407 = arith.constant 0.0883883461 : f32
    %mul3A_408 = vector.broadcast %mul3A_407 : f32 to vector<1024x32xf32>
    %mul3A_409 = arith.mulf %get3A_406, %mul3A_408 : vector<1024x32xf32>
    %swap3A_410 = arith.constant 3 : index
    %swap3A_411 = arith.constant 0 : index
    %swap3A_412 = arith.constant 224 : index
    %swap3A_413 = vector.load %arg10[%swap3A_410, %swap3A_411, %swap3A_412] : memref<4x1024x384xf32, #tpu.memory_space<vmem>>, vector<1x1024x32xf32>
    %swap3A_414 = vector.shape_cast %swap3A_413 : vector<1x1024x32xf32> to vector<1024x32xf32>
    %swap3A_415 = vector.shape_cast %mul3A_409 : vector<1024x32xf32> to vector<1x1024x32xf32>
    tpu.vector_store %arg10[%swap3A_410, %swap3A_411, %swap3A_412], %swap3A_415 {strides = array<i32>} : memref<4x1024x384xf32, #tpu.memory_space<vmem>>, vector<1x1024x32xf32>,
    %slice3A_416 = vector.extract_strided_slice %add3A_8 {offsets = [0, 224], sizes = [1024, 32], strides = [1, 1]} : vector<1024x384xf32> to vector<1024x32xf32>
    %swap3A_417 = arith.constant 3 : index
    %swap3A_418 = arith.constant 0 : index
    %swap3A_419 = arith.constant 32 : index
    %swap3A_420 = vector.load %arg11[%swap3A_417, %swap3A_418, %swap3A_419] : memref<4x1024x128xf32, #tpu.memory_space<vmem>>, vector<1x1024x32xf32>
    %swap3A_421 = vector.shape_cast %swap3A_420 : vector<1x1024x32xf32> to vector<1024x32xf32>
    %swap3A_422 = vector.shape_cast %slice3A_416 : vector<1024x32xf32> to vector<1x1024x32xf32>
    tpu.vector_store %arg11[%swap3A_417, %swap3A_418, %swap3A_419], %swap3A_422 {strides = array<i32>} : memref<4x1024x128xf32, #tpu.memory_space<vmem>>, vector<1x1024x32xf32>,
    %slice3A_423 = vector.extract_strided_slice %add3A_39 {offsets = [0, 352], sizes = [1024, 32], strides = [1, 1]} : vector<1024x384xf32> to vector<1024x32xf32>
    %swap3A_424 = arith.constant 3 : index
    %swap3A_425 = arith.constant 0 : index
    %swap3A_426 = arith.constant 64 : index
    %swap3A_427 = vector.load %arg10[%swap3A_424, %swap3A_425, %swap3A_426] : memref<4x1024x384xf32, #tpu.memory_space<vmem>>, vector<1x1024x32xf32>
    %swap3A_428 = vector.shape_cast %swap3A_427 : vector<1x1024x32xf32> to vector<1024x32xf32>
    %swap3A_429 = vector.shape_cast %slice3A_423 : vector<1024x32xf32> to vector<1x1024x32xf32>
    tpu.vector_store %arg10[%swap3A_424, %swap3A_425, %swap3A_426], %swap3A_429 {strides = array<i32>} : memref<4x1024x384xf32, #tpu.memory_space<vmem>>, vector<1x1024x32xf32>,
    %slice3A_430 = vector.extract_strided_slice %add3A_8 {offsets = [0, 352], sizes = [1024, 32], strides = [1, 1]} : vector<1024x384xf32> to vector<1024x32xf32>
    %swap3A_431 = arith.constant 3 : index
    %swap3A_432 = arith.constant 0 : index
    %swap3A_433 = arith.constant 160 : index
    %swap3A_434 = vector.load %arg10[%swap3A_431, %swap3A_432, %swap3A_433] : memref<4x1024x384xf32, #tpu.memory_space<vmem>>, vector<1x1024x32xf32>
    %swap3A_435 = vector.shape_cast %swap3A_434 : vector<1x1024x32xf32> to vector<1024x32xf32>
    %swap3A_436 = vector.shape_cast %slice3A_430 : vector<1024x32xf32> to vector<1x1024x32xf32>
    tpu.vector_store %arg10[%swap3A_431, %swap3A_432, %swap3A_433], %swap3A_436 {strides = array<i32>} : memref<4x1024x384xf32, #tpu.memory_space<vmem>>, vector<1x1024x32xf32>,
    %get3A_437 = arith.constant 0 : index
    %get3A_438 = arith.constant 2 : index
    %get3A_439 = arith.constant 96 : index
    %get3A_440 = vector.load %arg3[%get3A_437, %get3A_438, %get3A_439] : memref<1024x3x128xf32, #tpu.memory_space<vmem>>, vector<1024x1x32xf32>
    %get3A_441 = vector.shape_cast %get3A_440 : vector<1024x1x32xf32> to vector<1024x32xf32>
    %mul3A_442 = arith.constant 0.0883883461 : f32
    %mul3A_443 = vector.broadcast %mul3A_442 : f32 to vector<1024x32xf32>
    %mul3A_444 = arith.mulf %get3A_441, %mul3A_443 : vector<1024x32xf32>
    %swap3A_445 = arith.constant 3 : index
    %swap3A_446 = arith.constant 0 : index
    %swap3A_447 = arith.constant 256 : index
    %swap3A_448 = vector.load %arg10[%swap3A_445, %swap3A_446, %swap3A_447] : memref<4x1024x384xf32, #tpu.memory_space<vmem>>, vector<1x1024x32xf32>
    %swap3A_449 = vector.shape_cast %swap3A_448 : vector<1x1024x32xf32> to vector<1024x32xf32>
    %swap3A_450 = vector.shape_cast %mul3A_444 : vector<1024x32xf32> to vector<1x1024x32xf32>
    tpu.vector_store %arg10[%swap3A_445, %swap3A_446, %swap3A_447], %swap3A_450 {strides = array<i32>} : memref<4x1024x384xf32, #tpu.memory_space<vmem>>, vector<1x1024x32xf32>,
    %slice3A_451 = vector.extract_strided_slice %add3A_8 {offsets = [0, 352], sizes = [1024, 32], strides = [1, 1]} : vector<1024x384xf32> to vector<1024x32xf32>
    %swap3A_452 = arith.constant 3 : index
    %swap3A_453 = arith.constant 0 : index
    %swap3A_454 = arith.constant 64 : index
    %swap3A_455 = vector.load %arg11[%swap3A_452, %swap3A_453, %swap3A_454] : memref<4x1024x128xf32, #tpu.memory_space<vmem>>, vector<1x1024x32xf32>
    %swap3A_456 = vector.shape_cast %swap3A_455 : vector<1x1024x32xf32> to vector<1024x32xf32>
    %swap3A_457 = vector.shape_cast %slice3A_451 : vector<1024x32xf32> to vector<1x1024x32xf32>
    tpu.vector_store %arg11[%swap3A_452, %swap3A_453, %swap3A_454], %swap3A_457 {strides = array<i32>} : memref<4x1024x128xf32, #tpu.memory_space<vmem>>, vector<1x1024x32xf32>,
    return
  }
  func.func @transform_0(%arg0: i32) -> (i32, i32) {
    %c0_i32 = arith.constant 0 : i32
    %c0_i32_0 = arith.constant 0 : i32
    return %arg0, %c0_i32 : i32, i32
  }
  func.func @transform_1(%arg0: i32) -> (i32, i32) {
    %c0_i32 = arith.constant 0 : i32
    %c0_i32_0 = arith.constant 0 : i32
    return %arg0, %c0_i32 : i32, i32
  }
  func.func @transform_2(%arg0: i32) -> (i32, i32, i32) {
    %c0_i32 = arith.constant 0 : i32
    %c0_i32_0 = arith.constant 0 : i32
    %c0_i32_1 = arith.constant 0 : i32
    return %arg0, %c0_i32, %c0_i32_0 : i32, i32, i32
  }
  func.func @transform_3(%arg0: i32) -> (i32, i32) {
    %c0_i32 = arith.constant 0 : i32
    %c0_i32_0 = arith.constant 0 : i32
    %c0_i32_1 = arith.constant 0 : i32
    return %c0_i32, %c0_i32_0 : i32, i32
  }
  func.func @transform_4(%arg0: i32) -> i32 {
    %c0_i32 = arith.constant 0 : i32
    %c0_i32_0 = arith.constant 0 : i32
    return %c0_i32 : i32
  }
  func.func @transform_5(%arg0: i32) -> (i32, i32) {
    %c0_i32 = arith.constant 0 : i32
    %c0_i32_0 = arith.constant 0 : i32
    %c0_i32_1 = arith.constant 0 : i32
    return %c0_i32, %c0_i32_0 : i32, i32
  }
  func.func @transform_6(%arg0: i32) -> i32 {
    %c0_i32 = arith.constant 0 : i32
    %c0_i32_0 = arith.constant 0 : i32
    return %c0_i32 : i32
  }
  func.func @transform_7(%arg0: i32) -> (i32, i32) {
    %c0_i32 = arith.constant 0 : i32
    %c0_i32_0 = arith.constant 0 : i32
    %c0_i32_1 = arith.constant 0 : i32
    return %c0_i32, %c0_i32_0 : i32, i32
  }
  func.func @transform_8(%arg0: i32) -> i32 {
    %c0_i32 = arith.constant 0 : i32
    %c0_i32_0 = arith.constant 0 : i32
    return %c0_i32 : i32
  }
  func.func @transform_9(%arg0: i32) -> (i32, i32, i32) {
    %c0_i32 = arith.constant 0 : i32
    %c0_i32_0 = arith.constant 0 : i32
    %c0_i32_1 = arith.constant 0 : i32
    return %c0_i32, %arg0, %c0_i32_0 : i32, i32, i32
  }
  func.func @transform_10(%arg0: i32) -> (i32, i32, i32) {
    %c0_i32 = arith.constant 0 : i32
    %c0_i32_0 = arith.constant 0 : i32
    %c0_i32_1 = arith.constant 0 : i32
    return %c0_i32, %arg0, %c0_i32_0 : i32, i32, i32
  }
}

module attributes {stable_mosaic.version = 14 : i64} {
  func.func @_act_body(%arg0: i32, %arg1: memref<4x1024x128xf32, #tpu.memory_space<vmem>>, %arg2: memref<128x128xf32, #tpu.memory_space<vmem>>, %arg3: memref<128x1xf32, #tpu.memory_space<vmem>>, %arg4: memref<1024x128xf32, #tpu.memory_space<vmem>>, %arg5: memref<1024x3x128xf32, #tpu.memory_space<vmem>>) attributes {dimension_semantics = [#tpu.dimension_semantics<arbitrary>], iteration_bounds = array<i64: 10>, scalar_prefetch = 0 : i64, scratch_operands = 0 : i64, tpu.core_type = #tpu.core_type<tc>, window_params = [{transform_indices = @transform_0, window_bounds = array<i64: 4, 1024, 128>}, {pipeline_mode = #tpu.pipeline_mode<synchronous>, transform_indices = @transform_1, window_bounds = array<i64: 128, 128>}, {pipeline_mode = #tpu.pipeline_mode<synchronous>, transform_indices = @transform_2, window_bounds = array<i64: 128, 1>}, {transform_indices = @transform_3, window_bounds = array<i64: 1024, 128>}, {transform_indices = @transform_4, window_bounds = array<i64: 1024, 3, 128>}]} {
    %get3A = arith.constant 0 : index
    %get3A_0 = arith.constant 0 : index
    %get3A_1 = arith.constant 0 : index
    %get3A_2 = vector.load %arg1[%get3A, %get3A_0, %get3A_1] : memref<4x1024x128xf32, #tpu.memory_space<vmem>>, vector<1x1024x32xf32>
    %get3A_3 = vector.shape_cast %get3A_2 : vector<1x1024x32xf32> to vector<1024x32xf32>
    %get3A_4 = arith.constant 1 : index
    %get3A_5 = arith.constant 0 : index
    %get3A_6 = arith.constant 0 : index
    %get3A_7 = vector.load %arg1[%get3A_4, %get3A_5, %get3A_6] : memref<4x1024x128xf32, #tpu.memory_space<vmem>>, vector<1x1024x32xf32>
    %get3A_8 = vector.shape_cast %get3A_7 : vector<1x1024x32xf32> to vector<1024x32xf32>
    %get3A_9 = arith.constant 2 : index
    %get3A_10 = arith.constant 0 : index
    %get3A_11 = arith.constant 0 : index
    %get3A_12 = vector.load %arg1[%get3A_9, %get3A_10, %get3A_11] : memref<4x1024x128xf32, #tpu.memory_space<vmem>>, vector<1x1024x32xf32>
    %get3A_13 = vector.shape_cast %get3A_12 : vector<1x1024x32xf32> to vector<1024x32xf32>
    %get3A_14 = arith.constant 3 : index
    %get3A_15 = arith.constant 0 : index
    %get3A_16 = arith.constant 0 : index
    %get3A_17 = vector.load %arg1[%get3A_14, %get3A_15, %get3A_16] : memref<4x1024x128xf32, #tpu.memory_space<vmem>>, vector<1x1024x32xf32>
    %get3A_18 = vector.shape_cast %get3A_17 : vector<1x1024x32xf32> to vector<1024x32xf32>
    %concatenate3A = tpu.concatenate %get3A_3, %get3A_8, %get3A_13, %get3A_18 in 1 : vector<1024x32xf32>, vector<1024x32xf32>, vector<1024x32xf32>, vector<1024x32xf32> -> vector<1024x128xf32>
    %get3A_19 = arith.constant 0 : index
    %get3A_20 = arith.constant 0 : index
    %get3A_21 = arith.constant 32 : index
    %get3A_22 = vector.load %arg1[%get3A_19, %get3A_20, %get3A_21] : memref<4x1024x128xf32, #tpu.memory_space<vmem>>, vector<1x1024x32xf32>
    %get3A_23 = vector.shape_cast %get3A_22 : vector<1x1024x32xf32> to vector<1024x32xf32>
    %get3A_24 = arith.constant 1 : index
    %get3A_25 = arith.constant 0 : index
    %get3A_26 = arith.constant 32 : index
    %get3A_27 = vector.load %arg1[%get3A_24, %get3A_25, %get3A_26] : memref<4x1024x128xf32, #tpu.memory_space<vmem>>, vector<1x1024x32xf32>
    %get3A_28 = vector.shape_cast %get3A_27 : vector<1x1024x32xf32> to vector<1024x32xf32>
    %get3A_29 = arith.constant 2 : index
    %get3A_30 = arith.constant 0 : index
    %get3A_31 = arith.constant 32 : index
    %get3A_32 = vector.load %arg1[%get3A_29, %get3A_30, %get3A_31] : memref<4x1024x128xf32, #tpu.memory_space<vmem>>, vector<1x1024x32xf32>
    %get3A_33 = vector.shape_cast %get3A_32 : vector<1x1024x32xf32> to vector<1024x32xf32>
    %get3A_34 = arith.constant 3 : index
    %get3A_35 = arith.constant 0 : index
    %get3A_36 = arith.constant 32 : index
    %get3A_37 = vector.load %arg1[%get3A_34, %get3A_35, %get3A_36] : memref<4x1024x128xf32, #tpu.memory_space<vmem>>, vector<1x1024x32xf32>
    %get3A_38 = vector.shape_cast %get3A_37 : vector<1x1024x32xf32> to vector<1024x32xf32>
    %concatenate3A_39 = tpu.concatenate %get3A_23, %get3A_28, %get3A_33, %get3A_38 in 1 : vector<1024x32xf32>, vector<1024x32xf32>, vector<1024x32xf32>, vector<1024x32xf32> -> vector<1024x128xf32>
    %get3A_40 = arith.constant 0 : index
    %get3A_41 = arith.constant 0 : index
    %get3A_42 = arith.constant 64 : index
    %get3A_43 = vector.load %arg1[%get3A_40, %get3A_41, %get3A_42] : memref<4x1024x128xf32, #tpu.memory_space<vmem>>, vector<1x1024x32xf32>
    %get3A_44 = vector.shape_cast %get3A_43 : vector<1x1024x32xf32> to vector<1024x32xf32>
    %get3A_45 = arith.constant 1 : index
    %get3A_46 = arith.constant 0 : index
    %get3A_47 = arith.constant 64 : index
    %get3A_48 = vector.load %arg1[%get3A_45, %get3A_46, %get3A_47] : memref<4x1024x128xf32, #tpu.memory_space<vmem>>, vector<1x1024x32xf32>
    %get3A_49 = vector.shape_cast %get3A_48 : vector<1x1024x32xf32> to vector<1024x32xf32>
    %get3A_50 = arith.constant 2 : index
    %get3A_51 = arith.constant 0 : index
    %get3A_52 = arith.constant 64 : index
    %get3A_53 = vector.load %arg1[%get3A_50, %get3A_51, %get3A_52] : memref<4x1024x128xf32, #tpu.memory_space<vmem>>, vector<1x1024x32xf32>
    %get3A_54 = vector.shape_cast %get3A_53 : vector<1x1024x32xf32> to vector<1024x32xf32>
    %get3A_55 = arith.constant 3 : index
    %get3A_56 = arith.constant 0 : index
    %get3A_57 = arith.constant 64 : index
    %get3A_58 = vector.load %arg1[%get3A_55, %get3A_56, %get3A_57] : memref<4x1024x128xf32, #tpu.memory_space<vmem>>, vector<1x1024x32xf32>
    %get3A_59 = vector.shape_cast %get3A_58 : vector<1x1024x32xf32> to vector<1024x32xf32>
    %concatenate3A_60 = tpu.concatenate %get3A_44, %get3A_49, %get3A_54, %get3A_59 in 1 : vector<1024x32xf32>, vector<1024x32xf32>, vector<1024x32xf32>, vector<1024x32xf32> -> vector<1024x128xf32>
    %stack3A = vector.shape_cast %concatenate3A : vector<1024x128xf32> to vector<1024x1x128xf32>
    %stack3A_61 = vector.shape_cast %concatenate3A_39 : vector<1024x128xf32> to vector<1024x1x128xf32>
    %stack3A_62 = vector.shape_cast %concatenate3A_60 : vector<1024x128xf32> to vector<1024x1x128xf32>
    %stack3A_63 = tpu.concatenate %stack3A, %stack3A_61, %stack3A_62 in 1 : vector<1024x1x128xf32>, vector<1024x1x128xf32>, vector<1024x1x128xf32> -> vector<1024x3x128xf32>
    %get3A_64 = arith.constant 0 : index
    %get3A_65 = arith.constant 0 : index
    %get3A_66 = arith.constant 96 : index
    %get3A_67 = vector.load %arg1[%get3A_64, %get3A_65, %get3A_66] : memref<4x1024x128xf32, #tpu.memory_space<vmem>>, vector<1x1024x32xf32>
    %get3A_68 = vector.shape_cast %get3A_67 : vector<1x1024x32xf32> to vector<1024x32xf32>
    %swap3A = arith.constant 0 : index
    %swap3A_69 = arith.constant 0 : index
    %swap3A_70 = vector.load %arg4[%swap3A, %swap3A_69] : memref<1024x128xf32, #tpu.memory_space<vmem>>, vector<1024x32xf32>
    tpu.vector_store %arg4[%swap3A, %swap3A_69], %get3A_68 {strides = array<i32>} : memref<1024x128xf32, #tpu.memory_space<vmem>>, vector<1024x32xf32>,
    %get3A_71 = arith.constant 1 : index
    %get3A_72 = arith.constant 0 : index
    %get3A_73 = arith.constant 96 : index
    %get3A_74 = vector.load %arg1[%get3A_71, %get3A_72, %get3A_73] : memref<4x1024x128xf32, #tpu.memory_space<vmem>>, vector<1x1024x32xf32>
    %get3A_75 = vector.shape_cast %get3A_74 : vector<1x1024x32xf32> to vector<1024x32xf32>
    %swap3A_76 = arith.constant 0 : index
    %swap3A_77 = arith.constant 32 : index
    %swap3A_78 = vector.load %arg4[%swap3A_76, %swap3A_77] : memref<1024x128xf32, #tpu.memory_space<vmem>>, vector<1024x32xf32>
    tpu.vector_store %arg4[%swap3A_76, %swap3A_77], %get3A_75 {strides = array<i32>} : memref<1024x128xf32, #tpu.memory_space<vmem>>, vector<1024x32xf32>,
    %get3A_79 = arith.constant 2 : index
    %get3A_80 = arith.constant 0 : index
    %get3A_81 = arith.constant 96 : index
    %get3A_82 = vector.load %arg1[%get3A_79, %get3A_80, %get3A_81] : memref<4x1024x128xf32, #tpu.memory_space<vmem>>, vector<1x1024x32xf32>
    %get3A_83 = vector.shape_cast %get3A_82 : vector<1x1024x32xf32> to vector<1024x32xf32>
    %swap3A_84 = arith.constant 0 : index
    %swap3A_85 = arith.constant 64 : index
    %swap3A_86 = vector.load %arg4[%swap3A_84, %swap3A_85] : memref<1024x128xf32, #tpu.memory_space<vmem>>, vector<1024x32xf32>
    tpu.vector_store %arg4[%swap3A_84, %swap3A_85], %get3A_83 {strides = array<i32>} : memref<1024x128xf32, #tpu.memory_space<vmem>>, vector<1024x32xf32>,
    %get3A_87 = arith.constant 3 : index
    %get3A_88 = arith.constant 0 : index
    %get3A_89 = arith.constant 96 : index
    %get3A_90 = vector.load %arg1[%get3A_87, %get3A_88, %get3A_89] : memref<4x1024x128xf32, #tpu.memory_space<vmem>>, vector<1x1024x32xf32>
    %get3A_91 = vector.shape_cast %get3A_90 : vector<1x1024x32xf32> to vector<1024x32xf32>
    %swap3A_92 = arith.constant 0 : index
    %swap3A_93 = arith.constant 96 : index
    %swap3A_94 = vector.load %arg4[%swap3A_92, %swap3A_93] : memref<1024x128xf32, #tpu.memory_space<vmem>>, vector<1024x32xf32>
    tpu.vector_store %arg4[%swap3A_92, %swap3A_93], %get3A_91 {strides = array<i32>} : memref<1024x128xf32, #tpu.memory_space<vmem>>, vector<1024x32xf32>,
    %reshape3A = vector.shape_cast %stack3A_63 : vector<1024x3x128xf32> to vector<3072x128xf32>
    %get3A_95 = arith.constant 0 : index
    %get3A_96 = arith.constant 0 : index
    %get3A_97 = vector.load %arg3[%get3A_95, %get3A_96] : memref<128x1xf32, #tpu.memory_space<vmem>>, vector<128x1xf32>
    %dot_general3A = arith.constant dense<0.000000e+00> : vector<3072x1xf32>
    %dot_general3A_98 = tpu.matmul %reshape3A, %get3A_97, %dot_general3A {dimension_numbers = #tpu.dot_dimension_numbers<[1], [0], [0], [1], [0, 0, 1, 1], [], []>, transpose_lhs_hint = false} : vector<3072x128xf32>, vector<128x1xf32>, vector<3072x1xf32> -> vector<3072x1xf32>
    %reshape3A_99 = vector.shape_cast %dot_general3A_98 : vector<3072x1xf32> to vector<1024x3x1xf32>
    %get3A_100 = arith.constant 0 : index
    %get3A_101 = arith.constant 0 : index
    %get3A_102 = vector.load %arg2[%get3A_100, %get3A_101] : memref<128x128xf32, #tpu.memory_space<vmem>>, vector<128x128xf32>
    %dot_general3A_103 = arith.constant dense<0.000000e+00> : vector<3072x128xf32>
    %dot_general3A_104 = tpu.matmul %reshape3A, %get3A_102, %dot_general3A_103 {dimension_numbers = #tpu.dot_dimension_numbers<[1], [0], [0], [1], [0, 0, 1, 1], [], []>, transpose_lhs_hint = false} : vector<3072x128xf32>, vector<128x128xf32>, vector<3072x128xf32> -> vector<3072x128xf32>
    %reshape3A_105 = vector.shape_cast %dot_general3A_104 : vector<3072x128xf32> to vector<1024x3x128xf32>
    %mul3A = vector.broadcast %reshape3A_99 : vector<1024x3x1xf32> to vector<1024x3x128xf32>
    %mul3A_106 = arith.mulf %reshape3A_105, %mul3A : vector<1024x3x128xf32>
    %reduce_sum3A = arith.constant dense<0.000000e+00> : vector<1024x128xf32>
    %reduce_sum3A_107 = vector.multi_reduction <add>, %mul3A_106, %reduce_sum3A [1] : vector<1024x3x128xf32> to vector<1024x128xf32>
    %broadcast_in_dim3A = vector.shape_cast %reduce_sum3A_107 : vector<1024x128xf32> to vector<1024x1x128xf32>
    %ge3A = arith.constant 0.000000e+00 : f32
    %ge3A_108 = vector.broadcast %ge3A : f32 to vector<1024x1x128xf32>
    %ge3A_109 = arith.cmpf oge, %broadcast_in_dim3A, %ge3A_108 : vector<1024x1x128xf32>
    %convert_element_type3A = arith.extui %ge3A_109 : vector<1024x1x128xi1> to vector<1024x1x128xi32>
    %convert_element_type3A_110 = arith.sitofp %convert_element_type3A : vector<1024x1x128xi32> to vector<1024x1x128xf32>
    %mul3A_111 = vector.broadcast %convert_element_type3A_110 : vector<1024x1x128xf32> to vector<1024x3x128xf32>
    %mul3A_112 = arith.mulf %mul3A_111, %reshape3A_105 : vector<1024x3x128xf32>
    %sub3A = arith.constant 1.000000e+00 : f32
    %sub3A_113 = vector.broadcast %sub3A : f32 to vector<1024x1x128xf32>
    %sub3A_114 = arith.subf %sub3A_113, %convert_element_type3A_110 : vector<1024x1x128xf32>
    %add3A = vector.broadcast %reshape3A_99 : vector<1024x3x1xf32> to vector<1024x3x128xf32>
    %add3A_115 = arith.addf %reshape3A_105, %add3A : vector<1024x3x128xf32>
    %mul3A_116 = vector.broadcast %sub3A_114 : vector<1024x1x128xf32> to vector<1024x3x128xf32>
    %mul3A_117 = arith.mulf %mul3A_116, %add3A_115 : vector<1024x3x128xf32>
    %mul3A_118 = arith.constant 5.000000e-01 : f32
    %mul3A_119 = vector.broadcast %mul3A_118 : f32 to vector<1024x3x128xf32>
    %mul3A_120 = arith.mulf %mul3A_117, %mul3A_119 : vector<1024x3x128xf32>
    %add3A_121 = arith.addf %mul3A_112, %mul3A_120 : vector<1024x3x128xf32>
    %swap3A_122 = arith.constant 0 : index
    %swap3A_123 = arith.constant 0 : index
    %swap3A_124 = arith.constant 0 : index
    %swap3A_125 = vector.load %arg5[%swap3A_122, %swap3A_123, %swap3A_124] : memref<1024x3x128xf32, #tpu.memory_space<vmem>>, vector<1024x3x128xf32>
    tpu.vector_store %arg5[%swap3A_122, %swap3A_123, %swap3A_124], %add3A_121 {strides = array<i32>} : memref<1024x3x128xf32, #tpu.memory_space<vmem>>, vector<1024x3x128xf32>,
    return
  }
  func.func @transform_0(%arg0: i32) -> (i32, i32, i32) {
    %c0_i32 = arith.constant 0 : i32
    %c0_i32_0 = arith.constant 0 : i32
    %c0_i32_1 = arith.constant 0 : i32
    return %c0_i32, %arg0, %c0_i32_0 : i32, i32, i32
  }
  func.func @transform_1(%arg0: i32) -> (i32, i32) {
    %c0_i32 = arith.constant 0 : i32
    %c0_i32_0 = arith.constant 0 : i32
    %c0_i32_1 = arith.constant 0 : i32
    return %c0_i32, %c0_i32_0 : i32, i32
  }
  func.func @transform_2(%arg0: i32) -> (i32, i32) {
    %c0_i32 = arith.constant 0 : i32
    %c0_i32_0 = arith.constant 0 : i32
    %c0_i32_1 = arith.constant 0 : i32
    return %c0_i32, %c0_i32_0 : i32, i32
  }
  func.func @transform_3(%arg0: i32) -> (i32, i32) {
    %c0_i32 = arith.constant 0 : i32
    %c0_i32_0 = arith.constant 0 : i32
    return %arg0, %c0_i32 : i32, i32
  }
  func.func @transform_4(%arg0: i32) -> (i32, i32, i32) {
    %c0_i32 = arith.constant 0 : i32
    %c0_i32_0 = arith.constant 0 : i32
    %c0_i32_1 = arith.constant 0 : i32
    return %arg0, %c0_i32, %c0_i32_0 : i32, i32, i32
  }
}

</mosaic_0001>

<sc_bundles>
// kernel: kernel.6.cloned.1.call-start
scs
__scs_entry_jumppad:
0x0: {  	(pc) =	sbr.rel $0x88, $3  }
0x1: {  	(tag) =	ssettag $0x0;
	lr =	simm.s32 $0x1  }
0x2: {  	[smem:$0x3F91] =	sst lr;
	_ =	strace $0xD0000000  }
0x3: {  	_ = 	snop  }
0x4: {  	_ = 	snop  }
0x5: {  	_ = 	snop  }
0x6: {  	_ = 	snop  }
0x7: {  	_ = 	snop  }
__scs_overlays_trampoline_lowered:
0x8: {  	[smem:$0x3FA0] =	sst s0  }
0x9: {  	[smem:$0x3FA1] =	sst s1  }
0xa: {  	[smem:$0x3FA2] =	sst s2  }
0xb: {  	[smem:$0x3FA3] =	sst s3  }
0xc: {  	[smem:$0x3FA4] =	sst s4  }
0xd: {  	[smem:$0x3FA5] =	sst s5  }
0xe: {  	[smem:$0x3FA6] =	sst s6  }
0xf: {  	[smem:$0x3FA7] =	sst s7  }
0x10: {  	[smem:$0x3FA8] =	sst s8  }
0x11: {  	[smem:$0x3FA9] =	sst s9;
	s0 =	simm.s32 @!p0 $0x0  }
0x12: {  	s1 =	sld [smem:$0x3F8F];
	s0 =	simm.s32 @p0 $0x1  }
0x13: {  	[smem:$0x3FAA] =	sst s0;
	s0 =	simm.s32 @!p1 $0x0  }
0x14: {  	s2 =	sld [smem:$0x3F8E];
	s0 =	simm.s32 @p1 $0x1  }
0x15: {  	[smem:$0x3FAB] =	sst s0;
	s0 =	simm.s32 @!p2 $0x0  }
0x16: {  	s3 =	sld [smem:$0x3FDB];
	s0 =	simm.s32 @p2 $0x1  }
0x17: {  	s4 =	simm.s32 $0x1BF5;
	[smem:$0x3FAD] =	sst s0  }
0x18: {  	s0 =	sld [smem:$0x3F90];
	_ =	swait.ge [sflag:s4], $0x0  }
0x19: {  	s7 =	sld [smem:$0x3F91]  }
0x1a: {  	s8 =	sadd.s32 $0xFFFFE003, lr  }
0x1b: {  	s9 =	sadd.s32 $0xFFFFFEF7, lr;
	s5 =	simm.s32 $0xFFFFFFFF;
	p2 =	slt.u32 s8, $0xFFFFF086  }
0x1c: {  	p1 =	slt.u32 s9, $0xF7A;
	s5 =	simm.s32 @!p2 $0x0  }
0x1d: {  	s5 =	simm.s32 @p1 $0x1;
	p0 =	seq.s32 s7, s2  }
0x1e: {  	s7 =	smul.u32 @!p0 $0xF7A, s2;
	p2 =	seq.s32 @!p0 s5, $0x0  }
0x1f: {  	s9 =	smul.u32 $0xF7A, s1;
	s8 =	simm.s32 @!p0 $0x1BF5;
	p2 =	por !p2, p0  }
0x20: {  	[sflag:s8] =	ssyncset.s32 @!p0 $0xFFFFF086;
	s6 =	sadd.s32 @!p0 s3, s7;
	s7 =	simm.s32 @!p0 $0x108  }
0x21: {  	s3 =	sadd.s32 s3, s9;
	s6 =	sadd.s32 @!p0 $0x88, s6;
	s7 =	simm.s32 @p2 $0x1082  }
0x22: {  	[simem:s7], [sflag:s8] =	dma.local @!p0 [hbm:s6], $0xF7A  }
0x23: {  	s9 =	sor.u32 $0xD0000000, s2;
	s6 =	simm.s32 $0x108;
	_ =	swait.ge @!p0 [sflag:s8], $0x0  }
0x24: {  	s3 =	sadd.s32 $0x88, s3;
	s6 =	simm.s32 @!p1 $0x1082;
	[sflag:s4] =	ssyncset.s32 $0xFFFFF086  }
0x25: {  	[simem:s6], [sflag:s4] =	dma.local [hbm:s3], $0xF7A  }
0x26: {  	[smem:$0x3F91] =	sst s1;
	(tag) =	ssettag s2;
	_ =	strace s9  }
0x27: {  	s1 =	sld [smem:$0x3FA1]  }
0x28: {  	s2 =	sld [smem:$0x3FA2]  }
0x29: {  	s4 =	sld [smem:$0x3FA4]  }
0x2a: {  	p0 =	seq.s32 s5, $0x0;
	s5 =	sld [smem:$0x3FA5]  }
0x2b: {  	s6 =	sld [smem:$0x3FA6]  }
0x2c: {  	s7 =	sld [smem:$0x3FA7]  }
0x2d: {  	s3 =	simm.s32 $0x108;
	s8 =	sld [smem:$0x3FA8]  }
0x2e: {  	s3 =	simm.s32 @!p0 $0x1082;
	s9 =	sld [smem:$0x3FA9]  }
0x2f: {  	lr =	sadd.s32 s0, s3;
	s0 =	sld [smem:$0x3FA0]  }
0x30: {  	s3 =	sld [smem:$0x3FA3]  }
0x31: {  	[smem:$0x3FAC] =	sst s10  }
0x32: {  	s10 =	sld [smem:$0x3FAA];
	_ =	sdelay $0x3  }
0x33: {  	p0 =	seq.s32 s10, $0x1;
	s10 =	sld [smem:$0x3FAC];
	_ =	sdelay $0x3  }
0x34: {  	[smem:$0x3FAC] =	sst s10  }
0x35: {  	s10 =	sld [smem:$0x3FAB];
	_ =	sdelay $0x3  }
0x36: {  	p1 =	seq.s32 s10, $0x1;
	s10 =	sld [smem:$0x3FAC];
	_ =	sdelay $0x3  }
0x37: {  	[smem:$0x3FAC] =	sst s10  }
0x38: {  	s10 =	sld [smem:$0x3FAD]  }
0x39: {  	_ = 	snop;
	(pc) =	sbr.ind lr, $3  }
0x3a: {  	_ = 	snop  }
0x3b: {  	_ = 	snop  }
0x3c: {  	p2 =	seq.s32 s10, $0x1;
	s10 =	sld [smem:$0x3FAC]  }
0x3d: {  	_ =	shalt  }
0x3e: {  	_ =	shalt  }
0x3f: {  	_ =	shalt  }
0x40: {  	_ =	shalt  }
0x41: {  	_ =	shalt  }
0x42: {  	_ =	shalt  }
0x43: {  	_ =	shalt  }
0x44: {  	_ =	shalt  }
0x45: {  	_ =	shalt  }
0x46: {  	_ =	shalt  }
0x47: {  	_ =	shalt  }
0x48: {  	_ =	shalt  }
0x49: {  	_ =	shalt  }
0x4a: {  	_ =	shalt  }
0x4b: {  	_ =	shalt  }
0x4c: {  	_ =	shalt  }
0x4d: {  	_ =	shalt  }
0x4e: {  	_ =	shalt  }
0x4f: {  	_ =	shalt  }
0x50: {  	_ =	shalt  }
0x51: {  	_ =	shalt  }
0x52: {  	_ =	shalt  }
0x53: {  	_ =	shalt  }
0x54: {  	_ =	shalt  }
0x55: {  	_ =	shalt  }
0x56: {  	_ =	shalt  }
0x57: {  	_ =	shalt  }
0x58: {  	_ =	shalt  }
0x59: {  	_ =	shalt  }
0x5a: {  	_ =	shalt  }
0x5b: {  	_ =	shalt  }
0x5c: {  	_ =	shalt  }
0x5d: {  	_ =	shalt  }
0x5e: {  	_ =	shalt  }
0x5f: {  	_ =	shalt  }
0x60: {  	_ =	shalt  }
0x61: {  	_ =	shalt  }
0x62: {  	_ =	shalt  }
0x63: {  	_ =	shalt  }
0x64: {  	_ =	shalt  }
0x65: {  	_ =	shalt  }
0x66: {  	_ =	shalt  }
0x67: {  	_ =	shalt  }
0x68: {  	_ =	shalt  }
0x69: {  	_ =	shalt  }
0x6a: {  	_ =	shalt  }
0x6b: {  	_ =	shalt  }
0x6c: {  	_ =	shalt  }
0x6d: {  	_ =	shalt  }
0x6e: {  	_ =	shalt  }
0x6f: {  	_ =	shalt  }
0x70: {  	_ =	shalt  }
0x71: {  	_ =	shalt  }
0x72: {  	_ =	shalt  }
0x73: {  	_ =	shalt  }
0x74: {  	_ =	shalt  }
0x75: {  	_ =	shalt  }
0x76: {  	_ =	shalt  }
0x77: {  	_ =	shalt  }
0x78: {  	_ =	shalt  }
0x79: {  	_ =	shalt  }
0x7a: {  	_ =	shalt  }
0x7b: {  	_ =	shalt  }
0x7c: {  	_ =	shalt  }
0x7d: {  	_ =	shalt  }
0x7e: {  	_ =	shalt  }
0x7f: {  	_ =	shalt  }
0x80: {  	_ =	shalt  }
0x81: {  	_ =	shalt  }
0x82: {  	_ =	shalt  }
0x83: {  	_ =	shalt  }
0x84: {  	_ =	shalt  }
0x85: {  	_ =	shalt  }
0x86: {  	_ =	shalt  }
0x87: {  	_ =	shalt  }
.Lfunc_end0:
.L_simem_size_0:
called_computation_lowered:
.L_overlay_start_0:
0x88: {  	s2 =	sld [smem:$0x3FD9]  }
0x89: {  	s3 =	sld [smem:$0x3FFE];
	_ =	sdelay $0x1  }
0x8a: {  	s1 =	srdreg.scid  }
0x8b: {  	s0 =	sand.u32 $0x1, s1  }
0x8c: {  	s14 =	sshll.u32 s0, $0xA;
	s2 =	sadd.s32 s3, s2  }
0x8d: {  	s2 =	sadd.s32 s2, s14  }
0x8e: {  	[smem:$0x3FB8] =	sst s2  }
0x8f: {  	_ = 	snop  }
0x90: {  	s2 =	sld [smem:$0x3FD0];
	_ =	sdelay $0x2  }
0x91: {  	s15 =	simm.s32 $0xA;
	s4 =	simm.s32 $0x10  }
0x92: {  	[smem:s4], [sflag:s15] =	dma.local [hbm:s2], $0x1  }
0x93: {  	_ =	swait.eq [sflag:s15], $0x1  }
0x94: {  	[sflag:s15] =	ssyncset.done $0x0  }
0x95: {  	[sflag:s15] =	ssyncadd.s32 $0xFFFFFFFF  }
0x96: {  	s16 =	sld [smem:$0x11];
	(tm) =	ssettm $0x1  }
0x97: {  	s17 =	sld [smem:$0x3FFB];
	_ =	sdelay $0x3  }
0x98: {  	_ =	strace s17  }
0x99: {  	s3 =	sld [smem:$0x3FFC];
	_ =	sdelay $0x3  }
0x9a: {  	_ =	strace s3  }
0x9b: {  	s3 =	sld [smem:$0x3FFD];
	_ =	sdelay $0x3  }
0x9c: {  	_ =	strace s3  }
0x9d: {  	_ =	strace $0x8FFFFFFF  }
0x9e: {  	s18 =	sld [smem:$0x3FDB];
	_ =	sdelay $0x1  }
0x9f: {  	s19 =	simm.s32 $_scs_section_size  }
0xa0: {  	s5 =	simm.s32 $_size__tile_overlayer_lowered;
	s6 =	simm.s32 $_tile_overlayer_lowered  }
0xa1: {  	s22 =	simm.s32 $0x1BFF;
	s21 =	sshll.u32 s6, $0x1;
	s3 =	sadd.s32 s19, s18  }
0xa2: {  	s7 =	simm.s32 $0x0;
	s20 =	sshll.u32 s5, $0x1;
	s5 =	sadd.s32 s21, s3  }
0xa3: {  	[timem:s7], [sflag:s22] =	dma.local [hbm:s5], s20  }
0xa4: {  	_ =	swait.ge [sflag:s22], s20  }
0xa5: {  	s4 =	ssub.s32 $0x0, s20;
	[sflag:s22] =	ssyncset.done $0x0  }
0xa6: {  	[sflag:s22] =	ssyncadd.s32 s4;
	_ =	sdelay $0x1  }
0xa7: {  	s23 =	simm.s32 $0x1B8B  }
0xa8: {  	_ =	swait.ge [sflag:s23], $0x1  }
0xa9: {  	[sflag:s23] =	ssyncset.done $0x0  }
0xaa: {  	s25 =	simm.s32 $0x1B8E;
	s24 =	sld [smem:$0x3FFE];
	[sflag:s23] =	ssyncadd.s32 $0xFFFFFFFF  }
0xab: {  	s26 =	simm.s32 $execute0_lowered;
	[smem:$0x3FD2] =	sst s25  }
0xac: {  	s5 =	sshll.u32 s26, $0x1;
	_ =	strace $0x80000046;
	[dreg:$0x1] =	wrdreg $0xFFFFFFFF  }
0xad: {  	s28 =	simm.s32 $_size_execute0_lowered;
	s3 =	sadd.s32 s3, s5;
	[dreg:$0x0] =	wrdreg $0x0  }
0xae: {  	s5 =	sshll.u32 s28, $0x1;
	[dreg:$0x2] =	wrdreg s3  }
0xaf: {  	[dreg:$0x3] =	wrdreg s5  }
0xb0: {  	[dreg:$0x4] =	wrdreg $0xC0  }
0xb1: {  	_ =	task [dreg:s7], $0x5FFFF  }
0xb2: {  	[dreg:$0x1] =	wrdreg $0xFFFFFFFF  }
0xb3: {  	[dreg:$0x0] =	wrdreg $0x60  }
0xb4: {  	[dreg:$0x2] =	wrdreg s24  }
0xb5: {  	[dreg:$0x3] =	wrdreg s16  }
0xb6: {  	[dreg:$0x4] =	wrdreg $0x95F00  }
0xb7: {  	[dreg:$0x5] =	wrdreg $0x9  }
0xb8: {  	_ =	task.clear_ibuf [dreg:s7], $0x6FFFF;
	_ =	strace $0x90000046  }
0xb9: {  	s29 =	simm.s32 $0x9;
	_ =	strace $0x80000048  }
0xba: {  	_ =	swait.ge [sflag:s29], $0x1  }
0xbb: {  	[sflag:s29] =	ssyncadd.s32 $0xFFFFFFFF  }
0xbc: {  	_ =	strace $0x90000048  }
0xbd: {  	_ =	sfence  }
0xbe: {  	s30 =	sld [smem:$0x0];
	_ =	sdelay $0x2  }
0xbf: {  	s31 =	sshll.u32 s1, $0xD;
	s1 =	sshrl.u32 s1, $0x2  }
0xc0: {  	s3 =	sand.u32 $0x4000, s31;
	s1 =	sadd.s32 s1, s30  }
0xc1: {  	s0 =	sor.u32 s3, s0;
	s1 =	sshll.u32 s1, $0x11  }
0xc2: {  	s0 =	sor.u32 s1, s0  }
0xc3: {  	s0 =	sadd.s32 $0x8F2B, s0  }
0xc4: {  	[sflag:s0] =	ssyncadd.remote.s32 $0x1  }
0xc5: {  	_ =	sfence.sel $0xFFFF  }
0xc6: {  	[dreg:$0x0] =	wrdreg $0xFFFFFFFF;
	(pc) =	sbr.abs _section_cstart, $3  }
0xc7: {  	[dreg:$0x1] =	wrdreg $0xFFFFFFFF  }
0xc8: {  	_ =	task.clear_ibuf [dreg:s7], $0x2FFFF;
	_ =	strace $0x9FFFFFFF  }
0xc9: {  	(tm) =	ssettm $0x7FFFFFFF  }
tec
execute0_lowered:
.L_overlay_start_1:
0x0: {  	(tag) =	ssettag $0x1  }
0x1: {  	s0 =	rddreg [dreg:$0x0]  }
0x2: {  	s18 =	rddreg [dreg:$0x1]  }
0x3: {  	s19 =	rddreg [dreg:$0x2];
	s3 =	simm.s32 $0x0  }
0x4: {  	s1 =	srdreg.scid;
	s20 =	stileid.u32;
	s5 =	sadd.s32 $0x33BC00, s0  }
0x5: {  	s30 =	simm.s32 $0x7;
	s6 =	sadd.s32 $0x29BC00, s0;
	s2 =	smul.u32 $0x4F000, s20  }
0x6: {  	[smem:$0x7FF] =	sst s3;
	s7 =	sadd.s32 $0xC3D200, s0;
	s11 =	smul.u32 $0x28, s20  }
0x7: {  	s8 =	sadd.s32 $0x8200, s0;
	s1 =	sand.u32 $0x1, s1;
	s13 =	smul.u32 $0x13C00, s20  }
0x8: {  	s9 =	sadd.s32 $0x3200, s0;
	s10 =	sadd.s32 $0x51BC00, s0;
	s21 =	smul.u32 $0x4E200, s1  }
0x9: {  	s0 =	sadd.s32 $0x1BC00, s0;
	_ =	strace $0x80000047;
	s14 =	smul.u32 $0x280000, s1  }
0xa: {  	s4 =	ssub.s32 $0x2, s1;
	s15 =	sshllo.u32 s1, $0x1;
	s22 =	smul.u32 $0x1D4C000, s1  }
0xb: {  	s12 =	sshrl.u32 s4, $0x1;
	s2 =	sshrl.u32 s2, $0x2;
	s25 =	sshrl.u32 s11, $0x3  }
0xc: {  	s17 =	smul.u32 $0x140000, s15;
	s4 =	ssub.s32 s4, s12;
	s12 =	sadd.s32 s2, s19  }
0xd: {  	s24 =	sadd.s32 s11, s21;
	s26 =	sadd.s32 s9, s25;
	[dreg:$0x4] =	wrdreg s21  }
0xe: {  	s29 =	sadd.s32 s13, s14;
	[dreg:$0x8] =	wrdreg s22;
	s2 =	sshrl.u32 s24, $0x3  }
0xf: {  	[dreg:$0x7] =	wrdreg s26;
	s31 =	sadd.s32 s13, s17;
	s16 =	sadd.s32 s18, s2  }
0x10: {  	s1 =	sshrl.u32 s29, $0x3;
	s2 =	sadd.s32 s8, s2;
	[dreg:$0x5] =	wrdreg s16  }
0x11: {  	s29 =	smul.u32 $0x27100, s15;
	s1 =	sadd.s32 s0, s1;
	[dreg:$0x6] =	wrdreg s2  }
0x12: {  	s28 =	smul.u32 $0xF0, s20;
	s14 =	sshrl.u32 s31, $0x3;
	[dreg:$0x9] =	wrdreg s1  }
0x13: {  	s16 =	smul.u32 $0xF00, s20;
	s0 =	sadd.s32 s0, s14;
	[dreg:$0xf] =	wrdreg s29  }
0x14: {  	s14 =	sadd.s32 s10, s28;
	[dreg:$0xa] =	wrdreg s0;
	s0 =	sadd.s32 $0x280, s11  }
0x15: {  	[dreg:$0xb] =	wrdreg s14;
	s11 =	sadd.s32 s11, s29;
	s24 =	smul.u32 $0x6, s0  }
0x16: {  	s17 =	sadd.s32 s16, s22;
	s23 =	sadd.s32 s21, s0;
	s26 =	smul.u32 $0x60, s0  }
0x17: {  	s28 =	sshrl.u32 s0, $0x3;
	s21 =	smul.u32 $0xEA6000, s15;
	s0 =	sadd.s32 s0, s29  }
0x18: {  	s29 =	sor.u32 $0x20, s20;
	s1 =	sshrl.u32 s17, $0x3;
	s2 =	sshrl.u32 s23, $0x3  }
0x19: {  	s23 =	sshrl.u32 s11, $0x3;
	s0 =	sshrl.u32 s0, $0x3;
	[dreg:$0x1c] =	wrdreg s29  }
0x1a: {  	s17 =	simm.s32 $0x1;
	s1 =	sadd.s32 s7, s1;
	[dreg:$0x12] =	wrdreg s21  }
0x1b: {  	s25 =	sadd.s32 s18, s2;
	s2 =	sadd.s32 s8, s2;
	[dreg:$0xc] =	wrdreg s1  }
0x1c: {  	s31 =	sadd.s32 s10, s24;
	s14 =	sadd.s32 s22, s26;
	[dreg:$0xd] =	wrdreg s25  }
0x1d: {  	s22 =	sadd.s32 s13, s19;
	s11 =	sadd.s32 s18, s23;
	[dreg:$0xe] =	wrdreg s2  }
0x1e: {  	s24 =	sadd.s32 s16, s21;
	s13 =	simm.s32 $0x28;
	[dreg:$0x11] =	wrdreg s31  }
0x1f: {  	s19 =	simm.s32 $0x4;
	s16 =	simm.s32 $0x9;
	[dreg:$0x14] =	wrdreg s22  }
0x20: {  	s2 =	sadd.s32 s9, s28;
	[dreg:$0x15] =	wrdreg s11;
	s1 =	sadd.s32 s26, s21  }
0x21: {  	s25 =	sadd.s32 s18, s0;
	s0 =	sadd.s32 s8, s0;
	[dreg:$0x10] =	wrdreg s2  }
0x22: {  	s28 =	smax.u32 s4, $0x1;
	s31 =	sor.u32 $0x30, s20;
	[dreg:$0x18] =	wrdreg s25  }
0x23: {  	s21 =	simm.s32 $0x91F0;
	s22 =	simm.s32 $0xD;
	[dreg:$0x19] =	wrdreg s0  }
0x24: {  	s11 =	simm.s32 $0x8;
	s2 =	sshrl.u32 s14, $0x3;
	[dreg:$0x1b] =	wrdreg s28  }
0x25: {  	s1 =	sshrl.u32 s1, $0x3;
	[dreg:$0x1d] =	wrdreg s31;
	s2 =	sadd.s32 s7, s2  }
0x26: {  	s18 =	simm.s32 $0xC;
	s26 =	sadd.s32 s7, s1;
	[dreg:$0x13] =	wrdreg s2  }
0x27: {  	s25 =	simm.s32 $0x6;
	s2 =	sadd.s32 s8, s23;
	[dreg:$0x1a] =	wrdreg s26  }
0x28: {  	s1 =	simm.s32 $0x2;
	[dreg:$0x16] =	wrdreg s2;
	s2 =	sshrl.u32 s24, $0x3  }
0x29: {  	s23 =	simm.s32 $0xA;
	s26 =	simm.s32 $0xB;
	s2 =	sadd.s32 s7, s2  }
0x2a: {  	v0 =	vimm.f32 $0.0e+00;
	s24 =	simm.s32 $0x5;
	[dreg:$0x17] =	wrdreg s2;
	s2 =	simm.s32 $0x0  }
.LBB2_1:
0x2b: {  	[tilespmem:$0x91F0] =	vst v0  }
0x2c: {  	[tilespmem:$0x9200] =	vst v0  }
0x2d: {  	[tilespmem:$0x9210] =	vst v0  }
0x2e: {  	[tilespmem:$0x9220] =	vst v0  }
0x2f: {  	[tilespmem:$0x9230] =	vst v0  }
0x30: {  	[tilespmem:$0x9240] =	vst v0  }
0x31: {  	[tilespmem:$0x9250] =	vst v0  }
0x32: {  	[tilespmem:$0x9260] =	vst v0  }
0x33: {  	[tilespmem:$0x9270] =	vst v0  }
0x34: {  	[tilespmem:$0x9280] =	vst v0  }
0x35: {  	[tilespmem:$0x9290] =	vst v0  }
0x36: {  	[tilespmem:$0x92A0] =	vst v0  }
0x37: {  	[tilespmem:$0x92B0] =	vst v0  }
0x38: {  	[tilespmem:$0x92C0] =	vst v0  }
0x39: {  	[tilespmem:$0x92D0] =	vst v0  }
0x3a: {  	[tilespmem:$0x92E0] =	vst v0  }
0x3b: {  	[tilespmem:$0x92F0] =	vst v0  }
0x3c: {  	[tilespmem:$0x9300] =	vst v0  }
0x3d: {  	[tilespmem:$0x9310] =	vst v0  }
0x3e: {  	[tilespmem:$0x9320] =	vst v0  }
0x3f: {  	[tilespmem:$0x9330] =	vst v0  }
0x40: {  	[tilespmem:$0x9340] =	vst v0  }
0x41: {  	[tilespmem:$0x9350] =	vst v0  }
0x42: {  	[tilespmem:$0x9360] =	vst v0  }
0x43: {  	[tilespmem:$0x9370] =	vst v0  }
0x44: {  	[tilespmem:$0x9380] =	vst v0  }
0x45: {  	[tilespmem:$0x9390] =	vst v0  }
0x46: {  	[tilespmem:$0x93A0] =	vst v0  }
0x47: {  	[tilespmem:$0x93B0] =	vst v0  }
0x48: {  	[tilespmem:$0x93C0] =	vst v0  }
0x49: {  	[tilespmem:$0x93D0] =	vst v0  }
0x4a: {  	[tilespmem:$0x93E0] =	vst v0  }
0x4b: {  	[tilespmem:$0x93F0] =	vst v0  }
0x4c: {  	[tilespmem:$0x9400] =	vst v0  }
0x4d: {  	[tilespmem:$0x9410] =	vst v0  }
0x4e: {  	[tilespmem:$0x9420] =	vst v0  }
0x4f: {  	[tilespmem:$0x9430] =	vst v0  }
0x50: {  	[tilespmem:$0x9440] =	vst v0  }
0x51: {  	[tilespmem:$0x9450] =	vst v0  }
0x52: {  	[tilespmem:$0x9460] =	vst v0  }
0x53: {  	[tilespmem:$0x9470] =	vst v0  }
0x54: {  	[tilespmem:$0x9480] =	vst v0  }
0x55: {  	[tilespmem:$0x9490] =	vst v0  }
0x56: {  	[tilespmem:$0x94A0] =	vst v0  }
0x57: {  	[tilespmem:$0x94B0] =	vst v0  }
0x58: {  	[tilespmem:$0x94C0] =	vst v0  }
0x59: {  	[tilespmem:$0x94D0] =	vst v0  }
0x5a: {  	[tilespmem:$0x94E0] =	vst v0  }
0x5b: {  	[tilespmem:$0x94F0] =	vst v0  }
0x5c: {  	[tilespmem:$0x9500] =	vst v0  }
0x5d: {  	[tilespmem:$0x9510] =	vst v0  }
0x5e: {  	[tilespmem:$0x9520] =	vst v0  }
0x5f: {  	[tilespmem:$0x9530] =	vst v0  }
0x60: {  	[tilespmem:$0x9540] =	vst v0  }
0x61: {  	[tilespmem:$0x9550] =	vst v0  }
0x62: {  	[tilespmem:$0x9560] =	vst v0  }
0x63: {  	[tilespmem:$0x9570] =	vst v0  }
0x64: {  	[tilespmem:$0x9580] =	vst v0  }
0x65: {  	[tilespmem:$0x9590] =	vst v0  }
0x66: {  	[tilespmem:$0x95A0] =	vst v0  }
0x67: {  	[tilespmem:$0x95B0] =	vst v0  }
0x68: {  	[tilespmem:$0x95C0] =	vst v0  }
0x69: {  	[tilespmem:$0x95D0] =	vst v0  }
0x6a: {  	[dreg:$0x1e] =	wrdreg s2;
	[tilespmem:$0x95E0] =	vst v0;
	s0 =	sadd.s32 $0x0, s12  }
0x6b: {  	[spmem:s0] =	stream.linear.scatter [tilespmem:s21], [sflag:$0xD], $0x400, $0x38;
	[tilespmem:$0x1D1F0] =	vst v63  }
0x6c: {  	s0 =	simm.s32 $0x1000;
	_ =	swait.ge [sflag:s22], $0x400  }
.LBB2_2:
0x6d: {  	s2 =	sshra.s32 s0, $0x2;
	[sflag:s22] =	ssyncset.done $0x0;
	p0 =	sne.s32 s0, $0x4E000  }
.Ltmp0:
0x6e: {  	s2 =	sadd.s32 s2, s12;
	[sflag:s22] =	ssyncadd.s32 $0xFFFFFC00;
	(pc) =	sbr.rel @p0 .LBB2_2-.Ltmp0, $3  }
0x6f: {  	[spmem:s2] =	stream.linear.scatter [tilespmem:s21], [sflag:$0xD], $0x400, $0x38;
	[tilespmem:$0x1D1F0] =	vst v63  }
0x70: {  	s0 =	sadd.s32 $0x1000, s0;
	_ =	sdelay $0x1  }
0x71: {  	_ =	swait.ge [sflag:s22], $0x400  }
0x72: {  	[sflag:s22] =	ssyncset.done $0x0  }
0x73: {  	[sflag:s22] =	ssyncadd.s32 $0xFFFFFC00  }
0x74: {  	[bflag:$0x0] =	sbarrier.arrive $0xFFFF  }
0x75: {  	s20 =	simm.s32 $0x0;
	s2 =	simm.s32 $0x50;
	s0 =	rddreg [dreg:$0x5]  }
0x76: {  	[tilespmem:s2], [sflag:$0x3] =	stream.linear.gather [hbm4b:s0+s20], $0x28, $0x38;
	[tilespmem:$0x1D1F0] =	vst v63  }
0x77: {  	s31 =	simm.s32 $0xA0;
	s29 =	rddreg [dreg:$0x6]  }
0x78: {  	[tilespmem:s31], [sflag:$0x4] =	stream.linear.gather [hbm4b:s29+s20], $0x28, $0x38;
	[tilespmem:$0x1D1F0] =	vst v63  }
0x79: {  	s2 =	rddreg [dreg:$0x7]  }
0x7a: {  	[tilespmem:s20], [sflag:$0x5] =	stream.linear.gather [hbm4b:s2+s20], $0x28, $0x38;
	[tilespmem:$0x1D1F0] =	vst v63  }
0x7b: {  	s14 =	simm.s32 $0xF0;
	s4 =	rddreg [dreg:$0xb]  }
0x7c: {  	[tilespmem:s14], [sflag:$0x6] =	stream.linear.gather [hbm4b:s4+s20], $0x780, $0x38;
	[tilespmem:$0x1D1F0] =	vst v63  }
0x7d: {  	s28 =	simm.s32 $0xFF0;
	s15 =	rddreg [dreg:$0xc]  }
0x7e: {  	[tilespmem:s28], [sflag:$0x7] =	stream.linear.gather [hbm4b:s15+s20], $0xF00, $0x38;
	[tilespmem:$0x1D1F0] =	vst v63  }
0x7f: {  	s29 =	rddreg [dreg:$0xd];
	s31 =	simm.s32 $0x78  }
0x80: {  	[tilespmem:s31], [sflag:$0x8] =	stream.linear.gather [hbm4b:s29+s20], $0x28, $0x38;
	[tilespmem:$0x1D1F0] =	vst v63  }
0x81: {  	s2 =	rddreg [dreg:$0xe];
	s4 =	simm.s32 $0xC8  }
0x82: {  	[tilespmem:s4], [sflag:$0x9] =	stream.linear.gather [hbm4b:s2+s20], $0x28, $0x38;
	[tilespmem:$0x1D1F0] =	vst v63  }
0x83: {  	s14 =	rddreg [dreg:$0x10]  }
0x84: {  	[tilespmem:s13], [sflag:$0xA] =	stream.linear.gather [hbm4b:s14+s20], $0x28, $0x38;
	[tilespmem:$0x1D1F0] =	vst v63  }
0x85: {  	s15 =	rddreg [dreg:$0x11];
	s28 =	simm.s32 $0x870  }
0x86: {  	[tilespmem:s28], [sflag:$0xB] =	stream.linear.gather [hbm4b:s15+s20], $0x780, $0x38;
	[tilespmem:$0x1D1F0] =	vst v63  }
0x87: {  	s29 =	rddreg [dreg:$0x13];
	s31 =	simm.s32 $0x1EF0  }
0x88: {  	[tilespmem:s31], [sflag:$0xC] =	stream.linear.gather [hbm4b:s29+s20], $0xF00, $0x38;
	[tilespmem:$0x1D1F0] =	vst v63  }
.LBB2_4:
0x89: {  	s0 =	simm.s32 $0x3  }
0x8a: {  	_ =	swait.ge [sflag:s0], $0x28  }
0x8b: {  	[sflag:s0] =	ssyncset.done $0x0  }
0x8c: {  	[sflag:s0] =	ssyncadd.s32 $0xFFFFFFD8  }
0x8d: {  	_ =	swait.ge [sflag:s19], $0x28  }
0x8e: {  	[sflag:s19] =	ssyncset.done $0x0  }
0x8f: {  	[sflag:s19] =	ssyncadd.s32 $0xFFFFFFD8  }
0x90: {  	_ =	swait.ge [sflag:s24], $0x28  }
0x91: {  	[sflag:s24] =	ssyncset.done $0x0  }
0x92: {  	[sflag:s24] =	ssyncadd.s32 $0xFFFFFFD8  }
0x93: {  	_ =	swait.ge [sflag:s25], $0x780  }
0x94: {  	[sflag:s25] =	ssyncset.done $0x0  }
0x95: {  	[sflag:s25] =	ssyncadd.s32 $0xFFFFF880  }
0x96: {  	_ =	swait.ge [sflag:s30], $0xF00  }
0x97: {  	[sflag:s30] =	ssyncset.done $0x0  }
0x98: {  	s4 =	simm.s32 $0x50;
	s2 =	simm.s32 $0x2DF0;
	[sflag:s30] =	ssyncadd.s32 $0xFFFFF100  }
0x99: {  	[tilespmem:s2], [sflag:$0x1] =	stream.indirect.gather [hbm4b:s5+s13], $0x180, s4, s13, $0xb8;
	[tilespmem:$0x1D1F0] =	vst v63  }
0x9a: {  	s14 =	simm.s32 $0xA0;
	s15 =	simm.s32 $0x69F0  }
0x9b: {  	[tilespmem:s15], [sflag:$0x2] =	stream.indirect.gather [hbm4b:s6+s13], $0x80, s14, s13, $0xb8;
	[tilespmem:$0x1D1F0] =	vst v63  }
0x9c: {  	_ =	swait.ge [sflag:s17], $0x3C00  }
0x9d: {  	[sflag:s17] =	ssyncset.done $0x0  }
0x9e: {  	[sflag:s17] =	ssyncadd.s32 $0xFFFFC400  }
0x9f: {  	_ =	swait.ge [sflag:s1], $0x1400  }
0xa0: {  	[sflag:s1] =	ssyncset.done $0x0  }
0xa1: {  	s14 =	simm.s32 $0x0;
	[sflag:s1] =	ssyncadd.s32 $0xFFFFEC00  }
0xa2: {  	v1 =	vld [tilespmem:s14+$0x69F0]  }
0xa3: {  	v2 =	vld [tilespmem:s14+$0x6A00]  }
0xa4: {  	v3 =	vld [tilespmem:s14+$0x6A20]  }
0xa5: {  	s31 =	simm.s32 $0x2E80;
	v4 =	vld [tilespmem:s14+$0x6A10]  }
0xa6: {  	v5 =	vld [tilespmem:s31+$0xFFFFFF70]  }
0xa7: {  	s2 =	simm.s32 $0x1020;
	v8 =	vld [tilespmem:s31+$0xFFFFFF90]  }
0xa8: {  	v9 =	vld [tilespmem:s2+$0xFFFFFFD0]  }
0xa9: {  	v11 =	vld [tilespmem:s31+$0xFFFFFFD0]  }
0xaa: {  	v12 =	vld [tilespmem:s31+$0xFFFFFFF0]  }
0xab: {  	v10 =	vld [tilespmem:s31+$0xFFFFFF80]  }
0xac: {  	v13 =	vld [tilespmem:s31+$0xFFFFFFE0]  }
0xad: {  	s28 =	simm.s32 $0x110;
	v14 =	vld [tilespmem:s2+$0xFFFFFFF0]  }
0xae: {  	v15 =	vld [tilespmem:s28+$0xFFFFFFE0]  }
0xaf: {  	v16 =	vld [tilespmem:s31+$0x30];
	v1 =	vadd.f32 v1, v11;
	v4 =	vadd.f32 v4, v12  }
0xb0: {  	v59 =	vld [tilespmem:s2+$0x20]  }
0xb1: {  	v60 =	vld [tilespmem:s31+$0x20];
	v1 =	vmul.f32 v1, v5;
	v4 =	vmul.f32 v4, v8  }
0xb2: {  	v17 =	vld [tilespmem:s2+$0x10]  }
0xb3: {  	v61 =	vld [tilespmem:s31+$0xFFFFFFB0];
	v9 =	vmul.f32 v1, v9;
	v14 =	vmul.f32 v4, v14  }
0xb4: {  	v1 =	vld [tilespmem:s31+$0x0]  }
0xb5: {  	v19 =	vld [tilespmem:s31+$0xFFFFFFA0];
	v5 =	vmul.f32 v16, v9;
	v18 =	vmul.f32 v15, v14  }
0xb6: {  	v20 =	vld [tilespmem:s2+$0x0]  }
0xb7: {  	v62 =	vld [tilespmem:s2+$0xFFFFFFE0];
	v5 =	vadd.f32 v5, v18  }
0xb8: {  	v8 =	vld [tilespmem:s31+$0xFFFFFFC0]  }
0xb9: {  	v2 =	vadd.f32 v2, v13;
	v4 =	vld [tilespmem:s31+$0x10];
	v1 =	vadd.f32 v3, v1;
	[tilespmem:s14+$0x7DF0] =	vst v5  }
0xba: {  	v3 =	vld [tilespmem:s31+$0x40]  }
0xbb: {  	v2 =	vmul.f32 v2, v10;
	v5 =	vmul.f32 v1, v19;
	_ =	sdelay $0x1  }
0xbc: {  	v1 =	vmul.f32 v2, v62;
	v2 =	vmul.f32 v5, v20;
	_ =	sdelay $0x1  }
0xbd: {  	v5 =	vmul.f32 v15, v2;
	v3 =	vmul.f32 v3, v1;
	_ =	sdelay $0x1  }
0xbe: {  	v3 =	vadd.f32 v3, v5;
	_ =	sdelay $0x1  }
0xbf: {  	[tilespmem:s14+$0x7E00] =	vst v3  }
0xc0: {  	v3 =	vld [tilespmem:s28+$0xFFFFFFF0]  }
0xc1: {  	v5 =	vld [tilespmem:s31+$0x50];
	_ =	sdelay $0x4  }
0xc2: {  	v63 =	vmul.f32 v3, v14;
	v5 =	vmul.f32 v5, v9;
	_ =	sdelay $0x1  }
0xc3: {  	v5 =	vadd.f32 v5, v63;
	_ =	sdelay $0x1  }
0xc4: {  	[tilespmem:s14+$0x7E10] =	vst v5  }
0xc5: {  	v5 =	vld [tilespmem:s31+$0x60];
	_ =	sdelay $0x4  }
0xc6: {  	v6 =	vld [tilespmem:s14+$0x6A30];
	v3 =	vmul.f32 v3, v2;
	v5 =	vmul.f32 v5, v1  }
0xc7: {  	v7 =	vld [tilespmem:s14+$0x6A40]  }
0xc8: {  	v3 =	vadd.f32 v5, v3;
	_ =	sdelay $0x1  }
0xc9: {  	[tilespmem:s14+$0x7E20] =	vst v3  }
0xca: {  	v5 =	vld [tilespmem:s28+$0x0]  }
0xcb: {  	v4 =	vadd.f32 v6, v4;
	v3 =	vadd.f32 v7, v60;
	v7 =	vld [tilespmem:s31+$0x70];
	_ =	sdelay $0x1  }
0xcc: {  	v4 =	vmul.f32 v4, v61;
	v3 =	vmul.f32 v3, v8;
	_ =	sdelay $0x1  }
0xcd: {  	v4 =	vmul.f32 v4, v17;
	v3 =	vmul.f32 v3, v59  }
0xce: {  	s29 =	simm.s32 $0x200;
	s0 =	simm.s32 $0x2E80;
	v6 =	vmul.f32 v5, v14;
	v7 =	vmul.f32 v7, v9  }
.LBB2_5:
0xcf: {  	s28 =	sadd.s32 $0x30, s28;
	s2 =	sadd.s32 $0x60, s2;
	s31 =	sadd.s32 $0x180, s31  }
0xd0: {  	p0 =	sne.s32 s29, $0x4E00;
	s4 =	smov.u32 s29;
	s29 =	sadd.s32 $0x200, s29;
	v6 =	vadd.f32 v7, v6  }
0xd1: {  	_ = 	snop  }
0xd2: {  	[tilespmem:s14+$0x7E30] =	vst v6  }
0xd3: {  	v6 =	vld [tilespmem:s0+$0x80];
	s0 =	smov.u32 s31  }
0xd4: {  	[tilespmem:s14+$0x7E50] =	vst v4  }
0xd5: {  	[tilespmem:s14+$0x7E60] =	vst v3  }
0xd6: {  	s4 =	sshra.s32 s4, $0x2  }
0xd7: {  	v3 =	vld [tilespmem:s4+$0x69F0]  }
0xd8: {  	v2 =	vmul.f32 v5, v2;
	v4 =	vld [tilespmem:s4+$0x6A00];
	v1 =	vmul.f32 v6, v1  }
0xd9: {  	v5 =	vld [tilespmem:s4+$0x6A20]  }
0xda: {  	v6 =	vld [tilespmem:s4+$0x6A10];
	v1 =	vadd.f32 v1, v2  }
0xdb: {  	v2 =	vld [tilespmem:s4+$0x6A30]  }
0xdc: {  	v7 =	vld [tilespmem:s4+$0x6A40];
	[tilespmem:s14+$0x7E40] =	vst v1;
	s14 =	smov.u32 s4  }
0xdd: {  	v1 =	vld [tilespmem:s31+$0xFFFFFF70]  }
0xde: {  	v8 =	vld [tilespmem:s31+$0xFFFFFF90]  }
0xdf: {  	v9 =	vld [tilespmem:s2+$0xFFFFFFD0]  }
0xe0: {  	v10 =	vld [tilespmem:s31+$0xFFFFFF80]  }
0xe1: {  	v11 =	vld [tilespmem:s31+$0xFFFFFFD0]  }
0xe2: {  	v12 =	vld [tilespmem:s31+$0xFFFFFFF0]  }
0xe3: {  	v13 =	vld [tilespmem:s31+$0xFFFFFFE0]  }
0xe4: {  	v14 =	vld [tilespmem:s2+$0xFFFFFFF0]  }
0xe5: {  	v15 =	vld [tilespmem:s28+$0xFFFFFFE0]  }
0xe6: {  	v3 =	vadd.f32 v3, v11;
	v11 =	vld [tilespmem:s31+$0x30]  }
0xe7: {  	v6 =	vadd.f32 v6, v12;
	v12 =	vld [tilespmem:s2+$0x20]  }
0xe8: {  	v1 =	vmul.f32 v3, v1;
	v3 =	vadd.f32 v4, v13;
	v4 =	vld [tilespmem:s31+$0x20]  }
0xe9: {  	v6 =	vmul.f32 v6, v8;
	v8 =	vld [tilespmem:s31+$0xFFFFFFC0]  }
0xea: {  	v9 =	vmul.f32 v1, v9;
	v1 =	vmul.f32 v3, v10;
	v10 =	vld [tilespmem:s2+$0x10]  }
0xeb: {  	v6 =	vmul.f32 v6, v14;
	v3 =	vld [tilespmem:s31+$0x10]  }
0xec: {  	v13 =	vld [tilespmem:s31+$0x0];
	v11 =	vmul.f32 v11, v9  }
0xed: {  	v14 =	vld [tilespmem:s31+$0xFFFFFFB0];
	v4 =	vadd.f32 v7, v4;
	v7 =	vmul.f32 v15, v6  }
0xee: {  	v16 =	vld [tilespmem:s31+$0xFFFFFFA0]  }
0xef: {  	v17 =	vld [tilespmem:s2+$0x0];
	v4 =	vmul.f32 v4, v8;
	v7 =	vadd.f32 v11, v7  }
0xf0: {  	v8 =	vld [tilespmem:s2+$0xFFFFFFE0];
	v2 =	vadd.f32 v2, v3  }
0xf1: {  	v5 =	vadd.f32 v5, v13;
	v3 =	vmul.f32 v4, v12;
	[tilespmem:s14+$0x7DF0] =	vst v7  }
0xf2: {  	v2 =	vmul.f32 v2, v14;
	v7 =	vld [tilespmem:s31+$0x40]  }
0xf3: {  	v5 =	vmul.f32 v5, v16  }
0xf4: {  	v4 =	vmul.f32 v2, v10  }
0xf5: {  	v1 =	vmul.f32 v1, v8;
	v2 =	vmul.f32 v5, v17;
	_ =	sdelay $0x1  }
0xf6: {  	v5 =	vmul.f32 v7, v1;
	v7 =	vmul.f32 v15, v2;
	_ =	sdelay $0x1  }
0xf7: {  	v5 =	vadd.f32 v5, v7;
	_ =	sdelay $0x1  }
0xf8: {  	[tilespmem:s14+$0x7E00] =	vst v5  }
0xf9: {  	v5 =	vld [tilespmem:s28+$0xFFFFFFF0]  }
0xfa: {  	v7 =	vld [tilespmem:s31+$0x50];
	_ =	sdelay $0x3  }
0xfb: {  	v8 =	vmul.f32 v5, v6  }
0xfc: {  	v7 =	vmul.f32 v7, v9;
	_ =	sdelay $0x1  }
0xfd: {  	v7 =	vadd.f32 v7, v8;
	_ =	sdelay $0x1  }
0xfe: {  	[tilespmem:s14+$0x7E10] =	vst v7  }
0xff: {  	v7 =	vld [tilespmem:s31+$0x60];
	_ =	sdelay $0x4  }
0x100: {  	v5 =	vmul.f32 v5, v2;
	v7 =	vmul.f32 v7, v1;
	_ =	sdelay $0x1  }
0x101: {  	v5 =	vadd.f32 v7, v5;
	_ =	sdelay $0x1  }
0x102: {  	[tilespmem:s14+$0x7E20] =	vst v5  }
0x103: {  	v5 =	vld [tilespmem:s28+$0x0]  }
0x104: {  	v7 =	vld [tilespmem:s31+$0x70]  }
.Ltmp1:
0x105: {  	(pc) =	sbr.rel @p0 .LBB2_5-.Ltmp1, $3  }
0x106: {  	_ =	sdelay $0x1  }
0x107: {  	v6 =	vmul.f32 v5, v6  }
0x108: {  	v7 =	vmul.f32 v7, v9  }
0x109: {  	_ = 	snop  }
0x10a: {  	v6 =	vadd.f32 v7, v6;
	_ =	sdelay $0x1  }
0x10b: {  	[tilespmem:s14+$0x7E30] =	vst v6  }
0x10c: {  	v6 =	vld [tilespmem:s0+$0x80];
	_ =	sdelay $0x4  }
0x10d: {  	v2 =	vmul.f32 v5, v2;
	v1 =	vmul.f32 v6, v1  }
0x10e: {  	s31 =	sshll.u32 s20, $0x1  }
0x10f: {  	s4 =	smin.u32 s31, $0xF7;
	[tilespmem:s14+$0x7E50] =	vst v4;
	v1 =	vadd.f32 v1, v2  }
0x110: {  	s2 =	rddreg [dreg:$0x1c];
	s15 =	simm.s32 $0x7DF0;
	s0 =	sshll.u32 s4, $0x4;
	[tilespmem:s14+$0x7E60] =	vst v3  }
0x111: {  	s0 =	sadd.s32 s2, s0;
	s2 =	simm.s32 $0x0;
	[tilespmem:s14+$0x7E40] =	vst v1;
	s14 =	rddreg [dreg:$0x2]  }
0x112: {  	[spmem:s14] =	stream.indirect.scatter.add.f32 [tilespmem:s15], [sflag:$0xD], $0x80, s2, s13, $0xb8;
	[tilespmem:$0x1D1F0] =	vst v63  }
0x113: {  	s4 =	smul.u32 $0x28, s0;
	_ =	swait.ge [sflag:s22], $0x1400  }
0x114: {  	s15 =	rddreg [dreg:$0x4];
	[sflag:s22] =	ssyncset.done $0x0  }
0x115: {  	s14 =	sadd.s32 s15, s4;
	[sflag:s22] =	ssyncadd.s32 $0xFFFFEC00  }
0x116: {  	s14 =	sshrl.u32 s14, $0x3;
	s15 =	rddreg [dreg:$0x1]  }
0x117: {  	s28 =	sadd.s32 s15, s14;
	s15 =	simm.s32 $0x50  }
0x118: {  	[tilespmem:s15], [sflag:$0x3] =	stream.linear.gather [hbm4b:s28+s2], $0x28, $0x38;
	[tilespmem:$0x1D1F0] =	vst v63  }
0x119: {  	s4 =	sshrl.u32 s4, $0x3;
	s14 =	sadd.s32 s8, s14;
	s15 =	simm.s32 $0xA0  }
0x11a: {  	[tilespmem:s15], [sflag:$0x4] =	stream.linear.gather [hbm4b:s14+s2], $0x28, $0x38;
	[tilespmem:$0x1D1F0] =	vst v63  }
0x11b: {  	s4 =	sadd.s32 s9, s4;
	s15 =	smul.u32 $0xF0, s0  }
0x11c: {  	[tilespmem:s2], [sflag:$0x5] =	stream.linear.gather [hbm4b:s4+s2], $0x28, $0x38;
	[tilespmem:$0x1D1F0] =	vst v63  }
0x11d: {  	s0 =	smul.u32 $0xF00, s0;
	s14 =	sadd.s32 s10, s15;
	s15 =	simm.s32 $0xF0  }
0x11e: {  	[tilespmem:s15], [sflag:$0x6] =	stream.linear.gather [hbm4b:s14+s2], $0x780, $0x38;
	[tilespmem:$0x1D1F0] =	vst v63  }
0x11f: {  	s14 =	rddreg [dreg:$0x8]  }
0x120: {  	s0 =	sadd.s32 s14, s0  }
0x121: {  	s0 =	sshrl.u32 s0, $0x3  }
0x122: {  	s15 =	simm.s32 $0xFF0;
	s0 =	sadd.s32 s7, s0  }
0x123: {  	[tilespmem:s15], [sflag:$0x7] =	stream.linear.gather [hbm4b:s0+s2], $0xF00, $0x38;
	[tilespmem:$0x1D1F0] =	vst v63  }
0x124: {  	_ =	swait.ge [sflag:s11], $0x28  }
0x125: {  	[sflag:s11] =	ssyncset.done $0x0  }
0x126: {  	[sflag:s11] =	ssyncadd.s32 $0xFFFFFFD8  }
0x127: {  	_ =	swait.ge [sflag:s16], $0x28  }
0x128: {  	[sflag:s16] =	ssyncset.done $0x0  }
0x129: {  	[sflag:s16] =	ssyncadd.s32 $0xFFFFFFD8  }
0x12a: {  	_ =	swait.ge [sflag:s23], $0x28  }
0x12b: {  	[sflag:s23] =	ssyncset.done $0x0  }
0x12c: {  	[sflag:s23] =	ssyncadd.s32 $0xFFFFFFD8  }
0x12d: {  	_ =	swait.ge [sflag:s26], $0x780  }
0x12e: {  	[sflag:s26] =	ssyncset.done $0x0  }
0x12f: {  	[sflag:s26] =	ssyncadd.s32 $0xFFFFF880  }
0x130: {  	_ =	swait.ge [sflag:s18], $0xF00  }
0x131: {  	[sflag:s18] =	ssyncset.done $0x0  }
0x132: {  	s4 =	simm.s32 $0x2DF0;
	s2 =	simm.s32 $0x78;
	[sflag:s18] =	ssyncadd.s32 $0xFFFFF100  }
0x133: {  	[tilespmem:s4], [sflag:$0x1] =	stream.indirect.gather [hbm4b:s5+s13], $0x180, s2, s13, $0xb8;
	[tilespmem:$0x1D1F0] =	vst v63  }
0x134: {  	s14 =	simm.s32 $0xC8;
	s15 =	simm.s32 $0x69F0  }
0x135: {  	[tilespmem:s15], [sflag:$0x2] =	stream.indirect.gather [hbm4b:s6+s13], $0x80, s14, s13, $0xb8;
	[tilespmem:$0x1D1F0] =	vst v63  }
0x136: {  	_ =	swait.ge [sflag:s17], $0x3C00  }
0x137: {  	[sflag:s17] =	ssyncset.done $0x0  }
0x138: {  	[sflag:s17] =	ssyncadd.s32 $0xFFFFC400  }
0x139: {  	_ =	swait.ge [sflag:s1], $0x1400  }
0x13a: {  	[sflag:s1] =	ssyncset.done $0x0  }
0x13b: {  	s14 =	simm.s32 $0x0;
	[sflag:s1] =	ssyncadd.s32 $0xFFFFEC00  }
0x13c: {  	v1 =	vld [tilespmem:s14+$0x69F0]  }
0x13d: {  	v2 =	vld [tilespmem:s14+$0x6A00]  }
0x13e: {  	v3 =	vld [tilespmem:s14+$0x6A20]  }
0x13f: {  	s2 =	simm.s32 $0x2E80;
	v4 =	vld [tilespmem:s14+$0x6A10]  }
0x140: {  	v5 =	vld [tilespmem:s2+$0xFFFFFF70]  }
0x141: {  	s28 =	simm.s32 $0x1F40;
	v8 =	vld [tilespmem:s2+$0xFFFFFF90]  }
0x142: {  	v9 =	vld [tilespmem:s28+$0xFFFFFFB0]  }
0x143: {  	v11 =	vld [tilespmem:s2+$0xFFFFFFD0]  }
0x144: {  	v12 =	vld [tilespmem:s2+$0xFFFFFFF0]  }
0x145: {  	v10 =	vld [tilespmem:s2+$0xFFFFFF80]  }
0x146: {  	v13 =	vld [tilespmem:s2+$0xFFFFFFE0]  }
0x147: {  	s29 =	simm.s32 $0x890;
	v14 =	vld [tilespmem:s28+$0xFFFFFFD0]  }
0x148: {  	v15 =	vld [tilespmem:s29+$0xFFFFFFE0]  }
0x149: {  	v16 =	vld [tilespmem:s2+$0x30];
	v1 =	vadd.f32 v1, v11;
	v4 =	vadd.f32 v4, v12  }
0x14a: {  	v59 =	vld [tilespmem:s28+$0x0]  }
0x14b: {  	v60 =	vld [tilespmem:s2+$0x20];
	v1 =	vmul.f32 v1, v5;
	v4 =	vmul.f32 v4, v8  }
0x14c: {  	v17 =	vld [tilespmem:s28+$0xFFFFFFF0]  }
0x14d: {  	v61 =	vld [tilespmem:s2+$0xFFFFFFB0];
	v9 =	vmul.f32 v1, v9;
	v14 =	vmul.f32 v4, v14  }
0x14e: {  	v1 =	vld [tilespmem:s2+$0x0]  }
0x14f: {  	v19 =	vld [tilespmem:s2+$0xFFFFFFA0];
	v5 =	vmul.f32 v16, v9;
	v18 =	vmul.f32 v15, v14  }
0x150: {  	v20 =	vld [tilespmem:s28+$0xFFFFFFE0]  }
0x151: {  	v62 =	vld [tilespmem:s28+$0xFFFFFFC0];
	v5 =	vadd.f32 v5, v18  }
0x152: {  	v8 =	vld [tilespmem:s2+$0xFFFFFFC0]  }
0x153: {  	v2 =	vadd.f32 v2, v13;
	v4 =	vld [tilespmem:s2+$0x10];
	v1 =	vadd.f32 v3, v1;
	[tilespmem:s14+$0x7DF0] =	vst v5  }
0x154: {  	v3 =	vld [tilespmem:s2+$0x40]  }
0x155: {  	v2 =	vmul.f32 v2, v10;
	v5 =	vmul.f32 v1, v19;
	_ =	sdelay $0x1  }
0x156: {  	v1 =	vmul.f32 v2, v62;
	v2 =	vmul.f32 v5, v20;
	_ =	sdelay $0x1  }
0x157: {  	v5 =	vmul.f32 v15, v2;
	v3 =	vmul.f32 v3, v1;
	_ =	sdelay $0x1  }
0x158: {  	v3 =	vadd.f32 v3, v5;
	_ =	sdelay $0x1  }
0x159: {  	[tilespmem:s14+$0x7E00] =	vst v3  }
0x15a: {  	v3 =	vld [tilespmem:s29+$0xFFFFFFF0]  }
0x15b: {  	v5 =	vld [tilespmem:s2+$0x50];
	_ =	sdelay $0x4  }
0x15c: {  	v63 =	vmul.f32 v3, v14;
	v5 =	vmul.f32 v5, v9;
	_ =	sdelay $0x1  }
0x15d: {  	v5 =	vadd.f32 v5, v63;
	_ =	sdelay $0x1  }
0x15e: {  	[tilespmem:s14+$0x7E10] =	vst v5  }
0x15f: {  	v5 =	vld [tilespmem:s2+$0x60];
	_ =	sdelay $0x4  }
0x160: {  	v6 =	vld [tilespmem:s14+$0x6A30];
	v3 =	vmul.f32 v3, v2;
	v5 =	vmul.f32 v5, v1  }
0x161: {  	v7 =	vld [tilespmem:s14+$0x6A40]  }
0x162: {  	v3 =	vadd.f32 v5, v3;
	_ =	sdelay $0x1  }
0x163: {  	[tilespmem:s14+$0x7E20] =	vst v3  }
0x164: {  	v5 =	vld [tilespmem:s29+$0x0]  }
0x165: {  	v4 =	vadd.f32 v6, v4;
	v3 =	vadd.f32 v7, v60;
	v7 =	vld [tilespmem:s2+$0x70];
	_ =	sdelay $0x1  }
0x166: {  	v4 =	vmul.f32 v4, v61;
	v3 =	vmul.f32 v3, v8;
	_ =	sdelay $0x1  }
0x167: {  	v4 =	vmul.f32 v4, v17;
	v3 =	vmul.f32 v3, v59  }
0x168: {  	s0 =	simm.s32 $0x200;
	s4 =	simm.s32 $0x2E80;
	v6 =	vmul.f32 v5, v14;
	v7 =	vmul.f32 v7, v9  }
.LBB2_7:
0x169: {  	s29 =	sadd.s32 $0x30, s29;
	s28 =	sadd.s32 $0x60, s28;
	s2 =	sadd.s32 $0x180, s2  }
0x16a: {  	p0 =	sne.s32 s0, $0x4E00;
	s15 =	smov.u32 s0;
	s0 =	sadd.s32 $0x200, s0;
	v6 =	vadd.f32 v7, v6  }
0x16b: {  	_ = 	snop  }
0x16c: {  	[tilespmem:s14+$0x7E30] =	vst v6  }
0x16d: {  	v6 =	vld [tilespmem:s4+$0x80];
	s4 =	smov.u32 s2  }
0x16e: {  	[tilespmem:s14+$0x7E50] =	vst v4  }
0x16f: {  	[tilespmem:s14+$0x7E60] =	vst v3  }
0x170: {  	s15 =	sshra.s32 s15, $0x2  }
0x171: {  	v3 =	vld [tilespmem:s15+$0x69F0]  }
0x172: {  	v2 =	vmul.f32 v5, v2;
	v4 =	vld [tilespmem:s15+$0x6A00];
	v1 =	vmul.f32 v6, v1  }
0x173: {  	v5 =	vld [tilespmem:s15+$0x6A20]  }
0x174: {  	v6 =	vld [tilespmem:s15+$0x6A10];
	v1 =	vadd.f32 v1, v2  }
0x175: {  	v2 =	vld [tilespmem:s15+$0x6A30]  }
0x176: {  	v7 =	vld [tilespmem:s15+$0x6A40];
	[tilespmem:s14+$0x7E40] =	vst v1;
	s14 =	smov.u32 s15  }
0x177: {  	v1 =	vld [tilespmem:s2+$0xFFFFFF70]  }
0x178: {  	v8 =	vld [tilespmem:s2+$0xFFFFFF90]  }
0x179: {  	v9 =	vld [tilespmem:s28+$0xFFFFFFB0]  }
0x17a: {  	v10 =	vld [tilespmem:s2+$0xFFFFFF80]  }
0x17b: {  	v11 =	vld [tilespmem:s2+$0xFFFFFFD0]  }
0x17c: {  	v12 =	vld [tilespmem:s2+$0xFFFFFFF0]  }
0x17d: {  	v13 =	vld [tilespmem:s2+$0xFFFFFFE0]  }
0x17e: {  	v14 =	vld [tilespmem:s28+$0xFFFFFFD0]  }
0x17f: {  	v15 =	vld [tilespmem:s29+$0xFFFFFFE0]  }
0x180: {  	v3 =	vadd.f32 v3, v11;
	v11 =	vld [tilespmem:s2+$0x30]  }
0x181: {  	v6 =	vadd.f32 v6, v12;
	v12 =	vld [tilespmem:s28+$0x0]  }
0x182: {  	v1 =	vmul.f32 v3, v1;
	v3 =	vadd.f32 v4, v13;
	v4 =	vld [tilespmem:s2+$0x20]  }
0x183: {  	v6 =	vmul.f32 v6, v8;
	v8 =	vld [tilespmem:s2+$0xFFFFFFC0]  }
0x184: {  	v9 =	vmul.f32 v1, v9;
	v1 =	vmul.f32 v3, v10;
	v10 =	vld [tilespmem:s28+$0xFFFFFFF0]  }
0x185: {  	v6 =	vmul.f32 v6, v14;
	v3 =	vld [tilespmem:s2+$0x10]  }
0x186: {  	v13 =	vld [tilespmem:s2+$0x0];
	v11 =	vmul.f32 v11, v9  }
0x187: {  	v14 =	vld [tilespmem:s2+$0xFFFFFFB0];
	v4 =	vadd.f32 v7, v4;
	v7 =	vmul.f32 v15, v6  }
0x188: {  	v16 =	vld [tilespmem:s2+$0xFFFFFFA0]  }
0x189: {  	v17 =	vld [tilespmem:s28+$0xFFFFFFE0];
	v4 =	vmul.f32 v4, v8;
	v7 =	vadd.f32 v11, v7  }
0x18a: {  	v8 =	vld [tilespmem:s28+$0xFFFFFFC0];
	v2 =	vadd.f32 v2, v3  }
0x18b: {  	v5 =	vadd.f32 v5, v13;
	v3 =	vmul.f32 v4, v12;
	[tilespmem:s14+$0x7DF0] =	vst v7  }
0x18c: {  	v2 =	vmul.f32 v2, v14;
	v7 =	vld [tilespmem:s2+$0x40]  }
0x18d: {  	v5 =	vmul.f32 v5, v16  }
0x18e: {  	v4 =	vmul.f32 v2, v10  }
0x18f: {  	v1 =	vmul.f32 v1, v8;
	v2 =	vmul.f32 v5, v17;
	_ =	sdelay $0x1  }
0x190: {  	v5 =	vmul.f32 v7, v1;
	v7 =	vmul.f32 v15, v2;
	_ =	sdelay $0x1  }
0x191: {  	v5 =	vadd.f32 v5, v7;
	_ =	sdelay $0x1  }
0x192: {  	[tilespmem:s14+$0x7E00] =	vst v5  }
0x193: {  	v5 =	vld [tilespmem:s29+$0xFFFFFFF0]  }
0x194: {  	v7 =	vld [tilespmem:s2+$0x50];
	_ =	sdelay $0x3  }
0x195: {  	v8 =	vmul.f32 v5, v6  }
0x196: {  	v7 =	vmul.f32 v7, v9;
	_ =	sdelay $0x1  }
0x197: {  	v7 =	vadd.f32 v7, v8;
	_ =	sdelay $0x1  }
0x198: {  	[tilespmem:s14+$0x7E10] =	vst v7  }
0x199: {  	v7 =	vld [tilespmem:s2+$0x60];
	_ =	sdelay $0x4  }
0x19a: {  	v5 =	vmul.f32 v5, v2;
	v7 =	vmul.f32 v7, v1;
	_ =	sdelay $0x1  }
0x19b: {  	v5 =	vadd.f32 v7, v5;
	_ =	sdelay $0x1  }
0x19c: {  	[tilespmem:s14+$0x7E20] =	vst v5  }
0x19d: {  	v5 =	vld [tilespmem:s29+$0x0]  }
0x19e: {  	v7 =	vld [tilespmem:s2+$0x70]  }
.Ltmp2:
0x19f: {  	(pc) =	sbr.rel @p0 .LBB2_7-.Ltmp2, $3  }
0x1a0: {  	_ =	sdelay $0x1  }
0x1a1: {  	v6 =	vmul.f32 v5, v6  }
0x1a2: {  	v7 =	vmul.f32 v7, v9  }
0x1a3: {  	_ = 	snop  }
0x1a4: {  	v6 =	vadd.f32 v7, v6;
	_ =	sdelay $0x1  }
0x1a5: {  	[tilespmem:s14+$0x7E30] =	vst v6  }
0x1a6: {  	v6 =	vld [tilespmem:s4+$0x80];
	_ =	sdelay $0x4  }
0x1a7: {  	v2 =	vmul.f32 v5, v2;
	v1 =	vmul.f32 v6, v1;
	_ =	sdelay $0x1  }
0x1a8: {  	s0 =	smin.u32 s31, $0xF6;
	[tilespmem:s14+$0x7E50] =	vst v4;
	v1 =	vadd.f32 v1, v2  }
0x1a9: {  	s2 =	rddreg [dreg:$0x1d];
	s0 =	sshll.u32 s0, $0x4;
	[tilespmem:s14+$0x7E60] =	vst v3  }
0x1aa: {  	s15 =	simm.s32 $0x7DF0;
	s0 =	sadd.s32 s2, s0;
	[tilespmem:s14+$0x7E40] =	vst v1;
	s14 =	rddreg [dreg:$0x2]  }
0x1ab: {  	[spmem:s14] =	stream.indirect.scatter.add.f32 [tilespmem:s15], [sflag:$0xD], $0x80, s13, s13, $0xb8;
	[tilespmem:$0x1D1F0] =	vst v63  }
0x1ac: {  	s2 =	smul.u32 $0x28, s0;
	_ =	swait.ge [sflag:s22], $0x1400  }
0x1ad: {  	s28 =	rddreg [dreg:$0x4];
	[sflag:s22] =	ssyncset.done $0x0  }
0x1ae: {  	s31 =	simm.s32 $0xC8;
	s4 =	sadd.s32 s28, s2;
	[sflag:s22] =	ssyncadd.s32 $0xFFFFEC00  }
0x1af: {  	s20 =	sadd.s32 $0x1, s20;
	s4 =	sshrl.u32 s4, $0x3;
	s29 =	rddreg [dreg:$0x1]  }
0x1b0: {  	p0 =	sne.s32 s20, $0x7D;
	s15 =	simm.s32 $0x78;
	s14 =	sadd.s32 s29, s4  }
0x1b1: {  	[tilespmem:s15], [sflag:$0x8] =	stream.linear.gather [hbm4b:s14+s3], $0x28, $0x38;
	[tilespmem:$0x1D1F0] =	vst v63  }
0x1b2: {  	s2 =	sshrl.u32 s2, $0x3;
	s4 =	sadd.s32 s8, s4;
	s14 =	smul.u32 $0xF0, s0  }
0x1b3: {  	[tilespmem:s31], [sflag:$0x9] =	stream.linear.gather [hbm4b:s4+s3], $0x28, $0x38;
	[tilespmem:$0x1D1F0] =	vst v63  }
0x1b4: {  	s2 =	sadd.s32 s9, s2;
	s29 =	rddreg [dreg:$0x8];
	s0 =	smul.u32 $0xF00, s0  }
0x1b5: {  	[tilespmem:s13], [sflag:$0xA] =	stream.linear.gather [hbm4b:s2+s3], $0x28, $0x38;
	[tilespmem:$0x1D1F0] =	vst v63  }
.Ltmp3:
0x1b6: {  	s0 =	sadd.s32 s29, s0;
	(pc) =	sbr.rel @p0 .LBB2_4-.Ltmp3, $4  }
0x1b7: {  	s28 =	simm.s32 $0x870;
	s15 =	sadd.s32 s10, s14;
	s0 =	sshrl.u32 s0, $0x3  }
0x1b8: {  	[tilespmem:s28], [sflag:$0xB] =	stream.linear.gather [hbm4b:s15+s3], $0x780, $0x38;
	[tilespmem:$0x1D1F0] =	vst v63  }
0x1b9: {  	s31 =	simm.s32 $0x1EF0;
	s0 =	sadd.s32 s7, s0  }
0x1ba: {  	[tilespmem:s31], [sflag:$0xC] =	stream.linear.gather [hbm4b:s0+s3], $0xF00, $0x38;
	[tilespmem:$0x1D1F0] =	vst v63  }
0x1bb: {  	s0 =	simm.s32 $0x3  }
0x1bc: {  	_ =	swait.ge [sflag:s0], $0x28  }
0x1bd: {  	[sflag:s0] =	ssyncset.done $0x0  }
0x1be: {  	[sflag:s0] =	ssyncadd.s32 $0xFFFFFFD8  }
0x1bf: {  	_ =	swait.ge [sflag:s19], $0x28  }
0x1c0: {  	[sflag:s19] =	ssyncset.done $0x0  }
0x1c1: {  	[sflag:s19] =	ssyncadd.s32 $0xFFFFFFD8  }
0x1c2: {  	_ =	swait.ge [sflag:s24], $0x28  }
0x1c3: {  	[sflag:s24] =	ssyncset.done $0x0  }
0x1c4: {  	[sflag:s24] =	ssyncadd.s32 $0xFFFFFFD8  }
0x1c5: {  	_ =	swait.ge [sflag:s25], $0x780  }
0x1c6: {  	[sflag:s25] =	ssyncset.done $0x0  }
0x1c7: {  	[sflag:s25] =	ssyncadd.s32 $0xFFFFF880  }
0x1c8: {  	_ =	swait.ge [sflag:s30], $0xF00  }
0x1c9: {  	[sflag:s30] =	ssyncset.done $0x0  }
0x1ca: {  	[sflag:s30] =	ssyncadd.s32 $0xFFFFF100  }
0x1cb: {  	_ =	swait.ge [sflag:s11], $0x28  }
0x1cc: {  	[sflag:s11] =	ssyncset.done $0x0  }
0x1cd: {  	[sflag:s11] =	ssyncadd.s32 $0xFFFFFFD8  }
0x1ce: {  	_ =	swait.ge [sflag:s16], $0x28  }
0x1cf: {  	[sflag:s16] =	ssyncset.done $0x0  }
0x1d0: {  	[sflag:s16] =	ssyncadd.s32 $0xFFFFFFD8  }
0x1d1: {  	_ =	swait.ge [sflag:s23], $0x28  }
0x1d2: {  	[sflag:s23] =	ssyncset.done $0x0  }
0x1d3: {  	[sflag:s23] =	ssyncadd.s32 $0xFFFFFFD8  }
0x1d4: {  	_ =	swait.ge [sflag:s26], $0x780  }
0x1d5: {  	[sflag:s26] =	ssyncset.done $0x0  }
0x1d6: {  	[sflag:s26] =	ssyncadd.s32 $0xFFFFF880  }
0x1d7: {  	_ =	swait.ge [sflag:s18], $0xF00  }
0x1d8: {  	[sflag:s18] =	ssyncset.done $0x0  }
0x1d9: {  	[sflag:s18] =	ssyncadd.s32 $0xFFFFF100  }
0x1da: {  	s20 =	stileid.u32;
	[bflag:$0x0] =	sbarrier.arrive $0xFFFF  }
0x1db: {  	s0 =	sshll.u32 s20, $0x6;
	s28 =	rddreg [dreg:$0x14]  }
0x1dc: {  	s2 =	sor.u32 $0x1C0D, s0;
	s29 =	rddreg [dreg:$0x9]  }
0x1dd: {  	[dreg:$0x1f] =	wrdreg s2;
	s4 =	sshrl.u32 s28, $0x3  }
0x1de: {  	[smem:$0x7FD] =	sst s4  }
0x1df: {  	[hbm:s29], [sflag:s2] =	dma.local [spmem:s4], $0x2780  }
0x1e0: {  	_ =	swait.ge [sflag:s22], $0x2780  }
0x1e1: {  	[sflag:s22] =	ssyncset.done $0x0  }
0x1e2: {  	[sflag:s22] =	ssyncadd.s32 $0xFFFFD880  }
0x1e3: {  	s31 =	sadd.s32 $0x0, s12;
	[bflag:$0x0] =	sbarrier.arrive $0xFFFF  }
0x1e4: {  	[spmem:s31] =	stream.linear.scatter [tilespmem:s21], [sflag:$0xD], $0x400, $0x38;
	[tilespmem:$0x1D1F0] =	vst v63  }
0x1e5: {  	s0 =	simm.s32 $0x1000;
	_ =	swait.ge [sflag:s22], $0x400  }
.LBB2_10:
0x1e6: {  	s2 =	sshra.s32 s0, $0x2;
	[sflag:s22] =	ssyncset.done $0x0;
	p0 =	sne.s32 s0, $0x4E000  }
.Ltmp4:
0x1e7: {  	s2 =	sadd.s32 s2, s12;
	[sflag:s22] =	ssyncadd.s32 $0xFFFFFC00;
	(pc) =	sbr.rel @p0 .LBB2_10-.Ltmp4, $3  }
0x1e8: {  	[spmem:s2] =	stream.linear.scatter [tilespmem:s21], [sflag:$0xD], $0x400, $0x38;
	[tilespmem:$0x1D1F0] =	vst v63  }
0x1e9: {  	s0 =	sadd.s32 $0x1000, s0;
	_ =	sdelay $0x1  }
0x1ea: {  	_ =	swait.ge [sflag:s22], $0x400  }
0x1eb: {  	[sflag:s22] =	ssyncset.done $0x0  }
0x1ec: {  	[sflag:s22] =	ssyncadd.s32 $0xFFFFFC00  }
0x1ed: {  	[bflag:$0x0] =	sbarrier.arrive $0xFFFF  }
0x1ee: {  	s20 =	simm.s32 $0x0;
	s2 =	simm.s32 $0x50;
	s0 =	rddreg [dreg:$0x15]  }
0x1ef: {  	[tilespmem:s2], [sflag:$0x3] =	stream.linear.gather [hbm4b:s0+s20], $0x28, $0x38;
	[tilespmem:$0x1D1F0] =	vst v63  }
0x1f0: {  	s31 =	simm.s32 $0xA0;
	s29 =	rddreg [dreg:$0x16]  }
0x1f1: {  	[tilespmem:s31], [sflag:$0x4] =	stream.linear.gather [hbm4b:s29+s20], $0x28, $0x38;
	[tilespmem:$0x1D1F0] =	vst v63  }
0x1f2: {  	s2 =	rddreg [dreg:$0x7]  }
0x1f3: {  	[tilespmem:s20], [sflag:$0x5] =	stream.linear.gather [hbm4b:s2+s20], $0x28, $0x38;
	[tilespmem:$0x1D1F0] =	vst v63  }
0x1f4: {  	s14 =	simm.s32 $0xF0;
	s4 =	rddreg [dreg:$0xb]  }
0x1f5: {  	[tilespmem:s14], [sflag:$0x6] =	stream.linear.gather [hbm4b:s4+s20], $0x780, $0x38;
	[tilespmem:$0x1D1F0] =	vst v63  }
0x1f6: {  	s28 =	simm.s32 $0xFF0;
	s15 =	rddreg [dreg:$0x17]  }
0x1f7: {  	[tilespmem:s28], [sflag:$0x7] =	stream.linear.gather [hbm4b:s15+s20], $0xF00, $0x38;
	[tilespmem:$0x1D1F0] =	vst v63  }
0x1f8: {  	s29 =	rddreg [dreg:$0x18];
	s31 =	simm.s32 $0x78  }
0x1f9: {  	[tilespmem:s31], [sflag:$0x8] =	stream.linear.gather [hbm4b:s29+s20], $0x28, $0x38;
	[tilespmem:$0x1D1F0] =	vst v63  }
0x1fa: {  	s2 =	rddreg [dreg:$0x19];
	s4 =	simm.s32 $0xC8  }
0x1fb: {  	[tilespmem:s4], [sflag:$0x9] =	stream.linear.gather [hbm4b:s2+s20], $0x28, $0x38;
	[tilespmem:$0x1D1F0] =	vst v63  }
0x1fc: {  	s14 =	rddreg [dreg:$0x10]  }
0x1fd: {  	[tilespmem:s13], [sflag:$0xA] =	stream.linear.gather [hbm4b:s14+s20], $0x28, $0x38;
	[tilespmem:$0x1D1F0] =	vst v63  }
0x1fe: {  	s15 =	rddreg [dreg:$0x11];
	s28 =	simm.s32 $0x870  }
0x1ff: {  	[tilespmem:s28], [sflag:$0xB] =	stream.linear.gather [hbm4b:s15+s20], $0x780, $0x38;
	[tilespmem:$0x1D1F0] =	vst v63  }
0x200: {  	s29 =	rddreg [dreg:$0x1a];
	s31 =	simm.s32 $0x1EF0  }
0x201: {  	[tilespmem:s31], [sflag:$0xC] =	stream.linear.gather [hbm4b:s29+s20], $0xF00, $0x38;
	[tilespmem:$0x1D1F0] =	vst v63  }
.LBB2_12:
0x202: {  	s0 =	simm.s32 $0x3  }
0x203: {  	_ =	swait.ge [sflag:s0], $0x28  }
0x204: {  	[sflag:s0] =	ssyncset.done $0x0  }
0x205: {  	[sflag:s0] =	ssyncadd.s32 $0xFFFFFFD8  }
0x206: {  	_ =	swait.ge [sflag:s19], $0x28  }
0x207: {  	[sflag:s19] =	ssyncset.done $0x0  }
0x208: {  	[sflag:s19] =	ssyncadd.s32 $0xFFFFFFD8  }
0x209: {  	_ =	swait.ge [sflag:s24], $0x28  }
0x20a: {  	[sflag:s24] =	ssyncset.done $0x0  }
0x20b: {  	[sflag:s24] =	ssyncadd.s32 $0xFFFFFFD8  }
0x20c: {  	_ =	swait.ge [sflag:s25], $0x780  }
0x20d: {  	[sflag:s25] =	ssyncset.done $0x0  }
0x20e: {  	[sflag:s25] =	ssyncadd.s32 $0xFFFFF880  }
0x20f: {  	_ =	swait.ge [sflag:s30], $0xF00  }
0x210: {  	[sflag:s30] =	ssyncset.done $0x0  }
0x211: {  	s14 =	simm.s32 $0x50;
	s2 =	simm.s32 $0x2DF0;
	[sflag:s30] =	ssyncadd.s32 $0xFFFFF100  }
0x212: {  	[tilespmem:s2], [sflag:$0x1] =	stream.indirect.gather [hbm4b:s5+s13], $0x180, s14, s13, $0xb8;
	[tilespmem:$0x1D1F0] =	vst v63  }
0x213: {  	s15 =	simm.s32 $0xA0;
	s31 =	simm.s32 $0x69F0  }
0x214: {  	[tilespmem:s31], [sflag:$0x2] =	stream.indirect.gather [hbm4b:s6+s13], $0x80, s15, s13, $0xb8;
	[tilespmem:$0x1D1F0] =	vst v63  }
0x215: {  	_ =	swait.ge [sflag:s17], $0x3C00  }
0x216: {  	[sflag:s17] =	ssyncset.done $0x0  }
0x217: {  	[sflag:s17] =	ssyncadd.s32 $0xFFFFC400  }
0x218: {  	_ =	swait.ge [sflag:s1], $0x1400  }
0x219: {  	[sflag:s1] =	ssyncset.done $0x0  }
0x21a: {  	s14 =	simm.s32 $0x0;
	[sflag:s1] =	ssyncadd.s32 $0xFFFFEC00  }
0x21b: {  	v1 =	vld [tilespmem:s14+$0x69F0]  }
0x21c: {  	v2 =	vld [tilespmem:s14+$0x6A00]  }
0x21d: {  	v3 =	vld [tilespmem:s14+$0x6A20]  }
0x21e: {  	s2 =	simm.s32 $0x2E80;
	v4 =	vld [tilespmem:s14+$0x6A10]  }
0x21f: {  	v5 =	vld [tilespmem:s2+$0xFFFFFF70]  }
0x220: {  	s28 =	simm.s32 $0x1020;
	v8 =	vld [tilespmem:s2+$0xFFFFFF90]  }
0x221: {  	v9 =	vld [tilespmem:s28+$0xFFFFFFD0]  }
0x222: {  	v11 =	vld [tilespmem:s2+$0xFFFFFFD0]  }
0x223: {  	v12 =	vld [tilespmem:s2+$0xFFFFFFF0]  }
0x224: {  	v10 =	vld [tilespmem:s2+$0xFFFFFF80]  }
0x225: {  	v13 =	vld [tilespmem:s2+$0xFFFFFFE0]  }
0x226: {  	s29 =	simm.s32 $0x110;
	v14 =	vld [tilespmem:s28+$0xFFFFFFF0]  }
0x227: {  	v15 =	vld [tilespmem:s29+$0xFFFFFFE0]  }
0x228: {  	v16 =	vld [tilespmem:s2+$0x30];
	v1 =	vadd.f32 v1, v11;
	v4 =	vadd.f32 v4, v12  }
0x229: {  	v59 =	vld [tilespmem:s28+$0x20]  }
0x22a: {  	v60 =	vld [tilespmem:s2+$0x20];
	v1 =	vmul.f32 v1, v5;
	v4 =	vmul.f32 v4, v8  }
0x22b: {  	v17 =	vld [tilespmem:s28+$0x10]  }
0x22c: {  	v61 =	vld [tilespmem:s2+$0xFFFFFFB0];
	v9 =	vmul.f32 v1, v9;
	v14 =	vmul.f32 v4, v14  }
0x22d: {  	v1 =	vld [tilespmem:s2+$0x0]  }
0x22e: {  	v19 =	vld [tilespmem:s2+$0xFFFFFFA0];
	v5 =	vmul.f32 v16, v9;
	v18 =	vmul.f32 v15, v14  }
0x22f: {  	v20 =	vld [tilespmem:s28+$0x0]  }
0x230: {  	v62 =	vld [tilespmem:s28+$0xFFFFFFE0];
	v5 =	vadd.f32 v5, v18  }
0x231: {  	v8 =	vld [tilespmem:s2+$0xFFFFFFC0]  }
0x232: {  	v2 =	vadd.f32 v2, v13;
	v4 =	vld [tilespmem:s2+$0x10];
	v1 =	vadd.f32 v3, v1;
	[tilespmem:s14+$0x7DF0] =	vst v5  }
0x233: {  	v3 =	vld [tilespmem:s2+$0x40]  }
0x234: {  	v2 =	vmul.f32 v2, v10;
	v5 =	vmul.f32 v1, v19;
	_ =	sdelay $0x1  }
0x235: {  	v1 =	vmul.f32 v2, v62;
	v2 =	vmul.f32 v5, v20;
	_ =	sdelay $0x1  }
0x236: {  	v5 =	vmul.f32 v15, v2;
	v3 =	vmul.f32 v3, v1;
	_ =	sdelay $0x1  }
0x237: {  	v3 =	vadd.f32 v3, v5;
	_ =	sdelay $0x1  }
0x238: {  	[tilespmem:s14+$0x7E00] =	vst v3  }
0x239: {  	v3 =	vld [tilespmem:s29+$0xFFFFFFF0]  }
0x23a: {  	v5 =	vld [tilespmem:s2+$0x50];
	_ =	sdelay $0x4  }
0x23b: {  	v63 =	vmul.f32 v3, v14;
	v5 =	vmul.f32 v5, v9;
	_ =	sdelay $0x1  }
0x23c: {  	v5 =	vadd.f32 v5, v63;
	_ =	sdelay $0x1  }
0x23d: {  	[tilespmem:s14+$0x7E10] =	vst v5  }
0x23e: {  	v5 =	vld [tilespmem:s2+$0x60];
	_ =	sdelay $0x4  }
0x23f: {  	v6 =	vld [tilespmem:s14+$0x6A30];
	v3 =	vmul.f32 v3, v2;
	v5 =	vmul.f32 v5, v1  }
0x240: {  	v7 =	vld [tilespmem:s14+$0x6A40]  }
0x241: {  	v3 =	vadd.f32 v5, v3;
	_ =	sdelay $0x1  }
0x242: {  	[tilespmem:s14+$0x7E20] =	vst v3  }
0x243: {  	v5 =	vld [tilespmem:s29+$0x0]  }
0x244: {  	v4 =	vadd.f32 v6, v4;
	v3 =	vadd.f32 v7, v60;
	v7 =	vld [tilespmem:s2+$0x70];
	_ =	sdelay $0x1  }
0x245: {  	v4 =	vmul.f32 v4, v61;
	v3 =	vmul.f32 v3, v8;
	_ =	sdelay $0x1  }
0x246: {  	v4 =	vmul.f32 v4, v17;
	v3 =	vmul.f32 v3, v59  }
0x247: {  	s4 =	simm.s32 $0x2E80;
	s0 =	simm.s32 $0x200;
	v6 =	vmul.f32 v5, v14;
	v7 =	vmul.f32 v7, v9  }
.LBB2_13:
0x248: {  	s29 =	sadd.s32 $0x30, s29;
	s28 =	sadd.s32 $0x60, s28;
	s2 =	sadd.s32 $0x180, s2  }
0x249: {  	p0 =	sne.s32 s0, $0x4E00;
	s15 =	smov.u32 s0;
	s0 =	sadd.s32 $0x200, s0;
	v6 =	vadd.f32 v7, v6  }
0x24a: {  	_ = 	snop  }
0x24b: {  	[tilespmem:s14+$0x7E30] =	vst v6  }
0x24c: {  	v6 =	vld [tilespmem:s4+$0x80];
	s4 =	smov.u32 s2  }
0x24d: {  	[tilespmem:s14+$0x7E50] =	vst v4  }
0x24e: {  	[tilespmem:s14+$0x7E60] =	vst v3  }
0x24f: {  	s15 =	sshra.s32 s15, $0x2  }
0x250: {  	v3 =	vld [tilespmem:s15+$0x69F0]  }
0x251: {  	v2 =	vmul.f32 v5, v2;
	v4 =	vld [tilespmem:s15+$0x6A00];
	v1 =	vmul.f32 v6, v1  }
0x252: {  	v5 =	vld [tilespmem:s15+$0x6A20]  }
0x253: {  	v6 =	vld [tilespmem:s15+$0x6A10];
	v1 =	vadd.f32 v1, v2  }
0x254: {  	v2 =	vld [tilespmem:s15+$0x6A30]  }
0x255: {  	v7 =	vld [tilespmem:s15+$0x6A40];
	[tilespmem:s14+$0x7E40] =	vst v1;
	s14 =	smov.u32 s15  }
0x256: {  	v1 =	vld [tilespmem:s2+$0xFFFFFF70]  }
0x257: {  	v8 =	vld [tilespmem:s2+$0xFFFFFF90]  }
0x258: {  	v9 =	vld [tilespmem:s28+$0xFFFFFFD0]  }
0x259: {  	v10 =	vld [tilespmem:s2+$0xFFFFFF80]  }
0x25a: {  	v11 =	vld [tilespmem:s2+$0xFFFFFFD0]  }
0x25b: {  	v12 =	vld [tilespmem:s2+$0xFFFFFFF0]  }
0x25c: {  	v13 =	vld [tilespmem:s2+$0xFFFFFFE0]  }
0x25d: {  	v14 =	vld [tilespmem:s28+$0xFFFFFFF0]  }
0x25e: {  	v15 =	vld [tilespmem:s29+$0xFFFFFFE0]  }
0x25f: {  	v3 =	vadd.f32 v3, v11;
	v11 =	vld [tilespmem:s2+$0x30]  }
0x260: {  	v6 =	vadd.f32 v6, v12;
	v12 =	vld [tilespmem:s28+$0x20]  }
0x261: {  	v1 =	vmul.f32 v3, v1;
	v3 =	vadd.f32 v4, v13;
	v4 =	vld [tilespmem:s2+$0x20]  }
0x262: {  	v6 =	vmul.f32 v6, v8;
	v8 =	vld [tilespmem:s2+$0xFFFFFFC0]  }
0x263: {  	v9 =	vmul.f32 v1, v9;
	v1 =	vmul.f32 v3, v10;
	v10 =	vld [tilespmem:s28+$0x10]  }
0x264: {  	v6 =	vmul.f32 v6, v14;
	v3 =	vld [tilespmem:s2+$0x10]  }
0x265: {  	v13 =	vld [tilespmem:s2+$0x0];
	v11 =	vmul.f32 v11, v9  }
0x266: {  	v14 =	vld [tilespmem:s2+$0xFFFFFFB0];
	v4 =	vadd.f32 v7, v4;
	v7 =	vmul.f32 v15, v6  }
0x267: {  	v16 =	vld [tilespmem:s2+$0xFFFFFFA0]  }
0x268: {  	v17 =	vld [tilespmem:s28+$0x0];
	v4 =	vmul.f32 v4, v8;
	v7 =	vadd.f32 v11, v7  }
0x269: {  	v8 =	vld [tilespmem:s28+$0xFFFFFFE0];
	v2 =	vadd.f32 v2, v3  }
0x26a: {  	v5 =	vadd.f32 v5, v13;
	v3 =	vmul.f32 v4, v12;
	[tilespmem:s14+$0x7DF0] =	vst v7  }
0x26b: {  	v2 =	vmul.f32 v2, v14;
	v7 =	vld [tilespmem:s2+$0x40]  }
0x26c: {  	v5 =	vmul.f32 v5, v16  }
0x26d: {  	v4 =	vmul.f32 v2, v10  }
0x26e: {  	v1 =	vmul.f32 v1, v8;
	v2 =	vmul.f32 v5, v17;
	_ =	sdelay $0x1  }
0x26f: {  	v5 =	vmul.f32 v7, v1;
	v7 =	vmul.f32 v15, v2;
	_ =	sdelay $0x1  }
0x270: {  	v5 =	vadd.f32 v5, v7;
	_ =	sdelay $0x1  }
0x271: {  	[tilespmem:s14+$0x7E00] =	vst v5  }
0x272: {  	v5 =	vld [tilespmem:s29+$0xFFFFFFF0]  }
0x273: {  	v7 =	vld [tilespmem:s2+$0x50];
	_ =	sdelay $0x3  }
0x274: {  	v8 =	vmul.f32 v5, v6  }
0x275: {  	v7 =	vmul.f32 v7, v9;
	_ =	sdelay $0x1  }
0x276: {  	v7 =	vadd.f32 v7, v8;
	_ =	sdelay $0x1  }
0x277: {  	[tilespmem:s14+$0x7E10] =	vst v7  }
0x278: {  	v7 =	vld [tilespmem:s2+$0x60];
	_ =	sdelay $0x4  }
0x279: {  	v5 =	vmul.f32 v5, v2;
	v7 =	vmul.f32 v7, v1;
	_ =	sdelay $0x1  }
0x27a: {  	v5 =	vadd.f32 v7, v5;
	_ =	sdelay $0x1  }
0x27b: {  	[tilespmem:s14+$0x7E20] =	vst v5  }
0x27c: {  	v5 =	vld [tilespmem:s29+$0x0]  }
0x27d: {  	v7 =	vld [tilespmem:s2+$0x70]  }
.Ltmp5:
0x27e: {  	(pc) =	sbr.rel @p0 .LBB2_13-.Ltmp5, $3  }
0x27f: {  	_ =	sdelay $0x1  }
0x280: {  	v6 =	vmul.f32 v5, v6  }
0x281: {  	v7 =	vmul.f32 v7, v9  }
0x282: {  	_ = 	snop  }
0x283: {  	v6 =	vadd.f32 v7, v6;
	_ =	sdelay $0x1  }
0x284: {  	[tilespmem:s14+$0x7E30] =	vst v6  }
0x285: {  	v6 =	vld [tilespmem:s4+$0x80];
	_ =	sdelay $0x4  }
0x286: {  	v2 =	vmul.f32 v5, v2;
	v1 =	vmul.f32 v6, v1  }
0x287: {  	s31 =	sshll.u32 s20, $0x1  }
0x288: {  	s0 =	smin.u32 s31, $0xF7;
	[tilespmem:s14+$0x7E50] =	vst v4;
	v1 =	vadd.f32 v1, v2  }
0x289: {  	s2 =	rddreg [dreg:$0x1c];
	s15 =	simm.s32 $0x7DF0;
	s0 =	sshll.u32 s0, $0x4;
	[tilespmem:s14+$0x7E60] =	vst v3  }
0x28a: {  	s0 =	sadd.s32 s2, s0;
	s2 =	simm.s32 $0x0;
	[tilespmem:s14+$0x7E40] =	vst v1;
	s14 =	rddreg [dreg:$0x2]  }
0x28b: {  	[spmem:s14] =	stream.indirect.scatter.add.f32 [tilespmem:s15], [sflag:$0xD], $0x80, s2, s13, $0xb8;
	[tilespmem:$0x1D1F0] =	vst v63  }
0x28c: {  	s4 =	smul.u32 $0x28, s0;
	_ =	swait.ge [sflag:s22], $0x1400  }
0x28d: {  	s15 =	rddreg [dreg:$0xf];
	[sflag:s22] =	ssyncset.done $0x0  }
0x28e: {  	s14 =	sadd.s32 s15, s4;
	[sflag:s22] =	ssyncadd.s32 $0xFFFFEC00  }
0x28f: {  	s14 =	sshrl.u32 s14, $0x3;
	s15 =	rddreg [dreg:$0x1]  }
0x290: {  	s28 =	simm.s32 $0x50;
	s15 =	sadd.s32 s15, s14  }
0x291: {  	[tilespmem:s28], [sflag:$0x3] =	stream.linear.gather [hbm4b:s15+s2], $0x28, $0x38;
	[tilespmem:$0x1D1F0] =	vst v63  }
0x292: {  	s4 =	sshrl.u32 s4, $0x3;
	s14 =	sadd.s32 s8, s14;
	s15 =	simm.s32 $0xA0  }
0x293: {  	[tilespmem:s15], [sflag:$0x4] =	stream.linear.gather [hbm4b:s14+s2], $0x28, $0x38;
	[tilespmem:$0x1D1F0] =	vst v63  }
0x294: {  	s4 =	sadd.s32 s9, s4;
	s15 =	smul.u32 $0xF0, s0  }
0x295: {  	[tilespmem:s2], [sflag:$0x5] =	stream.linear.gather [hbm4b:s4+s2], $0x28, $0x38;
	[tilespmem:$0x1D1F0] =	vst v63  }
0x296: {  	s0 =	smul.u32 $0xF00, s0;
	s14 =	sadd.s32 s10, s15;
	s15 =	simm.s32 $0xF0  }
0x297: {  	[tilespmem:s15], [sflag:$0x6] =	stream.linear.gather [hbm4b:s14+s2], $0x780, $0x38;
	[tilespmem:$0x1D1F0] =	vst v63  }
0x298: {  	s14 =	rddreg [dreg:$0x12]  }
0x299: {  	s0 =	sadd.s32 s14, s0  }
0x29a: {  	s0 =	sshrl.u32 s0, $0x3  }
0x29b: {  	s15 =	simm.s32 $0xFF0;
	s0 =	sadd.s32 s7, s0  }
0x29c: {  	[tilespmem:s15], [sflag:$0x7] =	stream.linear.gather [hbm4b:s0+s2], $0xF00, $0x38;
	[tilespmem:$0x1D1F0] =	vst v63  }
0x29d: {  	_ =	swait.ge [sflag:s11], $0x28  }
0x29e: {  	[sflag:s11] =	ssyncset.done $0x0  }
0x29f: {  	[sflag:s11] =	ssyncadd.s32 $0xFFFFFFD8  }
0x2a0: {  	_ =	swait.ge [sflag:s16], $0x28  }
0x2a1: {  	[sflag:s16] =	ssyncset.done $0x0  }
0x2a2: {  	[sflag:s16] =	ssyncadd.s32 $0xFFFFFFD8  }
0x2a3: {  	_ =	swait.ge [sflag:s23], $0x28  }
0x2a4: {  	[sflag:s23] =	ssyncset.done $0x0  }
0x2a5: {  	[sflag:s23] =	ssyncadd.s32 $0xFFFFFFD8  }
0x2a6: {  	_ =	swait.ge [sflag:s26], $0x780  }
0x2a7: {  	[sflag:s26] =	ssyncset.done $0x0  }
0x2a8: {  	[sflag:s26] =	ssyncadd.s32 $0xFFFFF880  }
0x2a9: {  	_ =	swait.ge [sflag:s18], $0xF00  }
0x2aa: {  	[sflag:s18] =	ssyncset.done $0x0  }
0x2ab: {  	s4 =	simm.s32 $0x2DF0;
	s2 =	simm.s32 $0x78;
	[sflag:s18] =	ssyncadd.s32 $0xFFFFF100  }
0x2ac: {  	[tilespmem:s4], [sflag:$0x1] =	stream.indirect.gather [hbm4b:s5+s13], $0x180, s2, s13, $0xb8;
	[tilespmem:$0x1D1F0] =	vst v63  }
0x2ad: {  	s14 =	simm.s32 $0xC8;
	s15 =	simm.s32 $0x69F0  }
0x2ae: {  	[tilespmem:s15], [sflag:$0x2] =	stream.indirect.gather [hbm4b:s6+s13], $0x80, s14, s13, $0xb8;
	[tilespmem:$0x1D1F0] =	vst v63  }
0x2af: {  	_ =	swait.ge [sflag:s17], $0x3C00  }
0x2b0: {  	[sflag:s17] =	ssyncset.done $0x0  }
0x2b1: {  	[sflag:s17] =	ssyncadd.s32 $0xFFFFC400  }
0x2b2: {  	_ =	swait.ge [sflag:s1], $0x1400  }
0x2b3: {  	[sflag:s1] =	ssyncset.done $0x0  }
0x2b4: {  	s14 =	simm.s32 $0x0;
	[sflag:s1] =	ssyncadd.s32 $0xFFFFEC00  }
0x2b5: {  	v1 =	vld [tilespmem:s14+$0x69F0]  }
0x2b6: {  	v2 =	vld [tilespmem:s14+$0x6A00]  }
0x2b7: {  	v3 =	vld [tilespmem:s14+$0x6A20]  }
0x2b8: {  	s2 =	simm.s32 $0x2E80;
	v4 =	vld [tilespmem:s14+$0x6A10]  }
0x2b9: {  	v5 =	vld [tilespmem:s2+$0xFFFFFF70]  }
0x2ba: {  	s28 =	simm.s32 $0x1F40;
	v8 =	vld [tilespmem:s2+$0xFFFFFF90]  }
0x2bb: {  	v9 =	vld [tilespmem:s28+$0xFFFFFFB0]  }
0x2bc: {  	v11 =	vld [tilespmem:s2+$0xFFFFFFD0]  }
0x2bd: {  	v12 =	vld [tilespmem:s2+$0xFFFFFFF0]  }
0x2be: {  	v10 =	vld [tilespmem:s2+$0xFFFFFF80]  }
0x2bf: {  	v13 =	vld [tilespmem:s2+$0xFFFFFFE0]  }
0x2c0: {  	s29 =	simm.s32 $0x890;
	v14 =	vld [tilespmem:s28+$0xFFFFFFD0]  }
0x2c1: {  	v15 =	vld [tilespmem:s29+$0xFFFFFFE0]  }
0x2c2: {  	v16 =	vld [tilespmem:s2+$0x30];
	v1 =	vadd.f32 v1, v11;
	v4 =	vadd.f32 v4, v12  }
0x2c3: {  	v59 =	vld [tilespmem:s28+$0x0]  }
0x2c4: {  	v60 =	vld [tilespmem:s2+$0x20];
	v1 =	vmul.f32 v1, v5;
	v4 =	vmul.f32 v4, v8  }
0x2c5: {  	v17 =	vld [tilespmem:s28+$0xFFFFFFF0]  }
0x2c6: {  	v61 =	vld [tilespmem:s2+$0xFFFFFFB0];
	v9 =	vmul.f32 v1, v9;
	v14 =	vmul.f32 v4, v14  }
0x2c7: {  	v1 =	vld [tilespmem:s2+$0x0]  }
0x2c8: {  	v19 =	vld [tilespmem:s2+$0xFFFFFFA0];
	v5 =	vmul.f32 v16, v9;
	v18 =	vmul.f32 v15, v14  }
0x2c9: {  	v20 =	vld [tilespmem:s28+$0xFFFFFFE0]  }
0x2ca: {  	v62 =	vld [tilespmem:s28+$0xFFFFFFC0];
	v5 =	vadd.f32 v5, v18  }
0x2cb: {  	v8 =	vld [tilespmem:s2+$0xFFFFFFC0]  }
0x2cc: {  	v2 =	vadd.f32 v2, v13;
	v4 =	vld [tilespmem:s2+$0x10];
	v1 =	vadd.f32 v3, v1;
	[tilespmem:s14+$0x7DF0] =	vst v5  }
0x2cd: {  	v3 =	vld [tilespmem:s2+$0x40]  }
0x2ce: {  	v2 =	vmul.f32 v2, v10;
	v5 =	vmul.f32 v1, v19;
	_ =	sdelay $0x1  }
0x2cf: {  	v1 =	vmul.f32 v2, v62;
	v2 =	vmul.f32 v5, v20;
	_ =	sdelay $0x1  }
0x2d0: {  	v5 =	vmul.f32 v15, v2;
	v3 =	vmul.f32 v3, v1;
	_ =	sdelay $0x1  }
0x2d1: {  	v3 =	vadd.f32 v3, v5;
	_ =	sdelay $0x1  }
0x2d2: {  	[tilespmem:s14+$0x7E00] =	vst v3  }
0x2d3: {  	v3 =	vld [tilespmem:s29+$0xFFFFFFF0]  }
0x2d4: {  	v5 =	vld [tilespmem:s2+$0x50];
	_ =	sdelay $0x4  }
0x2d5: {  	v63 =	vmul.f32 v3, v14;
	v5 =	vmul.f32 v5, v9;
	_ =	sdelay $0x1  }
0x2d6: {  	v5 =	vadd.f32 v5, v63;
	_ =	sdelay $0x1  }
0x2d7: {  	[tilespmem:s14+$0x7E10] =	vst v5  }
0x2d8: {  	v5 =	vld [tilespmem:s2+$0x60];
	_ =	sdelay $0x4  }
0x2d9: {  	v6 =	vld [tilespmem:s14+$0x6A30];
	v3 =	vmul.f32 v3, v2;
	v5 =	vmul.f32 v5, v1  }
0x2da: {  	v7 =	vld [tilespmem:s14+$0x6A40]  }
0x2db: {  	v3 =	vadd.f32 v5, v3;
	_ =	sdelay $0x1  }
0x2dc: {  	[tilespmem:s14+$0x7E20] =	vst v3  }
0x2dd: {  	v5 =	vld [tilespmem:s29+$0x0]  }
0x2de: {  	v4 =	vadd.f32 v6, v4;
	v3 =	vadd.f32 v7, v60;
	v7 =	vld [tilespmem:s2+$0x70];
	_ =	sdelay $0x1  }
0x2df: {  	v4 =	vmul.f32 v4, v61;
	v3 =	vmul.f32 v3, v8;
	_ =	sdelay $0x1  }
0x2e0: {  	v4 =	vmul.f32 v4, v17;
	v3 =	vmul.f32 v3, v59  }
0x2e1: {  	s0 =	simm.s32 $0x200;
	s4 =	simm.s32 $0x2E80;
	v6 =	vmul.f32 v5, v14;
	v7 =	vmul.f32 v7, v9  }
.LBB2_15:
0x2e2: {  	s29 =	sadd.s32 $0x30, s29;
	s28 =	sadd.s32 $0x60, s28;
	s2 =	sadd.s32 $0x180, s2  }
0x2e3: {  	p0 =	sne.s32 s0, $0x4E00;
	s15 =	smov.u32 s0;
	s0 =	sadd.s32 $0x200, s0;
	v6 =	vadd.f32 v7, v6  }
0x2e4: {  	_ = 	snop  }
0x2e5: {  	[tilespmem:s14+$0x7E30] =	vst v6  }
0x2e6: {  	v6 =	vld [tilespmem:s4+$0x80];
	s4 =	smov.u32 s2  }
0x2e7: {  	[tilespmem:s14+$0x7E50] =	vst v4  }
0x2e8: {  	[tilespmem:s14+$0x7E60] =	vst v3  }
0x2e9: {  	s15 =	sshra.s32 s15, $0x2  }
0x2ea: {  	v3 =	vld [tilespmem:s15+$0x69F0]  }
0x2eb: {  	v2 =	vmul.f32 v5, v2;
	v4 =	vld [tilespmem:s15+$0x6A00];
	v1 =	vmul.f32 v6, v1  }
0x2ec: {  	v5 =	vld [tilespmem:s15+$0x6A20]  }
0x2ed: {  	v6 =	vld [tilespmem:s15+$0x6A10];
	v1 =	vadd.f32 v1, v2  }
0x2ee: {  	v2 =	vld [tilespmem:s15+$0x6A30]  }
0x2ef: {  	v7 =	vld [tilespmem:s15+$0x6A40];
	[tilespmem:s14+$0x7E40] =	vst v1;
	s14 =	smov.u32 s15  }
0x2f0: {  	v1 =	vld [tilespmem:s2+$0xFFFFFF70]  }
0x2f1: {  	v8 =	vld [tilespmem:s2+$0xFFFFFF90]  }
0x2f2: {  	v9 =	vld [tilespmem:s28+$0xFFFFFFB0]  }
0x2f3: {  	v10 =	vld [tilespmem:s2+$0xFFFFFF80]  }
0x2f4: {  	v11 =	vld [tilespmem:s2+$0xFFFFFFD0]  }
0x2f5: {  	v12 =	vld [tilespmem:s2+$0xFFFFFFF0]  }
0x2f6: {  	v13 =	vld [tilespmem:s2+$0xFFFFFFE0]  }
0x2f7: {  	v14 =	vld [tilespmem:s28+$0xFFFFFFD0]  }
0x2f8: {  	v15 =	vld [tilespmem:s29+$0xFFFFFFE0]  }
0x2f9: {  	v3 =	vadd.f32 v3, v11;
	v11 =	vld [tilespmem:s2+$0x30]  }
0x2fa: {  	v6 =	vadd.f32 v6, v12;
	v12 =	vld [tilespmem:s28+$0x0]  }
0x2fb: {  	v1 =	vmul.f32 v3, v1;
	v3 =	vadd.f32 v4, v13;
	v4 =	vld [tilespmem:s2+$0x20]  }
0x2fc: {  	v6 =	vmul.f32 v6, v8;
	v8 =	vld [tilespmem:s2+$0xFFFFFFC0]  }
0x2fd: {  	v9 =	vmul.f32 v1, v9;
	v1 =	vmul.f32 v3, v10;
	v10 =	vld [tilespmem:s28+$0xFFFFFFF0]  }
0x2fe: {  	v6 =	vmul.f32 v6, v14;
	v3 =	vld [tilespmem:s2+$0x10]  }
0x2ff: {  	v13 =	vld [tilespmem:s2+$0x0];
	v11 =	vmul.f32 v11, v9  }
0x300: {  	v14 =	vld [tilespmem:s2+$0xFFFFFFB0];
	v4 =	vadd.f32 v7, v4;
	v7 =	vmul.f32 v15, v6  }
0x301: {  	v16 =	vld [tilespmem:s2+$0xFFFFFFA0]  }
0x302: {  	v17 =	vld [tilespmem:s28+$0xFFFFFFE0];
	v4 =	vmul.f32 v4, v8;
	v7 =	vadd.f32 v11, v7  }
0x303: {  	v8 =	vld [tilespmem:s28+$0xFFFFFFC0];
	v2 =	vadd.f32 v2, v3  }
0x304: {  	v5 =	vadd.f32 v5, v13;
	v3 =	vmul.f32 v4, v12;
	[tilespmem:s14+$0x7DF0] =	vst v7  }
0x305: {  	v2 =	vmul.f32 v2, v14;
	v7 =	vld [tilespmem:s2+$0x40]  }
0x306: {  	v5 =	vmul.f32 v5, v16  }
0x307: {  	v4 =	vmul.f32 v2, v10  }
0x308: {  	v1 =	vmul.f32 v1, v8;
	v2 =	vmul.f32 v5, v17;
	_ =	sdelay $0x1  }
0x309: {  	v5 =	vmul.f32 v7, v1;
	v7 =	vmul.f32 v15, v2;
	_ =	sdelay $0x1  }
0x30a: {  	v5 =	vadd.f32 v5, v7;
	_ =	sdelay $0x1  }
0x30b: {  	[tilespmem:s14+$0x7E00] =	vst v5  }
0x30c: {  	v5 =	vld [tilespmem:s29+$0xFFFFFFF0]  }
0x30d: {  	v7 =	vld [tilespmem:s2+$0x50];
	_ =	sdelay $0x3  }
0x30e: {  	v8 =	vmul.f32 v5, v6  }
0x30f: {  	v7 =	vmul.f32 v7, v9;
	_ =	sdelay $0x1  }
0x310: {  	v7 =	vadd.f32 v7, v8;
	_ =	sdelay $0x1  }
0x311: {  	[tilespmem:s14+$0x7E10] =	vst v7  }
0x312: {  	v7 =	vld [tilespmem:s2+$0x60];
	_ =	sdelay $0x4  }
0x313: {  	v5 =	vmul.f32 v5, v2;
	v7 =	vmul.f32 v7, v1;
	_ =	sdelay $0x1  }
0x314: {  	v5 =	vadd.f32 v7, v5;
	_ =	sdelay $0x1  }
0x315: {  	[tilespmem:s14+$0x7E20] =	vst v5  }
0x316: {  	v5 =	vld [tilespmem:s29+$0x0]  }
0x317: {  	v7 =	vld [tilespmem:s2+$0x70]  }
.Ltmp6:
0x318: {  	(pc) =	sbr.rel @p0 .LBB2_15-.Ltmp6, $3  }
0x319: {  	_ =	sdelay $0x1  }
0x31a: {  	v6 =	vmul.f32 v5, v6  }
0x31b: {  	v7 =	vmul.f32 v7, v9  }
0x31c: {  	_ = 	snop  }
0x31d: {  	v6 =	vadd.f32 v7, v6;
	_ =	sdelay $0x1  }
0x31e: {  	[tilespmem:s14+$0x7E30] =	vst v6  }
0x31f: {  	v6 =	vld [tilespmem:s4+$0x80];
	_ =	sdelay $0x4  }
0x320: {  	v2 =	vmul.f32 v5, v2;
	v1 =	vmul.f32 v6, v1;
	_ =	sdelay $0x1  }
0x321: {  	s0 =	smin.u32 s31, $0xF6;
	[tilespmem:s14+$0x7E50] =	vst v4;
	v1 =	vadd.f32 v1, v2  }
0x322: {  	s2 =	rddreg [dreg:$0x1d];
	s0 =	sshll.u32 s0, $0x4;
	[tilespmem:s14+$0x7E60] =	vst v3  }
0x323: {  	s15 =	simm.s32 $0x7DF0;
	s0 =	sadd.s32 s2, s0;
	[tilespmem:s14+$0x7E40] =	vst v1;
	s14 =	rddreg [dreg:$0x2]  }
0x324: {  	[spmem:s14] =	stream.indirect.scatter.add.f32 [tilespmem:s15], [sflag:$0xD], $0x80, s13, s13, $0xb8;
	[tilespmem:$0x1D1F0] =	vst v63  }
0x325: {  	s2 =	smul.u32 $0x28, s0;
	_ =	swait.ge [sflag:s22], $0x1400  }
0x326: {  	s28 =	rddreg [dreg:$0xf];
	[sflag:s22] =	ssyncset.done $0x0  }
0x327: {  	s31 =	simm.s32 $0xC8;
	s4 =	sadd.s32 s28, s2;
	[sflag:s22] =	ssyncadd.s32 $0xFFFFEC00  }
0x328: {  	s20 =	sadd.s32 $0x1, s20;
	s4 =	sshrl.u32 s4, $0x3;
	s29 =	rddreg [dreg:$0x1]  }
0x329: {  	p0 =	sne.s32 s20, $0x7D;
	s15 =	simm.s32 $0x78;
	s14 =	sadd.s32 s29, s4  }
0x32a: {  	[tilespmem:s15], [sflag:$0x8] =	stream.linear.gather [hbm4b:s14+s3], $0x28, $0x38;
	[tilespmem:$0x1D1F0] =	vst v63  }
0x32b: {  	s2 =	sshrl.u32 s2, $0x3;
	s4 =	sadd.s32 s8, s4;
	s14 =	smul.u32 $0xF0, s0  }
0x32c: {  	[tilespmem:s31], [sflag:$0x9] =	stream.linear.gather [hbm4b:s4+s3], $0x28, $0x38;
	[tilespmem:$0x1D1F0] =	vst v63  }
0x32d: {  	s2 =	sadd.s32 s9, s2;
	s29 =	rddreg [dreg:$0x12];
	s0 =	smul.u32 $0xF00, s0  }
0x32e: {  	[tilespmem:s13], [sflag:$0xA] =	stream.linear.gather [hbm4b:s2+s3], $0x28, $0x38;
	[tilespmem:$0x1D1F0] =	vst v63  }
.Ltmp7:
0x32f: {  	s0 =	sadd.s32 s29, s0;
	(pc) =	sbr.rel @p0 .LBB2_12-.Ltmp7, $4  }
0x330: {  	s28 =	simm.s32 $0x870;
	s15 =	sadd.s32 s10, s14;
	s0 =	sshrl.u32 s0, $0x3  }
0x331: {  	[tilespmem:s28], [sflag:$0xB] =	stream.linear.gather [hbm4b:s15+s3], $0x780, $0x38;
	[tilespmem:$0x1D1F0] =	vst v63  }
0x332: {  	s31 =	simm.s32 $0x1EF0;
	s0 =	sadd.s32 s7, s0  }
0x333: {  	[tilespmem:s31], [sflag:$0xC] =	stream.linear.gather [hbm4b:s0+s3], $0xF00, $0x38;
	[tilespmem:$0x1D1F0] =	vst v63  }
0x334: {  	s0 =	simm.s32 $0x3  }
0x335: {  	_ =	swait.ge [sflag:s0], $0x28  }
0x336: {  	[sflag:s0] =	ssyncset.done $0x0  }
0x337: {  	[sflag:s0] =	ssyncadd.s32 $0xFFFFFFD8  }
0x338: {  	_ =	swait.ge [sflag:s19], $0x28  }
0x339: {  	[sflag:s19] =	ssyncset.done $0x0  }
0x33a: {  	[sflag:s19] =	ssyncadd.s32 $0xFFFFFFD8  }
0x33b: {  	_ =	swait.ge [sflag:s24], $0x28  }
0x33c: {  	[sflag:s24] =	ssyncset.done $0x0  }
0x33d: {  	[sflag:s24] =	ssyncadd.s32 $0xFFFFFFD8  }
0x33e: {  	_ =	swait.ge [sflag:s25], $0x780  }
0x33f: {  	[sflag:s25] =	ssyncset.done $0x0  }
0x340: {  	[sflag:s25] =	ssyncadd.s32 $0xFFFFF880  }
0x341: {  	_ =	swait.ge [sflag:s30], $0xF00  }
0x342: {  	[sflag:s30] =	ssyncset.done $0x0  }
0x343: {  	[sflag:s30] =	ssyncadd.s32 $0xFFFFF100  }
0x344: {  	_ =	swait.ge [sflag:s11], $0x28  }
0x345: {  	[sflag:s11] =	ssyncset.done $0x0  }
0x346: {  	[sflag:s11] =	ssyncadd.s32 $0xFFFFFFD8  }
0x347: {  	_ =	swait.ge [sflag:s16], $0x28  }
0x348: {  	[sflag:s16] =	ssyncset.done $0x0  }
0x349: {  	[sflag:s16] =	ssyncadd.s32 $0xFFFFFFD8  }
0x34a: {  	_ =	swait.ge [sflag:s23], $0x28  }
0x34b: {  	[sflag:s23] =	ssyncset.done $0x0  }
0x34c: {  	[sflag:s23] =	ssyncadd.s32 $0xFFFFFFD8  }
0x34d: {  	_ =	swait.ge [sflag:s26], $0x780  }
0x34e: {  	[sflag:s26] =	ssyncset.done $0x0  }
0x34f: {  	[sflag:s26] =	ssyncadd.s32 $0xFFFFF880  }
0x350: {  	_ =	swait.ge [sflag:s18], $0xF00  }
0x351: {  	[sflag:s18] =	ssyncset.done $0x0  }
0x352: {  	[sflag:s18] =	ssyncadd.s32 $0xFFFFF100  }
0x353: {  	[bflag:$0x0] =	sbarrier.arrive $0xFFFF  }
0x354: {  	s4 =	sld [smem:$0x7FD]  }
0x355: {  	s28 =	rddreg [dreg:$0xa]  }
0x356: {  	s2 =	rddreg [dreg:$0x1f]  }
0x357: {  	[hbm:s28], [sflag:s2] =	dma.local [spmem:s4], $0x2780  }
0x358: {  	_ =	swait.ge [sflag:s22], $0x2780  }
0x359: {  	s29 =	rddreg [dreg:$0x1e]  }
0x35a: {  	s31 =	rddreg [dreg:$0x1b];
	s2 =	sadd.s32 $0x1, s29  }
0x35b: {  	p0 =	sne.s32 s2, s31  }
.Ltmp8:
0x35c: {  	_ = 	snop;
	(pc) =	sbr.rel @p0 .LBB2_1-.Ltmp8, $3  }
0x35d: {  	[sflag:s22] =	ssyncset.done $0x0  }
0x35e: {  	[sflag:s22] =	ssyncadd.s32 $0xFFFFD880  }
0x35f: {  	[bflag:$0x0] =	sbarrier.arrive $0xFFFF;
	_ =	sdelay $0x1  }
0x360: {  	_ =	sfence.sel $0x180000  }
0x361: {  	[bflag:$0x0] =	sbarrier.arrive $0xFFFF  }
0x362: {  	_ =	strace $0x90000047  }
0x363: {  	s0 =	stileid.u32;
	[bflag:$0x2] =	sbarrier.arrive $0xFFFF  }
0x364: {  	p0 =	sne.s32 s0, $0x0;
	s0 =	rddreg [dreg:$0x3]  }
0x365: {  	s0 =	sadd.s32 @!p0 $0x100000, s0  }
0x366: {  	[sflag:s0] =	ssyncadd.tile.s32 @!p0 $0x1;
	_ =	shalt  }
.Lfunc_end2:
_tile_overlayer_lowered:
.L_overlay_start_2:
0x367: {  	(tag) =	ssettag $0x2  }
0x368: {  	s0 =	rddreg [dreg:$0x0];
	s2 =	stileid.u32  }
0x369: {  	s1 =	rddreg [dreg:$0x1];
	p0 =	sne.s32 s2, $0x0  }
0x36a: {  	s3 =	rddreg [dreg:$0x2];
	[bflag:$0x3] =	sbarrier.arrive $0xFFFF;
	s2 =	simm.s32 @!p0 $0x1C0D  }
0x36b: {  	[timem:s3], [sflag:s2] =	dma.local @!p0 [hbm:s0], s1  }
0x36c: {  	s0 =	simm.s32 @!p0 $0xD  }
0x36d: {  	_ =	swait.ge @!p0 [sflag:s0], s1  }
0x36e: {  	s1 =	ssub.s32 @!p0 $0x0, s1;
	[sflag:s0] =	ssyncset.done @!p0 $0x0  }
0x36f: {  	[sflag:s0] =	ssyncadd.s32 @!p0 s1  }
0x370: {  	[bflag:$0x3] =	sbarrier.arrive $0xFFFF  }
0x371: {  	_ =	shalt  }

</sc_bundles>
